<compile_context>
chip_gen: v7x
topology: tpu7x:2x2x1
jax: 0.10.2.dev20260603
libtpu: 0.0.44.dev20260713+nightly
codegen_flags: <defaults>
</compile_context>

<pallas_src>
import jax
import jax.numpy as jnp
from jax import lax
from jax.experimental import pallas as pl
from jax.experimental.pallas import tpu as pltpu
from jax.experimental.pallas import tpu_sc as plsc

B = 64
T = 128
H = 256
W = 256
C = 4
NC = 2
NS = 16
L = 16
NW = NC * NS
NCHUNK = T // L


def _batch_indices(xy_v, idx_v, b):
    in_bounds = []
    for k in range(NCHUNK):
        x = xy_v[0, pl.ds(k * L, L)]
        y = xy_v[1, pl.ds(k * L, L)]
        gx = (((x + 10.0) / 20.0) * float(H)).astype(jnp.int32)
        gy = (((y + 10.0) / 20.0) * float(W)).astype(jnp.int32)
        inb = (gx >= 0) & (gx < H) & (gy >= 0) & (gy < W)
        ic = jnp.clip(gx, 0, H - 1)
        jc = jnp.clip(gy, 0, W - 1)
        e0 = (b * 512 + ic * 2 + (jc >> 7)) * 512 + (jc & 127)
        for c in range(C):
            idx_v[c, pl.ds(k * L, L)] = e0 + c * 128
        in_bounds.append(inb)
    return in_bounds


def _reduce_batch(dst_v, in_bounds):
    acc = None
    for k in range(NCHUNK):
        mass = dst_v[0, pl.ds(k * L, L)]
        for c in range(1, C):
            mass = mass + dst_v[c, pl.ds(k * L, L)]
        ok = in_bounds[k] & jnp.logical_not(mass > 100.0)
        acc = ok if acc is None else (acc & ok)
    return jnp.all(acc).astype(jnp.int32)


def _collision_body(traj_hbm, map_hbm, out_hbm,
                    xy_v, idx_v, dst_v,
                    res_v, stage_v, res8_v, shared, sem_a, sem_b):
    cid = lax.axis_index("c")
    sid = lax.axis_index("s")
    b0 = cid * 2 * NS + sid
    b1 = b0 + NS
    xy_a, xy_b = xy_v.at[0], xy_v.at[1]
    idx_a, idx_b = idx_v.at[0], idx_v.at[1]
    dst_a, dst_b = dst_v.at[0], dst_v.at[1]

    ta = pltpu.async_copy(traj_hbm.at[pl.ds(0, 2), b0], xy_a, sem_a)
    tb = pltpu.async_copy(traj_hbm.at[pl.ds(0, 2), b1], xy_b, sem_b)
    ta.wait()
    inb_a = _batch_indices(xy_a, idx_a, b0)
    ga = [pltpu.async_copy(map_hbm.at[idx_a.at[c]], dst_a.at[c], sem_a)
          for c in range(C)]

    tb.wait()
    inb_b = _batch_indices(xy_b, idx_b, b1)
    gb = [pltpu.async_copy(map_hbm.at[idx_b.at[c]], dst_b.at[c], sem_b)
          for c in range(C)]

    for g in ga:
        g.wait()
    v0 = _reduce_batch(dst_a, inb_a)
    for g in gb:
        g.wait()
    v1 = _reduce_batch(dst_b, inb_b)

    lane = lax.iota(jnp.int32, L)
    row = jnp.where(lane == 0, jnp.broadcast_to(v0, (L,)),
                    jnp.where(lane == 1, jnp.broadcast_to(v1, (L,)), 0))
    res_v[...] = row
    pltpu.sync_copy(res_v, shared.at[sid])
    plsc.subcore_barrier()

    @pl.when(sid == 0)
    def _pack():
        pltpu.sync_copy(shared, stage_v)
        g0 = plsc.load_gather(stage_v, [lane, jnp.zeros((L,), jnp.int32)])
        g1 = plsc.load_gather(stage_v, [lane, jnp.full((L,), 1, jnp.int32)])
        res8_v[pl.ds(0, L)] = g0
        res8_v[pl.ds(L, L)] = g1
        pltpu.sync_copy(res8_v, out_hbm.at[pl.ds(cid * 32, 32)])


@jax.jit
def _collision_sc(traj_planes, map_flat):
    kfn = pl.kernel(
        _collision_body,
        out_type=jax.ShapeDtypeStruct((B,), jnp.int32),
        mesh=plsc.VectorSubcoreMesh(
            core_axis_name="c", subcore_axis_name="s",
            num_cores=NC, num_subcores=NS),
        scratch_types=[
            pltpu.VMEM((2, 2, T), jnp.float32),
            pltpu.VMEM((2, C, T), jnp.int32),
            pltpu.VMEM((2, C, T), jnp.float32),
            pltpu.VMEM((L,), jnp.int32),
            pltpu.VMEM((NS, L), jnp.int32),
            pltpu.VMEM((2 * L,), jnp.int32),
            pltpu.VMEM_SHARED((NS, L), jnp.int32),
            pltpu.SemaphoreType.DMA,
            pltpu.SemaphoreType.DMA,
        ],
        compiler_params=pltpu.CompilerParams(needs_layout_passes=False),
    )
    return kfn(traj_planes, map_flat)


def kernel(trajectory, affordance_map):
    traj_planes = trajectory.transpose(2, 0, 1)
    map_flat = (affordance_map
                .reshape(B, H, 2, W // 2, C)
                .transpose(0, 1, 2, 4, 3)
                .reshape(B * H * W * C))
    out = _collision_sc(traj_planes, map_flat)
    return out.astype(jnp.bool_)

# --- scband reference (transcript-rebuilt; emitter-appended) ---
"""Pipeline reference for scband-collision-checker-70377334112311 (READ-ONLY COPY).

The authoritative reference and input builder live on the scoring server;
editing this copy changes nothing except your own understanding.
"""

import jax, jax.numpy as jnp
import numpy as np


def setup_inputs(seed: int = 0) -> dict:
    key = jax.random.key(seed)
    k1, k2 = jax.random.split(key)
    trajectory = jax.random.normal(k1, (64, 128, 3), dtype=jnp.float32)
    affordance_map = jax.random.normal(k2, (64, 256, 256, 4), dtype=jnp.float32)
    return {"trajectory": trajectory, "affordance_map": affordance_map}


def reference(trajectory, affordance_map):
    # Faithful vectorized translation of CollisionChecker.forward.
    B, T, _ = trajectory.shape
    H, W = affordance_map.shape[1], affordance_map.shape[2]
    points = trajectory[:, :, :2]                      # [B, T, 2]
    scale = jnp.array([H, W], dtype=points.dtype)
    grid = (points + 10.0) / 20.0 * scale              # [B, T, 2]
    grid = grid.astype(jnp.int32)                      # trunc toward zero, like torch .long()
    gi = grid[:, :, 0]
    gj = grid[:, :, 1]
    in_bounds = (gi >= 0) & (gi < H) & (gj >= 0) & (gj < W)   # [B, T]
    ic = jnp.clip(gi, 0, H - 1)
    jc = jnp.clip(gj, 0, W - 1)
    batch_idx = jnp.arange(B)[:, None]                 # [B, 1]
    mass = affordance_map[batch_idx, ic, jc].sum(axis=-1)     # [B, T]
    # A point only marks the trajectory invalid if it was in-bounds and mass > 100.
    # Once valid goes False it stays False, so the sequential loop collapses to ANDs.
    collide = in_bounds & (mass > 100.0)
    valid = jnp.all(in_bounds, axis=1) & jnp.all(~collide, axis=1)
    return valid

if __name__ == "__main__":
    import jax
    _d = setup_inputs()
    print(jax.jit(kernel)(*tuple(_d.values())))

</pallas_src>

<mosaic_0001>
#map = affine_map<(d0, d1) -> (0, 0, 0)>
#map1 = affine_map<(d0, d1) -> (0)>
module attributes {stable_mosaic.version = 14 : i64} {
  func.func @_collision_body(%arg0: i32, %arg1: i32, %arg2: memref<3x64x128xf32, #tpu.memory_space<hbm>>, %arg3: memref<16777216xf32, #tpu.memory_space<hbm>>, %arg4: memref<64xi32, #tpu.memory_space<hbm>>, %arg5: memref<2x2x128xf32, #tpu.memory_space<vmem>>, %arg6: memref<2x4x128xi32, #tpu.memory_space<vmem>>, %arg7: memref<2x4x128xf32, #tpu.memory_space<vmem>>, %arg8: memref<16xi32, #tpu.memory_space<vmem>>, %arg9: memref<16x16xi32, #tpu.memory_space<vmem>>, %arg10: memref<32xi32, #tpu.memory_space<vmem>>, %arg11: memref<16x16xi32, #tpu.memory_space<vmem_shared>>, %arg12: memref<!tpu.dma_semaphore, #tpu.memory_space<semaphore_mem>>, %arg13: memref<!tpu.dma_semaphore, #tpu.memory_space<semaphore_mem>>) attributes {dimension_semantics = [#tpu.dimension_semantics<core_parallel>, #tpu.dimension_semantics<subcore_parallel>], iteration_bounds = array<i64: 2, 16>, scalar_prefetch = 0 : i64, scratch_operands = 9 : i64, tpu.core_type = #tpu.core_type<sc_vector_subcore>, window_params = [{transform_indices = #map}, {transform_indices = #map1}, {transform_indices = #map1}]} {
    %mul3A = arith.constant 2 : i32
    %mul3A_0 = arith.muli %arg0, %mul3A : i32
    %mul3A_1 = arith.constant 16 : i32
    %mul3A_2 = arith.muli %mul3A_0, %mul3A_1 : i32
    %add3A = arith.addi %mul3A_2, %arg1 : i32
    %add3A_3 = arith.constant 16 : i32
    %add3A_4 = arith.addi %add3A, %add3A_3 : i32
    %dma_start3A = arith.constant 0 : i32
    %dma_start3A_5 = arith.constant 0 : i32
    %dma_start3A_6 = arith.constant 0 : i32
    %dma_start3A_7 = tpu.memref_slice %arg5[%dma_start3A, %dma_start3A_5, %dma_start3A_6] : memref<2x2x128xf32, #tpu.memory_space<vmem>> -> memref<1x2x128xf32, #tpu.memory_space<vmem>>
    %dma_start3A_8 = tpu.memref_squeeze %dma_start3A_7 : memref<1x2x128xf32, #tpu.memory_space<vmem>> -> memref<2x128xf32, #tpu.memory_space<vmem>>
    %dma_start3A_9 = arith.constant 0 : i32
    %dma_start3A_10 = arith.constant 0 : i32
    %dma_start3A_11 = tpu.memref_slice %arg2[%dma_start3A_9, %add3A, %dma_start3A_10] : memref<3x64x128xf32, #tpu.memory_space<hbm>> -> memref<2x1x128xf32, #tpu.memory_space<hbm>>
    %dma_start3A_12 = tpu.memref_squeeze %dma_start3A_11 : memref<2x1x128xf32, #tpu.memory_space<hbm>> -> memref<2x128xf32, #tpu.memory_space<hbm>>
    %dma_start3A_13 = arith.constant 0 : i32
    %dma_start3A_14 = arith.constant 0 : i32
    %dma_start3A_15 = tpu.memref_slice %arg5[%dma_start3A, %dma_start3A_13, %dma_start3A_14] : memref<2x2x128xf32, #tpu.memory_space<vmem>> -> memref<1x2x128xf32, #tpu.memory_space<vmem>>
    %dma_start3A_16 = tpu.memref_squeeze %dma_start3A_15 : memref<1x2x128xf32, #tpu.memory_space<vmem>> -> memref<2x128xf32, #tpu.memory_space<vmem>>
    %dma_start3A_17 = arith.constant 0 : i32
    %dma_start3A_18 = arith.constant 0 : i32
    %dma_start3A_19 = tpu.memref_slice %arg2[%dma_start3A_17, %add3A, %dma_start3A_18] : memref<3x64x128xf32, #tpu.memory_space<hbm>> -> memref<2x1x128xf32, #tpu.memory_space<hbm>>
    %dma_start3A_20 = tpu.memref_squeeze %dma_start3A_19 : memref<2x1x128xf32, #tpu.memory_space<hbm>> -> memref<2x128xf32, #tpu.memory_space<hbm>>
    tpu.enqueue_dma source(%dma_start3A_20 : memref<2x128xf32, #tpu.memory_space<hbm>>) target(%dma_start3A_16 : memref<2x128xf32, #tpu.memory_space<vmem>>) target_semaphore(%arg12 : memref<!tpu.dma_semaphore, #tpu.memory_space<semaphore_mem>>)
    %dma_start3A_21 = arith.constant 1 : i32
    %dma_start3A_22 = arith.constant 0 : i32
    %dma_start3A_23 = arith.constant 0 : i32
    %dma_start3A_24 = tpu.memref_slice %arg5[%dma_start3A_21, %dma_start3A_22, %dma_start3A_23] : memref<2x2x128xf32, #tpu.memory_space<vmem>> -> memref<1x2x128xf32, #tpu.memory_space<vmem>>
    %dma_start3A_25 = tpu.memref_squeeze %dma_start3A_24 : memref<1x2x128xf32, #tpu.memory_space<vmem>> -> memref<2x128xf32, #tpu.memory_space<vmem>>
    %dma_start3A_26 = arith.constant 0 : i32
    %dma_start3A_27 = arith.constant 0 : i32
    %dma_start3A_28 = tpu.memref_slice %arg2[%dma_start3A_26, %add3A_4, %dma_start3A_27] : memref<3x64x128xf32, #tpu.memory_space<hbm>> -> memref<2x1x128xf32, #tpu.memory_space<hbm>>
    %dma_start3A_29 = tpu.memref_squeeze %dma_start3A_28 : memref<2x1x128xf32, #tpu.memory_space<hbm>> -> memref<2x128xf32, #tpu.memory_space<hbm>>
    %dma_start3A_30 = arith.constant 0 : i32
    %dma_start3A_31 = arith.constant 0 : i32
    %dma_start3A_32 = tpu.memref_slice %arg5[%dma_start3A_21, %dma_start3A_30, %dma_start3A_31] : memref<2x2x128xf32, #tpu.memory_space<vmem>> -> memref<1x2x128xf32, #tpu.memory_space<vmem>>
    %dma_start3A_33 = tpu.memref_squeeze %dma_start3A_32 : memref<1x2x128xf32, #tpu.memory_space<vmem>> -> memref<2x128xf32, #tpu.memory_space<vmem>>
    %dma_start3A_34 = arith.constant 0 : i32
    %dma_start3A_35 = arith.constant 0 : i32
    %dma_start3A_36 = tpu.memref_slice %arg2[%dma_start3A_34, %add3A_4, %dma_start3A_35] : memref<3x64x128xf32, #tpu.memory_space<hbm>> -> memref<2x1x128xf32, #tpu.memory_space<hbm>>
    %dma_start3A_37 = tpu.memref_squeeze %dma_start3A_36 : memref<2x1x128xf32, #tpu.memory_space<hbm>> -> memref<2x128xf32, #tpu.memory_space<hbm>>
    tpu.enqueue_dma source(%dma_start3A_37 : memref<2x128xf32, #tpu.memory_space<hbm>>) target(%dma_start3A_33 : memref<2x128xf32, #tpu.memory_space<vmem>>) target_semaphore(%arg13 : memref<!tpu.dma_semaphore, #tpu.memory_space<semaphore_mem>>)
    %dma_wait3A = arith.constant 0 : i32
    %dma_wait3A_38 = arith.constant 0 : i32
    %dma_wait3A_39 = arith.constant 0 : i32
    %dma_wait3A_40 = tpu.memref_slice %arg5[%dma_wait3A, %dma_wait3A_38, %dma_wait3A_39] : memref<2x2x128xf32, #tpu.memory_space<vmem>> -> memref<1x2x128xf32, #tpu.memory_space<vmem>>
    %dma_wait3A_41 = tpu.memref_squeeze %dma_wait3A_40 : memref<1x2x128xf32, #tpu.memory_space<vmem>> -> memref<2x128xf32, #tpu.memory_space<vmem>>
    %dma_wait3A_42 = arith.constant 0 : i32
    %dma_wait3A_43 = arith.constant 0 : i32
    %dma_wait3A_44 = tpu.memref_slice %arg2[%dma_wait3A_42, %add3A, %dma_wait3A_43] : memref<3x64x128xf32, #tpu.memory_space<hbm>> -> memref<2x1x128xf32, #tpu.memory_space<hbm>>
    %dma_wait3A_45 = tpu.memref_squeeze %dma_wait3A_44 : memref<2x1x128xf32, #tpu.memory_space<hbm>> -> memref<2x128xf32, #tpu.memory_space<hbm>>
    %dma_wait3A_46 = arith.constant 0 : i32
    %dma_wait3A_47 = arith.constant 0 : i32
    %dma_wait3A_48 = tpu.memref_slice %arg5[%dma_wait3A, %dma_wait3A_46, %dma_wait3A_47] : memref<2x2x128xf32, #tpu.memory_space<vmem>> -> memref<1x2x128xf32, #tpu.memory_space<vmem>>
    %dma_wait3A_49 = tpu.memref_squeeze %dma_wait3A_48 : memref<1x2x128xf32, #tpu.memory_space<vmem>> -> memref<2x128xf32, #tpu.memory_space<vmem>>
    %dma_wait3A_50 = arith.constant 0 : i32
    %dma_wait3A_51 = arith.constant 0 : i32
    %dma_wait3A_52 = tpu.memref_slice %arg2[%dma_wait3A_50, %add3A, %dma_wait3A_51] : memref<3x64x128xf32, #tpu.memory_space<hbm>> -> memref<2x1x128xf32, #tpu.memory_space<hbm>>
    %dma_wait3A_53 = tpu.memref_squeeze %dma_wait3A_52 : memref<2x1x128xf32, #tpu.memory_space<hbm>> -> memref<2x128xf32, #tpu.memory_space<hbm>>
    tpu.wait_dma2 semaphore(%arg12 : memref<!tpu.dma_semaphore, #tpu.memory_space<semaphore_mem>>) src(%dma_wait3A_53 : memref<2x128xf32, #tpu.memory_space<hbm>>) dst(%dma_wait3A_49 : memref<2x128xf32, #tpu.memory_space<vmem>>)
    %get3A = arith.constant 0 : i32
    %get3A_54 = arith.constant 0 : i32
    %get3A_55 = arith.constant 0 : i32
    %get3A_56 = arith.constant 0 : i32
    %get3A_57 = tpu.memref_slice %arg5[%get3A, %get3A_55, %get3A_56] : memref<2x2x128xf32, #tpu.memory_space<vmem>> -> memref<1x2x128xf32, #tpu.memory_space<vmem>>
    %get3A_58 = tpu.memref_squeeze %get3A_57 : memref<1x2x128xf32, #tpu.memory_space<vmem>> -> memref<2x128xf32, #tpu.memory_space<vmem>>
    %get3A_59 = arith.index_cast %get3A_54 : i32 to index
    %get3A_60 = arith.constant 0 : index
    %get3A_61 = tpu.vector_load %get3A_58[%get3A_59, %get3A_60] {strides = array<i32>} : memref<2x128xf32, #tpu.memory_space<vmem>>, vector<16xf32>,
    %get3A_62 = arith.constant 0 : i32
    %get3A_63 = arith.constant 1 : i32
    %get3A_64 = arith.constant 0 : i32
    %get3A_65 = arith.constant 0 : i32
    %get3A_66 = tpu.memref_slice %arg5[%get3A_62, %get3A_64, %get3A_65] : memref<2x2x128xf32, #tpu.memory_space<vmem>> -> memref<1x2x128xf32, #tpu.memory_space<vmem>>
    %get3A_67 = tpu.memref_squeeze %get3A_66 : memref<1x2x128xf32, #tpu.memory_space<vmem>> -> memref<2x128xf32, #tpu.memory_space<vmem>>
    %get3A_68 = arith.index_cast %get3A_63 : i32 to index
    %get3A_69 = arith.constant 0 : index
    %get3A_70 = tpu.vector_load %get3A_67[%get3A_68, %get3A_69] {strides = array<i32>} : memref<2x128xf32, #tpu.memory_space<vmem>>, vector<16xf32>,
    %add3A_71 = arith.constant 1.000000e+01 : f32
    %add3A_72 = vector.broadcast %add3A_71 : f32 to vector<16xf32>
    %add3A_73 = arith.addf %get3A_61, %add3A_72 : vector<16xf32>
    %div3A = arith.constant 2.000000e+01 : f32
    %div3A_74 = vector.broadcast %div3A : f32 to vector<16xf32>
    %div3A_75 = arith.divf %add3A_73, %div3A_74 : vector<16xf32>
    %mul3A_76 = arith.constant 2.560000e+02 : f32
    %mul3A_77 = vector.broadcast %mul3A_76 : f32 to vector<16xf32>
    %mul3A_78 = arith.mulf %div3A_75, %mul3A_77 : vector<16xf32>
    %convert_element_type3A = arith.fptosi %mul3A_78 : vector<16xf32> to vector<16xi32>
    %add3A_79 = arith.constant 1.000000e+01 : f32
    %add3A_80 = vector.broadcast %add3A_79 : f32 to vector<16xf32>
    %add3A_81 = arith.addf %get3A_70, %add3A_80 : vector<16xf32>
    %div3A_82 = arith.constant 2.000000e+01 : f32
    %div3A_83 = vector.broadcast %div3A_82 : f32 to vector<16xf32>
    %div3A_84 = arith.divf %add3A_81, %div3A_83 : vector<16xf32>
    %mul3A_85 = arith.constant 2.560000e+02 : f32
    %mul3A_86 = vector.broadcast %mul3A_85 : f32 to vector<16xf32>
    %mul3A_87 = arith.mulf %div3A_84, %mul3A_86 : vector<16xf32>
    %convert_element_type3A_88 = arith.fptosi %mul3A_87 : vector<16xf32> to vector<16xi32>
    %ge3A = arith.constant 0 : i32
    %ge3A_89 = vector.broadcast %ge3A : i32 to vector<16xi32>
    %ge3A_90 = arith.cmpi sge, %convert_element_type3A, %ge3A_89 : vector<16xi32>
    %lt3A = arith.constant 256 : i32
    %lt3A_91 = vector.broadcast %lt3A : i32 to vector<16xi32>
    %lt3A_92 = arith.cmpi slt, %convert_element_type3A, %lt3A_91 : vector<16xi32>
    %and3A = arith.andi %ge3A_90, %lt3A_92 : vector<16xi1>
    %ge3A_93 = arith.constant 0 : i32
    %ge3A_94 = vector.broadcast %ge3A_93 : i32 to vector<16xi32>
    %ge3A_95 = arith.cmpi sge, %convert_element_type3A_88, %ge3A_94 : vector<16xi32>
    %and3A_96 = arith.andi %and3A, %ge3A_95 : vector<16xi1>
    %lt3A_97 = arith.constant 256 : i32
    %lt3A_98 = vector.broadcast %lt3A_97 : i32 to vector<16xi32>
    %lt3A_99 = arith.cmpi slt, %convert_element_type3A_88, %lt3A_98 : vector<16xi32>
    %and3A_100 = arith.andi %and3A_96, %lt3A_99 : vector<16xi1>
    %jit3A = arith.constant 0 : i32
    %jit3A_101 = arith.constant 255 : i32
    %max3A = vector.broadcast %jit3A : i32 to vector<16xi32>
    %max3A_102 = arith.maxsi %max3A, %convert_element_type3A : vector<16xi32>
    %min3A = vector.broadcast %jit3A_101 : i32 to vector<16xi32>
    %min3A_103 = arith.minsi %min3A, %max3A_102 : vector<16xi32>
    %jit3A_104 = arith.constant 0 : i32
    %jit3A_105 = arith.constant 255 : i32
    %max3A_106 = vector.broadcast %jit3A_104 : i32 to vector<16xi32>
    %max3A_107 = arith.maxsi %max3A_106, %convert_element_type3A_88 : vector<16xi32>
    %min3A_108 = vector.broadcast %jit3A_105 : i32 to vector<16xi32>
    %min3A_109 = arith.minsi %min3A_108, %max3A_107 : vector<16xi32>
    %mul3A_110 = arith.constant 512 : i32
    %mul3A_111 = arith.muli %add3A, %mul3A_110 : i32
    %mul3A_112 = arith.constant 2 : i32
    %mul3A_113 = vector.broadcast %mul3A_112 : i32 to vector<16xi32>
    %mul3A_114 = arith.muli %min3A_103, %mul3A_113 : vector<16xi32>
    %add3A_115 = vector.broadcast %mul3A_111 : i32 to vector<16xi32>
    %add3A_116 = arith.addi %add3A_115, %mul3A_114 : vector<16xi32>
    %shift_right_arithmetic3A = arith.constant 7 : i32
    %shift_right_arithmetic3A_117 = vector.broadcast %shift_right_arithmetic3A : i32 to vector<16xi32>
    %shift_right_arithmetic3A_118 = arith.shrsi %min3A_109, %shift_right_arithmetic3A_117 : vector<16xi32>
    %add3A_119 = arith.addi %add3A_116, %shift_right_arithmetic3A_118 : vector<16xi32>
    %mul3A_120 = arith.constant 512 : i32
    %mul3A_121 = vector.broadcast %mul3A_120 : i32 to vector<16xi32>
    %mul3A_122 = arith.muli %add3A_119, %mul3A_121 : vector<16xi32>
    %and3A_123 = arith.constant 127 : i32
    %and3A_124 = vector.broadcast %and3A_123 : i32 to vector<16xi32>
    %and3A_125 = arith.andi %min3A_109, %and3A_124 : vector<16xi32>
    %add3A_126 = arith.addi %mul3A_122, %and3A_125 : vector<16xi32>
    %add3A_127 = arith.constant 0 : i32
    %add3A_128 = vector.broadcast %add3A_127 : i32 to vector<16xi32>
    %add3A_129 = arith.addi %add3A_126, %add3A_128 : vector<16xi32>
    %swap3A = arith.constant 0 : i32
    %swap3A_130 = arith.constant 0 : i32
    %swap3A_131 = arith.constant 0 : i32
    %swap3A_132 = arith.constant 0 : i32
    %swap3A_133 = tpu.memref_slice %arg6[%swap3A, %swap3A_131, %swap3A_132] : memref<2x4x128xi32, #tpu.memory_space<vmem>> -> memref<1x4x128xi32, #tpu.memory_space<vmem>>
    %swap3A_134 = tpu.memref_squeeze %swap3A_133 : memref<1x4x128xi32, #tpu.memory_space<vmem>> -> memref<4x128xi32, #tpu.memory_space<vmem>>
    %swap3A_135 = arith.index_cast %swap3A_130 : i32 to index
    %swap3A_136 = arith.constant 0 : index
    %swap3A_137 = tpu.vector_load %swap3A_134[%swap3A_135, %swap3A_136] {strides = array<i32>} : memref<4x128xi32, #tpu.memory_space<vmem>>, vector<16xi32>,
    tpu.vector_store %swap3A_134[%swap3A_135, %swap3A_136], %add3A_129 {strides = array<i32>} : memref<4x128xi32, #tpu.memory_space<vmem>>, vector<16xi32>,
    %add3A_138 = arith.constant 128 : i32
    %add3A_139 = vector.broadcast %add3A_138 : i32 to vector<16xi32>
    %add3A_140 = arith.addi %add3A_126, %add3A_139 : vector<16xi32>
    %swap3A_141 = arith.constant 0 : i32
    %swap3A_142 = arith.constant 1 : i32
    %swap3A_143 = arith.constant 0 : i32
    %swap3A_144 = arith.constant 0 : i32
    %swap3A_145 = tpu.memref_slice %arg6[%swap3A_141, %swap3A_143, %swap3A_144] : memref<2x4x128xi32, #tpu.memory_space<vmem>> -> memref<1x4x128xi32, #tpu.memory_space<vmem>>
    %swap3A_146 = tpu.memref_squeeze %swap3A_145 : memref<1x4x128xi32, #tpu.memory_space<vmem>> -> memref<4x128xi32, #tpu.memory_space<vmem>>
    %swap3A_147 = arith.index_cast %swap3A_142 : i32 to index
    %swap3A_148 = arith.constant 0 : index
    %swap3A_149 = tpu.vector_load %swap3A_146[%swap3A_147, %swap3A_148] {strides = array<i32>} : memref<4x128xi32, #tpu.memory_space<vmem>>, vector<16xi32>,
    tpu.vector_store %swap3A_146[%swap3A_147, %swap3A_148], %add3A_140 {strides = array<i32>} : memref<4x128xi32, #tpu.memory_space<vmem>>, vector<16xi32>,
    %add3A_150 = arith.constant 256 : i32
    %add3A_151 = vector.broadcast %add3A_150 : i32 to vector<16xi32>
    %add3A_152 = arith.addi %add3A_126, %add3A_151 : vector<16xi32>
    %swap3A_153 = arith.constant 0 : i32
    %swap3A_154 = arith.constant 2 : i32
    %swap3A_155 = arith.constant 0 : i32
    %swap3A_156 = arith.constant 0 : i32
    %swap3A_157 = tpu.memref_slice %arg6[%swap3A_153, %swap3A_155, %swap3A_156] : memref<2x4x128xi32, #tpu.memory_space<vmem>> -> memref<1x4x128xi32, #tpu.memory_space<vmem>>
    %swap3A_158 = tpu.memref_squeeze %swap3A_157 : memref<1x4x128xi32, #tpu.memory_space<vmem>> -> memref<4x128xi32, #tpu.memory_space<vmem>>
    %swap3A_159 = arith.index_cast %swap3A_154 : i32 to index
    %swap3A_160 = arith.constant 0 : index
    %swap3A_161 = tpu.vector_load %swap3A_158[%swap3A_159, %swap3A_160] {strides = array<i32>} : memref<4x128xi32, #tpu.memory_space<vmem>>, vector<16xi32>,
    tpu.vector_store %swap3A_158[%swap3A_159, %swap3A_160], %add3A_152 {strides = array<i32>} : memref<4x128xi32, #tpu.memory_space<vmem>>, vector<16xi32>,
    %add3A_162 = arith.constant 384 : i32
    %add3A_163 = vector.broadcast %add3A_162 : i32 to vector<16xi32>
    %add3A_164 = arith.addi %add3A_126, %add3A_163 : vector<16xi32>
    %swap3A_165 = arith.constant 0 : i32
    %swap3A_166 = arith.constant 3 : i32
    %swap3A_167 = arith.constant 0 : i32
    %swap3A_168 = arith.constant 0 : i32
    %swap3A_169 = tpu.memref_slice %arg6[%swap3A_165, %swap3A_167, %swap3A_168] : memref<2x4x128xi32, #tpu.memory_space<vmem>> -> memref<1x4x128xi32, #tpu.memory_space<vmem>>
    %swap3A_170 = tpu.memref_squeeze %swap3A_169 : memref<1x4x128xi32, #tpu.memory_space<vmem>> -> memref<4x128xi32, #tpu.memory_space<vmem>>
    %swap3A_171 = arith.index_cast %swap3A_166 : i32 to index
    %swap3A_172 = arith.constant 0 : index
    %swap3A_173 = tpu.vector_load %swap3A_170[%swap3A_171, %swap3A_172] {strides = array<i32>} : memref<4x128xi32, #tpu.memory_space<vmem>>, vector<16xi32>,
    tpu.vector_store %swap3A_170[%swap3A_171, %swap3A_172], %add3A_164 {strides = array<i32>} : memref<4x128xi32, #tpu.memory_space<vmem>>, vector<16xi32>,
    %get3A_174 = arith.constant 0 : i32
    %get3A_175 = arith.constant 0 : i32
    %get3A_176 = arith.constant 0 : i32
    %get3A_177 = arith.constant 0 : i32
    %get3A_178 = tpu.memref_slice %arg5[%get3A_174, %get3A_176, %get3A_177] : memref<2x2x128xf32, #tpu.memory_space<vmem>> -> memref<1x2x128xf32, #tpu.memory_space<vmem>>
    %get3A_179 = tpu.memref_squeeze %get3A_178 : memref<1x2x128xf32, #tpu.memory_space<vmem>> -> memref<2x128xf32, #tpu.memory_space<vmem>>
    %get3A_180 = arith.index_cast %get3A_175 : i32 to index
    %get3A_181 = arith.constant 16 : index
    %get3A_182 = tpu.vector_load %get3A_179[%get3A_180, %get3A_181] {strides = array<i32>} : memref<2x128xf32, #tpu.memory_space<vmem>>, vector<16xf32>,
    %get3A_183 = arith.constant 0 : i32
    %get3A_184 = arith.constant 1 : i32
    %get3A_185 = arith.constant 0 : i32
    %get3A_186 = arith.constant 0 : i32
    %get3A_187 = tpu.memref_slice %arg5[%get3A_183, %get3A_185, %get3A_186] : memref<2x2x128xf32, #tpu.memory_space<vmem>> -> memref<1x2x128xf32, #tpu.memory_space<vmem>>
    %get3A_188 = tpu.memref_squeeze %get3A_187 : memref<1x2x128xf32, #tpu.memory_space<vmem>> -> memref<2x128xf32, #tpu.memory_space<vmem>>
    %get3A_189 = arith.index_cast %get3A_184 : i32 to index
    %get3A_190 = arith.constant 16 : index
    %get3A_191 = tpu.vector_load %get3A_188[%get3A_189, %get3A_190] {strides = array<i32>} : memref<2x128xf32, #tpu.memory_space<vmem>>, vector<16xf32>,
    %add3A_192 = arith.constant 1.000000e+01 : f32
    %add3A_193 = vector.broadcast %add3A_192 : f32 to vector<16xf32>
    %add3A_194 = arith.addf %get3A_182, %add3A_193 : vector<16xf32>
    %div3A_195 = arith.constant 2.000000e+01 : f32
    %div3A_196 = vector.broadcast %div3A_195 : f32 to vector<16xf32>
    %div3A_197 = arith.divf %add3A_194, %div3A_196 : vector<16xf32>
    %mul3A_198 = arith.constant 2.560000e+02 : f32
    %mul3A_199 = vector.broadcast %mul3A_198 : f32 to vector<16xf32>
    %mul3A_200 = arith.mulf %div3A_197, %mul3A_199 : vector<16xf32>
    %convert_element_type3A_201 = arith.fptosi %mul3A_200 : vector<16xf32> to vector<16xi32>
    %add3A_202 = arith.constant 1.000000e+01 : f32
    %add3A_203 = vector.broadcast %add3A_202 : f32 to vector<16xf32>
    %add3A_204 = arith.addf %get3A_191, %add3A_203 : vector<16xf32>
    %div3A_205 = arith.constant 2.000000e+01 : f32
    %div3A_206 = vector.broadcast %div3A_205 : f32 to vector<16xf32>
    %div3A_207 = arith.divf %add3A_204, %div3A_206 : vector<16xf32>
    %mul3A_208 = arith.constant 2.560000e+02 : f32
    %mul3A_209 = vector.broadcast %mul3A_208 : f32 to vector<16xf32>
    %mul3A_210 = arith.mulf %div3A_207, %mul3A_209 : vector<16xf32>
    %convert_element_type3A_211 = arith.fptosi %mul3A_210 : vector<16xf32> to vector<16xi32>
    %ge3A_212 = arith.constant 0 : i32
    %ge3A_213 = vector.broadcast %ge3A_212 : i32 to vector<16xi32>
    %ge3A_214 = arith.cmpi sge, %convert_element_type3A_201, %ge3A_213 : vector<16xi32>
    %lt3A_215 = arith.constant 256 : i32
    %lt3A_216 = vector.broadcast %lt3A_215 : i32 to vector<16xi32>
    %lt3A_217 = arith.cmpi slt, %convert_element_type3A_201, %lt3A_216 : vector<16xi32>
    %and3A_218 = arith.andi %ge3A_214, %lt3A_217 : vector<16xi1>
    %ge3A_219 = arith.constant 0 : i32
    %ge3A_220 = vector.broadcast %ge3A_219 : i32 to vector<16xi32>
    %ge3A_221 = arith.cmpi sge, %convert_element_type3A_211, %ge3A_220 : vector<16xi32>
    %and3A_222 = arith.andi %and3A_218, %ge3A_221 : vector<16xi1>
    %lt3A_223 = arith.constant 256 : i32
    %lt3A_224 = vector.broadcast %lt3A_223 : i32 to vector<16xi32>
    %lt3A_225 = arith.cmpi slt, %convert_element_type3A_211, %lt3A_224 : vector<16xi32>
    %and3A_226 = arith.andi %and3A_222, %lt3A_225 : vector<16xi1>
    %jit3A_227 = arith.constant 0 : i32
    %jit3A_228 = arith.constant 255 : i32
    %max3A_229 = vector.broadcast %jit3A_227 : i32 to vector<16xi32>
    %max3A_230 = arith.maxsi %max3A_229, %convert_element_type3A_201 : vector<16xi32>
    %min3A_231 = vector.broadcast %jit3A_228 : i32 to vector<16xi32>
    %min3A_232 = arith.minsi %min3A_231, %max3A_230 : vector<16xi32>
    %jit3A_233 = arith.constant 0 : i32
    %jit3A_234 = arith.constant 255 : i32
    %max3A_235 = vector.broadcast %jit3A_233 : i32 to vector<16xi32>
    %max3A_236 = arith.maxsi %max3A_235, %convert_element_type3A_211 : vector<16xi32>
    %min3A_237 = vector.broadcast %jit3A_234 : i32 to vector<16xi32>
    %min3A_238 = arith.minsi %min3A_237, %max3A_236 : vector<16xi32>
    %mul3A_239 = arith.constant 512 : i32
    %mul3A_240 = arith.muli %add3A, %mul3A_239 : i32
    %mul3A_241 = arith.constant 2 : i32
    %mul3A_242 = vector.broadcast %mul3A_241 : i32 to vector<16xi32>
    %mul3A_243 = arith.muli %min3A_232, %mul3A_242 : vector<16xi32>
    %add3A_244 = vector.broadcast %mul3A_240 : i32 to vector<16xi32>
    %add3A_245 = arith.addi %add3A_244, %mul3A_243 : vector<16xi32>
    %shift_right_arithmetic3A_246 = arith.constant 7 : i32
    %shift_right_arithmetic3A_247 = vector.broadcast %shift_right_arithmetic3A_246 : i32 to vector<16xi32>
    %shift_right_arithmetic3A_248 = arith.shrsi %min3A_238, %shift_right_arithmetic3A_247 : vector<16xi32>
    %add3A_249 = arith.addi %add3A_245, %shift_right_arithmetic3A_248 : vector<16xi32>
    %mul3A_250 = arith.constant 512 : i32
    %mul3A_251 = vector.broadcast %mul3A_250 : i32 to vector<16xi32>
    %mul3A_252 = arith.muli %add3A_249, %mul3A_251 : vector<16xi32>
    %and3A_253 = arith.constant 127 : i32
    %and3A_254 = vector.broadcast %and3A_253 : i32 to vector<16xi32>
    %and3A_255 = arith.andi %min3A_238, %and3A_254 : vector<16xi32>
    %add3A_256 = arith.addi %mul3A_252, %and3A_255 : vector<16xi32>
    %add3A_257 = arith.constant 0 : i32
    %add3A_258 = vector.broadcast %add3A_257 : i32 to vector<16xi32>
    %add3A_259 = arith.addi %add3A_256, %add3A_258 : vector<16xi32>
    %swap3A_260 = arith.constant 0 : i32
    %swap3A_261 = arith.constant 0 : i32
    %swap3A_262 = arith.constant 0 : i32
    %swap3A_263 = arith.constant 0 : i32
    %swap3A_264 = tpu.memref_slice %arg6[%swap3A_260, %swap3A_262, %swap3A_263] : memref<2x4x128xi32, #tpu.memory_space<vmem>> -> memref<1x4x128xi32, #tpu.memory_space<vmem>>
    %swap3A_265 = tpu.memref_squeeze %swap3A_264 : memref<1x4x128xi32, #tpu.memory_space<vmem>> -> memref<4x128xi32, #tpu.memory_space<vmem>>
    %swap3A_266 = arith.index_cast %swap3A_261 : i32 to index
    %swap3A_267 = arith.constant 16 : index
    %swap3A_268 = tpu.vector_load %swap3A_265[%swap3A_266, %swap3A_267] {strides = array<i32>} : memref<4x128xi32, #tpu.memory_space<vmem>>, vector<16xi32>,
    tpu.vector_store %swap3A_265[%swap3A_266, %swap3A_267], %add3A_259 {strides = array<i32>} : memref<4x128xi32, #tpu.memory_space<vmem>>, vector<16xi32>,
    %add3A_269 = arith.constant 128 : i32
    %add3A_270 = vector.broadcast %add3A_269 : i32 to vector<16xi32>
    %add3A_271 = arith.addi %add3A_256, %add3A_270 : vector<16xi32>
    %swap3A_272 = arith.constant 0 : i32
    %swap3A_273 = arith.constant 1 : i32
    %swap3A_274 = arith.constant 0 : i32
    %swap3A_275 = arith.constant 0 : i32
    %swap3A_276 = tpu.memref_slice %arg6[%swap3A_272, %swap3A_274, %swap3A_275] : memref<2x4x128xi32, #tpu.memory_space<vmem>> -> memref<1x4x128xi32, #tpu.memory_space<vmem>>
    %swap3A_277 = tpu.memref_squeeze %swap3A_276 : memref<1x4x128xi32, #tpu.memory_space<vmem>> -> memref<4x128xi32, #tpu.memory_space<vmem>>
    %swap3A_278 = arith.index_cast %swap3A_273 : i32 to index
    %swap3A_279 = arith.constant 16 : index
    %swap3A_280 = tpu.vector_load %swap3A_277[%swap3A_278, %swap3A_279] {strides = array<i32>} : memref<4x128xi32, #tpu.memory_space<vmem>>, vector<16xi32>,
    tpu.vector_store %swap3A_277[%swap3A_278, %swap3A_279], %add3A_271 {strides = array<i32>} : memref<4x128xi32, #tpu.memory_space<vmem>>, vector<16xi32>,
    %add3A_281 = arith.constant 256 : i32
    %add3A_282 = vector.broadcast %add3A_281 : i32 to vector<16xi32>
    %add3A_283 = arith.addi %add3A_256, %add3A_282 : vector<16xi32>
    %swap3A_284 = arith.constant 0 : i32
    %swap3A_285 = arith.constant 2 : i32
    %swap3A_286 = arith.constant 0 : i32
    %swap3A_287 = arith.constant 0 : i32
    %swap3A_288 = tpu.memref_slice %arg6[%swap3A_284, %swap3A_286, %swap3A_287] : memref<2x4x128xi32, #tpu.memory_space<vmem>> -> memref<1x4x128xi32, #tpu.memory_space<vmem>>
    %swap3A_289 = tpu.memref_squeeze %swap3A_288 : memref<1x4x128xi32, #tpu.memory_space<vmem>> -> memref<4x128xi32, #tpu.memory_space<vmem>>
    %swap3A_290 = arith.index_cast %swap3A_285 : i32 to index
    %swap3A_291 = arith.constant 16 : index
    %swap3A_292 = tpu.vector_load %swap3A_289[%swap3A_290, %swap3A_291] {strides = array<i32>} : memref<4x128xi32, #tpu.memory_space<vmem>>, vector<16xi32>,
    tpu.vector_store %swap3A_289[%swap3A_290, %swap3A_291], %add3A_283 {strides = array<i32>} : memref<4x128xi32, #tpu.memory_space<vmem>>, vector<16xi32>,
    %add3A_293 = arith.constant 384 : i32
    %add3A_294 = vector.broadcast %add3A_293 : i32 to vector<16xi32>
    %add3A_295 = arith.addi %add3A_256, %add3A_294 : vector<16xi32>
    %swap3A_296 = arith.constant 0 : i32
    %swap3A_297 = arith.constant 3 : i32
    %swap3A_298 = arith.constant 0 : i32
    %swap3A_299 = arith.constant 0 : i32
    %swap3A_300 = tpu.memref_slice %arg6[%swap3A_296, %swap3A_298, %swap3A_299] : memref<2x4x128xi32, #tpu.memory_space<vmem>> -> memref<1x4x128xi32, #tpu.memory_space<vmem>>
    %swap3A_301 = tpu.memref_squeeze %swap3A_300 : memref<1x4x128xi32, #tpu.memory_space<vmem>> -> memref<4x128xi32, #tpu.memory_space<vmem>>
    %swap3A_302 = arith.index_cast %swap3A_297 : i32 to index
    %swap3A_303 = arith.constant 16 : index
    %swap3A_304 = tpu.vector_load %swap3A_301[%swap3A_302, %swap3A_303] {strides = array<i32>} : memref<4x128xi32, #tpu.memory_space<vmem>>, vector<16xi32>,
    tpu.vector_store %swap3A_301[%swap3A_302, %swap3A_303], %add3A_295 {strides = array<i32>} : memref<4x128xi32, #tpu.memory_space<vmem>>, vector<16xi32>,
    %get3A_305 = arith.constant 0 : i32
    %get3A_306 = arith.constant 0 : i32
    %get3A_307 = arith.constant 0 : i32
    %get3A_308 = arith.constant 0 : i32
    %get3A_309 = tpu.memref_slice %arg5[%get3A_305, %get3A_307, %get3A_308] : memref<2x2x128xf32, #tpu.memory_space<vmem>> -> memref<1x2x128xf32, #tpu.memory_space<vmem>>
    %get3A_310 = tpu.memref_squeeze %get3A_309 : memref<1x2x128xf32, #tpu.memory_space<vmem>> -> memref<2x128xf32, #tpu.memory_space<vmem>>
    %get3A_311 = arith.index_cast %get3A_306 : i32 to index
    %get3A_312 = arith.constant 32 : index
    %get3A_313 = tpu.vector_load %get3A_310[%get3A_311, %get3A_312] {strides = array<i32>} : memref<2x128xf32, #tpu.memory_space<vmem>>, vector<16xf32>,
    %get3A_314 = arith.constant 0 : i32
    %get3A_315 = arith.constant 1 : i32
    %get3A_316 = arith.constant 0 : i32
    %get3A_317 = arith.constant 0 : i32
    %get3A_318 = tpu.memref_slice %arg5[%get3A_314, %get3A_316, %get3A_317] : memref<2x2x128xf32, #tpu.memory_space<vmem>> -> memref<1x2x128xf32, #tpu.memory_space<vmem>>
    %get3A_319 = tpu.memref_squeeze %get3A_318 : memref<1x2x128xf32, #tpu.memory_space<vmem>> -> memref<2x128xf32, #tpu.memory_space<vmem>>
    %get3A_320 = arith.index_cast %get3A_315 : i32 to index
    %get3A_321 = arith.constant 32 : index
    %get3A_322 = tpu.vector_load %get3A_319[%get3A_320, %get3A_321] {strides = array<i32>} : memref<2x128xf32, #tpu.memory_space<vmem>>, vector<16xf32>,
    %add3A_323 = arith.constant 1.000000e+01 : f32
    %add3A_324 = vector.broadcast %add3A_323 : f32 to vector<16xf32>
    %add3A_325 = arith.addf %get3A_313, %add3A_324 : vector<16xf32>
    %div3A_326 = arith.constant 2.000000e+01 : f32
    %div3A_327 = vector.broadcast %div3A_326 : f32 to vector<16xf32>
    %div3A_328 = arith.divf %add3A_325, %div3A_327 : vector<16xf32>
    %mul3A_329 = arith.constant 2.560000e+02 : f32
    %mul3A_330 = vector.broadcast %mul3A_329 : f32 to vector<16xf32>
    %mul3A_331 = arith.mulf %div3A_328, %mul3A_330 : vector<16xf32>
    %convert_element_type3A_332 = arith.fptosi %mul3A_331 : vector<16xf32> to vector<16xi32>
    %add3A_333 = arith.constant 1.000000e+01 : f32
    %add3A_334 = vector.broadcast %add3A_333 : f32 to vector<16xf32>
    %add3A_335 = arith.addf %get3A_322, %add3A_334 : vector<16xf32>
    %div3A_336 = arith.constant 2.000000e+01 : f32
    %div3A_337 = vector.broadcast %div3A_336 : f32 to vector<16xf32>
    %div3A_338 = arith.divf %add3A_335, %div3A_337 : vector<16xf32>
    %mul3A_339 = arith.constant 2.560000e+02 : f32
    %mul3A_340 = vector.broadcast %mul3A_339 : f32 to vector<16xf32>
    %mul3A_341 = arith.mulf %div3A_338, %mul3A_340 : vector<16xf32>
    %convert_element_type3A_342 = arith.fptosi %mul3A_341 : vector<16xf32> to vector<16xi32>
    %ge3A_343 = arith.constant 0 : i32
    %ge3A_344 = vector.broadcast %ge3A_343 : i32 to vector<16xi32>
    %ge3A_345 = arith.cmpi sge, %convert_element_type3A_332, %ge3A_344 : vector<16xi32>
    %lt3A_346 = arith.constant 256 : i32
    %lt3A_347 = vector.broadcast %lt3A_346 : i32 to vector<16xi32>
    %lt3A_348 = arith.cmpi slt, %convert_element_type3A_332, %lt3A_347 : vector<16xi32>
    %and3A_349 = arith.andi %ge3A_345, %lt3A_348 : vector<16xi1>
    %ge3A_350 = arith.constant 0 : i32
    %ge3A_351 = vector.broadcast %ge3A_350 : i32 to vector<16xi32>
    %ge3A_352 = arith.cmpi sge, %convert_element_type3A_342, %ge3A_351 : vector<16xi32>
    %and3A_353 = arith.andi %and3A_349, %ge3A_352 : vector<16xi1>
    %lt3A_354 = arith.constant 256 : i32
    %lt3A_355 = vector.broadcast %lt3A_354 : i32 to vector<16xi32>
    %lt3A_356 = arith.cmpi slt, %convert_element_type3A_342, %lt3A_355 : vector<16xi32>
    %and3A_357 = arith.andi %and3A_353, %lt3A_356 : vector<16xi1>
    %jit3A_358 = arith.constant 0 : i32
    %jit3A_359 = arith.constant 255 : i32
    %max3A_360 = vector.broadcast %jit3A_358 : i32 to vector<16xi32>
    %max3A_361 = arith.maxsi %max3A_360, %convert_element_type3A_332 : vector<16xi32>
    %min3A_362 = vector.broadcast %jit3A_359 : i32 to vector<16xi32>
    %min3A_363 = arith.minsi %min3A_362, %max3A_361 : vector<16xi32>
    %jit3A_364 = arith.constant 0 : i32
    %jit3A_365 = arith.constant 255 : i32
    %max3A_366 = vector.broadcast %jit3A_364 : i32 to vector<16xi32>
    %max3A_367 = arith.maxsi %max3A_366, %convert_element_type3A_342 : vector<16xi32>
    %min3A_368 = vector.broadcast %jit3A_365 : i32 to vector<16xi32>
    %min3A_369 = arith.minsi %min3A_368, %max3A_367 : vector<16xi32>
    %mul3A_370 = arith.constant 512 : i32
    %mul3A_371 = arith.muli %add3A, %mul3A_370 : i32
    %mul3A_372 = arith.constant 2 : i32
    %mul3A_373 = vector.broadcast %mul3A_372 : i32 to vector<16xi32>
    %mul3A_374 = arith.muli %min3A_363, %mul3A_373 : vector<16xi32>
    %add3A_375 = vector.broadcast %mul3A_371 : i32 to vector<16xi32>
    %add3A_376 = arith.addi %add3A_375, %mul3A_374 : vector<16xi32>
    %shift_right_arithmetic3A_377 = arith.constant 7 : i32
    %shift_right_arithmetic3A_378 = vector.broadcast %shift_right_arithmetic3A_377 : i32 to vector<16xi32>
    %shift_right_arithmetic3A_379 = arith.shrsi %min3A_369, %shift_right_arithmetic3A_378 : vector<16xi32>
    %add3A_380 = arith.addi %add3A_376, %shift_right_arithmetic3A_379 : vector<16xi32>
    %mul3A_381 = arith.constant 512 : i32
    %mul3A_382 = vector.broadcast %mul3A_381 : i32 to vector<16xi32>
    %mul3A_383 = arith.muli %add3A_380, %mul3A_382 : vector<16xi32>
    %and3A_384 = arith.constant 127 : i32
    %and3A_385 = vector.broadcast %and3A_384 : i32 to vector<16xi32>
    %and3A_386 = arith.andi %min3A_369, %and3A_385 : vector<16xi32>
    %add3A_387 = arith.addi %mul3A_383, %and3A_386 : vector<16xi32>
    %add3A_388 = arith.constant 0 : i32
    %add3A_389 = vector.broadcast %add3A_388 : i32 to vector<16xi32>
    %add3A_390 = arith.addi %add3A_387, %add3A_389 : vector<16xi32>
    %swap3A_391 = arith.constant 0 : i32
    %swap3A_392 = arith.constant 0 : i32
    %swap3A_393 = arith.constant 0 : i32
    %swap3A_394 = arith.constant 0 : i32
    %swap3A_395 = tpu.memref_slice %arg6[%swap3A_391, %swap3A_393, %swap3A_394] : memref<2x4x128xi32, #tpu.memory_space<vmem>> -> memref<1x4x128xi32, #tpu.memory_space<vmem>>
    %swap3A_396 = tpu.memref_squeeze %swap3A_395 : memref<1x4x128xi32, #tpu.memory_space<vmem>> -> memref<4x128xi32, #tpu.memory_space<vmem>>
    %swap3A_397 = arith.index_cast %swap3A_392 : i32 to index
    %swap3A_398 = arith.constant 32 : index
    %swap3A_399 = tpu.vector_load %swap3A_396[%swap3A_397, %swap3A_398] {strides = array<i32>} : memref<4x128xi32, #tpu.memory_space<vmem>>, vector<16xi32>,
    tpu.vector_store %swap3A_396[%swap3A_397, %swap3A_398], %add3A_390 {strides = array<i32>} : memref<4x128xi32, #tpu.memory_space<vmem>>, vector<16xi32>,
    %add3A_400 = arith.constant 128 : i32
    %add3A_401 = vector.broadcast %add3A_400 : i32 to vector<16xi32>
    %add3A_402 = arith.addi %add3A_387, %add3A_401 : vector<16xi32>
    %swap3A_403 = arith.constant 0 : i32
    %swap3A_404 = arith.constant 1 : i32
    %swap3A_405 = arith.constant 0 : i32
    %swap3A_406 = arith.constant 0 : i32
    %swap3A_407 = tpu.memref_slice %arg6[%swap3A_403, %swap3A_405, %swap3A_406] : memref<2x4x128xi32, #tpu.memory_space<vmem>> -> memref<1x4x128xi32, #tpu.memory_space<vmem>>
    %swap3A_408 = tpu.memref_squeeze %swap3A_407 : memref<1x4x128xi32, #tpu.memory_space<vmem>> -> memref<4x128xi32, #tpu.memory_space<vmem>>
    %swap3A_409 = arith.index_cast %swap3A_404 : i32 to index
    %swap3A_410 = arith.constant 32 : index
    %swap3A_411 = tpu.vector_load %swap3A_408[%swap3A_409, %swap3A_410] {strides = array<i32>} : memref<4x128xi32, #tpu.memory_space<vmem>>, vector<16xi32>,
    tpu.vector_store %swap3A_408[%swap3A_409, %swap3A_410], %add3A_402 {strides = array<i32>} : memref<4x128xi32, #tpu.memory_space<vmem>>, vector<16xi32>,
    %add3A_412 = arith.constant 256 : i32
    %add3A_413 = vector.broadcast %add3A_412 : i32 to vector<16xi32>
    %add3A_414 = arith.addi %add3A_387, %add3A_413 : vector<16xi32>
    %swap3A_415 = arith.constant 0 : i32
    %swap3A_416 = arith.constant 2 : i32
    %swap3A_417 = arith.constant 0 : i32
    %swap3A_418 = arith.constant 0 : i32
    %swap3A_419 = tpu.memref_slice %arg6[%swap3A_415, %swap3A_417, %swap3A_418] : memref<2x4x128xi32, #tpu.memory_space<vmem>> -> memref<1x4x128xi32, #tpu.memory_space<vmem>>
    %swap3A_420 = tpu.memref_squeeze %swap3A_419 : memref<1x4x128xi32, #tpu.memory_space<vmem>> -> memref<4x128xi32, #tpu.memory_space<vmem>>
    %swap3A_421 = arith.index_cast %swap3A_416 : i32 to index
    %swap3A_422 = arith.constant 32 : index
    %swap3A_423 = tpu.vector_load %swap3A_420[%swap3A_421, %swap3A_422] {strides = array<i32>} : memref<4x128xi32, #tpu.memory_space<vmem>>, vector<16xi32>,
    tpu.vector_store %swap3A_420[%swap3A_421, %swap3A_422], %add3A_414 {strides = array<i32>} : memref<4x128xi32, #tpu.memory_space<vmem>>, vector<16xi32>,
    %add3A_424 = arith.constant 384 : i32
    %add3A_425 = vector.broadcast %add3A_424 : i32 to vector<16xi32>
    %add3A_426 = arith.addi %add3A_387, %add3A_425 : vector<16xi32>
    %swap3A_427 = arith.constant 0 : i32
    %swap3A_428 = arith.constant 3 : i32
    %swap3A_429 = arith.constant 0 : i32
    %swap3A_430 = arith.constant 0 : i32
    %swap3A_431 = tpu.memref_slice %arg6[%swap3A_427, %swap3A_429, %swap3A_430] : memref<2x4x128xi32, #tpu.memory_space<vmem>> -> memref<1x4x128xi32, #tpu.memory_space<vmem>>
    %swap3A_432 = tpu.memref_squeeze %swap3A_431 : memref<1x4x128xi32, #tpu.memory_space<vmem>> -> memref<4x128xi32, #tpu.memory_space<vmem>>
    %swap3A_433 = arith.index_cast %swap3A_428 : i32 to index
    %swap3A_434 = arith.constant 32 : index
    %swap3A_435 = tpu.vector_load %swap3A_432[%swap3A_433, %swap3A_434] {strides = array<i32>} : memref<4x128xi32, #tpu.memory_space<vmem>>, vector<16xi32>,
    tpu.vector_store %swap3A_432[%swap3A_433, %swap3A_434], %add3A_426 {strides = array<i32>} : memref<4x128xi32, #tpu.memory_space<vmem>>, vector<16xi32>,
    %get3A_436 = arith.constant 0 : i32
    %get3A_437 = arith.constant 0 : i32
    %get3A_438 = arith.constant 0 : i32
    %get3A_439 = arith.constant 0 : i32
    %get3A_440 = tpu.memref_slice %arg5[%get3A_436, %get3A_438, %get3A_439] : memref<2x2x128xf32, #tpu.memory_space<vmem>> -> memref<1x2x128xf32, #tpu.memory_space<vmem>>
    %get3A_441 = tpu.memref_squeeze %get3A_440 : memref<1x2x128xf32, #tpu.memory_space<vmem>> -> memref<2x128xf32, #tpu.memory_space<vmem>>
    %get3A_442 = arith.index_cast %get3A_437 : i32 to index
    %get3A_443 = arith.constant 48 : index
    %get3A_444 = tpu.vector_load %get3A_441[%get3A_442, %get3A_443] {strides = array<i32>} : memref<2x128xf32, #tpu.memory_space<vmem>>, vector<16xf32>,
    %get3A_445 = arith.constant 0 : i32
    %get3A_446 = arith.constant 1 : i32
    %get3A_447 = arith.constant 0 : i32
    %get3A_448 = arith.constant 0 : i32
    %get3A_449 = tpu.memref_slice %arg5[%get3A_445, %get3A_447, %get3A_448] : memref<2x2x128xf32, #tpu.memory_space<vmem>> -> memref<1x2x128xf32, #tpu.memory_space<vmem>>
    %get3A_450 = tpu.memref_squeeze %get3A_449 : memref<1x2x128xf32, #tpu.memory_space<vmem>> -> memref<2x128xf32, #tpu.memory_space<vmem>>
    %get3A_451 = arith.index_cast %get3A_446 : i32 to index
    %get3A_452 = arith.constant 48 : index
    %get3A_453 = tpu.vector_load %get3A_450[%get3A_451, %get3A_452] {strides = array<i32>} : memref<2x128xf32, #tpu.memory_space<vmem>>, vector<16xf32>,
    %add3A_454 = arith.constant 1.000000e+01 : f32
    %add3A_455 = vector.broadcast %add3A_454 : f32 to vector<16xf32>
    %add3A_456 = arith.addf %get3A_444, %add3A_455 : vector<16xf32>
    %div3A_457 = arith.constant 2.000000e+01 : f32
    %div3A_458 = vector.broadcast %div3A_457 : f32 to vector<16xf32>
    %div3A_459 = arith.divf %add3A_456, %div3A_458 : vector<16xf32>
    %mul3A_460 = arith.constant 2.560000e+02 : f32
    %mul3A_461 = vector.broadcast %mul3A_460 : f32 to vector<16xf32>
    %mul3A_462 = arith.mulf %div3A_459, %mul3A_461 : vector<16xf32>
    %convert_element_type3A_463 = arith.fptosi %mul3A_462 : vector<16xf32> to vector<16xi32>
    %add3A_464 = arith.constant 1.000000e+01 : f32
    %add3A_465 = vector.broadcast %add3A_464 : f32 to vector<16xf32>
    %add3A_466 = arith.addf %get3A_453, %add3A_465 : vector<16xf32>
    %div3A_467 = arith.constant 2.000000e+01 : f32
    %div3A_468 = vector.broadcast %div3A_467 : f32 to vector<16xf32>
    %div3A_469 = arith.divf %add3A_466, %div3A_468 : vector<16xf32>
    %mul3A_470 = arith.constant 2.560000e+02 : f32
    %mul3A_471 = vector.broadcast %mul3A_470 : f32 to vector<16xf32>
    %mul3A_472 = arith.mulf %div3A_469, %mul3A_471 : vector<16xf32>
    %convert_element_type3A_473 = arith.fptosi %mul3A_472 : vector<16xf32> to vector<16xi32>
    %ge3A_474 = arith.constant 0 : i32
    %ge3A_475 = vector.broadcast %ge3A_474 : i32 to vector<16xi32>
    %ge3A_476 = arith.cmpi sge, %convert_element_type3A_463, %ge3A_475 : vector<16xi32>
    %lt3A_477 = arith.constant 256 : i32
    %lt3A_478 = vector.broadcast %lt3A_477 : i32 to vector<16xi32>
    %lt3A_479 = arith.cmpi slt, %convert_element_type3A_463, %lt3A_478 : vector<16xi32>
    %and3A_480 = arith.andi %ge3A_476, %lt3A_479 : vector<16xi1>
    %ge3A_481 = arith.constant 0 : i32
    %ge3A_482 = vector.broadcast %ge3A_481 : i32 to vector<16xi32>
    %ge3A_483 = arith.cmpi sge, %convert_element_type3A_473, %ge3A_482 : vector<16xi32>
    %and3A_484 = arith.andi %and3A_480, %ge3A_483 : vector<16xi1>
    %lt3A_485 = arith.constant 256 : i32
    %lt3A_486 = vector.broadcast %lt3A_485 : i32 to vector<16xi32>
    %lt3A_487 = arith.cmpi slt, %convert_element_type3A_473, %lt3A_486 : vector<16xi32>
    %and3A_488 = arith.andi %and3A_484, %lt3A_487 : vector<16xi1>
    %jit3A_489 = arith.constant 0 : i32
    %jit3A_490 = arith.constant 255 : i32
    %max3A_491 = vector.broadcast %jit3A_489 : i32 to vector<16xi32>
    %max3A_492 = arith.maxsi %max3A_491, %convert_element_type3A_463 : vector<16xi32>
    %min3A_493 = vector.broadcast %jit3A_490 : i32 to vector<16xi32>
    %min3A_494 = arith.minsi %min3A_493, %max3A_492 : vector<16xi32>
    %jit3A_495 = arith.constant 0 : i32
    %jit3A_496 = arith.constant 255 : i32
    %max3A_497 = vector.broadcast %jit3A_495 : i32 to vector<16xi32>
    %max3A_498 = arith.maxsi %max3A_497, %convert_element_type3A_473 : vector<16xi32>
    %min3A_499 = vector.broadcast %jit3A_496 : i32 to vector<16xi32>
    %min3A_500 = arith.minsi %min3A_499, %max3A_498 : vector<16xi32>
    %mul3A_501 = arith.constant 512 : i32
    %mul3A_502 = arith.muli %add3A, %mul3A_501 : i32
    %mul3A_503 = arith.constant 2 : i32
    %mul3A_504 = vector.broadcast %mul3A_503 : i32 to vector<16xi32>
    %mul3A_505 = arith.muli %min3A_494, %mul3A_504 : vector<16xi32>
    %add3A_506 = vector.broadcast %mul3A_502 : i32 to vector<16xi32>
    %add3A_507 = arith.addi %add3A_506, %mul3A_505 : vector<16xi32>
    %shift_right_arithmetic3A_508 = arith.constant 7 : i32
    %shift_right_arithmetic3A_509 = vector.broadcast %shift_right_arithmetic3A_508 : i32 to vector<16xi32>
    %shift_right_arithmetic3A_510 = arith.shrsi %min3A_500, %shift_right_arithmetic3A_509 : vector<16xi32>
    %add3A_511 = arith.addi %add3A_507, %shift_right_arithmetic3A_510 : vector<16xi32>
    %mul3A_512 = arith.constant 512 : i32
    %mul3A_513 = vector.broadcast %mul3A_512 : i32 to vector<16xi32>
    %mul3A_514 = arith.muli %add3A_511, %mul3A_513 : vector<16xi32>
    %and3A_515 = arith.constant 127 : i32
    %and3A_516 = vector.broadcast %and3A_515 : i32 to vector<16xi32>
    %and3A_517 = arith.andi %min3A_500, %and3A_516 : vector<16xi32>
    %add3A_518 = arith.addi %mul3A_514, %and3A_517 : vector<16xi32>
    %add3A_519 = arith.constant 0 : i32
    %add3A_520 = vector.broadcast %add3A_519 : i32 to vector<16xi32>
    %add3A_521 = arith.addi %add3A_518, %add3A_520 : vector<16xi32>
    %swap3A_522 = arith.constant 0 : i32
    %swap3A_523 = arith.constant 0 : i32
    %swap3A_524 = arith.constant 0 : i32
    %swap3A_525 = arith.constant 0 : i32
    %swap3A_526 = tpu.memref_slice %arg6[%swap3A_522, %swap3A_524, %swap3A_525] : memref<2x4x128xi32, #tpu.memory_space<vmem>> -> memref<1x4x128xi32, #tpu.memory_space<vmem>>
    %swap3A_527 = tpu.memref_squeeze %swap3A_526 : memref<1x4x128xi32, #tpu.memory_space<vmem>> -> memref<4x128xi32, #tpu.memory_space<vmem>>
    %swap3A_528 = arith.index_cast %swap3A_523 : i32 to index
    %swap3A_529 = arith.constant 48 : index
    %swap3A_530 = tpu.vector_load %swap3A_527[%swap3A_528, %swap3A_529] {strides = array<i32>} : memref<4x128xi32, #tpu.memory_space<vmem>>, vector<16xi32>,
    tpu.vector_store %swap3A_527[%swap3A_528, %swap3A_529], %add3A_521 {strides = array<i32>} : memref<4x128xi32, #tpu.memory_space<vmem>>, vector<16xi32>,
    %add3A_531 = arith.constant 128 : i32
    %add3A_532 = vector.broadcast %add3A_531 : i32 to vector<16xi32>
    %add3A_533 = arith.addi %add3A_518, %add3A_532 : vector<16xi32>
    %swap3A_534 = arith.constant 0 : i32
    %swap3A_535 = arith.constant 1 : i32
    %swap3A_536 = arith.constant 0 : i32
    %swap3A_537 = arith.constant 0 : i32
    %swap3A_538 = tpu.memref_slice %arg6[%swap3A_534, %swap3A_536, %swap3A_537] : memref<2x4x128xi32, #tpu.memory_space<vmem>> -> memref<1x4x128xi32, #tpu.memory_space<vmem>>
    %swap3A_539 = tpu.memref_squeeze %swap3A_538 : memref<1x4x128xi32, #tpu.memory_space<vmem>> -> memref<4x128xi32, #tpu.memory_space<vmem>>
    %swap3A_540 = arith.index_cast %swap3A_535 : i32 to index
    %swap3A_541 = arith.constant 48 : index
    %swap3A_542 = tpu.vector_load %swap3A_539[%swap3A_540, %swap3A_541] {strides = array<i32>} : memref<4x128xi32, #tpu.memory_space<vmem>>, vector<16xi32>,
    tpu.vector_store %swap3A_539[%swap3A_540, %swap3A_541], %add3A_533 {strides = array<i32>} : memref<4x128xi32, #tpu.memory_space<vmem>>, vector<16xi32>,
    %add3A_543 = arith.constant 256 : i32
    %add3A_544 = vector.broadcast %add3A_543 : i32 to vector<16xi32>
    %add3A_545 = arith.addi %add3A_518, %add3A_544 : vector<16xi32>
    %swap3A_546 = arith.constant 0 : i32
    %swap3A_547 = arith.constant 2 : i32
    %swap3A_548 = arith.constant 0 : i32
    %swap3A_549 = arith.constant 0 : i32
    %swap3A_550 = tpu.memref_slice %arg6[%swap3A_546, %swap3A_548, %swap3A_549] : memref<2x4x128xi32, #tpu.memory_space<vmem>> -> memref<1x4x128xi32, #tpu.memory_space<vmem>>
    %swap3A_551 = tpu.memref_squeeze %swap3A_550 : memref<1x4x128xi32, #tpu.memory_space<vmem>> -> memref<4x128xi32, #tpu.memory_space<vmem>>
    %swap3A_552 = arith.index_cast %swap3A_547 : i32 to index
    %swap3A_553 = arith.constant 48 : index
    %swap3A_554 = tpu.vector_load %swap3A_551[%swap3A_552, %swap3A_553] {strides = array<i32>} : memref<4x128xi32, #tpu.memory_space<vmem>>, vector<16xi32>,
    tpu.vector_store %swap3A_551[%swap3A_552, %swap3A_553], %add3A_545 {strides = array<i32>} : memref<4x128xi32, #tpu.memory_space<vmem>>, vector<16xi32>,
    %add3A_555 = arith.constant 384 : i32
    %add3A_556 = vector.broadcast %add3A_555 : i32 to vector<16xi32>
    %add3A_557 = arith.addi %add3A_518, %add3A_556 : vector<16xi32>
    %swap3A_558 = arith.constant 0 : i32
    %swap3A_559 = arith.constant 3 : i32
    %swap3A_560 = arith.constant 0 : i32
    %swap3A_561 = arith.constant 0 : i32
    %swap3A_562 = tpu.memref_slice %arg6[%swap3A_558, %swap3A_560, %swap3A_561] : memref<2x4x128xi32, #tpu.memory_space<vmem>> -> memref<1x4x128xi32, #tpu.memory_space<vmem>>
    %swap3A_563 = tpu.memref_squeeze %swap3A_562 : memref<1x4x128xi32, #tpu.memory_space<vmem>> -> memref<4x128xi32, #tpu.memory_space<vmem>>
    %swap3A_564 = arith.index_cast %swap3A_559 : i32 to index
    %swap3A_565 = arith.constant 48 : index
    %swap3A_566 = tpu.vector_load %swap3A_563[%swap3A_564, %swap3A_565] {strides = array<i32>} : memref<4x128xi32, #tpu.memory_space<vmem>>, vector<16xi32>,
    tpu.vector_store %swap3A_563[%swap3A_564, %swap3A_565], %add3A_557 {strides = array<i32>} : memref<4x128xi32, #tpu.memory_space<vmem>>, vector<16xi32>,
    %get3A_567 = arith.constant 0 : i32
    %get3A_568 = arith.constant 0 : i32
    %get3A_569 = arith.constant 0 : i32
    %get3A_570 = arith.constant 0 : i32
    %get3A_571 = tpu.memref_slice %arg5[%get3A_567, %get3A_569, %get3A_570] : memref<2x2x128xf32, #tpu.memory_space<vmem>> -> memref<1x2x128xf32, #tpu.memory_space<vmem>>
    %get3A_572 = tpu.memref_squeeze %get3A_571 : memref<1x2x128xf32, #tpu.memory_space<vmem>> -> memref<2x128xf32, #tpu.memory_space<vmem>>
    %get3A_573 = arith.index_cast %get3A_568 : i32 to index
    %get3A_574 = arith.constant 64 : index
    %get3A_575 = tpu.vector_load %get3A_572[%get3A_573, %get3A_574] {strides = array<i32>} : memref<2x128xf32, #tpu.memory_space<vmem>>, vector<16xf32>,
    %get3A_576 = arith.constant 0 : i32
    %get3A_577 = arith.constant 1 : i32
    %get3A_578 = arith.constant 0 : i32
    %get3A_579 = arith.constant 0 : i32
    %get3A_580 = tpu.memref_slice %arg5[%get3A_576, %get3A_578, %get3A_579] : memref<2x2x128xf32, #tpu.memory_space<vmem>> -> memref<1x2x128xf32, #tpu.memory_space<vmem>>
    %get3A_581 = tpu.memref_squeeze %get3A_580 : memref<1x2x128xf32, #tpu.memory_space<vmem>> -> memref<2x128xf32, #tpu.memory_space<vmem>>
    %get3A_582 = arith.index_cast %get3A_577 : i32 to index
    %get3A_583 = arith.constant 64 : index
    %get3A_584 = tpu.vector_load %get3A_581[%get3A_582, %get3A_583] {strides = array<i32>} : memref<2x128xf32, #tpu.memory_space<vmem>>, vector<16xf32>,
    %add3A_585 = arith.constant 1.000000e+01 : f32
    %add3A_586 = vector.broadcast %add3A_585 : f32 to vector<16xf32>
    %add3A_587 = arith.addf %get3A_575, %add3A_586 : vector<16xf32>
    %div3A_588 = arith.constant 2.000000e+01 : f32
    %div3A_589 = vector.broadcast %div3A_588 : f32 to vector<16xf32>
    %div3A_590 = arith.divf %add3A_587, %div3A_589 : vector<16xf32>
    %mul3A_591 = arith.constant 2.560000e+02 : f32
    %mul3A_592 = vector.broadcast %mul3A_591 : f32 to vector<16xf32>
    %mul3A_593 = arith.mulf %div3A_590, %mul3A_592 : vector<16xf32>
    %convert_element_type3A_594 = arith.fptosi %mul3A_593 : vector<16xf32> to vector<16xi32>
    %add3A_595 = arith.constant 1.000000e+01 : f32
    %add3A_596 = vector.broadcast %add3A_595 : f32 to vector<16xf32>
    %add3A_597 = arith.addf %get3A_584, %add3A_596 : vector<16xf32>
    %div3A_598 = arith.constant 2.000000e+01 : f32
    %div3A_599 = vector.broadcast %div3A_598 : f32 to vector<16xf32>
    %div3A_600 = arith.divf %add3A_597, %div3A_599 : vector<16xf32>
    %mul3A_601 = arith.constant 2.560000e+02 : f32
    %mul3A_602 = vector.broadcast %mul3A_601 : f32 to vector<16xf32>
    %mul3A_603 = arith.mulf %div3A_600, %mul3A_602 : vector<16xf32>
    %convert_element_type3A_604 = arith.fptosi %mul3A_603 : vector<16xf32> to vector<16xi32>
    %ge3A_605 = arith.constant 0 : i32
    %ge3A_606 = vector.broadcast %ge3A_605 : i32 to vector<16xi32>
    %ge3A_607 = arith.cmpi sge, %convert_element_type3A_594, %ge3A_606 : vector<16xi32>
    %lt3A_608 = arith.constant 256 : i32
    %lt3A_609 = vector.broadcast %lt3A_608 : i32 to vector<16xi32>
    %lt3A_610 = arith.cmpi slt, %convert_element_type3A_594, %lt3A_609 : vector<16xi32>
    %and3A_611 = arith.andi %ge3A_607, %lt3A_610 : vector<16xi1>
    %ge3A_612 = arith.constant 0 : i32
    %ge3A_613 = vector.broadcast %ge3A_612 : i32 to vector<16xi32>
    %ge3A_614 = arith.cmpi sge, %convert_element_type3A_604, %ge3A_613 : vector<16xi32>
    %and3A_615 = arith.andi %and3A_611, %ge3A_614 : vector<16xi1>
    %lt3A_616 = arith.constant 256 : i32
    %lt3A_617 = vector.broadcast %lt3A_616 : i32 to vector<16xi32>
    %lt3A_618 = arith.cmpi slt, %convert_element_type3A_604, %lt3A_617 : vector<16xi32>
    %and3A_619 = arith.andi %and3A_615, %lt3A_618 : vector<16xi1>
    %jit3A_620 = arith.constant 0 : i32
    %jit3A_621 = arith.constant 255 : i32
    %max3A_622 = vector.broadcast %jit3A_620 : i32 to vector<16xi32>
    %max3A_623 = arith.maxsi %max3A_622, %convert_element_type3A_594 : vector<16xi32>
    %min3A_624 = vector.broadcast %jit3A_621 : i32 to vector<16xi32>
    %min3A_625 = arith.minsi %min3A_624, %max3A_623 : vector<16xi32>
    %jit3A_626 = arith.constant 0 : i32
    %jit3A_627 = arith.constant 255 : i32
    %max3A_628 = vector.broadcast %jit3A_626 : i32 to vector<16xi32>
    %max3A_629 = arith.maxsi %max3A_628, %convert_element_type3A_604 : vector<16xi32>
    %min3A_630 = vector.broadcast %jit3A_627 : i32 to vector<16xi32>
    %min3A_631 = arith.minsi %min3A_630, %max3A_629 : vector<16xi32>
    %mul3A_632 = arith.constant 512 : i32
    %mul3A_633 = arith.muli %add3A, %mul3A_632 : i32
    %mul3A_634 = arith.constant 2 : i32
    %mul3A_635 = vector.broadcast %mul3A_634 : i32 to vector<16xi32>
    %mul3A_636 = arith.muli %min3A_625, %mul3A_635 : vector<16xi32>
    %add3A_637 = vector.broadcast %mul3A_633 : i32 to vector<16xi32>
    %add3A_638 = arith.addi %add3A_637, %mul3A_636 : vector<16xi32>
    %shift_right_arithmetic3A_639 = arith.constant 7 : i32
    %shift_right_arithmetic3A_640 = vector.broadcast %shift_right_arithmetic3A_639 : i32 to vector<16xi32>
    %shift_right_arithmetic3A_641 = arith.shrsi %min3A_631, %shift_right_arithmetic3A_640 : vector<16xi32>
    %add3A_642 = arith.addi %add3A_638, %shift_right_arithmetic3A_641 : vector<16xi32>
    %mul3A_643 = arith.constant 512 : i32
    %mul3A_644 = vector.broadcast %mul3A_643 : i32 to vector<16xi32>
    %mul3A_645 = arith.muli %add3A_642, %mul3A_644 : vector<16xi32>
    %and3A_646 = arith.constant 127 : i32
    %and3A_647 = vector.broadcast %and3A_646 : i32 to vector<16xi32>
    %and3A_648 = arith.andi %min3A_631, %and3A_647 : vector<16xi32>
    %add3A_649 = arith.addi %mul3A_645, %and3A_648 : vector<16xi32>
    %add3A_650 = arith.constant 0 : i32
    %add3A_651 = vector.broadcast %add3A_650 : i32 to vector<16xi32>
    %add3A_652 = arith.addi %add3A_649, %add3A_651 : vector<16xi32>
    %swap3A_653 = arith.constant 0 : i32
    %swap3A_654 = arith.constant 0 : i32
    %swap3A_655 = arith.constant 0 : i32
    %swap3A_656 = arith.constant 0 : i32
    %swap3A_657 = tpu.memref_slice %arg6[%swap3A_653, %swap3A_655, %swap3A_656] : memref<2x4x128xi32, #tpu.memory_space<vmem>> -> memref<1x4x128xi32, #tpu.memory_space<vmem>>
    %swap3A_658 = tpu.memref_squeeze %swap3A_657 : memref<1x4x128xi32, #tpu.memory_space<vmem>> -> memref<4x128xi32, #tpu.memory_space<vmem>>
    %swap3A_659 = arith.index_cast %swap3A_654 : i32 to index
    %swap3A_660 = arith.constant 64 : index
    %swap3A_661 = tpu.vector_load %swap3A_658[%swap3A_659, %swap3A_660] {strides = array<i32>} : memref<4x128xi32, #tpu.memory_space<vmem>>, vector<16xi32>,
    tpu.vector_store %swap3A_658[%swap3A_659, %swap3A_660], %add3A_652 {strides = array<i32>} : memref<4x128xi32, #tpu.memory_space<vmem>>, vector<16xi32>,
    %add3A_662 = arith.constant 128 : i32
    %add3A_663 = vector.broadcast %add3A_662 : i32 to vector<16xi32>
    %add3A_664 = arith.addi %add3A_649, %add3A_663 : vector<16xi32>
    %swap3A_665 = arith.constant 0 : i32
    %swap3A_666 = arith.constant 1 : i32
    %swap3A_667 = arith.constant 0 : i32
    %swap3A_668 = arith.constant 0 : i32
    %swap3A_669 = tpu.memref_slice %arg6[%swap3A_665, %swap3A_667, %swap3A_668] : memref<2x4x128xi32, #tpu.memory_space<vmem>> -> memref<1x4x128xi32, #tpu.memory_space<vmem>>
    %swap3A_670 = tpu.memref_squeeze %swap3A_669 : memref<1x4x128xi32, #tpu.memory_space<vmem>> -> memref<4x128xi32, #tpu.memory_space<vmem>>
    %swap3A_671 = arith.index_cast %swap3A_666 : i32 to index
    %swap3A_672 = arith.constant 64 : index
    %swap3A_673 = tpu.vector_load %swap3A_670[%swap3A_671, %swap3A_672] {strides = array<i32>} : memref<4x128xi32, #tpu.memory_space<vmem>>, vector<16xi32>,
    tpu.vector_store %swap3A_670[%swap3A_671, %swap3A_672], %add3A_664 {strides = array<i32>} : memref<4x128xi32, #tpu.memory_space<vmem>>, vector<16xi32>,
    %add3A_674 = arith.constant 256 : i32
    %add3A_675 = vector.broadcast %add3A_674 : i32 to vector<16xi32>
    %add3A_676 = arith.addi %add3A_649, %add3A_675 : vector<16xi32>
    %swap3A_677 = arith.constant 0 : i32
    %swap3A_678 = arith.constant 2 : i32
    %swap3A_679 = arith.constant 0 : i32
    %swap3A_680 = arith.constant 0 : i32
    %swap3A_681 = tpu.memref_slice %arg6[%swap3A_677, %swap3A_679, %swap3A_680] : memref<2x4x128xi32, #tpu.memory_space<vmem>> -> memref<1x4x128xi32, #tpu.memory_space<vmem>>
    %swap3A_682 = tpu.memref_squeeze %swap3A_681 : memref<1x4x128xi32, #tpu.memory_space<vmem>> -> memref<4x128xi32, #tpu.memory_space<vmem>>
    %swap3A_683 = arith.index_cast %swap3A_678 : i32 to index
    %swap3A_684 = arith.constant 64 : index
    %swap3A_685 = tpu.vector_load %swap3A_682[%swap3A_683, %swap3A_684] {strides = array<i32>} : memref<4x128xi32, #tpu.memory_space<vmem>>, vector<16xi32>,
    tpu.vector_store %swap3A_682[%swap3A_683, %swap3A_684], %add3A_676 {strides = array<i32>} : memref<4x128xi32, #tpu.memory_space<vmem>>, vector<16xi32>,
    %add3A_686 = arith.constant 384 : i32
    %add3A_687 = vector.broadcast %add3A_686 : i32 to vector<16xi32>
    %add3A_688 = arith.addi %add3A_649, %add3A_687 : vector<16xi32>
    %swap3A_689 = arith.constant 0 : i32
    %swap3A_690 = arith.constant 3 : i32
    %swap3A_691 = arith.constant 0 : i32
    %swap3A_692 = arith.constant 0 : i32
    %swap3A_693 = tpu.memref_slice %arg6[%swap3A_689, %swap3A_691, %swap3A_692] : memref<2x4x128xi32, #tpu.memory_space<vmem>> -> memref<1x4x128xi32, #tpu.memory_space<vmem>>
    %swap3A_694 = tpu.memref_squeeze %swap3A_693 : memref<1x4x128xi32, #tpu.memory_space<vmem>> -> memref<4x128xi32, #tpu.memory_space<vmem>>
    %swap3A_695 = arith.index_cast %swap3A_690 : i32 to index
    %swap3A_696 = arith.constant 64 : index
    %swap3A_697 = tpu.vector_load %swap3A_694[%swap3A_695, %swap3A_696] {strides = array<i32>} : memref<4x128xi32, #tpu.memory_space<vmem>>, vector<16xi32>,
    tpu.vector_store %swap3A_694[%swap3A_695, %swap3A_696], %add3A_688 {strides = array<i32>} : memref<4x128xi32, #tpu.memory_space<vmem>>, vector<16xi32>,
    %get3A_698 = arith.constant 0 : i32
    %get3A_699 = arith.constant 0 : i32
    %get3A_700 = arith.constant 0 : i32
    %get3A_701 = arith.constant 0 : i32
    %get3A_702 = tpu.memref_slice %arg5[%get3A_698, %get3A_700, %get3A_701] : memref<2x2x128xf32, #tpu.memory_space<vmem>> -> memref<1x2x128xf32, #tpu.memory_space<vmem>>
    %get3A_703 = tpu.memref_squeeze %get3A_702 : memref<1x2x128xf32, #tpu.memory_space<vmem>> -> memref<2x128xf32, #tpu.memory_space<vmem>>
    %get3A_704 = arith.index_cast %get3A_699 : i32 to index
    %get3A_705 = arith.constant 80 : index
    %get3A_706 = tpu.vector_load %get3A_703[%get3A_704, %get3A_705] {strides = array<i32>} : memref<2x128xf32, #tpu.memory_space<vmem>>, vector<16xf32>,
    %get3A_707 = arith.constant 0 : i32
    %get3A_708 = arith.constant 1 : i32
    %get3A_709 = arith.constant 0 : i32
    %get3A_710 = arith.constant 0 : i32
    %get3A_711 = tpu.memref_slice %arg5[%get3A_707, %get3A_709, %get3A_710] : memref<2x2x128xf32, #tpu.memory_space<vmem>> -> memref<1x2x128xf32, #tpu.memory_space<vmem>>
    %get3A_712 = tpu.memref_squeeze %get3A_711 : memref<1x2x128xf32, #tpu.memory_space<vmem>> -> memref<2x128xf32, #tpu.memory_space<vmem>>
    %get3A_713 = arith.index_cast %get3A_708 : i32 to index
    %get3A_714 = arith.constant 80 : index
    %get3A_715 = tpu.vector_load %get3A_712[%get3A_713, %get3A_714] {strides = array<i32>} : memref<2x128xf32, #tpu.memory_space<vmem>>, vector<16xf32>,
    %add3A_716 = arith.constant 1.000000e+01 : f32
    %add3A_717 = vector.broadcast %add3A_716 : f32 to vector<16xf32>
    %add3A_718 = arith.addf %get3A_706, %add3A_717 : vector<16xf32>
    %div3A_719 = arith.constant 2.000000e+01 : f32
    %div3A_720 = vector.broadcast %div3A_719 : f32 to vector<16xf32>
    %div3A_721 = arith.divf %add3A_718, %div3A_720 : vector<16xf32>
    %mul3A_722 = arith.constant 2.560000e+02 : f32
    %mul3A_723 = vector.broadcast %mul3A_722 : f32 to vector<16xf32>
    %mul3A_724 = arith.mulf %div3A_721, %mul3A_723 : vector<16xf32>
    %convert_element_type3A_725 = arith.fptosi %mul3A_724 : vector<16xf32> to vector<16xi32>
    %add3A_726 = arith.constant 1.000000e+01 : f32
    %add3A_727 = vector.broadcast %add3A_726 : f32 to vector<16xf32>
    %add3A_728 = arith.addf %get3A_715, %add3A_727 : vector<16xf32>
    %div3A_729 = arith.constant 2.000000e+01 : f32
    %div3A_730 = vector.broadcast %div3A_729 : f32 to vector<16xf32>
    %div3A_731 = arith.divf %add3A_728, %div3A_730 : vector<16xf32>
    %mul3A_732 = arith.constant 2.560000e+02 : f32
    %mul3A_733 = vector.broadcast %mul3A_732 : f32 to vector<16xf32>
    %mul3A_734 = arith.mulf %div3A_731, %mul3A_733 : vector<16xf32>
    %convert_element_type3A_735 = arith.fptosi %mul3A_734 : vector<16xf32> to vector<16xi32>
    %ge3A_736 = arith.constant 0 : i32
    %ge3A_737 = vector.broadcast %ge3A_736 : i32 to vector<16xi32>
    %ge3A_738 = arith.cmpi sge, %convert_element_type3A_725, %ge3A_737 : vector<16xi32>
    %lt3A_739 = arith.constant 256 : i32
    %lt3A_740 = vector.broadcast %lt3A_739 : i32 to vector<16xi32>
    %lt3A_741 = arith.cmpi slt, %convert_element_type3A_725, %lt3A_740 : vector<16xi32>
    %and3A_742 = arith.andi %ge3A_738, %lt3A_741 : vector<16xi1>
    %ge3A_743 = arith.constant 0 : i32
    %ge3A_744 = vector.broadcast %ge3A_743 : i32 to vector<16xi32>
    %ge3A_745 = arith.cmpi sge, %convert_element_type3A_735, %ge3A_744 : vector<16xi32>
    %and3A_746 = arith.andi %and3A_742, %ge3A_745 : vector<16xi1>
    %lt3A_747 = arith.constant 256 : i32
    %lt3A_748 = vector.broadcast %lt3A_747 : i32 to vector<16xi32>
    %lt3A_749 = arith.cmpi slt, %convert_element_type3A_735, %lt3A_748 : vector<16xi32>
    %and3A_750 = arith.andi %and3A_746, %lt3A_749 : vector<16xi1>
    %jit3A_751 = arith.constant 0 : i32
    %jit3A_752 = arith.constant 255 : i32
    %max3A_753 = vector.broadcast %jit3A_751 : i32 to vector<16xi32>
    %max3A_754 = arith.maxsi %max3A_753, %convert_element_type3A_725 : vector<16xi32>
    %min3A_755 = vector.broadcast %jit3A_752 : i32 to vector<16xi32>
    %min3A_756 = arith.minsi %min3A_755, %max3A_754 : vector<16xi32>
    %jit3A_757 = arith.constant 0 : i32
    %jit3A_758 = arith.constant 255 : i32
    %max3A_759 = vector.broadcast %jit3A_757 : i32 to vector<16xi32>
    %max3A_760 = arith.maxsi %max3A_759, %convert_element_type3A_735 : vector<16xi32>
    %min3A_761 = vector.broadcast %jit3A_758 : i32 to vector<16xi32>
    %min3A_762 = arith.minsi %min3A_761, %max3A_760 : vector<16xi32>
    %mul3A_763 = arith.constant 512 : i32
    %mul3A_764 = arith.muli %add3A, %mul3A_763 : i32
    %mul3A_765 = arith.constant 2 : i32
    %mul3A_766 = vector.broadcast %mul3A_765 : i32 to vector<16xi32>
    %mul3A_767 = arith.muli %min3A_756, %mul3A_766 : vector<16xi32>
    %add3A_768 = vector.broadcast %mul3A_764 : i32 to vector<16xi32>
    %add3A_769 = arith.addi %add3A_768, %mul3A_767 : vector<16xi32>
    %shift_right_arithmetic3A_770 = arith.constant 7 : i32
    %shift_right_arithmetic3A_771 = vector.broadcast %shift_right_arithmetic3A_770 : i32 to vector<16xi32>
    %shift_right_arithmetic3A_772 = arith.shrsi %min3A_762, %shift_right_arithmetic3A_771 : vector<16xi32>
    %add3A_773 = arith.addi %add3A_769, %shift_right_arithmetic3A_772 : vector<16xi32>
    %mul3A_774 = arith.constant 512 : i32
    %mul3A_775 = vector.broadcast %mul3A_774 : i32 to vector<16xi32>
    %mul3A_776 = arith.muli %add3A_773, %mul3A_775 : vector<16xi32>
    %and3A_777 = arith.constant 127 : i32
    %and3A_778 = vector.broadcast %and3A_777 : i32 to vector<16xi32>
    %and3A_779 = arith.andi %min3A_762, %and3A_778 : vector<16xi32>
    %add3A_780 = arith.addi %mul3A_776, %and3A_779 : vector<16xi32>
    %add3A_781 = arith.constant 0 : i32
    %add3A_782 = vector.broadcast %add3A_781 : i32 to vector<16xi32>
    %add3A_783 = arith.addi %add3A_780, %add3A_782 : vector<16xi32>
    %swap3A_784 = arith.constant 0 : i32
    %swap3A_785 = arith.constant 0 : i32
    %swap3A_786 = arith.constant 0 : i32
    %swap3A_787 = arith.constant 0 : i32
    %swap3A_788 = tpu.memref_slice %arg6[%swap3A_784, %swap3A_786, %swap3A_787] : memref<2x4x128xi32, #tpu.memory_space<vmem>> -> memref<1x4x128xi32, #tpu.memory_space<vmem>>
    %swap3A_789 = tpu.memref_squeeze %swap3A_788 : memref<1x4x128xi32, #tpu.memory_space<vmem>> -> memref<4x128xi32, #tpu.memory_space<vmem>>
    %swap3A_790 = arith.index_cast %swap3A_785 : i32 to index
    %swap3A_791 = arith.constant 80 : index
    %swap3A_792 = tpu.vector_load %swap3A_789[%swap3A_790, %swap3A_791] {strides = array<i32>} : memref<4x128xi32, #tpu.memory_space<vmem>>, vector<16xi32>,
    tpu.vector_store %swap3A_789[%swap3A_790, %swap3A_791], %add3A_783 {strides = array<i32>} : memref<4x128xi32, #tpu.memory_space<vmem>>, vector<16xi32>,
    %add3A_793 = arith.constant 128 : i32
    %add3A_794 = vector.broadcast %add3A_793 : i32 to vector<16xi32>
    %add3A_795 = arith.addi %add3A_780, %add3A_794 : vector<16xi32>
    %swap3A_796 = arith.constant 0 : i32
    %swap3A_797 = arith.constant 1 : i32
    %swap3A_798 = arith.constant 0 : i32
    %swap3A_799 = arith.constant 0 : i32
    %swap3A_800 = tpu.memref_slice %arg6[%swap3A_796, %swap3A_798, %swap3A_799] : memref<2x4x128xi32, #tpu.memory_space<vmem>> -> memref<1x4x128xi32, #tpu.memory_space<vmem>>
    %swap3A_801 = tpu.memref_squeeze %swap3A_800 : memref<1x4x128xi32, #tpu.memory_space<vmem>> -> memref<4x128xi32, #tpu.memory_space<vmem>>
    %swap3A_802 = arith.index_cast %swap3A_797 : i32 to index
    %swap3A_803 = arith.constant 80 : index
    %swap3A_804 = tpu.vector_load %swap3A_801[%swap3A_802, %swap3A_803] {strides = array<i32>} : memref<4x128xi32, #tpu.memory_space<vmem>>, vector<16xi32>,
    tpu.vector_store %swap3A_801[%swap3A_802, %swap3A_803], %add3A_795 {strides = array<i32>} : memref<4x128xi32, #tpu.memory_space<vmem>>, vector<16xi32>,
    %add3A_805 = arith.constant 256 : i32
    %add3A_806 = vector.broadcast %add3A_805 : i32 to vector<16xi32>
    %add3A_807 = arith.addi %add3A_780, %add3A_806 : vector<16xi32>
    %swap3A_808 = arith.constant 0 : i32
    %swap3A_809 = arith.constant 2 : i32
    %swap3A_810 = arith.constant 0 : i32
    %swap3A_811 = arith.constant 0 : i32
    %swap3A_812 = tpu.memref_slice %arg6[%swap3A_808, %swap3A_810, %swap3A_811] : memref<2x4x128xi32, #tpu.memory_space<vmem>> -> memref<1x4x128xi32, #tpu.memory_space<vmem>>
    %swap3A_813 = tpu.memref_squeeze %swap3A_812 : memref<1x4x128xi32, #tpu.memory_space<vmem>> -> memref<4x128xi32, #tpu.memory_space<vmem>>
    %swap3A_814 = arith.index_cast %swap3A_809 : i32 to index
    %swap3A_815 = arith.constant 80 : index
    %swap3A_816 = tpu.vector_load %swap3A_813[%swap3A_814, %swap3A_815] {strides = array<i32>} : memref<4x128xi32, #tpu.memory_space<vmem>>, vector<16xi32>,
    tpu.vector_store %swap3A_813[%swap3A_814, %swap3A_815], %add3A_807 {strides = array<i32>} : memref<4x128xi32, #tpu.memory_space<vmem>>, vector<16xi32>,
    %add3A_817 = arith.constant 384 : i32
    %add3A_818 = vector.broadcast %add3A_817 : i32 to vector<16xi32>
    %add3A_819 = arith.addi %add3A_780, %add3A_818 : vector<16xi32>
    %swap3A_820 = arith.constant 0 : i32
    %swap3A_821 = arith.constant 3 : i32
    %swap3A_822 = arith.constant 0 : i32
    %swap3A_823 = arith.constant 0 : i32
    %swap3A_824 = tpu.memref_slice %arg6[%swap3A_820, %swap3A_822, %swap3A_823] : memref<2x4x128xi32, #tpu.memory_space<vmem>> -> memref<1x4x128xi32, #tpu.memory_space<vmem>>
    %swap3A_825 = tpu.memref_squeeze %swap3A_824 : memref<1x4x128xi32, #tpu.memory_space<vmem>> -> memref<4x128xi32, #tpu.memory_space<vmem>>
    %swap3A_826 = arith.index_cast %swap3A_821 : i32 to index
    %swap3A_827 = arith.constant 80 : index
    %swap3A_828 = tpu.vector_load %swap3A_825[%swap3A_826, %swap3A_827] {strides = array<i32>} : memref<4x128xi32, #tpu.memory_space<vmem>>, vector<16xi32>,
    tpu.vector_store %swap3A_825[%swap3A_826, %swap3A_827], %add3A_819 {strides = array<i32>} : memref<4x128xi32, #tpu.memory_space<vmem>>, vector<16xi32>,
    %get3A_829 = arith.constant 0 : i32
    %get3A_830 = arith.constant 0 : i32
    %get3A_831 = arith.constant 0 : i32
    %get3A_832 = arith.constant 0 : i32
    %get3A_833 = tpu.memref_slice %arg5[%get3A_829, %get3A_831, %get3A_832] : memref<2x2x128xf32, #tpu.memory_space<vmem>> -> memref<1x2x128xf32, #tpu.memory_space<vmem>>
    %get3A_834 = tpu.memref_squeeze %get3A_833 : memref<1x2x128xf32, #tpu.memory_space<vmem>> -> memref<2x128xf32, #tpu.memory_space<vmem>>
    %get3A_835 = arith.index_cast %get3A_830 : i32 to index
    %get3A_836 = arith.constant 96 : index
    %get3A_837 = tpu.vector_load %get3A_834[%get3A_835, %get3A_836] {strides = array<i32>} : memref<2x128xf32, #tpu.memory_space<vmem>>, vector<16xf32>,
    %get3A_838 = arith.constant 0 : i32
    %get3A_839 = arith.constant 1 : i32
    %get3A_840 = arith.constant 0 : i32
    %get3A_841 = arith.constant 0 : i32
    %get3A_842 = tpu.memref_slice %arg5[%get3A_838, %get3A_840, %get3A_841] : memref<2x2x128xf32, #tpu.memory_space<vmem>> -> memref<1x2x128xf32, #tpu.memory_space<vmem>>
    %get3A_843 = tpu.memref_squeeze %get3A_842 : memref<1x2x128xf32, #tpu.memory_space<vmem>> -> memref<2x128xf32, #tpu.memory_space<vmem>>
    %get3A_844 = arith.index_cast %get3A_839 : i32 to index
    %get3A_845 = arith.constant 96 : index
    %get3A_846 = tpu.vector_load %get3A_843[%get3A_844, %get3A_845] {strides = array<i32>} : memref<2x128xf32, #tpu.memory_space<vmem>>, vector<16xf32>,
    %add3A_847 = arith.constant 1.000000e+01 : f32
    %add3A_848 = vector.broadcast %add3A_847 : f32 to vector<16xf32>
    %add3A_849 = arith.addf %get3A_837, %add3A_848 : vector<16xf32>
    %div3A_850 = arith.constant 2.000000e+01 : f32
    %div3A_851 = vector.broadcast %div3A_850 : f32 to vector<16xf32>
    %div3A_852 = arith.divf %add3A_849, %div3A_851 : vector<16xf32>
    %mul3A_853 = arith.constant 2.560000e+02 : f32
    %mul3A_854 = vector.broadcast %mul3A_853 : f32 to vector<16xf32>
    %mul3A_855 = arith.mulf %div3A_852, %mul3A_854 : vector<16xf32>
    %convert_element_type3A_856 = arith.fptosi %mul3A_855 : vector<16xf32> to vector<16xi32>
    %add3A_857 = arith.constant 1.000000e+01 : f32
    %add3A_858 = vector.broadcast %add3A_857 : f32 to vector<16xf32>
    %add3A_859 = arith.addf %get3A_846, %add3A_858 : vector<16xf32>
    %div3A_860 = arith.constant 2.000000e+01 : f32
    %div3A_861 = vector.broadcast %div3A_860 : f32 to vector<16xf32>
    %div3A_862 = arith.divf %add3A_859, %div3A_861 : vector<16xf32>
    %mul3A_863 = arith.constant 2.560000e+02 : f32
    %mul3A_864 = vector.broadcast %mul3A_863 : f32 to vector<16xf32>
    %mul3A_865 = arith.mulf %div3A_862, %mul3A_864 : vector<16xf32>
    %convert_element_type3A_866 = arith.fptosi %mul3A_865 : vector<16xf32> to vector<16xi32>
    %ge3A_867 = arith.constant 0 : i32
    %ge3A_868 = vector.broadcast %ge3A_867 : i32 to vector<16xi32>
    %ge3A_869 = arith.cmpi sge, %convert_element_type3A_856, %ge3A_868 : vector<16xi32>
    %lt3A_870 = arith.constant 256 : i32
    %lt3A_871 = vector.broadcast %lt3A_870 : i32 to vector<16xi32>
    %lt3A_872 = arith.cmpi slt, %convert_element_type3A_856, %lt3A_871 : vector<16xi32>
    %and3A_873 = arith.andi %ge3A_869, %lt3A_872 : vector<16xi1>
    %ge3A_874 = arith.constant 0 : i32
    %ge3A_875 = vector.broadcast %ge3A_874 : i32 to vector<16xi32>
    %ge3A_876 = arith.cmpi sge, %convert_element_type3A_866, %ge3A_875 : vector<16xi32>
    %and3A_877 = arith.andi %and3A_873, %ge3A_876 : vector<16xi1>
    %lt3A_878 = arith.constant 256 : i32
    %lt3A_879 = vector.broadcast %lt3A_878 : i32 to vector<16xi32>
    %lt3A_880 = arith.cmpi slt, %convert_element_type3A_866, %lt3A_879 : vector<16xi32>
    %and3A_881 = arith.andi %and3A_877, %lt3A_880 : vector<16xi1>
    %jit3A_882 = arith.constant 0 : i32
    %jit3A_883 = arith.constant 255 : i32
    %max3A_884 = vector.broadcast %jit3A_882 : i32 to vector<16xi32>
    %max3A_885 = arith.maxsi %max3A_884, %convert_element_type3A_856 : vector<16xi32>
    %min3A_886 = vector.broadcast %jit3A_883 : i32 to vector<16xi32>
    %min3A_887 = arith.minsi %min3A_886, %max3A_885 : vector<16xi32>
    %jit3A_888 = arith.constant 0 : i32
    %jit3A_889 = arith.constant 255 : i32
    %max3A_890 = vector.broadcast %jit3A_888 : i32 to vector<16xi32>
    %max3A_891 = arith.maxsi %max3A_890, %convert_element_type3A_866 : vector<16xi32>
    %min3A_892 = vector.broadcast %jit3A_889 : i32 to vector<16xi32>
    %min3A_893 = arith.minsi %min3A_892, %max3A_891 : vector<16xi32>
    %mul3A_894 = arith.constant 512 : i32
    %mul3A_895 = arith.muli %add3A, %mul3A_894 : i32
    %mul3A_896 = arith.constant 2 : i32
    %mul3A_897 = vector.broadcast %mul3A_896 : i32 to vector<16xi32>
    %mul3A_898 = arith.muli %min3A_887, %mul3A_897 : vector<16xi32>
    %add3A_899 = vector.broadcast %mul3A_895 : i32 to vector<16xi32>
    %add3A_900 = arith.addi %add3A_899, %mul3A_898 : vector<16xi32>
    %shift_right_arithmetic3A_901 = arith.constant 7 : i32
    %shift_right_arithmetic3A_902 = vector.broadcast %shift_right_arithmetic3A_901 : i32 to vector<16xi32>
    %shift_right_arithmetic3A_903 = arith.shrsi %min3A_893, %shift_right_arithmetic3A_902 : vector<16xi32>
    %add3A_904 = arith.addi %add3A_900, %shift_right_arithmetic3A_903 : vector<16xi32>
    %mul3A_905 = arith.constant 512 : i32
    %mul3A_906 = vector.broadcast %mul3A_905 : i32 to vector<16xi32>
    %mul3A_907 = arith.muli %add3A_904, %mul3A_906 : vector<16xi32>
    %and3A_908 = arith.constant 127 : i32
    %and3A_909 = vector.broadcast %and3A_908 : i32 to vector<16xi32>
    %and3A_910 = arith.andi %min3A_893, %and3A_909 : vector<16xi32>
    %add3A_911 = arith.addi %mul3A_907, %and3A_910 : vector<16xi32>
    %add3A_912 = arith.constant 0 : i32
    %add3A_913 = vector.broadcast %add3A_912 : i32 to vector<16xi32>
    %add3A_914 = arith.addi %add3A_911, %add3A_913 : vector<16xi32>
    %swap3A_915 = arith.constant 0 : i32
    %swap3A_916 = arith.constant 0 : i32
    %swap3A_917 = arith.constant 0 : i32
    %swap3A_918 = arith.constant 0 : i32
    %swap3A_919 = tpu.memref_slice %arg6[%swap3A_915, %swap3A_917, %swap3A_918] : memref<2x4x128xi32, #tpu.memory_space<vmem>> -> memref<1x4x128xi32, #tpu.memory_space<vmem>>
    %swap3A_920 = tpu.memref_squeeze %swap3A_919 : memref<1x4x128xi32, #tpu.memory_space<vmem>> -> memref<4x128xi32, #tpu.memory_space<vmem>>
    %swap3A_921 = arith.index_cast %swap3A_916 : i32 to index
    %swap3A_922 = arith.constant 96 : index
    %swap3A_923 = tpu.vector_load %swap3A_920[%swap3A_921, %swap3A_922] {strides = array<i32>} : memref<4x128xi32, #tpu.memory_space<vmem>>, vector<16xi32>,
    tpu.vector_store %swap3A_920[%swap3A_921, %swap3A_922], %add3A_914 {strides = array<i32>} : memref<4x128xi32, #tpu.memory_space<vmem>>, vector<16xi32>,
    %add3A_924 = arith.constant 128 : i32
    %add3A_925 = vector.broadcast %add3A_924 : i32 to vector<16xi32>
    %add3A_926 = arith.addi %add3A_911, %add3A_925 : vector<16xi32>
    %swap3A_927 = arith.constant 0 : i32
    %swap3A_928 = arith.constant 1 : i32
    %swap3A_929 = arith.constant 0 : i32
    %swap3A_930 = arith.constant 0 : i32
    %swap3A_931 = tpu.memref_slice %arg6[%swap3A_927, %swap3A_929, %swap3A_930] : memref<2x4x128xi32, #tpu.memory_space<vmem>> -> memref<1x4x128xi32, #tpu.memory_space<vmem>>
    %swap3A_932 = tpu.memref_squeeze %swap3A_931 : memref<1x4x128xi32, #tpu.memory_space<vmem>> -> memref<4x128xi32, #tpu.memory_space<vmem>>
    %swap3A_933 = arith.index_cast %swap3A_928 : i32 to index
    %swap3A_934 = arith.constant 96 : index
    %swap3A_935 = tpu.vector_load %swap3A_932[%swap3A_933, %swap3A_934] {strides = array<i32>} : memref<4x128xi32, #tpu.memory_space<vmem>>, vector<16xi32>,
    tpu.vector_store %swap3A_932[%swap3A_933, %swap3A_934], %add3A_926 {strides = array<i32>} : memref<4x128xi32, #tpu.memory_space<vmem>>, vector<16xi32>,
    %add3A_936 = arith.constant 256 : i32
    %add3A_937 = vector.broadcast %add3A_936 : i32 to vector<16xi32>
    %add3A_938 = arith.addi %add3A_911, %add3A_937 : vector<16xi32>
    %swap3A_939 = arith.constant 0 : i32
    %swap3A_940 = arith.constant 2 : i32
    %swap3A_941 = arith.constant 0 : i32
    %swap3A_942 = arith.constant 0 : i32
    %swap3A_943 = tpu.memref_slice %arg6[%swap3A_939, %swap3A_941, %swap3A_942] : memref<2x4x128xi32, #tpu.memory_space<vmem>> -> memref<1x4x128xi32, #tpu.memory_space<vmem>>
    %swap3A_944 = tpu.memref_squeeze %swap3A_943 : memref<1x4x128xi32, #tpu.memory_space<vmem>> -> memref<4x128xi32, #tpu.memory_space<vmem>>
    %swap3A_945 = arith.index_cast %swap3A_940 : i32 to index
    %swap3A_946 = arith.constant 96 : index
    %swap3A_947 = tpu.vector_load %swap3A_944[%swap3A_945, %swap3A_946] {strides = array<i32>} : memref<4x128xi32, #tpu.memory_space<vmem>>, vector<16xi32>,
    tpu.vector_store %swap3A_944[%swap3A_945, %swap3A_946], %add3A_938 {strides = array<i32>} : memref<4x128xi32, #tpu.memory_space<vmem>>, vector<16xi32>,
    %add3A_948 = arith.constant 384 : i32
    %add3A_949 = vector.broadcast %add3A_948 : i32 to vector<16xi32>
    %add3A_950 = arith.addi %add3A_911, %add3A_949 : vector<16xi32>
    %swap3A_951 = arith.constant 0 : i32
    %swap3A_952 = arith.constant 3 : i32
    %swap3A_953 = arith.constant 0 : i32
    %swap3A_954 = arith.constant 0 : i32
    %swap3A_955 = tpu.memref_slice %arg6[%swap3A_951, %swap3A_953, %swap3A_954] : memref<2x4x128xi32, #tpu.memory_space<vmem>> -> memref<1x4x128xi32, #tpu.memory_space<vmem>>
    %swap3A_956 = tpu.memref_squeeze %swap3A_955 : memref<1x4x128xi32, #tpu.memory_space<vmem>> -> memref<4x128xi32, #tpu.memory_space<vmem>>
    %swap3A_957 = arith.index_cast %swap3A_952 : i32 to index
    %swap3A_958 = arith.constant 96 : index
    %swap3A_959 = tpu.vector_load %swap3A_956[%swap3A_957, %swap3A_958] {strides = array<i32>} : memref<4x128xi32, #tpu.memory_space<vmem>>, vector<16xi32>,
    tpu.vector_store %swap3A_956[%swap3A_957, %swap3A_958], %add3A_950 {strides = array<i32>} : memref<4x128xi32, #tpu.memory_space<vmem>>, vector<16xi32>,
    %get3A_960 = arith.constant 0 : i32
    %get3A_961 = arith.constant 0 : i32
    %get3A_962 = arith.constant 0 : i32
    %get3A_963 = arith.constant 0 : i32
    %get3A_964 = tpu.memref_slice %arg5[%get3A_960, %get3A_962, %get3A_963] : memref<2x2x128xf32, #tpu.memory_space<vmem>> -> memref<1x2x128xf32, #tpu.memory_space<vmem>>
    %get3A_965 = tpu.memref_squeeze %get3A_964 : memref<1x2x128xf32, #tpu.memory_space<vmem>> -> memref<2x128xf32, #tpu.memory_space<vmem>>
    %get3A_966 = arith.index_cast %get3A_961 : i32 to index
    %get3A_967 = arith.constant 112 : index
    %get3A_968 = tpu.vector_load %get3A_965[%get3A_966, %get3A_967] {strides = array<i32>} : memref<2x128xf32, #tpu.memory_space<vmem>>, vector<16xf32>,
    %get3A_969 = arith.constant 0 : i32
    %get3A_970 = arith.constant 1 : i32
    %get3A_971 = arith.constant 0 : i32
    %get3A_972 = arith.constant 0 : i32
    %get3A_973 = tpu.memref_slice %arg5[%get3A_969, %get3A_971, %get3A_972] : memref<2x2x128xf32, #tpu.memory_space<vmem>> -> memref<1x2x128xf32, #tpu.memory_space<vmem>>
    %get3A_974 = tpu.memref_squeeze %get3A_973 : memref<1x2x128xf32, #tpu.memory_space<vmem>> -> memref<2x128xf32, #tpu.memory_space<vmem>>
    %get3A_975 = arith.index_cast %get3A_970 : i32 to index
    %get3A_976 = arith.constant 112 : index
    %get3A_977 = tpu.vector_load %get3A_974[%get3A_975, %get3A_976] {strides = array<i32>} : memref<2x128xf32, #tpu.memory_space<vmem>>, vector<16xf32>,
    %add3A_978 = arith.constant 1.000000e+01 : f32
    %add3A_979 = vector.broadcast %add3A_978 : f32 to vector<16xf32>
    %add3A_980 = arith.addf %get3A_968, %add3A_979 : vector<16xf32>
    %div3A_981 = arith.constant 2.000000e+01 : f32
    %div3A_982 = vector.broadcast %div3A_981 : f32 to vector<16xf32>
    %div3A_983 = arith.divf %add3A_980, %div3A_982 : vector<16xf32>
    %mul3A_984 = arith.constant 2.560000e+02 : f32
    %mul3A_985 = vector.broadcast %mul3A_984 : f32 to vector<16xf32>
    %mul3A_986 = arith.mulf %div3A_983, %mul3A_985 : vector<16xf32>
    %convert_element_type3A_987 = arith.fptosi %mul3A_986 : vector<16xf32> to vector<16xi32>
    %add3A_988 = arith.constant 1.000000e+01 : f32
    %add3A_989 = vector.broadcast %add3A_988 : f32 to vector<16xf32>
    %add3A_990 = arith.addf %get3A_977, %add3A_989 : vector<16xf32>
    %div3A_991 = arith.constant 2.000000e+01 : f32
    %div3A_992 = vector.broadcast %div3A_991 : f32 to vector<16xf32>
    %div3A_993 = arith.divf %add3A_990, %div3A_992 : vector<16xf32>
    %mul3A_994 = arith.constant 2.560000e+02 : f32
    %mul3A_995 = vector.broadcast %mul3A_994 : f32 to vector<16xf32>
    %mul3A_996 = arith.mulf %div3A_993, %mul3A_995 : vector<16xf32>
    %convert_element_type3A_997 = arith.fptosi %mul3A_996 : vector<16xf32> to vector<16xi32>
    %ge3A_998 = arith.constant 0 : i32
    %ge3A_999 = vector.broadcast %ge3A_998 : i32 to vector<16xi32>
    %ge3A_1000 = arith.cmpi sge, %convert_element_type3A_987, %ge3A_999 : vector<16xi32>
    %lt3A_1001 = arith.constant 256 : i32
    %lt3A_1002 = vector.broadcast %lt3A_1001 : i32 to vector<16xi32>
    %lt3A_1003 = arith.cmpi slt, %convert_element_type3A_987, %lt3A_1002 : vector<16xi32>
    %and3A_1004 = arith.andi %ge3A_1000, %lt3A_1003 : vector<16xi1>
    %ge3A_1005 = arith.constant 0 : i32
    %ge3A_1006 = vector.broadcast %ge3A_1005 : i32 to vector<16xi32>
    %ge3A_1007 = arith.cmpi sge, %convert_element_type3A_997, %ge3A_1006 : vector<16xi32>
    %and3A_1008 = arith.andi %and3A_1004, %ge3A_1007 : vector<16xi1>
    %lt3A_1009 = arith.constant 256 : i32
    %lt3A_1010 = vector.broadcast %lt3A_1009 : i32 to vector<16xi32>
    %lt3A_1011 = arith.cmpi slt, %convert_element_type3A_997, %lt3A_1010 : vector<16xi32>
    %and3A_1012 = arith.andi %and3A_1008, %lt3A_1011 : vector<16xi1>
    %jit3A_1013 = arith.constant 0 : i32
    %jit3A_1014 = arith.constant 255 : i32
    %max3A_1015 = vector.broadcast %jit3A_1013 : i32 to vector<16xi32>
    %max3A_1016 = arith.maxsi %max3A_1015, %convert_element_type3A_987 : vector<16xi32>
    %min3A_1017 = vector.broadcast %jit3A_1014 : i32 to vector<16xi32>
    %min3A_1018 = arith.minsi %min3A_1017, %max3A_1016 : vector<16xi32>
    %jit3A_1019 = arith.constant 0 : i32
    %jit3A_1020 = arith.constant 255 : i32
    %max3A_1021 = vector.broadcast %jit3A_1019 : i32 to vector<16xi32>
    %max3A_1022 = arith.maxsi %max3A_1021, %convert_element_type3A_997 : vector<16xi32>
    %min3A_1023 = vector.broadcast %jit3A_1020 : i32 to vector<16xi32>
    %min3A_1024 = arith.minsi %min3A_1023, %max3A_1022 : vector<16xi32>
    %mul3A_1025 = arith.constant 512 : i32
    %mul3A_1026 = arith.muli %add3A, %mul3A_1025 : i32
    %mul3A_1027 = arith.constant 2 : i32
    %mul3A_1028 = vector.broadcast %mul3A_1027 : i32 to vector<16xi32>
    %mul3A_1029 = arith.muli %min3A_1018, %mul3A_1028 : vector<16xi32>
    %add3A_1030 = vector.broadcast %mul3A_1026 : i32 to vector<16xi32>
    %add3A_1031 = arith.addi %add3A_1030, %mul3A_1029 : vector<16xi32>
    %shift_right_arithmetic3A_1032 = arith.constant 7 : i32
    %shift_right_arithmetic3A_1033 = vector.broadcast %shift_right_arithmetic3A_1032 : i32 to vector<16xi32>
    %shift_right_arithmetic3A_1034 = arith.shrsi %min3A_1024, %shift_right_arithmetic3A_1033 : vector<16xi32>
    %add3A_1035 = arith.addi %add3A_1031, %shift_right_arithmetic3A_1034 : vector<16xi32>
    %mul3A_1036 = arith.constant 512 : i32
    %mul3A_1037 = vector.broadcast %mul3A_1036 : i32 to vector<16xi32>
    %mul3A_1038 = arith.muli %add3A_1035, %mul3A_1037 : vector<16xi32>
    %and3A_1039 = arith.constant 127 : i32
    %and3A_1040 = vector.broadcast %and3A_1039 : i32 to vector<16xi32>
    %and3A_1041 = arith.andi %min3A_1024, %and3A_1040 : vector<16xi32>
    %add3A_1042 = arith.addi %mul3A_1038, %and3A_1041 : vector<16xi32>
    %add3A_1043 = arith.constant 0 : i32
    %add3A_1044 = vector.broadcast %add3A_1043 : i32 to vector<16xi32>
    %add3A_1045 = arith.addi %add3A_1042, %add3A_1044 : vector<16xi32>
    %swap3A_1046 = arith.constant 0 : i32
    %swap3A_1047 = arith.constant 0 : i32
    %swap3A_1048 = arith.constant 0 : i32
    %swap3A_1049 = arith.constant 0 : i32
    %swap3A_1050 = tpu.memref_slice %arg6[%swap3A_1046, %swap3A_1048, %swap3A_1049] : memref<2x4x128xi32, #tpu.memory_space<vmem>> -> memref<1x4x128xi32, #tpu.memory_space<vmem>>
    %swap3A_1051 = tpu.memref_squeeze %swap3A_1050 : memref<1x4x128xi32, #tpu.memory_space<vmem>> -> memref<4x128xi32, #tpu.memory_space<vmem>>
    %swap3A_1052 = arith.index_cast %swap3A_1047 : i32 to index
    %swap3A_1053 = arith.constant 112 : index
    %swap3A_1054 = tpu.vector_load %swap3A_1051[%swap3A_1052, %swap3A_1053] {strides = array<i32>} : memref<4x128xi32, #tpu.memory_space<vmem>>, vector<16xi32>,
    tpu.vector_store %swap3A_1051[%swap3A_1052, %swap3A_1053], %add3A_1045 {strides = array<i32>} : memref<4x128xi32, #tpu.memory_space<vmem>>, vector<16xi32>,
    %add3A_1055 = arith.constant 128 : i32
    %add3A_1056 = vector.broadcast %add3A_1055 : i32 to vector<16xi32>
    %add3A_1057 = arith.addi %add3A_1042, %add3A_1056 : vector<16xi32>
    %swap3A_1058 = arith.constant 0 : i32
    %swap3A_1059 = arith.constant 1 : i32
    %swap3A_1060 = arith.constant 0 : i32
    %swap3A_1061 = arith.constant 0 : i32
    %swap3A_1062 = tpu.memref_slice %arg6[%swap3A_1058, %swap3A_1060, %swap3A_1061] : memref<2x4x128xi32, #tpu.memory_space<vmem>> -> memref<1x4x128xi32, #tpu.memory_space<vmem>>
    %swap3A_1063 = tpu.memref_squeeze %swap3A_1062 : memref<1x4x128xi32, #tpu.memory_space<vmem>> -> memref<4x128xi32, #tpu.memory_space<vmem>>
    %swap3A_1064 = arith.index_cast %swap3A_1059 : i32 to index
    %swap3A_1065 = arith.constant 112 : index
    %swap3A_1066 = tpu.vector_load %swap3A_1063[%swap3A_1064, %swap3A_1065] {strides = array<i32>} : memref<4x128xi32, #tpu.memory_space<vmem>>, vector<16xi32>,
    tpu.vector_store %swap3A_1063[%swap3A_1064, %swap3A_1065], %add3A_1057 {strides = array<i32>} : memref<4x128xi32, #tpu.memory_space<vmem>>, vector<16xi32>,
    %add3A_1067 = arith.constant 256 : i32
    %add3A_1068 = vector.broadcast %add3A_1067 : i32 to vector<16xi32>
    %add3A_1069 = arith.addi %add3A_1042, %add3A_1068 : vector<16xi32>
    %swap3A_1070 = arith.constant 0 : i32
    %swap3A_1071 = arith.constant 2 : i32
    %swap3A_1072 = arith.constant 0 : i32
    %swap3A_1073 = arith.constant 0 : i32
    %swap3A_1074 = tpu.memref_slice %arg6[%swap3A_1070, %swap3A_1072, %swap3A_1073] : memref<2x4x128xi32, #tpu.memory_space<vmem>> -> memref<1x4x128xi32, #tpu.memory_space<vmem>>
    %swap3A_1075 = tpu.memref_squeeze %swap3A_1074 : memref<1x4x128xi32, #tpu.memory_space<vmem>> -> memref<4x128xi32, #tpu.memory_space<vmem>>
    %swap3A_1076 = arith.index_cast %swap3A_1071 : i32 to index
    %swap3A_1077 = arith.constant 112 : index
    %swap3A_1078 = tpu.vector_load %swap3A_1075[%swap3A_1076, %swap3A_1077] {strides = array<i32>} : memref<4x128xi32, #tpu.memory_space<vmem>>, vector<16xi32>,
    tpu.vector_store %swap3A_1075[%swap3A_1076, %swap3A_1077], %add3A_1069 {strides = array<i32>} : memref<4x128xi32, #tpu.memory_space<vmem>>, vector<16xi32>,
    %add3A_1079 = arith.constant 384 : i32
    %add3A_1080 = vector.broadcast %add3A_1079 : i32 to vector<16xi32>
    %add3A_1081 = arith.addi %add3A_1042, %add3A_1080 : vector<16xi32>
    %swap3A_1082 = arith.constant 0 : i32
    %swap3A_1083 = arith.constant 3 : i32
    %swap3A_1084 = arith.constant 0 : i32
    %swap3A_1085 = arith.constant 0 : i32
    %swap3A_1086 = tpu.memref_slice %arg6[%swap3A_1082, %swap3A_1084, %swap3A_1085] : memref<2x4x128xi32, #tpu.memory_space<vmem>> -> memref<1x4x128xi32, #tpu.memory_space<vmem>>
    %swap3A_1087 = tpu.memref_squeeze %swap3A_1086 : memref<1x4x128xi32, #tpu.memory_space<vmem>> -> memref<4x128xi32, #tpu.memory_space<vmem>>
    %swap3A_1088 = arith.index_cast %swap3A_1083 : i32 to index
    %swap3A_1089 = arith.constant 112 : index
    %swap3A_1090 = tpu.vector_load %swap3A_1087[%swap3A_1088, %swap3A_1089] {strides = array<i32>} : memref<4x128xi32, #tpu.memory_space<vmem>>, vector<16xi32>,
    tpu.vector_store %swap3A_1087[%swap3A_1088, %swap3A_1089], %add3A_1081 {strides = array<i32>} : memref<4x128xi32, #tpu.memory_space<vmem>>, vector<16xi32>,
    %dma_start3A_1091 = arith.constant 0 : i32
    %dma_start3A_1092 = arith.constant 0 : i32
    %dma_start3A_1093 = arith.constant 0 : i32
    %dma_start3A_1094 = arith.constant 0 : i32
    %dma_start3A_1095 = arith.constant 0 : i32
    %dma_start3A_1096 = arith.constant 0 : i32
    %dma_start3A_1097 = tpu.memref_slice %arg7[%dma_start3A_1093, %dma_start3A_1095, %dma_start3A_1096] : memref<2x4x128xf32, #tpu.memory_space<vmem>> -> memref<1x4x128xf32, #tpu.memory_space<vmem>>
    %dma_start3A_1098 = tpu.memref_squeeze %dma_start3A_1097 : memref<1x4x128xf32, #tpu.memory_space<vmem>> -> memref<4x128xf32, #tpu.memory_space<vmem>>
    %dma_start3A_1099 = arith.constant 0 : i32
    %dma_start3A_1100 = tpu.memref_slice %dma_start3A_1098[%dma_start3A_1094, %dma_start3A_1099] : memref<4x128xf32, #tpu.memory_space<vmem>> -> memref<1x128xf32, #tpu.memory_space<vmem>>
    %dma_start3A_1101 = tpu.memref_squeeze %dma_start3A_1100 : memref<1x128xf32, #tpu.memory_space<vmem>> -> memref<128xf32, #tpu.memory_space<vmem>>
    %dma_start3A_1102 = arith.constant 0 : i32
    %dma_start3A_1103 = arith.constant 0 : i32
    %dma_start3A_1104 = tpu.memref_slice %arg6[%dma_start3A_1091, %dma_start3A_1102, %dma_start3A_1103] : memref<2x4x128xi32, #tpu.memory_space<vmem>> -> memref<1x4x128xi32, #tpu.memory_space<vmem>>
    %dma_start3A_1105 = tpu.memref_squeeze %dma_start3A_1104 : memref<1x4x128xi32, #tpu.memory_space<vmem>> -> memref<4x128xi32, #tpu.memory_space<vmem>>
    %dma_start3A_1106 = arith.constant 0 : i32
    %dma_start3A_1107 = tpu.memref_slice %dma_start3A_1105[%dma_start3A_1092, %dma_start3A_1106] : memref<4x128xi32, #tpu.memory_space<vmem>> -> memref<1x128xi32, #tpu.memory_space<vmem>>
    %dma_start3A_1108 = tpu.memref_squeeze %dma_start3A_1107 : memref<1x128xi32, #tpu.memory_space<vmem>> -> memref<128xi32, #tpu.memory_space<vmem>>
    %dma_start3A_1109 = arith.constant 0 : i32
    %dma_start3A_1110 = tpu.memref_slice %arg3[%dma_start3A_1109] : memref<16777216xf32, #tpu.memory_space<hbm>> -> memref<16777216xf32, #tpu.memory_space<hbm>>
    tpu.enqueue_indirect_dma source(%dma_start3A_1110 : memref<16777216xf32, #tpu.memory_space<hbm>>) target(%dma_start3A_1101 : memref<128xf32, #tpu.memory_space<vmem>>) offsets(%dma_start3A_1108 : memref<128xi32, #tpu.memory_space<vmem>>) semaphore(%arg12 : memref<!tpu.dma_semaphore, #tpu.memory_space<semaphore_mem>>)
    %dma_start3A_1111 = arith.constant 0 : i32
    %dma_start3A_1112 = arith.constant 1 : i32
    %dma_start3A_1113 = arith.constant 0 : i32
    %dma_start3A_1114 = arith.constant 1 : i32
    %dma_start3A_1115 = arith.constant 0 : i32
    %dma_start3A_1116 = arith.constant 0 : i32
    %dma_start3A_1117 = tpu.memref_slice %arg7[%dma_start3A_1113, %dma_start3A_1115, %dma_start3A_1116] : memref<2x4x128xf32, #tpu.memory_space<vmem>> -> memref<1x4x128xf32, #tpu.memory_space<vmem>>
    %dma_start3A_1118 = tpu.memref_squeeze %dma_start3A_1117 : memref<1x4x128xf32, #tpu.memory_space<vmem>> -> memref<4x128xf32, #tpu.memory_space<vmem>>
    %dma_start3A_1119 = arith.constant 0 : i32
    %dma_start3A_1120 = tpu.memref_slice %dma_start3A_1118[%dma_start3A_1114, %dma_start3A_1119] : memref<4x128xf32, #tpu.memory_space<vmem>> -> memref<1x128xf32, #tpu.memory_space<vmem>>
    %dma_start3A_1121 = tpu.memref_squeeze %dma_start3A_1120 : memref<1x128xf32, #tpu.memory_space<vmem>> -> memref<128xf32, #tpu.memory_space<vmem>>
    %dma_start3A_1122 = arith.constant 0 : i32
    %dma_start3A_1123 = arith.constant 0 : i32
    %dma_start3A_1124 = tpu.memref_slice %arg6[%dma_start3A_1111, %dma_start3A_1122, %dma_start3A_1123] : memref<2x4x128xi32, #tpu.memory_space<vmem>> -> memref<1x4x128xi32, #tpu.memory_space<vmem>>
    %dma_start3A_1125 = tpu.memref_squeeze %dma_start3A_1124 : memref<1x4x128xi32, #tpu.memory_space<vmem>> -> memref<4x128xi32, #tpu.memory_space<vmem>>
    %dma_start3A_1126 = arith.constant 0 : i32
    %dma_start3A_1127 = tpu.memref_slice %dma_start3A_1125[%dma_start3A_1112, %dma_start3A_1126] : memref<4x128xi32, #tpu.memory_space<vmem>> -> memref<1x128xi32, #tpu.memory_space<vmem>>
    %dma_start3A_1128 = tpu.memref_squeeze %dma_start3A_1127 : memref<1x128xi32, #tpu.memory_space<vmem>> -> memref<128xi32, #tpu.memory_space<vmem>>
    %dma_start3A_1129 = arith.constant 0 : i32
    %dma_start3A_1130 = tpu.memref_slice %arg3[%dma_start3A_1129] : memref<16777216xf32, #tpu.memory_space<hbm>> -> memref<16777216xf32, #tpu.memory_space<hbm>>
    tpu.enqueue_indirect_dma source(%dma_start3A_1130 : memref<16777216xf32, #tpu.memory_space<hbm>>) target(%dma_start3A_1121 : memref<128xf32, #tpu.memory_space<vmem>>) offsets(%dma_start3A_1128 : memref<128xi32, #tpu.memory_space<vmem>>) semaphore(%arg12 : memref<!tpu.dma_semaphore, #tpu.memory_space<semaphore_mem>>)
    %dma_start3A_1131 = arith.constant 0 : i32
    %dma_start3A_1132 = arith.constant 2 : i32
    %dma_start3A_1133 = arith.constant 0 : i32
    %dma_start3A_1134 = arith.constant 2 : i32
    %dma_start3A_1135 = arith.constant 0 : i32
    %dma_start3A_1136 = arith.constant 0 : i32
    %dma_start3A_1137 = tpu.memref_slice %arg7[%dma_start3A_1133, %dma_start3A_1135, %dma_start3A_1136] : memref<2x4x128xf32, #tpu.memory_space<vmem>> -> memref<1x4x128xf32, #tpu.memory_space<vmem>>
    %dma_start3A_1138 = tpu.memref_squeeze %dma_start3A_1137 : memref<1x4x128xf32, #tpu.memory_space<vmem>> -> memref<4x128xf32, #tpu.memory_space<vmem>>
    %dma_start3A_1139 = arith.constant 0 : i32
    %dma_start3A_1140 = tpu.memref_slice %dma_start3A_1138[%dma_start3A_1134, %dma_start3A_1139] : memref<4x128xf32, #tpu.memory_space<vmem>> -> memref<1x128xf32, #tpu.memory_space<vmem>>
    %dma_start3A_1141 = tpu.memref_squeeze %dma_start3A_1140 : memref<1x128xf32, #tpu.memory_space<vmem>> -> memref<128xf32, #tpu.memory_space<vmem>>
    %dma_start3A_1142 = arith.constant 0 : i32
    %dma_start3A_1143 = arith.constant 0 : i32
    %dma_start3A_1144 = tpu.memref_slice %arg6[%dma_start3A_1131, %dma_start3A_1142, %dma_start3A_1143] : memref<2x4x128xi32, #tpu.memory_space<vmem>> -> memref<1x4x128xi32, #tpu.memory_space<vmem>>
    %dma_start3A_1145 = tpu.memref_squeeze %dma_start3A_1144 : memref<1x4x128xi32, #tpu.memory_space<vmem>> -> memref<4x128xi32, #tpu.memory_space<vmem>>
    %dma_start3A_1146 = arith.constant 0 : i32
    %dma_start3A_1147 = tpu.memref_slice %dma_start3A_1145[%dma_start3A_1132, %dma_start3A_1146] : memref<4x128xi32, #tpu.memory_space<vmem>> -> memref<1x128xi32, #tpu.memory_space<vmem>>
    %dma_start3A_1148 = tpu.memref_squeeze %dma_start3A_1147 : memref<1x128xi32, #tpu.memory_space<vmem>> -> memref<128xi32, #tpu.memory_space<vmem>>
    %dma_start3A_1149 = arith.constant 0 : i32
    %dma_start3A_1150 = tpu.memref_slice %arg3[%dma_start3A_1149] : memref<16777216xf32, #tpu.memory_space<hbm>> -> memref<16777216xf32, #tpu.memory_space<hbm>>
    tpu.enqueue_indirect_dma source(%dma_start3A_1150 : memref<16777216xf32, #tpu.memory_space<hbm>>) target(%dma_start3A_1141 : memref<128xf32, #tpu.memory_space<vmem>>) offsets(%dma_start3A_1148 : memref<128xi32, #tpu.memory_space<vmem>>) semaphore(%arg12 : memref<!tpu.dma_semaphore, #tpu.memory_space<semaphore_mem>>)
    %dma_start3A_1151 = arith.constant 0 : i32
    %dma_start3A_1152 = arith.constant 3 : i32
    %dma_start3A_1153 = arith.constant 0 : i32
    %dma_start3A_1154 = arith.constant 3 : i32
    %dma_start3A_1155 = arith.constant 0 : i32
    %dma_start3A_1156 = arith.constant 0 : i32
    %dma_start3A_1157 = tpu.memref_slice %arg7[%dma_start3A_1153, %dma_start3A_1155, %dma_start3A_1156] : memref<2x4x128xf32, #tpu.memory_space<vmem>> -> memref<1x4x128xf32, #tpu.memory_space<vmem>>
    %dma_start3A_1158 = tpu.memref_squeeze %dma_start3A_1157 : memref<1x4x128xf32, #tpu.memory_space<vmem>> -> memref<4x128xf32, #tpu.memory_space<vmem>>
    %dma_start3A_1159 = arith.constant 0 : i32
    %dma_start3A_1160 = tpu.memref_slice %dma_start3A_1158[%dma_start3A_1154, %dma_start3A_1159] : memref<4x128xf32, #tpu.memory_space<vmem>> -> memref<1x128xf32, #tpu.memory_space<vmem>>
    %dma_start3A_1161 = tpu.memref_squeeze %dma_start3A_1160 : memref<1x128xf32, #tpu.memory_space<vmem>> -> memref<128xf32, #tpu.memory_space<vmem>>
    %dma_start3A_1162 = arith.constant 0 : i32
    %dma_start3A_1163 = arith.constant 0 : i32
    %dma_start3A_1164 = tpu.memref_slice %arg6[%dma_start3A_1151, %dma_start3A_1162, %dma_start3A_1163] : memref<2x4x128xi32, #tpu.memory_space<vmem>> -> memref<1x4x128xi32, #tpu.memory_space<vmem>>
    %dma_start3A_1165 = tpu.memref_squeeze %dma_start3A_1164 : memref<1x4x128xi32, #tpu.memory_space<vmem>> -> memref<4x128xi32, #tpu.memory_space<vmem>>
    %dma_start3A_1166 = arith.constant 0 : i32
    %dma_start3A_1167 = tpu.memref_slice %dma_start3A_1165[%dma_start3A_1152, %dma_start3A_1166] : memref<4x128xi32, #tpu.memory_space<vmem>> -> memref<1x128xi32, #tpu.memory_space<vmem>>
    %dma_start3A_1168 = tpu.memref_squeeze %dma_start3A_1167 : memref<1x128xi32, #tpu.memory_space<vmem>> -> memref<128xi32, #tpu.memory_space<vmem>>
    %dma_start3A_1169 = arith.constant 0 : i32
    %dma_start3A_1170 = tpu.memref_slice %arg3[%dma_start3A_1169] : memref<16777216xf32, #tpu.memory_space<hbm>> -> memref<16777216xf32, #tpu.memory_space<hbm>>
    tpu.enqueue_indirect_dma source(%dma_start3A_1170 : memref<16777216xf32, #tpu.memory_space<hbm>>) target(%dma_start3A_1161 : memref<128xf32, #tpu.memory_space<vmem>>) offsets(%dma_start3A_1168 : memref<128xi32, #tpu.memory_space<vmem>>) semaphore(%arg12 : memref<!tpu.dma_semaphore, #tpu.memory_space<semaphore_mem>>)
    %dma_wait3A_1171 = arith.constant 1 : i32
    %dma_wait3A_1172 = arith.constant 0 : i32
    %dma_wait3A_1173 = arith.constant 0 : i32
    %dma_wait3A_1174 = tpu.memref_slice %arg5[%dma_wait3A_1171, %dma_wait3A_1172, %dma_wait3A_1173] : memref<2x2x128xf32, #tpu.memory_space<vmem>> -> memref<1x2x128xf32, #tpu.memory_space<vmem>>
    %dma_wait3A_1175 = tpu.memref_squeeze %dma_wait3A_1174 : memref<1x2x128xf32, #tpu.memory_space<vmem>> -> memref<2x128xf32, #tpu.memory_space<vmem>>
    %dma_wait3A_1176 = arith.constant 0 : i32
    %dma_wait3A_1177 = arith.constant 0 : i32
    %dma_wait3A_1178 = tpu.memref_slice %arg2[%dma_wait3A_1176, %add3A_4, %dma_wait3A_1177] : memref<3x64x128xf32, #tpu.memory_space<hbm>> -> memref<2x1x128xf32, #tpu.memory_space<hbm>>
    %dma_wait3A_1179 = tpu.memref_squeeze %dma_wait3A_1178 : memref<2x1x128xf32, #tpu.memory_space<hbm>> -> memref<2x128xf32, #tpu.memory_space<hbm>>
    %dma_wait3A_1180 = arith.constant 0 : i32
    %dma_wait3A_1181 = arith.constant 0 : i32
    %dma_wait3A_1182 = tpu.memref_slice %arg5[%dma_wait3A_1171, %dma_wait3A_1180, %dma_wait3A_1181] : memref<2x2x128xf32, #tpu.memory_space<vmem>> -> memref<1x2x128xf32, #tpu.memory_space<vmem>>
    %dma_wait3A_1183 = tpu.memref_squeeze %dma_wait3A_1182 : memref<1x2x128xf32, #tpu.memory_space<vmem>> -> memref<2x128xf32, #tpu.memory_space<vmem>>
    %dma_wait3A_1184 = arith.constant 0 : i32
    %dma_wait3A_1185 = arith.constant 0 : i32
    %dma_wait3A_1186 = tpu.memref_slice %arg2[%dma_wait3A_1184, %add3A_4, %dma_wait3A_1185] : memref<3x64x128xf32, #tpu.memory_space<hbm>> -> memref<2x1x128xf32, #tpu.memory_space<hbm>>
    %dma_wait3A_1187 = tpu.memref_squeeze %dma_wait3A_1186 : memref<2x1x128xf32, #tpu.memory_space<hbm>> -> memref<2x128xf32, #tpu.memory_space<hbm>>
    tpu.wait_dma2 semaphore(%arg13 : memref<!tpu.dma_semaphore, #tpu.memory_space<semaphore_mem>>) src(%dma_wait3A_1187 : memref<2x128xf32, #tpu.memory_space<hbm>>) dst(%dma_wait3A_1183 : memref<2x128xf32, #tpu.memory_space<vmem>>)
    %get3A_1188 = arith.constant 1 : i32
    %get3A_1189 = arith.constant 0 : i32
    %get3A_1190 = arith.constant 0 : i32
    %get3A_1191 = arith.constant 0 : i32
    %get3A_1192 = tpu.memref_slice %arg5[%get3A_1188, %get3A_1190, %get3A_1191] : memref<2x2x128xf32, #tpu.memory_space<vmem>> -> memref<1x2x128xf32, #tpu.memory_space<vmem>>
    %get3A_1193 = tpu.memref_squeeze %get3A_1192 : memref<1x2x128xf32, #tpu.memory_space<vmem>> -> memref<2x128xf32, #tpu.memory_space<vmem>>
    %get3A_1194 = arith.index_cast %get3A_1189 : i32 to index
    %get3A_1195 = arith.constant 0 : index
    %get3A_1196 = tpu.vector_load %get3A_1193[%get3A_1194, %get3A_1195] {strides = array<i32>} : memref<2x128xf32, #tpu.memory_space<vmem>>, vector<16xf32>,
    %get3A_1197 = arith.constant 1 : i32
    %get3A_1198 = arith.constant 1 : i32
    %get3A_1199 = arith.constant 0 : i32
    %get3A_1200 = arith.constant 0 : i32
    %get3A_1201 = tpu.memref_slice %arg5[%get3A_1197, %get3A_1199, %get3A_1200] : memref<2x2x128xf32, #tpu.memory_space<vmem>> -> memref<1x2x128xf32, #tpu.memory_space<vmem>>
    %get3A_1202 = tpu.memref_squeeze %get3A_1201 : memref<1x2x128xf32, #tpu.memory_space<vmem>> -> memref<2x128xf32, #tpu.memory_space<vmem>>
    %get3A_1203 = arith.index_cast %get3A_1198 : i32 to index
    %get3A_1204 = arith.constant 0 : index
    %get3A_1205 = tpu.vector_load %get3A_1202[%get3A_1203, %get3A_1204] {strides = array<i32>} : memref<2x128xf32, #tpu.memory_space<vmem>>, vector<16xf32>,
    %add3A_1206 = arith.constant 1.000000e+01 : f32
    %add3A_1207 = vector.broadcast %add3A_1206 : f32 to vector<16xf32>
    %add3A_1208 = arith.addf %get3A_1196, %add3A_1207 : vector<16xf32>
    %div3A_1209 = arith.constant 2.000000e+01 : f32
    %div3A_1210 = vector.broadcast %div3A_1209 : f32 to vector<16xf32>
    %div3A_1211 = arith.divf %add3A_1208, %div3A_1210 : vector<16xf32>
    %mul3A_1212 = arith.constant 2.560000e+02 : f32
    %mul3A_1213 = vector.broadcast %mul3A_1212 : f32 to vector<16xf32>
    %mul3A_1214 = arith.mulf %div3A_1211, %mul3A_1213 : vector<16xf32>
    %convert_element_type3A_1215 = arith.fptosi %mul3A_1214 : vector<16xf32> to vector<16xi32>
    %add3A_1216 = arith.constant 1.000000e+01 : f32
    %add3A_1217 = vector.broadcast %add3A_1216 : f32 to vector<16xf32>
    %add3A_1218 = arith.addf %get3A_1205, %add3A_1217 : vector<16xf32>
    %div3A_1219 = arith.constant 2.000000e+01 : f32
    %div3A_1220 = vector.broadcast %div3A_1219 : f32 to vector<16xf32>
    %div3A_1221 = arith.divf %add3A_1218, %div3A_1220 : vector<16xf32>
    %mul3A_1222 = arith.constant 2.560000e+02 : f32
    %mul3A_1223 = vector.broadcast %mul3A_1222 : f32 to vector<16xf32>
    %mul3A_1224 = arith.mulf %div3A_1221, %mul3A_1223 : vector<16xf32>
    %convert_element_type3A_1225 = arith.fptosi %mul3A_1224 : vector<16xf32> to vector<16xi32>
    %ge3A_1226 = arith.constant 0 : i32
    %ge3A_1227 = vector.broadcast %ge3A_1226 : i32 to vector<16xi32>
    %ge3A_1228 = arith.cmpi sge, %convert_element_type3A_1215, %ge3A_1227 : vector<16xi32>
    %lt3A_1229 = arith.constant 256 : i32
    %lt3A_1230 = vector.broadcast %lt3A_1229 : i32 to vector<16xi32>
    %lt3A_1231 = arith.cmpi slt, %convert_element_type3A_1215, %lt3A_1230 : vector<16xi32>
    %and3A_1232 = arith.andi %ge3A_1228, %lt3A_1231 : vector<16xi1>
    %ge3A_1233 = arith.constant 0 : i32
    %ge3A_1234 = vector.broadcast %ge3A_1233 : i32 to vector<16xi32>
    %ge3A_1235 = arith.cmpi sge, %convert_element_type3A_1225, %ge3A_1234 : vector<16xi32>
    %and3A_1236 = arith.andi %and3A_1232, %ge3A_1235 : vector<16xi1>
    %lt3A_1237 = arith.constant 256 : i32
    %lt3A_1238 = vector.broadcast %lt3A_1237 : i32 to vector<16xi32>
    %lt3A_1239 = arith.cmpi slt, %convert_element_type3A_1225, %lt3A_1238 : vector<16xi32>
    %and3A_1240 = arith.andi %and3A_1236, %lt3A_1239 : vector<16xi1>
    %jit3A_1241 = arith.constant 0 : i32
    %jit3A_1242 = arith.constant 255 : i32
    %max3A_1243 = vector.broadcast %jit3A_1241 : i32 to vector<16xi32>
    %max3A_1244 = arith.maxsi %max3A_1243, %convert_element_type3A_1215 : vector<16xi32>
    %min3A_1245 = vector.broadcast %jit3A_1242 : i32 to vector<16xi32>
    %min3A_1246 = arith.minsi %min3A_1245, %max3A_1244 : vector<16xi32>
    %jit3A_1247 = arith.constant 0 : i32
    %jit3A_1248 = arith.constant 255 : i32
    %max3A_1249 = vector.broadcast %jit3A_1247 : i32 to vector<16xi32>
    %max3A_1250 = arith.maxsi %max3A_1249, %convert_element_type3A_1225 : vector<16xi32>
    %min3A_1251 = vector.broadcast %jit3A_1248 : i32 to vector<16xi32>
    %min3A_1252 = arith.minsi %min3A_1251, %max3A_1250 : vector<16xi32>
    %mul3A_1253 = arith.constant 512 : i32
    %mul3A_1254 = arith.muli %add3A_4, %mul3A_1253 : i32
    %mul3A_1255 = arith.constant 2 : i32
    %mul3A_1256 = vector.broadcast %mul3A_1255 : i32 to vector<16xi32>
    %mul3A_1257 = arith.muli %min3A_1246, %mul3A_1256 : vector<16xi32>
    %add3A_1258 = vector.broadcast %mul3A_1254 : i32 to vector<16xi32>
    %add3A_1259 = arith.addi %add3A_1258, %mul3A_1257 : vector<16xi32>
    %shift_right_arithmetic3A_1260 = arith.constant 7 : i32
    %shift_right_arithmetic3A_1261 = vector.broadcast %shift_right_arithmetic3A_1260 : i32 to vector<16xi32>
    %shift_right_arithmetic3A_1262 = arith.shrsi %min3A_1252, %shift_right_arithmetic3A_1261 : vector<16xi32>
    %add3A_1263 = arith.addi %add3A_1259, %shift_right_arithmetic3A_1262 : vector<16xi32>
    %mul3A_1264 = arith.constant 512 : i32
    %mul3A_1265 = vector.broadcast %mul3A_1264 : i32 to vector<16xi32>
    %mul3A_1266 = arith.muli %add3A_1263, %mul3A_1265 : vector<16xi32>
    %and3A_1267 = arith.constant 127 : i32
    %and3A_1268 = vector.broadcast %and3A_1267 : i32 to vector<16xi32>
    %and3A_1269 = arith.andi %min3A_1252, %and3A_1268 : vector<16xi32>
    %add3A_1270 = arith.addi %mul3A_1266, %and3A_1269 : vector<16xi32>
    %add3A_1271 = arith.constant 0 : i32
    %add3A_1272 = vector.broadcast %add3A_1271 : i32 to vector<16xi32>
    %add3A_1273 = arith.addi %add3A_1270, %add3A_1272 : vector<16xi32>
    %swap3A_1274 = arith.constant 1 : i32
    %swap3A_1275 = arith.constant 0 : i32
    %swap3A_1276 = arith.constant 0 : i32
    %swap3A_1277 = arith.constant 0 : i32
    %swap3A_1278 = tpu.memref_slice %arg6[%swap3A_1274, %swap3A_1276, %swap3A_1277] : memref<2x4x128xi32, #tpu.memory_space<vmem>> -> memref<1x4x128xi32, #tpu.memory_space<vmem>>
    %swap3A_1279 = tpu.memref_squeeze %swap3A_1278 : memref<1x4x128xi32, #tpu.memory_space<vmem>> -> memref<4x128xi32, #tpu.memory_space<vmem>>
    %swap3A_1280 = arith.index_cast %swap3A_1275 : i32 to index
    %swap3A_1281 = arith.constant 0 : index
    %swap3A_1282 = tpu.vector_load %swap3A_1279[%swap3A_1280, %swap3A_1281] {strides = array<i32>} : memref<4x128xi32, #tpu.memory_space<vmem>>, vector<16xi32>,
    tpu.vector_store %swap3A_1279[%swap3A_1280, %swap3A_1281], %add3A_1273 {strides = array<i32>} : memref<4x128xi32, #tpu.memory_space<vmem>>, vector<16xi32>,
    %add3A_1283 = arith.constant 128 : i32
    %add3A_1284 = vector.broadcast %add3A_1283 : i32 to vector<16xi32>
    %add3A_1285 = arith.addi %add3A_1270, %add3A_1284 : vector<16xi32>
    %swap3A_1286 = arith.constant 1 : i32
    %swap3A_1287 = arith.constant 1 : i32
    %swap3A_1288 = arith.constant 0 : i32
    %swap3A_1289 = arith.constant 0 : i32
    %swap3A_1290 = tpu.memref_slice %arg6[%swap3A_1286, %swap3A_1288, %swap3A_1289] : memref<2x4x128xi32, #tpu.memory_space<vmem>> -> memref<1x4x128xi32, #tpu.memory_space<vmem>>
    %swap3A_1291 = tpu.memref_squeeze %swap3A_1290 : memref<1x4x128xi32, #tpu.memory_space<vmem>> -> memref<4x128xi32, #tpu.memory_space<vmem>>
    %swap3A_1292 = arith.index_cast %swap3A_1287 : i32 to index
    %swap3A_1293 = arith.constant 0 : index
    %swap3A_1294 = tpu.vector_load %swap3A_1291[%swap3A_1292, %swap3A_1293] {strides = array<i32>} : memref<4x128xi32, #tpu.memory_space<vmem>>, vector<16xi32>,
    tpu.vector_store %swap3A_1291[%swap3A_1292, %swap3A_1293], %add3A_1285 {strides = array<i32>} : memref<4x128xi32, #tpu.memory_space<vmem>>, vector<16xi32>,
    %add3A_1295 = arith.constant 256 : i32
    %add3A_1296 = vector.broadcast %add3A_1295 : i32 to vector<16xi32>
    %add3A_1297 = arith.addi %add3A_1270, %add3A_1296 : vector<16xi32>
    %swap3A_1298 = arith.constant 1 : i32
    %swap3A_1299 = arith.constant 2 : i32
    %swap3A_1300 = arith.constant 0 : i32
    %swap3A_1301 = arith.constant 0 : i32
    %swap3A_1302 = tpu.memref_slice %arg6[%swap3A_1298, %swap3A_1300, %swap3A_1301] : memref<2x4x128xi32, #tpu.memory_space<vmem>> -> memref<1x4x128xi32, #tpu.memory_space<vmem>>
    %swap3A_1303 = tpu.memref_squeeze %swap3A_1302 : memref<1x4x128xi32, #tpu.memory_space<vmem>> -> memref<4x128xi32, #tpu.memory_space<vmem>>
    %swap3A_1304 = arith.index_cast %swap3A_1299 : i32 to index
    %swap3A_1305 = arith.constant 0 : index
    %swap3A_1306 = tpu.vector_load %swap3A_1303[%swap3A_1304, %swap3A_1305] {strides = array<i32>} : memref<4x128xi32, #tpu.memory_space<vmem>>, vector<16xi32>,
    tpu.vector_store %swap3A_1303[%swap3A_1304, %swap3A_1305], %add3A_1297 {strides = array<i32>} : memref<4x128xi32, #tpu.memory_space<vmem>>, vector<16xi32>,
    %add3A_1307 = arith.constant 384 : i32
    %add3A_1308 = vector.broadcast %add3A_1307 : i32 to vector<16xi32>
    %add3A_1309 = arith.addi %add3A_1270, %add3A_1308 : vector<16xi32>
    %swap3A_1310 = arith.constant 1 : i32
    %swap3A_1311 = arith.constant 3 : i32
    %swap3A_1312 = arith.constant 0 : i32
    %swap3A_1313 = arith.constant 0 : i32
    %swap3A_1314 = tpu.memref_slice %arg6[%swap3A_1310, %swap3A_1312, %swap3A_1313] : memref<2x4x128xi32, #tpu.memory_space<vmem>> -> memref<1x4x128xi32, #tpu.memory_space<vmem>>
    %swap3A_1315 = tpu.memref_squeeze %swap3A_1314 : memref<1x4x128xi32, #tpu.memory_space<vmem>> -> memref<4x128xi32, #tpu.memory_space<vmem>>
    %swap3A_1316 = arith.index_cast %swap3A_1311 : i32 to index
    %swap3A_1317 = arith.constant 0 : index
    %swap3A_1318 = tpu.vector_load %swap3A_1315[%swap3A_1316, %swap3A_1317] {strides = array<i32>} : memref<4x128xi32, #tpu.memory_space<vmem>>, vector<16xi32>,
    tpu.vector_store %swap3A_1315[%swap3A_1316, %swap3A_1317], %add3A_1309 {strides = array<i32>} : memref<4x128xi32, #tpu.memory_space<vmem>>, vector<16xi32>,
    %get3A_1319 = arith.constant 1 : i32
    %get3A_1320 = arith.constant 0 : i32
    %get3A_1321 = arith.constant 0 : i32
    %get3A_1322 = arith.constant 0 : i32
    %get3A_1323 = tpu.memref_slice %arg5[%get3A_1319, %get3A_1321, %get3A_1322] : memref<2x2x128xf32, #tpu.memory_space<vmem>> -> memref<1x2x128xf32, #tpu.memory_space<vmem>>
    %get3A_1324 = tpu.memref_squeeze %get3A_1323 : memref<1x2x128xf32, #tpu.memory_space<vmem>> -> memref<2x128xf32, #tpu.memory_space<vmem>>
    %get3A_1325 = arith.index_cast %get3A_1320 : i32 to index
    %get3A_1326 = arith.constant 16 : index
    %get3A_1327 = tpu.vector_load %get3A_1324[%get3A_1325, %get3A_1326] {strides = array<i32>} : memref<2x128xf32, #tpu.memory_space<vmem>>, vector<16xf32>,
    %get3A_1328 = arith.constant 1 : i32
    %get3A_1329 = arith.constant 1 : i32
    %get3A_1330 = arith.constant 0 : i32
    %get3A_1331 = arith.constant 0 : i32
    %get3A_1332 = tpu.memref_slice %arg5[%get3A_1328, %get3A_1330, %get3A_1331] : memref<2x2x128xf32, #tpu.memory_space<vmem>> -> memref<1x2x128xf32, #tpu.memory_space<vmem>>
    %get3A_1333 = tpu.memref_squeeze %get3A_1332 : memref<1x2x128xf32, #tpu.memory_space<vmem>> -> memref<2x128xf32, #tpu.memory_space<vmem>>
    %get3A_1334 = arith.index_cast %get3A_1329 : i32 to index
    %get3A_1335 = arith.constant 16 : index
    %get3A_1336 = tpu.vector_load %get3A_1333[%get3A_1334, %get3A_1335] {strides = array<i32>} : memref<2x128xf32, #tpu.memory_space<vmem>>, vector<16xf32>,
    %add3A_1337 = arith.constant 1.000000e+01 : f32
    %add3A_1338 = vector.broadcast %add3A_1337 : f32 to vector<16xf32>
    %add3A_1339 = arith.addf %get3A_1327, %add3A_1338 : vector<16xf32>
    %div3A_1340 = arith.constant 2.000000e+01 : f32
    %div3A_1341 = vector.broadcast %div3A_1340 : f32 to vector<16xf32>
    %div3A_1342 = arith.divf %add3A_1339, %div3A_1341 : vector<16xf32>
    %mul3A_1343 = arith.constant 2.560000e+02 : f32
    %mul3A_1344 = vector.broadcast %mul3A_1343 : f32 to vector<16xf32>
    %mul3A_1345 = arith.mulf %div3A_1342, %mul3A_1344 : vector<16xf32>
    %convert_element_type3A_1346 = arith.fptosi %mul3A_1345 : vector<16xf32> to vector<16xi32>
    %add3A_1347 = arith.constant 1.000000e+01 : f32
    %add3A_1348 = vector.broadcast %add3A_1347 : f32 to vector<16xf32>
    %add3A_1349 = arith.addf %get3A_1336, %add3A_1348 : vector<16xf32>
    %div3A_1350 = arith.constant 2.000000e+01 : f32
    %div3A_1351 = vector.broadcast %div3A_1350 : f32 to vector<16xf32>
    %div3A_1352 = arith.divf %add3A_1349, %div3A_1351 : vector<16xf32>
    %mul3A_1353 = arith.constant 2.560000e+02 : f32
    %mul3A_1354 = vector.broadcast %mul3A_1353 : f32 to vector<16xf32>
    %mul3A_1355 = arith.mulf %div3A_1352, %mul3A_1354 : vector<16xf32>
    %convert_element_type3A_1356 = arith.fptosi %mul3A_1355 : vector<16xf32> to vector<16xi32>
    %ge3A_1357 = arith.constant 0 : i32
    %ge3A_1358 = vector.broadcast %ge3A_1357 : i32 to vector<16xi32>
    %ge3A_1359 = arith.cmpi sge, %convert_element_type3A_1346, %ge3A_1358 : vector<16xi32>
    %lt3A_1360 = arith.constant 256 : i32
    %lt3A_1361 = vector.broadcast %lt3A_1360 : i32 to vector<16xi32>
    %lt3A_1362 = arith.cmpi slt, %convert_element_type3A_1346, %lt3A_1361 : vector<16xi32>
    %and3A_1363 = arith.andi %ge3A_1359, %lt3A_1362 : vector<16xi1>
    %ge3A_1364 = arith.constant 0 : i32
    %ge3A_1365 = vector.broadcast %ge3A_1364 : i32 to vector<16xi32>
    %ge3A_1366 = arith.cmpi sge, %convert_element_type3A_1356, %ge3A_1365 : vector<16xi32>
    %and3A_1367 = arith.andi %and3A_1363, %ge3A_1366 : vector<16xi1>
    %lt3A_1368 = arith.constant 256 : i32
    %lt3A_1369 = vector.broadcast %lt3A_1368 : i32 to vector<16xi32>
    %lt3A_1370 = arith.cmpi slt, %convert_element_type3A_1356, %lt3A_1369 : vector<16xi32>
    %and3A_1371 = arith.andi %and3A_1367, %lt3A_1370 : vector<16xi1>
    %jit3A_1372 = arith.constant 0 : i32
    %jit3A_1373 = arith.constant 255 : i32
    %max3A_1374 = vector.broadcast %jit3A_1372 : i32 to vector<16xi32>
    %max3A_1375 = arith.maxsi %max3A_1374, %convert_element_type3A_1346 : vector<16xi32>
    %min3A_1376 = vector.broadcast %jit3A_1373 : i32 to vector<16xi32>
    %min3A_1377 = arith.minsi %min3A_1376, %max3A_1375 : vector<16xi32>
    %jit3A_1378 = arith.constant 0 : i32
    %jit3A_1379 = arith.constant 255 : i32
    %max3A_1380 = vector.broadcast %jit3A_1378 : i32 to vector<16xi32>
    %max3A_1381 = arith.maxsi %max3A_1380, %convert_element_type3A_1356 : vector<16xi32>
    %min3A_1382 = vector.broadcast %jit3A_1379 : i32 to vector<16xi32>
    %min3A_1383 = arith.minsi %min3A_1382, %max3A_1381 : vector<16xi32>
    %mul3A_1384 = arith.constant 512 : i32
    %mul3A_1385 = arith.muli %add3A_4, %mul3A_1384 : i32
    %mul3A_1386 = arith.constant 2 : i32
    %mul3A_1387 = vector.broadcast %mul3A_1386 : i32 to vector<16xi32>
    %mul3A_1388 = arith.muli %min3A_1377, %mul3A_1387 : vector<16xi32>
    %add3A_1389 = vector.broadcast %mul3A_1385 : i32 to vector<16xi32>
    %add3A_1390 = arith.addi %add3A_1389, %mul3A_1388 : vector<16xi32>
    %shift_right_arithmetic3A_1391 = arith.constant 7 : i32
    %shift_right_arithmetic3A_1392 = vector.broadcast %shift_right_arithmetic3A_1391 : i32 to vector<16xi32>
    %shift_right_arithmetic3A_1393 = arith.shrsi %min3A_1383, %shift_right_arithmetic3A_1392 : vector<16xi32>
    %add3A_1394 = arith.addi %add3A_1390, %shift_right_arithmetic3A_1393 : vector<16xi32>
    %mul3A_1395 = arith.constant 512 : i32
    %mul3A_1396 = vector.broadcast %mul3A_1395 : i32 to vector<16xi32>
    %mul3A_1397 = arith.muli %add3A_1394, %mul3A_1396 : vector<16xi32>
    %and3A_1398 = arith.constant 127 : i32
    %and3A_1399 = vector.broadcast %and3A_1398 : i32 to vector<16xi32>
    %and3A_1400 = arith.andi %min3A_1383, %and3A_1399 : vector<16xi32>
    %add3A_1401 = arith.addi %mul3A_1397, %and3A_1400 : vector<16xi32>
    %add3A_1402 = arith.constant 0 : i32
    %add3A_1403 = vector.broadcast %add3A_1402 : i32 to vector<16xi32>
    %add3A_1404 = arith.addi %add3A_1401, %add3A_1403 : vector<16xi32>
    %swap3A_1405 = arith.constant 1 : i32
    %swap3A_1406 = arith.constant 0 : i32
    %swap3A_1407 = arith.constant 0 : i32
    %swap3A_1408 = arith.constant 0 : i32
    %swap3A_1409 = tpu.memref_slice %arg6[%swap3A_1405, %swap3A_1407, %swap3A_1408] : memref<2x4x128xi32, #tpu.memory_space<vmem>> -> memref<1x4x128xi32, #tpu.memory_space<vmem>>
    %swap3A_1410 = tpu.memref_squeeze %swap3A_1409 : memref<1x4x128xi32, #tpu.memory_space<vmem>> -> memref<4x128xi32, #tpu.memory_space<vmem>>
    %swap3A_1411 = arith.index_cast %swap3A_1406 : i32 to index
    %swap3A_1412 = arith.constant 16 : index
    %swap3A_1413 = tpu.vector_load %swap3A_1410[%swap3A_1411, %swap3A_1412] {strides = array<i32>} : memref<4x128xi32, #tpu.memory_space<vmem>>, vector<16xi32>,
    tpu.vector_store %swap3A_1410[%swap3A_1411, %swap3A_1412], %add3A_1404 {strides = array<i32>} : memref<4x128xi32, #tpu.memory_space<vmem>>, vector<16xi32>,
    %add3A_1414 = arith.constant 128 : i32
    %add3A_1415 = vector.broadcast %add3A_1414 : i32 to vector<16xi32>
    %add3A_1416 = arith.addi %add3A_1401, %add3A_1415 : vector<16xi32>
    %swap3A_1417 = arith.constant 1 : i32
    %swap3A_1418 = arith.constant 1 : i32
    %swap3A_1419 = arith.constant 0 : i32
    %swap3A_1420 = arith.constant 0 : i32
    %swap3A_1421 = tpu.memref_slice %arg6[%swap3A_1417, %swap3A_1419, %swap3A_1420] : memref<2x4x128xi32, #tpu.memory_space<vmem>> -> memref<1x4x128xi32, #tpu.memory_space<vmem>>
    %swap3A_1422 = tpu.memref_squeeze %swap3A_1421 : memref<1x4x128xi32, #tpu.memory_space<vmem>> -> memref<4x128xi32, #tpu.memory_space<vmem>>
    %swap3A_1423 = arith.index_cast %swap3A_1418 : i32 to index
    %swap3A_1424 = arith.constant 16 : index
    %swap3A_1425 = tpu.vector_load %swap3A_1422[%swap3A_1423, %swap3A_1424] {strides = array<i32>} : memref<4x128xi32, #tpu.memory_space<vmem>>, vector<16xi32>,
    tpu.vector_store %swap3A_1422[%swap3A_1423, %swap3A_1424], %add3A_1416 {strides = array<i32>} : memref<4x128xi32, #tpu.memory_space<vmem>>, vector<16xi32>,
    %add3A_1426 = arith.constant 256 : i32
    %add3A_1427 = vector.broadcast %add3A_1426 : i32 to vector<16xi32>
    %add3A_1428 = arith.addi %add3A_1401, %add3A_1427 : vector<16xi32>
    %swap3A_1429 = arith.constant 1 : i32
    %swap3A_1430 = arith.constant 2 : i32
    %swap3A_1431 = arith.constant 0 : i32
    %swap3A_1432 = arith.constant 0 : i32
    %swap3A_1433 = tpu.memref_slice %arg6[%swap3A_1429, %swap3A_1431, %swap3A_1432] : memref<2x4x128xi32, #tpu.memory_space<vmem>> -> memref<1x4x128xi32, #tpu.memory_space<vmem>>
    %swap3A_1434 = tpu.memref_squeeze %swap3A_1433 : memref<1x4x128xi32, #tpu.memory_space<vmem>> -> memref<4x128xi32, #tpu.memory_space<vmem>>
    %swap3A_1435 = arith.index_cast %swap3A_1430 : i32 to index
    %swap3A_1436 = arith.constant 16 : index
    %swap3A_1437 = tpu.vector_load %swap3A_1434[%swap3A_1435, %swap3A_1436] {strides = array<i32>} : memref<4x128xi32, #tpu.memory_space<vmem>>, vector<16xi32>,
    tpu.vector_store %swap3A_1434[%swap3A_1435, %swap3A_1436], %add3A_1428 {strides = array<i32>} : memref<4x128xi32, #tpu.memory_space<vmem>>, vector<16xi32>,
    %add3A_1438 = arith.constant 384 : i32
    %add3A_1439 = vector.broadcast %add3A_1438 : i32 to vector<16xi32>
    %add3A_1440 = arith.addi %add3A_1401, %add3A_1439 : vector<16xi32>
    %swap3A_1441 = arith.constant 1 : i32
    %swap3A_1442 = arith.constant 3 : i32
    %swap3A_1443 = arith.constant 0 : i32
    %swap3A_1444 = arith.constant 0 : i32
    %swap3A_1445 = tpu.memref_slice %arg6[%swap3A_1441, %swap3A_1443, %swap3A_1444] : memref<2x4x128xi32, #tpu.memory_space<vmem>> -> memref<1x4x128xi32, #tpu.memory_space<vmem>>
    %swap3A_1446 = tpu.memref_squeeze %swap3A_1445 : memref<1x4x128xi32, #tpu.memory_space<vmem>> -> memref<4x128xi32, #tpu.memory_space<vmem>>
    %swap3A_1447 = arith.index_cast %swap3A_1442 : i32 to index
    %swap3A_1448 = arith.constant 16 : index
    %swap3A_1449 = tpu.vector_load %swap3A_1446[%swap3A_1447, %swap3A_1448] {strides = array<i32>} : memref<4x128xi32, #tpu.memory_space<vmem>>, vector<16xi32>,
    tpu.vector_store %swap3A_1446[%swap3A_1447, %swap3A_1448], %add3A_1440 {strides = array<i32>} : memref<4x128xi32, #tpu.memory_space<vmem>>, vector<16xi32>,
    %get3A_1450 = arith.constant 1 : i32
    %get3A_1451 = arith.constant 0 : i32
    %get3A_1452 = arith.constant 0 : i32
    %get3A_1453 = arith.constant 0 : i32
    %get3A_1454 = tpu.memref_slice %arg5[%get3A_1450, %get3A_1452, %get3A_1453] : memref<2x2x128xf32, #tpu.memory_space<vmem>> -> memref<1x2x128xf32, #tpu.memory_space<vmem>>
    %get3A_1455 = tpu.memref_squeeze %get3A_1454 : memref<1x2x128xf32, #tpu.memory_space<vmem>> -> memref<2x128xf32, #tpu.memory_space<vmem>>
    %get3A_1456 = arith.index_cast %get3A_1451 : i32 to index
    %get3A_1457 = arith.constant 32 : index
    %get3A_1458 = tpu.vector_load %get3A_1455[%get3A_1456, %get3A_1457] {strides = array<i32>} : memref<2x128xf32, #tpu.memory_space<vmem>>, vector<16xf32>,
    %get3A_1459 = arith.constant 1 : i32
    %get3A_1460 = arith.constant 1 : i32
    %get3A_1461 = arith.constant 0 : i32
    %get3A_1462 = arith.constant 0 : i32
    %get3A_1463 = tpu.memref_slice %arg5[%get3A_1459, %get3A_1461, %get3A_1462] : memref<2x2x128xf32, #tpu.memory_space<vmem>> -> memref<1x2x128xf32, #tpu.memory_space<vmem>>
    %get3A_1464 = tpu.memref_squeeze %get3A_1463 : memref<1x2x128xf32, #tpu.memory_space<vmem>> -> memref<2x128xf32, #tpu.memory_space<vmem>>
    %get3A_1465 = arith.index_cast %get3A_1460 : i32 to index
    %get3A_1466 = arith.constant 32 : index
    %get3A_1467 = tpu.vector_load %get3A_1464[%get3A_1465, %get3A_1466] {strides = array<i32>} : memref<2x128xf32, #tpu.memory_space<vmem>>, vector<16xf32>,
    %add3A_1468 = arith.constant 1.000000e+01 : f32
    %add3A_1469 = vector.broadcast %add3A_1468 : f32 to vector<16xf32>
    %add3A_1470 = arith.addf %get3A_1458, %add3A_1469 : vector<16xf32>
    %div3A_1471 = arith.constant 2.000000e+01 : f32
    %div3A_1472 = vector.broadcast %div3A_1471 : f32 to vector<16xf32>
    %div3A_1473 = arith.divf %add3A_1470, %div3A_1472 : vector<16xf32>
    %mul3A_1474 = arith.constant 2.560000e+02 : f32
    %mul3A_1475 = vector.broadcast %mul3A_1474 : f32 to vector<16xf32>
    %mul3A_1476 = arith.mulf %div3A_1473, %mul3A_1475 : vector<16xf32>
    %convert_element_type3A_1477 = arith.fptosi %mul3A_1476 : vector<16xf32> to vector<16xi32>
    %add3A_1478 = arith.constant 1.000000e+01 : f32
    %add3A_1479 = vector.broadcast %add3A_1478 : f32 to vector<16xf32>
    %add3A_1480 = arith.addf %get3A_1467, %add3A_1479 : vector<16xf32>
    %div3A_1481 = arith.constant 2.000000e+01 : f32
    %div3A_1482 = vector.broadcast %div3A_1481 : f32 to vector<16xf32>
    %div3A_1483 = arith.divf %add3A_1480, %div3A_1482 : vector<16xf32>
    %mul3A_1484 = arith.constant 2.560000e+02 : f32
    %mul3A_1485 = vector.broadcast %mul3A_1484 : f32 to vector<16xf32>
    %mul3A_1486 = arith.mulf %div3A_1483, %mul3A_1485 : vector<16xf32>
    %convert_element_type3A_1487 = arith.fptosi %mul3A_1486 : vector<16xf32> to vector<16xi32>
    %ge3A_1488 = arith.constant 0 : i32
    %ge3A_1489 = vector.broadcast %ge3A_1488 : i32 to vector<16xi32>
    %ge3A_1490 = arith.cmpi sge, %convert_element_type3A_1477, %ge3A_1489 : vector<16xi32>
    %lt3A_1491 = arith.constant 256 : i32
    %lt3A_1492 = vector.broadcast %lt3A_1491 : i32 to vector<16xi32>
    %lt3A_1493 = arith.cmpi slt, %convert_element_type3A_1477, %lt3A_1492 : vector<16xi32>
    %and3A_1494 = arith.andi %ge3A_1490, %lt3A_1493 : vector<16xi1>
    %ge3A_1495 = arith.constant 0 : i32
    %ge3A_1496 = vector.broadcast %ge3A_1495 : i32 to vector<16xi32>
    %ge3A_1497 = arith.cmpi sge, %convert_element_type3A_1487, %ge3A_1496 : vector<16xi32>
    %and3A_1498 = arith.andi %and3A_1494, %ge3A_1497 : vector<16xi1>
    %lt3A_1499 = arith.constant 256 : i32
    %lt3A_1500 = vector.broadcast %lt3A_1499 : i32 to vector<16xi32>
    %lt3A_1501 = arith.cmpi slt, %convert_element_type3A_1487, %lt3A_1500 : vector<16xi32>
    %and3A_1502 = arith.andi %and3A_1498, %lt3A_1501 : vector<16xi1>
    %jit3A_1503 = arith.constant 0 : i32
    %jit3A_1504 = arith.constant 255 : i32
    %max3A_1505 = vector.broadcast %jit3A_1503 : i32 to vector<16xi32>
    %max3A_1506 = arith.maxsi %max3A_1505, %convert_element_type3A_1477 : vector<16xi32>
    %min3A_1507 = vector.broadcast %jit3A_1504 : i32 to vector<16xi32>
    %min3A_1508 = arith.minsi %min3A_1507, %max3A_1506 : vector<16xi32>
    %jit3A_1509 = arith.constant 0 : i32
    %jit3A_1510 = arith.constant 255 : i32
    %max3A_1511 = vector.broadcast %jit3A_1509 : i32 to vector<16xi32>
    %max3A_1512 = arith.maxsi %max3A_1511, %convert_element_type3A_1487 : vector<16xi32>
    %min3A_1513 = vector.broadcast %jit3A_1510 : i32 to vector<16xi32>
    %min3A_1514 = arith.minsi %min3A_1513, %max3A_1512 : vector<16xi32>
    %mul3A_1515 = arith.constant 512 : i32
    %mul3A_1516 = arith.muli %add3A_4, %mul3A_1515 : i32
    %mul3A_1517 = arith.constant 2 : i32
    %mul3A_1518 = vector.broadcast %mul3A_1517 : i32 to vector<16xi32>
    %mul3A_1519 = arith.muli %min3A_1508, %mul3A_1518 : vector<16xi32>
    %add3A_1520 = vector.broadcast %mul3A_1516 : i32 to vector<16xi32>
    %add3A_1521 = arith.addi %add3A_1520, %mul3A_1519 : vector<16xi32>
    %shift_right_arithmetic3A_1522 = arith.constant 7 : i32
    %shift_right_arithmetic3A_1523 = vector.broadcast %shift_right_arithmetic3A_1522 : i32 to vector<16xi32>
    %shift_right_arithmetic3A_1524 = arith.shrsi %min3A_1514, %shift_right_arithmetic3A_1523 : vector<16xi32>
    %add3A_1525 = arith.addi %add3A_1521, %shift_right_arithmetic3A_1524 : vector<16xi32>
    %mul3A_1526 = arith.constant 512 : i32
    %mul3A_1527 = vector.broadcast %mul3A_1526 : i32 to vector<16xi32>
    %mul3A_1528 = arith.muli %add3A_1525, %mul3A_1527 : vector<16xi32>
    %and3A_1529 = arith.constant 127 : i32
    %and3A_1530 = vector.broadcast %and3A_1529 : i32 to vector<16xi32>
    %and3A_1531 = arith.andi %min3A_1514, %and3A_1530 : vector<16xi32>
    %add3A_1532 = arith.addi %mul3A_1528, %and3A_1531 : vector<16xi32>
    %add3A_1533 = arith.constant 0 : i32
    %add3A_1534 = vector.broadcast %add3A_1533 : i32 to vector<16xi32>
    %add3A_1535 = arith.addi %add3A_1532, %add3A_1534 : vector<16xi32>
    %swap3A_1536 = arith.constant 1 : i32
    %swap3A_1537 = arith.constant 0 : i32
    %swap3A_1538 = arith.constant 0 : i32
    %swap3A_1539 = arith.constant 0 : i32
    %swap3A_1540 = tpu.memref_slice %arg6[%swap3A_1536, %swap3A_1538, %swap3A_1539] : memref<2x4x128xi32, #tpu.memory_space<vmem>> -> memref<1x4x128xi32, #tpu.memory_space<vmem>>
    %swap3A_1541 = tpu.memref_squeeze %swap3A_1540 : memref<1x4x128xi32, #tpu.memory_space<vmem>> -> memref<4x128xi32, #tpu.memory_space<vmem>>
    %swap3A_1542 = arith.index_cast %swap3A_1537 : i32 to index
    %swap3A_1543 = arith.constant 32 : index
    %swap3A_1544 = tpu.vector_load %swap3A_1541[%swap3A_1542, %swap3A_1543] {strides = array<i32>} : memref<4x128xi32, #tpu.memory_space<vmem>>, vector<16xi32>,
    tpu.vector_store %swap3A_1541[%swap3A_1542, %swap3A_1543], %add3A_1535 {strides = array<i32>} : memref<4x128xi32, #tpu.memory_space<vmem>>, vector<16xi32>,
    %add3A_1545 = arith.constant 128 : i32
    %add3A_1546 = vector.broadcast %add3A_1545 : i32 to vector<16xi32>
    %add3A_1547 = arith.addi %add3A_1532, %add3A_1546 : vector<16xi32>
    %swap3A_1548 = arith.constant 1 : i32
    %swap3A_1549 = arith.constant 1 : i32
    %swap3A_1550 = arith.constant 0 : i32
    %swap3A_1551 = arith.constant 0 : i32
    %swap3A_1552 = tpu.memref_slice %arg6[%swap3A_1548, %swap3A_1550, %swap3A_1551] : memref<2x4x128xi32, #tpu.memory_space<vmem>> -> memref<1x4x128xi32, #tpu.memory_space<vmem>>
    %swap3A_1553 = tpu.memref_squeeze %swap3A_1552 : memref<1x4x128xi32, #tpu.memory_space<vmem>> -> memref<4x128xi32, #tpu.memory_space<vmem>>
    %swap3A_1554 = arith.index_cast %swap3A_1549 : i32 to index
    %swap3A_1555 = arith.constant 32 : index
    %swap3A_1556 = tpu.vector_load %swap3A_1553[%swap3A_1554, %swap3A_1555] {strides = array<i32>} : memref<4x128xi32, #tpu.memory_space<vmem>>, vector<16xi32>,
    tpu.vector_store %swap3A_1553[%swap3A_1554, %swap3A_1555], %add3A_1547 {strides = array<i32>} : memref<4x128xi32, #tpu.memory_space<vmem>>, vector<16xi32>,
    %add3A_1557 = arith.constant 256 : i32
    %add3A_1558 = vector.broadcast %add3A_1557 : i32 to vector<16xi32>
    %add3A_1559 = arith.addi %add3A_1532, %add3A_1558 : vector<16xi32>
    %swap3A_1560 = arith.constant 1 : i32
    %swap3A_1561 = arith.constant 2 : i32
    %swap3A_1562 = arith.constant 0 : i32
    %swap3A_1563 = arith.constant 0 : i32
    %swap3A_1564 = tpu.memref_slice %arg6[%swap3A_1560, %swap3A_1562, %swap3A_1563] : memref<2x4x128xi32, #tpu.memory_space<vmem>> -> memref<1x4x128xi32, #tpu.memory_space<vmem>>
    %swap3A_1565 = tpu.memref_squeeze %swap3A_1564 : memref<1x4x128xi32, #tpu.memory_space<vmem>> -> memref<4x128xi32, #tpu.memory_space<vmem>>
    %swap3A_1566 = arith.index_cast %swap3A_1561 : i32 to index
    %swap3A_1567 = arith.constant 32 : index
    %swap3A_1568 = tpu.vector_load %swap3A_1565[%swap3A_1566, %swap3A_1567] {strides = array<i32>} : memref<4x128xi32, #tpu.memory_space<vmem>>, vector<16xi32>,
    tpu.vector_store %swap3A_1565[%swap3A_1566, %swap3A_1567], %add3A_1559 {strides = array<i32>} : memref<4x128xi32, #tpu.memory_space<vmem>>, vector<16xi32>,
    %add3A_1569 = arith.constant 384 : i32
    %add3A_1570 = vector.broadcast %add3A_1569 : i32 to vector<16xi32>
    %add3A_1571 = arith.addi %add3A_1532, %add3A_1570 : vector<16xi32>
    %swap3A_1572 = arith.constant 1 : i32
    %swap3A_1573 = arith.constant 3 : i32
    %swap3A_1574 = arith.constant 0 : i32
    %swap3A_1575 = arith.constant 0 : i32
    %swap3A_1576 = tpu.memref_slice %arg6[%swap3A_1572, %swap3A_1574, %swap3A_1575] : memref<2x4x128xi32, #tpu.memory_space<vmem>> -> memref<1x4x128xi32, #tpu.memory_space<vmem>>
    %swap3A_1577 = tpu.memref_squeeze %swap3A_1576 : memref<1x4x128xi32, #tpu.memory_space<vmem>> -> memref<4x128xi32, #tpu.memory_space<vmem>>
    %swap3A_1578 = arith.index_cast %swap3A_1573 : i32 to index
    %swap3A_1579 = arith.constant 32 : index
    %swap3A_1580 = tpu.vector_load %swap3A_1577[%swap3A_1578, %swap3A_1579] {strides = array<i32>} : memref<4x128xi32, #tpu.memory_space<vmem>>, vector<16xi32>,
    tpu.vector_store %swap3A_1577[%swap3A_1578, %swap3A_1579], %add3A_1571 {strides = array<i32>} : memref<4x128xi32, #tpu.memory_space<vmem>>, vector<16xi32>,
    %get3A_1581 = arith.constant 1 : i32
    %get3A_1582 = arith.constant 0 : i32
    %get3A_1583 = arith.constant 0 : i32
    %get3A_1584 = arith.constant 0 : i32
    %get3A_1585 = tpu.memref_slice %arg5[%get3A_1581, %get3A_1583, %get3A_1584] : memref<2x2x128xf32, #tpu.memory_space<vmem>> -> memref<1x2x128xf32, #tpu.memory_space<vmem>>
    %get3A_1586 = tpu.memref_squeeze %get3A_1585 : memref<1x2x128xf32, #tpu.memory_space<vmem>> -> memref<2x128xf32, #tpu.memory_space<vmem>>
    %get3A_1587 = arith.index_cast %get3A_1582 : i32 to index
    %get3A_1588 = arith.constant 48 : index
    %get3A_1589 = tpu.vector_load %get3A_1586[%get3A_1587, %get3A_1588] {strides = array<i32>} : memref<2x128xf32, #tpu.memory_space<vmem>>, vector<16xf32>,
    %get3A_1590 = arith.constant 1 : i32
    %get3A_1591 = arith.constant 1 : i32
    %get3A_1592 = arith.constant 0 : i32
    %get3A_1593 = arith.constant 0 : i32
    %get3A_1594 = tpu.memref_slice %arg5[%get3A_1590, %get3A_1592, %get3A_1593] : memref<2x2x128xf32, #tpu.memory_space<vmem>> -> memref<1x2x128xf32, #tpu.memory_space<vmem>>
    %get3A_1595 = tpu.memref_squeeze %get3A_1594 : memref<1x2x128xf32, #tpu.memory_space<vmem>> -> memref<2x128xf32, #tpu.memory_space<vmem>>
    %get3A_1596 = arith.index_cast %get3A_1591 : i32 to index
    %get3A_1597 = arith.constant 48 : index
    %get3A_1598 = tpu.vector_load %get3A_1595[%get3A_1596, %get3A_1597] {strides = array<i32>} : memref<2x128xf32, #tpu.memory_space<vmem>>, vector<16xf32>,
    %add3A_1599 = arith.constant 1.000000e+01 : f32
    %add3A_1600 = vector.broadcast %add3A_1599 : f32 to vector<16xf32>
    %add3A_1601 = arith.addf %get3A_1589, %add3A_1600 : vector<16xf32>
    %div3A_1602 = arith.constant 2.000000e+01 : f32
    %div3A_1603 = vector.broadcast %div3A_1602 : f32 to vector<16xf32>
    %div3A_1604 = arith.divf %add3A_1601, %div3A_1603 : vector<16xf32>
    %mul3A_1605 = arith.constant 2.560000e+02 : f32
    %mul3A_1606 = vector.broadcast %mul3A_1605 : f32 to vector<16xf32>
    %mul3A_1607 = arith.mulf %div3A_1604, %mul3A_1606 : vector<16xf32>
    %convert_element_type3A_1608 = arith.fptosi %mul3A_1607 : vector<16xf32> to vector<16xi32>
    %add3A_1609 = arith.constant 1.000000e+01 : f32
    %add3A_1610 = vector.broadcast %add3A_1609 : f32 to vector<16xf32>
    %add3A_1611 = arith.addf %get3A_1598, %add3A_1610 : vector<16xf32>
    %div3A_1612 = arith.constant 2.000000e+01 : f32
    %div3A_1613 = vector.broadcast %div3A_1612 : f32 to vector<16xf32>
    %div3A_1614 = arith.divf %add3A_1611, %div3A_1613 : vector<16xf32>
    %mul3A_1615 = arith.constant 2.560000e+02 : f32
    %mul3A_1616 = vector.broadcast %mul3A_1615 : f32 to vector<16xf32>
    %mul3A_1617 = arith.mulf %div3A_1614, %mul3A_1616 : vector<16xf32>
    %convert_element_type3A_1618 = arith.fptosi %mul3A_1617 : vector<16xf32> to vector<16xi32>
    %ge3A_1619 = arith.constant 0 : i32
    %ge3A_1620 = vector.broadcast %ge3A_1619 : i32 to vector<16xi32>
    %ge3A_1621 = arith.cmpi sge, %convert_element_type3A_1608, %ge3A_1620 : vector<16xi32>
    %lt3A_1622 = arith.constant 256 : i32
    %lt3A_1623 = vector.broadcast %lt3A_1622 : i32 to vector<16xi32>
    %lt3A_1624 = arith.cmpi slt, %convert_element_type3A_1608, %lt3A_1623 : vector<16xi32>
    %and3A_1625 = arith.andi %ge3A_1621, %lt3A_1624 : vector<16xi1>
    %ge3A_1626 = arith.constant 0 : i32
    %ge3A_1627 = vector.broadcast %ge3A_1626 : i32 to vector<16xi32>
    %ge3A_1628 = arith.cmpi sge, %convert_element_type3A_1618, %ge3A_1627 : vector<16xi32>
    %and3A_1629 = arith.andi %and3A_1625, %ge3A_1628 : vector<16xi1>
    %lt3A_1630 = arith.constant 256 : i32
    %lt3A_1631 = vector.broadcast %lt3A_1630 : i32 to vector<16xi32>
    %lt3A_1632 = arith.cmpi slt, %convert_element_type3A_1618, %lt3A_1631 : vector<16xi32>
    %and3A_1633 = arith.andi %and3A_1629, %lt3A_1632 : vector<16xi1>
    %jit3A_1634 = arith.constant 0 : i32
    %jit3A_1635 = arith.constant 255 : i32
    %max3A_1636 = vector.broadcast %jit3A_1634 : i32 to vector<16xi32>
    %max3A_1637 = arith.maxsi %max3A_1636, %convert_element_type3A_1608 : vector<16xi32>
    %min3A_1638 = vector.broadcast %jit3A_1635 : i32 to vector<16xi32>
    %min3A_1639 = arith.minsi %min3A_1638, %max3A_1637 : vector<16xi32>
    %jit3A_1640 = arith.constant 0 : i32
    %jit3A_1641 = arith.constant 255 : i32
    %max3A_1642 = vector.broadcast %jit3A_1640 : i32 to vector<16xi32>
    %max3A_1643 = arith.maxsi %max3A_1642, %convert_element_type3A_1618 : vector<16xi32>
    %min3A_1644 = vector.broadcast %jit3A_1641 : i32 to vector<16xi32>
    %min3A_1645 = arith.minsi %min3A_1644, %max3A_1643 : vector<16xi32>
    %mul3A_1646 = arith.constant 512 : i32
    %mul3A_1647 = arith.muli %add3A_4, %mul3A_1646 : i32
    %mul3A_1648 = arith.constant 2 : i32
    %mul3A_1649 = vector.broadcast %mul3A_1648 : i32 to vector<16xi32>
    %mul3A_1650 = arith.muli %min3A_1639, %mul3A_1649 : vector<16xi32>
    %add3A_1651 = vector.broadcast %mul3A_1647 : i32 to vector<16xi32>
    %add3A_1652 = arith.addi %add3A_1651, %mul3A_1650 : vector<16xi32>
    %shift_right_arithmetic3A_1653 = arith.constant 7 : i32
    %shift_right_arithmetic3A_1654 = vector.broadcast %shift_right_arithmetic3A_1653 : i32 to vector<16xi32>
    %shift_right_arithmetic3A_1655 = arith.shrsi %min3A_1645, %shift_right_arithmetic3A_1654 : vector<16xi32>
    %add3A_1656 = arith.addi %add3A_1652, %shift_right_arithmetic3A_1655 : vector<16xi32>
    %mul3A_1657 = arith.constant 512 : i32
    %mul3A_1658 = vector.broadcast %mul3A_1657 : i32 to vector<16xi32>
    %mul3A_1659 = arith.muli %add3A_1656, %mul3A_1658 : vector<16xi32>
    %and3A_1660 = arith.constant 127 : i32
    %and3A_1661 = vector.broadcast %and3A_1660 : i32 to vector<16xi32>
    %and3A_1662 = arith.andi %min3A_1645, %and3A_1661 : vector<16xi32>
    %add3A_1663 = arith.addi %mul3A_1659, %and3A_1662 : vector<16xi32>
    %add3A_1664 = arith.constant 0 : i32
    %add3A_1665 = vector.broadcast %add3A_1664 : i32 to vector<16xi32>
    %add3A_1666 = arith.addi %add3A_1663, %add3A_1665 : vector<16xi32>
    %swap3A_1667 = arith.constant 1 : i32
    %swap3A_1668 = arith.constant 0 : i32
    %swap3A_1669 = arith.constant 0 : i32
    %swap3A_1670 = arith.constant 0 : i32
    %swap3A_1671 = tpu.memref_slice %arg6[%swap3A_1667, %swap3A_1669, %swap3A_1670] : memref<2x4x128xi32, #tpu.memory_space<vmem>> -> memref<1x4x128xi32, #tpu.memory_space<vmem>>
    %swap3A_1672 = tpu.memref_squeeze %swap3A_1671 : memref<1x4x128xi32, #tpu.memory_space<vmem>> -> memref<4x128xi32, #tpu.memory_space<vmem>>
    %swap3A_1673 = arith.index_cast %swap3A_1668 : i32 to index
    %swap3A_1674 = arith.constant 48 : index
    %swap3A_1675 = tpu.vector_load %swap3A_1672[%swap3A_1673, %swap3A_1674] {strides = array<i32>} : memref<4x128xi32, #tpu.memory_space<vmem>>, vector<16xi32>,
    tpu.vector_store %swap3A_1672[%swap3A_1673, %swap3A_1674], %add3A_1666 {strides = array<i32>} : memref<4x128xi32, #tpu.memory_space<vmem>>, vector<16xi32>,
    %add3A_1676 = arith.constant 128 : i32
    %add3A_1677 = vector.broadcast %add3A_1676 : i32 to vector<16xi32>
    %add3A_1678 = arith.addi %add3A_1663, %add3A_1677 : vector<16xi32>
    %swap3A_1679 = arith.constant 1 : i32
    %swap3A_1680 = arith.constant 1 : i32
    %swap3A_1681 = arith.constant 0 : i32
    %swap3A_1682 = arith.constant 0 : i32
    %swap3A_1683 = tpu.memref_slice %arg6[%swap3A_1679, %swap3A_1681, %swap3A_1682] : memref<2x4x128xi32, #tpu.memory_space<vmem>> -> memref<1x4x128xi32, #tpu.memory_space<vmem>>
    %swap3A_1684 = tpu.memref_squeeze %swap3A_1683 : memref<1x4x128xi32, #tpu.memory_space<vmem>> -> memref<4x128xi32, #tpu.memory_space<vmem>>
    %swap3A_1685 = arith.index_cast %swap3A_1680 : i32 to index
    %swap3A_1686 = arith.constant 48 : index
    %swap3A_1687 = tpu.vector_load %swap3A_1684[%swap3A_1685, %swap3A_1686] {strides = array<i32>} : memref<4x128xi32, #tpu.memory_space<vmem>>, vector<16xi32>,
    tpu.vector_store %swap3A_1684[%swap3A_1685, %swap3A_1686], %add3A_1678 {strides = array<i32>} : memref<4x128xi32, #tpu.memory_space<vmem>>, vector<16xi32>,
    %add3A_1688 = arith.constant 256 : i32
    %add3A_1689 = vector.broadcast %add3A_1688 : i32 to vector<16xi32>
    %add3A_1690 = arith.addi %add3A_1663, %add3A_1689 : vector<16xi32>
    %swap3A_1691 = arith.constant 1 : i32
    %swap3A_1692 = arith.constant 2 : i32
    %swap3A_1693 = arith.constant 0 : i32
    %swap3A_1694 = arith.constant 0 : i32
    %swap3A_1695 = tpu.memref_slice %arg6[%swap3A_1691, %swap3A_1693, %swap3A_1694] : memref<2x4x128xi32, #tpu.memory_space<vmem>> -> memref<1x4x128xi32, #tpu.memory_space<vmem>>
    %swap3A_1696 = tpu.memref_squeeze %swap3A_1695 : memref<1x4x128xi32, #tpu.memory_space<vmem>> -> memref<4x128xi32, #tpu.memory_space<vmem>>
    %swap3A_1697 = arith.index_cast %swap3A_1692 : i32 to index
    %swap3A_1698 = arith.constant 48 : index
    %swap3A_1699 = tpu.vector_load %swap3A_1696[%swap3A_1697, %swap3A_1698] {strides = array<i32>} : memref<4x128xi32, #tpu.memory_space<vmem>>, vector<16xi32>,
    tpu.vector_store %swap3A_1696[%swap3A_1697, %swap3A_1698], %add3A_1690 {strides = array<i32>} : memref<4x128xi32, #tpu.memory_space<vmem>>, vector<16xi32>,
    %add3A_1700 = arith.constant 384 : i32
    %add3A_1701 = vector.broadcast %add3A_1700 : i32 to vector<16xi32>
    %add3A_1702 = arith.addi %add3A_1663, %add3A_1701 : vector<16xi32>
    %swap3A_1703 = arith.constant 1 : i32
    %swap3A_1704 = arith.constant 3 : i32
    %swap3A_1705 = arith.constant 0 : i32
    %swap3A_1706 = arith.constant 0 : i32
    %swap3A_1707 = tpu.memref_slice %arg6[%swap3A_1703, %swap3A_1705, %swap3A_1706] : memref<2x4x128xi32, #tpu.memory_space<vmem>> -> memref<1x4x128xi32, #tpu.memory_space<vmem>>
    %swap3A_1708 = tpu.memref_squeeze %swap3A_1707 : memref<1x4x128xi32, #tpu.memory_space<vmem>> -> memref<4x128xi32, #tpu.memory_space<vmem>>
    %swap3A_1709 = arith.index_cast %swap3A_1704 : i32 to index
    %swap3A_1710 = arith.constant 48 : index
    %swap3A_1711 = tpu.vector_load %swap3A_1708[%swap3A_1709, %swap3A_1710] {strides = array<i32>} : memref<4x128xi32, #tpu.memory_space<vmem>>, vector<16xi32>,
    tpu.vector_store %swap3A_1708[%swap3A_1709, %swap3A_1710], %add3A_1702 {strides = array<i32>} : memref<4x128xi32, #tpu.memory_space<vmem>>, vector<16xi32>,
    %get3A_1712 = arith.constant 1 : i32
    %get3A_1713 = arith.constant 0 : i32
    %get3A_1714 = arith.constant 0 : i32
    %get3A_1715 = arith.constant 0 : i32
    %get3A_1716 = tpu.memref_slice %arg5[%get3A_1712, %get3A_1714, %get3A_1715] : memref<2x2x128xf32, #tpu.memory_space<vmem>> -> memref<1x2x128xf32, #tpu.memory_space<vmem>>
    %get3A_1717 = tpu.memref_squeeze %get3A_1716 : memref<1x2x128xf32, #tpu.memory_space<vmem>> -> memref<2x128xf32, #tpu.memory_space<vmem>>
    %get3A_1718 = arith.index_cast %get3A_1713 : i32 to index
    %get3A_1719 = arith.constant 64 : index
    %get3A_1720 = tpu.vector_load %get3A_1717[%get3A_1718, %get3A_1719] {strides = array<i32>} : memref<2x128xf32, #tpu.memory_space<vmem>>, vector<16xf32>,
    %get3A_1721 = arith.constant 1 : i32
    %get3A_1722 = arith.constant 1 : i32
    %get3A_1723 = arith.constant 0 : i32
    %get3A_1724 = arith.constant 0 : i32
    %get3A_1725 = tpu.memref_slice %arg5[%get3A_1721, %get3A_1723, %get3A_1724] : memref<2x2x128xf32, #tpu.memory_space<vmem>> -> memref<1x2x128xf32, #tpu.memory_space<vmem>>
    %get3A_1726 = tpu.memref_squeeze %get3A_1725 : memref<1x2x128xf32, #tpu.memory_space<vmem>> -> memref<2x128xf32, #tpu.memory_space<vmem>>
    %get3A_1727 = arith.index_cast %get3A_1722 : i32 to index
    %get3A_1728 = arith.constant 64 : index
    %get3A_1729 = tpu.vector_load %get3A_1726[%get3A_1727, %get3A_1728] {strides = array<i32>} : memref<2x128xf32, #tpu.memory_space<vmem>>, vector<16xf32>,
    %add3A_1730 = arith.constant 1.000000e+01 : f32
    %add3A_1731 = vector.broadcast %add3A_1730 : f32 to vector<16xf32>
    %add3A_1732 = arith.addf %get3A_1720, %add3A_1731 : vector<16xf32>
    %div3A_1733 = arith.constant 2.000000e+01 : f32
    %div3A_1734 = vector.broadcast %div3A_1733 : f32 to vector<16xf32>
    %div3A_1735 = arith.divf %add3A_1732, %div3A_1734 : vector<16xf32>
    %mul3A_1736 = arith.constant 2.560000e+02 : f32
    %mul3A_1737 = vector.broadcast %mul3A_1736 : f32 to vector<16xf32>
    %mul3A_1738 = arith.mulf %div3A_1735, %mul3A_1737 : vector<16xf32>
    %convert_element_type3A_1739 = arith.fptosi %mul3A_1738 : vector<16xf32> to vector<16xi32>
    %add3A_1740 = arith.constant 1.000000e+01 : f32
    %add3A_1741 = vector.broadcast %add3A_1740 : f32 to vector<16xf32>
    %add3A_1742 = arith.addf %get3A_1729, %add3A_1741 : vector<16xf32>
    %div3A_1743 = arith.constant 2.000000e+01 : f32
    %div3A_1744 = vector.broadcast %div3A_1743 : f32 to vector<16xf32>
    %div3A_1745 = arith.divf %add3A_1742, %div3A_1744 : vector<16xf32>
    %mul3A_1746 = arith.constant 2.560000e+02 : f32
    %mul3A_1747 = vector.broadcast %mul3A_1746 : f32 to vector<16xf32>
    %mul3A_1748 = arith.mulf %div3A_1745, %mul3A_1747 : vector<16xf32>
    %convert_element_type3A_1749 = arith.fptosi %mul3A_1748 : vector<16xf32> to vector<16xi32>
    %ge3A_1750 = arith.constant 0 : i32
    %ge3A_1751 = vector.broadcast %ge3A_1750 : i32 to vector<16xi32>
    %ge3A_1752 = arith.cmpi sge, %convert_element_type3A_1739, %ge3A_1751 : vector<16xi32>
    %lt3A_1753 = arith.constant 256 : i32
    %lt3A_1754 = vector.broadcast %lt3A_1753 : i32 to vector<16xi32>
    %lt3A_1755 = arith.cmpi slt, %convert_element_type3A_1739, %lt3A_1754 : vector<16xi32>
    %and3A_1756 = arith.andi %ge3A_1752, %lt3A_1755 : vector<16xi1>
    %ge3A_1757 = arith.constant 0 : i32
    %ge3A_1758 = vector.broadcast %ge3A_1757 : i32 to vector<16xi32>
    %ge3A_1759 = arith.cmpi sge, %convert_element_type3A_1749, %ge3A_1758 : vector<16xi32>
    %and3A_1760 = arith.andi %and3A_1756, %ge3A_1759 : vector<16xi1>
    %lt3A_1761 = arith.constant 256 : i32
    %lt3A_1762 = vector.broadcast %lt3A_1761 : i32 to vector<16xi32>
    %lt3A_1763 = arith.cmpi slt, %convert_element_type3A_1749, %lt3A_1762 : vector<16xi32>
    %and3A_1764 = arith.andi %and3A_1760, %lt3A_1763 : vector<16xi1>
    %jit3A_1765 = arith.constant 0 : i32
    %jit3A_1766 = arith.constant 255 : i32
    %max3A_1767 = vector.broadcast %jit3A_1765 : i32 to vector<16xi32>
    %max3A_1768 = arith.maxsi %max3A_1767, %convert_element_type3A_1739 : vector<16xi32>
    %min3A_1769 = vector.broadcast %jit3A_1766 : i32 to vector<16xi32>
    %min3A_1770 = arith.minsi %min3A_1769, %max3A_1768 : vector<16xi32>
    %jit3A_1771 = arith.constant 0 : i32
    %jit3A_1772 = arith.constant 255 : i32
    %max3A_1773 = vector.broadcast %jit3A_1771 : i32 to vector<16xi32>
    %max3A_1774 = arith.maxsi %max3A_1773, %convert_element_type3A_1749 : vector<16xi32>
    %min3A_1775 = vector.broadcast %jit3A_1772 : i32 to vector<16xi32>
    %min3A_1776 = arith.minsi %min3A_1775, %max3A_1774 : vector<16xi32>
    %mul3A_1777 = arith.constant 512 : i32
    %mul3A_1778 = arith.muli %add3A_4, %mul3A_1777 : i32
    %mul3A_1779 = arith.constant 2 : i32
    %mul3A_1780 = vector.broadcast %mul3A_1779 : i32 to vector<16xi32>
    %mul3A_1781 = arith.muli %min3A_1770, %mul3A_1780 : vector<16xi32>
    %add3A_1782 = vector.broadcast %mul3A_1778 : i32 to vector<16xi32>
    %add3A_1783 = arith.addi %add3A_1782, %mul3A_1781 : vector<16xi32>
    %shift_right_arithmetic3A_1784 = arith.constant 7 : i32
    %shift_right_arithmetic3A_1785 = vector.broadcast %shift_right_arithmetic3A_1784 : i32 to vector<16xi32>
    %shift_right_arithmetic3A_1786 = arith.shrsi %min3A_1776, %shift_right_arithmetic3A_1785 : vector<16xi32>
    %add3A_1787 = arith.addi %add3A_1783, %shift_right_arithmetic3A_1786 : vector<16xi32>
    %mul3A_1788 = arith.constant 512 : i32
    %mul3A_1789 = vector.broadcast %mul3A_1788 : i32 to vector<16xi32>
    %mul3A_1790 = arith.muli %add3A_1787, %mul3A_1789 : vector<16xi32>
    %and3A_1791 = arith.constant 127 : i32
    %and3A_1792 = vector.broadcast %and3A_1791 : i32 to vector<16xi32>
    %and3A_1793 = arith.andi %min3A_1776, %and3A_1792 : vector<16xi32>
    %add3A_1794 = arith.addi %mul3A_1790, %and3A_1793 : vector<16xi32>
    %add3A_1795 = arith.constant 0 : i32
    %add3A_1796 = vector.broadcast %add3A_1795 : i32 to vector<16xi32>
    %add3A_1797 = arith.addi %add3A_1794, %add3A_1796 : vector<16xi32>
    %swap3A_1798 = arith.constant 1 : i32
    %swap3A_1799 = arith.constant 0 : i32
    %swap3A_1800 = arith.constant 0 : i32
    %swap3A_1801 = arith.constant 0 : i32
    %swap3A_1802 = tpu.memref_slice %arg6[%swap3A_1798, %swap3A_1800, %swap3A_1801] : memref<2x4x128xi32, #tpu.memory_space<vmem>> -> memref<1x4x128xi32, #tpu.memory_space<vmem>>
    %swap3A_1803 = tpu.memref_squeeze %swap3A_1802 : memref<1x4x128xi32, #tpu.memory_space<vmem>> -> memref<4x128xi32, #tpu.memory_space<vmem>>
    %swap3A_1804 = arith.index_cast %swap3A_1799 : i32 to index
    %swap3A_1805 = arith.constant 64 : index
    %swap3A_1806 = tpu.vector_load %swap3A_1803[%swap3A_1804, %swap3A_1805] {strides = array<i32>} : memref<4x128xi32, #tpu.memory_space<vmem>>, vector<16xi32>,
    tpu.vector_store %swap3A_1803[%swap3A_1804, %swap3A_1805], %add3A_1797 {strides = array<i32>} : memref<4x128xi32, #tpu.memory_space<vmem>>, vector<16xi32>,
    %add3A_1807 = arith.constant 128 : i32
    %add3A_1808 = vector.broadcast %add3A_1807 : i32 to vector<16xi32>
    %add3A_1809 = arith.addi %add3A_1794, %add3A_1808 : vector<16xi32>
    %swap3A_1810 = arith.constant 1 : i32
    %swap3A_1811 = arith.constant 1 : i32
    %swap3A_1812 = arith.constant 0 : i32
    %swap3A_1813 = arith.constant 0 : i32
    %swap3A_1814 = tpu.memref_slice %arg6[%swap3A_1810, %swap3A_1812, %swap3A_1813] : memref<2x4x128xi32, #tpu.memory_space<vmem>> -> memref<1x4x128xi32, #tpu.memory_space<vmem>>
    %swap3A_1815 = tpu.memref_squeeze %swap3A_1814 : memref<1x4x128xi32, #tpu.memory_space<vmem>> -> memref<4x128xi32, #tpu.memory_space<vmem>>
    %swap3A_1816 = arith.index_cast %swap3A_1811 : i32 to index
    %swap3A_1817 = arith.constant 64 : index
    %swap3A_1818 = tpu.vector_load %swap3A_1815[%swap3A_1816, %swap3A_1817] {strides = array<i32>} : memref<4x128xi32, #tpu.memory_space<vmem>>, vector<16xi32>,
    tpu.vector_store %swap3A_1815[%swap3A_1816, %swap3A_1817], %add3A_1809 {strides = array<i32>} : memref<4x128xi32, #tpu.memory_space<vmem>>, vector<16xi32>,
    %add3A_1819 = arith.constant 256 : i32
    %add3A_1820 = vector.broadcast %add3A_1819 : i32 to vector<16xi32>
    %add3A_1821 = arith.addi %add3A_1794, %add3A_1820 : vector<16xi32>
    %swap3A_1822 = arith.constant 1 : i32
    %swap3A_1823 = arith.constant 2 : i32
    %swap3A_1824 = arith.constant 0 : i32
    %swap3A_1825 = arith.constant 0 : i32
    %swap3A_1826 = tpu.memref_slice %arg6[%swap3A_1822, %swap3A_1824, %swap3A_1825] : memref<2x4x128xi32, #tpu.memory_space<vmem>> -> memref<1x4x128xi32, #tpu.memory_space<vmem>>
    %swap3A_1827 = tpu.memref_squeeze %swap3A_1826 : memref<1x4x128xi32, #tpu.memory_space<vmem>> -> memref<4x128xi32, #tpu.memory_space<vmem>>
    %swap3A_1828 = arith.index_cast %swap3A_1823 : i32 to index
    %swap3A_1829 = arith.constant 64 : index
    %swap3A_1830 = tpu.vector_load %swap3A_1827[%swap3A_1828, %swap3A_1829] {strides = array<i32>} : memref<4x128xi32, #tpu.memory_space<vmem>>, vector<16xi32>,
    tpu.vector_store %swap3A_1827[%swap3A_1828, %swap3A_1829], %add3A_1821 {strides = array<i32>} : memref<4x128xi32, #tpu.memory_space<vmem>>, vector<16xi32>,
    %add3A_1831 = arith.constant 384 : i32
    %add3A_1832 = vector.broadcast %add3A_1831 : i32 to vector<16xi32>
    %add3A_1833 = arith.addi %add3A_1794, %add3A_1832 : vector<16xi32>
    %swap3A_1834 = arith.constant 1 : i32
    %swap3A_1835 = arith.constant 3 : i32
    %swap3A_1836 = arith.constant 0 : i32
    %swap3A_1837 = arith.constant 0 : i32
    %swap3A_1838 = tpu.memref_slice %arg6[%swap3A_1834, %swap3A_1836, %swap3A_1837] : memref<2x4x128xi32, #tpu.memory_space<vmem>> -> memref<1x4x128xi32, #tpu.memory_space<vmem>>
    %swap3A_1839 = tpu.memref_squeeze %swap3A_1838 : memref<1x4x128xi32, #tpu.memory_space<vmem>> -> memref<4x128xi32, #tpu.memory_space<vmem>>
    %swap3A_1840 = arith.index_cast %swap3A_1835 : i32 to index
    %swap3A_1841 = arith.constant 64 : index
    %swap3A_1842 = tpu.vector_load %swap3A_1839[%swap3A_1840, %swap3A_1841] {strides = array<i32>} : memref<4x128xi32, #tpu.memory_space<vmem>>, vector<16xi32>,
    tpu.vector_store %swap3A_1839[%swap3A_1840, %swap3A_1841], %add3A_1833 {strides = array<i32>} : memref<4x128xi32, #tpu.memory_space<vmem>>, vector<16xi32>,
    %get3A_1843 = arith.constant 1 : i32
    %get3A_1844 = arith.constant 0 : i32
    %get3A_1845 = arith.constant 0 : i32
    %get3A_1846 = arith.constant 0 : i32
    %get3A_1847 = tpu.memref_slice %arg5[%get3A_1843, %get3A_1845, %get3A_1846] : memref<2x2x128xf32, #tpu.memory_space<vmem>> -> memref<1x2x128xf32, #tpu.memory_space<vmem>>
    %get3A_1848 = tpu.memref_squeeze %get3A_1847 : memref<1x2x128xf32, #tpu.memory_space<vmem>> -> memref<2x128xf32, #tpu.memory_space<vmem>>
    %get3A_1849 = arith.index_cast %get3A_1844 : i32 to index
    %get3A_1850 = arith.constant 80 : index
    %get3A_1851 = tpu.vector_load %get3A_1848[%get3A_1849, %get3A_1850] {strides = array<i32>} : memref<2x128xf32, #tpu.memory_space<vmem>>, vector<16xf32>,
    %get3A_1852 = arith.constant 1 : i32
    %get3A_1853 = arith.constant 1 : i32
    %get3A_1854 = arith.constant 0 : i32
    %get3A_1855 = arith.constant 0 : i32
    %get3A_1856 = tpu.memref_slice %arg5[%get3A_1852, %get3A_1854, %get3A_1855] : memref<2x2x128xf32, #tpu.memory_space<vmem>> -> memref<1x2x128xf32, #tpu.memory_space<vmem>>
    %get3A_1857 = tpu.memref_squeeze %get3A_1856 : memref<1x2x128xf32, #tpu.memory_space<vmem>> -> memref<2x128xf32, #tpu.memory_space<vmem>>
    %get3A_1858 = arith.index_cast %get3A_1853 : i32 to index
    %get3A_1859 = arith.constant 80 : index
    %get3A_1860 = tpu.vector_load %get3A_1857[%get3A_1858, %get3A_1859] {strides = array<i32>} : memref<2x128xf32, #tpu.memory_space<vmem>>, vector<16xf32>,
    %add3A_1861 = arith.constant 1.000000e+01 : f32
    %add3A_1862 = vector.broadcast %add3A_1861 : f32 to vector<16xf32>
    %add3A_1863 = arith.addf %get3A_1851, %add3A_1862 : vector<16xf32>
    %div3A_1864 = arith.constant 2.000000e+01 : f32
    %div3A_1865 = vector.broadcast %div3A_1864 : f32 to vector<16xf32>
    %div3A_1866 = arith.divf %add3A_1863, %div3A_1865 : vector<16xf32>
    %mul3A_1867 = arith.constant 2.560000e+02 : f32
    %mul3A_1868 = vector.broadcast %mul3A_1867 : f32 to vector<16xf32>
    %mul3A_1869 = arith.mulf %div3A_1866, %mul3A_1868 : vector<16xf32>
    %convert_element_type3A_1870 = arith.fptosi %mul3A_1869 : vector<16xf32> to vector<16xi32>
    %add3A_1871 = arith.constant 1.000000e+01 : f32
    %add3A_1872 = vector.broadcast %add3A_1871 : f32 to vector<16xf32>
    %add3A_1873 = arith.addf %get3A_1860, %add3A_1872 : vector<16xf32>
    %div3A_1874 = arith.constant 2.000000e+01 : f32
    %div3A_1875 = vector.broadcast %div3A_1874 : f32 to vector<16xf32>
    %div3A_1876 = arith.divf %add3A_1873, %div3A_1875 : vector<16xf32>
    %mul3A_1877 = arith.constant 2.560000e+02 : f32
    %mul3A_1878 = vector.broadcast %mul3A_1877 : f32 to vector<16xf32>
    %mul3A_1879 = arith.mulf %div3A_1876, %mul3A_1878 : vector<16xf32>
    %convert_element_type3A_1880 = arith.fptosi %mul3A_1879 : vector<16xf32> to vector<16xi32>
    %ge3A_1881 = arith.constant 0 : i32
    %ge3A_1882 = vector.broadcast %ge3A_1881 : i32 to vector<16xi32>
    %ge3A_1883 = arith.cmpi sge, %convert_element_type3A_1870, %ge3A_1882 : vector<16xi32>
    %lt3A_1884 = arith.constant 256 : i32
    %lt3A_1885 = vector.broadcast %lt3A_1884 : i32 to vector<16xi32>
    %lt3A_1886 = arith.cmpi slt, %convert_element_type3A_1870, %lt3A_1885 : vector<16xi32>
    %and3A_1887 = arith.andi %ge3A_1883, %lt3A_1886 : vector<16xi1>
    %ge3A_1888 = arith.constant 0 : i32
    %ge3A_1889 = vector.broadcast %ge3A_1888 : i32 to vector<16xi32>
    %ge3A_1890 = arith.cmpi sge, %convert_element_type3A_1880, %ge3A_1889 : vector<16xi32>
    %and3A_1891 = arith.andi %and3A_1887, %ge3A_1890 : vector<16xi1>
    %lt3A_1892 = arith.constant 256 : i32
    %lt3A_1893 = vector.broadcast %lt3A_1892 : i32 to vector<16xi32>
    %lt3A_1894 = arith.cmpi slt, %convert_element_type3A_1880, %lt3A_1893 : vector<16xi32>
    %and3A_1895 = arith.andi %and3A_1891, %lt3A_1894 : vector<16xi1>
    %jit3A_1896 = arith.constant 0 : i32
    %jit3A_1897 = arith.constant 255 : i32
    %max3A_1898 = vector.broadcast %jit3A_1896 : i32 to vector<16xi32>
    %max3A_1899 = arith.maxsi %max3A_1898, %convert_element_type3A_1870 : vector<16xi32>
    %min3A_1900 = vector.broadcast %jit3A_1897 : i32 to vector<16xi32>
    %min3A_1901 = arith.minsi %min3A_1900, %max3A_1899 : vector<16xi32>
    %jit3A_1902 = arith.constant 0 : i32
    %jit3A_1903 = arith.constant 255 : i32
    %max3A_1904 = vector.broadcast %jit3A_1902 : i32 to vector<16xi32>
    %max3A_1905 = arith.maxsi %max3A_1904, %convert_element_type3A_1880 : vector<16xi32>
    %min3A_1906 = vector.broadcast %jit3A_1903 : i32 to vector<16xi32>
    %min3A_1907 = arith.minsi %min3A_1906, %max3A_1905 : vector<16xi32>
    %mul3A_1908 = arith.constant 512 : i32
    %mul3A_1909 = arith.muli %add3A_4, %mul3A_1908 : i32
    %mul3A_1910 = arith.constant 2 : i32
    %mul3A_1911 = vector.broadcast %mul3A_1910 : i32 to vector<16xi32>
    %mul3A_1912 = arith.muli %min3A_1901, %mul3A_1911 : vector<16xi32>
    %add3A_1913 = vector.broadcast %mul3A_1909 : i32 to vector<16xi32>
    %add3A_1914 = arith.addi %add3A_1913, %mul3A_1912 : vector<16xi32>
    %shift_right_arithmetic3A_1915 = arith.constant 7 : i32
    %shift_right_arithmetic3A_1916 = vector.broadcast %shift_right_arithmetic3A_1915 : i32 to vector<16xi32>
    %shift_right_arithmetic3A_1917 = arith.shrsi %min3A_1907, %shift_right_arithmetic3A_1916 : vector<16xi32>
    %add3A_1918 = arith.addi %add3A_1914, %shift_right_arithmetic3A_1917 : vector<16xi32>
    %mul3A_1919 = arith.constant 512 : i32
    %mul3A_1920 = vector.broadcast %mul3A_1919 : i32 to vector<16xi32>
    %mul3A_1921 = arith.muli %add3A_1918, %mul3A_1920 : vector<16xi32>
    %and3A_1922 = arith.constant 127 : i32
    %and3A_1923 = vector.broadcast %and3A_1922 : i32 to vector<16xi32>
    %and3A_1924 = arith.andi %min3A_1907, %and3A_1923 : vector<16xi32>
    %add3A_1925 = arith.addi %mul3A_1921, %and3A_1924 : vector<16xi32>
    %add3A_1926 = arith.constant 0 : i32
    %add3A_1927 = vector.broadcast %add3A_1926 : i32 to vector<16xi32>
    %add3A_1928 = arith.addi %add3A_1925, %add3A_1927 : vector<16xi32>
    %swap3A_1929 = arith.constant 1 : i32
    %swap3A_1930 = arith.constant 0 : i32
    %swap3A_1931 = arith.constant 0 : i32
    %swap3A_1932 = arith.constant 0 : i32
    %swap3A_1933 = tpu.memref_slice %arg6[%swap3A_1929, %swap3A_1931, %swap3A_1932] : memref<2x4x128xi32, #tpu.memory_space<vmem>> -> memref<1x4x128xi32, #tpu.memory_space<vmem>>
    %swap3A_1934 = tpu.memref_squeeze %swap3A_1933 : memref<1x4x128xi32, #tpu.memory_space<vmem>> -> memref<4x128xi32, #tpu.memory_space<vmem>>
    %swap3A_1935 = arith.index_cast %swap3A_1930 : i32 to index
    %swap3A_1936 = arith.constant 80 : index
    %swap3A_1937 = tpu.vector_load %swap3A_1934[%swap3A_1935, %swap3A_1936] {strides = array<i32>} : memref<4x128xi32, #tpu.memory_space<vmem>>, vector<16xi32>,
    tpu.vector_store %swap3A_1934[%swap3A_1935, %swap3A_1936], %add3A_1928 {strides = array<i32>} : memref<4x128xi32, #tpu.memory_space<vmem>>, vector<16xi32>,
    %add3A_1938 = arith.constant 128 : i32
    %add3A_1939 = vector.broadcast %add3A_1938 : i32 to vector<16xi32>
    %add3A_1940 = arith.addi %add3A_1925, %add3A_1939 : vector<16xi32>
    %swap3A_1941 = arith.constant 1 : i32
    %swap3A_1942 = arith.constant 1 : i32
    %swap3A_1943 = arith.constant 0 : i32
    %swap3A_1944 = arith.constant 0 : i32
    %swap3A_1945 = tpu.memref_slice %arg6[%swap3A_1941, %swap3A_1943, %swap3A_1944] : memref<2x4x128xi32, #tpu.memory_space<vmem>> -> memref<1x4x128xi32, #tpu.memory_space<vmem>>
    %swap3A_1946 = tpu.memref_squeeze %swap3A_1945 : memref<1x4x128xi32, #tpu.memory_space<vmem>> -> memref<4x128xi32, #tpu.memory_space<vmem>>
    %swap3A_1947 = arith.index_cast %swap3A_1942 : i32 to index
    %swap3A_1948 = arith.constant 80 : index
    %swap3A_1949 = tpu.vector_load %swap3A_1946[%swap3A_1947, %swap3A_1948] {strides = array<i32>} : memref<4x128xi32, #tpu.memory_space<vmem>>, vector<16xi32>,
    tpu.vector_store %swap3A_1946[%swap3A_1947, %swap3A_1948], %add3A_1940 {strides = array<i32>} : memref<4x128xi32, #tpu.memory_space<vmem>>, vector<16xi32>,
    %add3A_1950 = arith.constant 256 : i32
    %add3A_1951 = vector.broadcast %add3A_1950 : i32 to vector<16xi32>
    %add3A_1952 = arith.addi %add3A_1925, %add3A_1951 : vector<16xi32>
    %swap3A_1953 = arith.constant 1 : i32
    %swap3A_1954 = arith.constant 2 : i32
    %swap3A_1955 = arith.constant 0 : i32
    %swap3A_1956 = arith.constant 0 : i32
    %swap3A_1957 = tpu.memref_slice %arg6[%swap3A_1953, %swap3A_1955, %swap3A_1956] : memref<2x4x128xi32, #tpu.memory_space<vmem>> -> memref<1x4x128xi32, #tpu.memory_space<vmem>>
    %swap3A_1958 = tpu.memref_squeeze %swap3A_1957 : memref<1x4x128xi32, #tpu.memory_space<vmem>> -> memref<4x128xi32, #tpu.memory_space<vmem>>
    %swap3A_1959 = arith.index_cast %swap3A_1954 : i32 to index
    %swap3A_1960 = arith.constant 80 : index
    %swap3A_1961 = tpu.vector_load %swap3A_1958[%swap3A_1959, %swap3A_1960] {strides = array<i32>} : memref<4x128xi32, #tpu.memory_space<vmem>>, vector<16xi32>,
    tpu.vector_store %swap3A_1958[%swap3A_1959, %swap3A_1960], %add3A_1952 {strides = array<i32>} : memref<4x128xi32, #tpu.memory_space<vmem>>, vector<16xi32>,
    %add3A_1962 = arith.constant 384 : i32
    %add3A_1963 = vector.broadcast %add3A_1962 : i32 to vector<16xi32>
    %add3A_1964 = arith.addi %add3A_1925, %add3A_1963 : vector<16xi32>
    %swap3A_1965 = arith.constant 1 : i32
    %swap3A_1966 = arith.constant 3 : i32
    %swap3A_1967 = arith.constant 0 : i32
    %swap3A_1968 = arith.constant 0 : i32
    %swap3A_1969 = tpu.memref_slice %arg6[%swap3A_1965, %swap3A_1967, %swap3A_1968] : memref<2x4x128xi32, #tpu.memory_space<vmem>> -> memref<1x4x128xi32, #tpu.memory_space<vmem>>
    %swap3A_1970 = tpu.memref_squeeze %swap3A_1969 : memref<1x4x128xi32, #tpu.memory_space<vmem>> -> memref<4x128xi32, #tpu.memory_space<vmem>>
    %swap3A_1971 = arith.index_cast %swap3A_1966 : i32 to index
    %swap3A_1972 = arith.constant 80 : index
    %swap3A_1973 = tpu.vector_load %swap3A_1970[%swap3A_1971, %swap3A_1972] {strides = array<i32>} : memref<4x128xi32, #tpu.memory_space<vmem>>, vector<16xi32>,
    tpu.vector_store %swap3A_1970[%swap3A_1971, %swap3A_1972], %add3A_1964 {strides = array<i32>} : memref<4x128xi32, #tpu.memory_space<vmem>>, vector<16xi32>,
    %get3A_1974 = arith.constant 1 : i32
    %get3A_1975 = arith.constant 0 : i32
    %get3A_1976 = arith.constant 0 : i32
    %get3A_1977 = arith.constant 0 : i32
    %get3A_1978 = tpu.memref_slice %arg5[%get3A_1974, %get3A_1976, %get3A_1977] : memref<2x2x128xf32, #tpu.memory_space<vmem>> -> memref<1x2x128xf32, #tpu.memory_space<vmem>>
    %get3A_1979 = tpu.memref_squeeze %get3A_1978 : memref<1x2x128xf32, #tpu.memory_space<vmem>> -> memref<2x128xf32, #tpu.memory_space<vmem>>
    %get3A_1980 = arith.index_cast %get3A_1975 : i32 to index
    %get3A_1981 = arith.constant 96 : index
    %get3A_1982 = tpu.vector_load %get3A_1979[%get3A_1980, %get3A_1981] {strides = array<i32>} : memref<2x128xf32, #tpu.memory_space<vmem>>, vector<16xf32>,
    %get3A_1983 = arith.constant 1 : i32
    %get3A_1984 = arith.constant 1 : i32
    %get3A_1985 = arith.constant 0 : i32
    %get3A_1986 = arith.constant 0 : i32
    %get3A_1987 = tpu.memref_slice %arg5[%get3A_1983, %get3A_1985, %get3A_1986] : memref<2x2x128xf32, #tpu.memory_space<vmem>> -> memref<1x2x128xf32, #tpu.memory_space<vmem>>
    %get3A_1988 = tpu.memref_squeeze %get3A_1987 : memref<1x2x128xf32, #tpu.memory_space<vmem>> -> memref<2x128xf32, #tpu.memory_space<vmem>>
    %get3A_1989 = arith.index_cast %get3A_1984 : i32 to index
    %get3A_1990 = arith.constant 96 : index
    %get3A_1991 = tpu.vector_load %get3A_1988[%get3A_1989, %get3A_1990] {strides = array<i32>} : memref<2x128xf32, #tpu.memory_space<vmem>>, vector<16xf32>,
    %add3A_1992 = arith.constant 1.000000e+01 : f32
    %add3A_1993 = vector.broadcast %add3A_1992 : f32 to vector<16xf32>
    %add3A_1994 = arith.addf %get3A_1982, %add3A_1993 : vector<16xf32>
    %div3A_1995 = arith.constant 2.000000e+01 : f32
    %div3A_1996 = vector.broadcast %div3A_1995 : f32 to vector<16xf32>
    %div3A_1997 = arith.divf %add3A_1994, %div3A_1996 : vector<16xf32>
    %mul3A_1998 = arith.constant 2.560000e+02 : f32
    %mul3A_1999 = vector.broadcast %mul3A_1998 : f32 to vector<16xf32>
    %mul3A_2000 = arith.mulf %div3A_1997, %mul3A_1999 : vector<16xf32>
    %convert_element_type3A_2001 = arith.fptosi %mul3A_2000 : vector<16xf32> to vector<16xi32>
    %add3A_2002 = arith.constant 1.000000e+01 : f32
    %add3A_2003 = vector.broadcast %add3A_2002 : f32 to vector<16xf32>
    %add3A_2004 = arith.addf %get3A_1991, %add3A_2003 : vector<16xf32>
    %div3A_2005 = arith.constant 2.000000e+01 : f32
    %div3A_2006 = vector.broadcast %div3A_2005 : f32 to vector<16xf32>
    %div3A_2007 = arith.divf %add3A_2004, %div3A_2006 : vector<16xf32>
    %mul3A_2008 = arith.constant 2.560000e+02 : f32
    %mul3A_2009 = vector.broadcast %mul3A_2008 : f32 to vector<16xf32>
    %mul3A_2010 = arith.mulf %div3A_2007, %mul3A_2009 : vector<16xf32>
    %convert_element_type3A_2011 = arith.fptosi %mul3A_2010 : vector<16xf32> to vector<16xi32>
    %ge3A_2012 = arith.constant 0 : i32
    %ge3A_2013 = vector.broadcast %ge3A_2012 : i32 to vector<16xi32>
    %ge3A_2014 = arith.cmpi sge, %convert_element_type3A_2001, %ge3A_2013 : vector<16xi32>
    %lt3A_2015 = arith.constant 256 : i32
    %lt3A_2016 = vector.broadcast %lt3A_2015 : i32 to vector<16xi32>
    %lt3A_2017 = arith.cmpi slt, %convert_element_type3A_2001, %lt3A_2016 : vector<16xi32>
    %and3A_2018 = arith.andi %ge3A_2014, %lt3A_2017 : vector<16xi1>
    %ge3A_2019 = arith.constant 0 : i32
    %ge3A_2020 = vector.broadcast %ge3A_2019 : i32 to vector<16xi32>
    %ge3A_2021 = arith.cmpi sge, %convert_element_type3A_2011, %ge3A_2020 : vector<16xi32>
    %and3A_2022 = arith.andi %and3A_2018, %ge3A_2021 : vector<16xi1>
    %lt3A_2023 = arith.constant 256 : i32
    %lt3A_2024 = vector.broadcast %lt3A_2023 : i32 to vector<16xi32>
    %lt3A_2025 = arith.cmpi slt, %convert_element_type3A_2011, %lt3A_2024 : vector<16xi32>
    %and3A_2026 = arith.andi %and3A_2022, %lt3A_2025 : vector<16xi1>
    %jit3A_2027 = arith.constant 0 : i32
    %jit3A_2028 = arith.constant 255 : i32
    %max3A_2029 = vector.broadcast %jit3A_2027 : i32 to vector<16xi32>
    %max3A_2030 = arith.maxsi %max3A_2029, %convert_element_type3A_2001 : vector<16xi32>
    %min3A_2031 = vector.broadcast %jit3A_2028 : i32 to vector<16xi32>
    %min3A_2032 = arith.minsi %min3A_2031, %max3A_2030 : vector<16xi32>
    %jit3A_2033 = arith.constant 0 : i32
    %jit3A_2034 = arith.constant 255 : i32
    %max3A_2035 = vector.broadcast %jit3A_2033 : i32 to vector<16xi32>
    %max3A_2036 = arith.maxsi %max3A_2035, %convert_element_type3A_2011 : vector<16xi32>
    %min3A_2037 = vector.broadcast %jit3A_2034 : i32 to vector<16xi32>
    %min3A_2038 = arith.minsi %min3A_2037, %max3A_2036 : vector<16xi32>
    %mul3A_2039 = arith.constant 512 : i32
    %mul3A_2040 = arith.muli %add3A_4, %mul3A_2039 : i32
    %mul3A_2041 = arith.constant 2 : i32
    %mul3A_2042 = vector.broadcast %mul3A_2041 : i32 to vector<16xi32>
    %mul3A_2043 = arith.muli %min3A_2032, %mul3A_2042 : vector<16xi32>
    %add3A_2044 = vector.broadcast %mul3A_2040 : i32 to vector<16xi32>
    %add3A_2045 = arith.addi %add3A_2044, %mul3A_2043 : vector<16xi32>
    %shift_right_arithmetic3A_2046 = arith.constant 7 : i32
    %shift_right_arithmetic3A_2047 = vector.broadcast %shift_right_arithmetic3A_2046 : i32 to vector<16xi32>
    %shift_right_arithmetic3A_2048 = arith.shrsi %min3A_2038, %shift_right_arithmetic3A_2047 : vector<16xi32>
    %add3A_2049 = arith.addi %add3A_2045, %shift_right_arithmetic3A_2048 : vector<16xi32>
    %mul3A_2050 = arith.constant 512 : i32
    %mul3A_2051 = vector.broadcast %mul3A_2050 : i32 to vector<16xi32>
    %mul3A_2052 = arith.muli %add3A_2049, %mul3A_2051 : vector<16xi32>
    %and3A_2053 = arith.constant 127 : i32
    %and3A_2054 = vector.broadcast %and3A_2053 : i32 to vector<16xi32>
    %and3A_2055 = arith.andi %min3A_2038, %and3A_2054 : vector<16xi32>
    %add3A_2056 = arith.addi %mul3A_2052, %and3A_2055 : vector<16xi32>
    %add3A_2057 = arith.constant 0 : i32
    %add3A_2058 = vector.broadcast %add3A_2057 : i32 to vector<16xi32>
    %add3A_2059 = arith.addi %add3A_2056, %add3A_2058 : vector<16xi32>
    %swap3A_2060 = arith.constant 1 : i32
    %swap3A_2061 = arith.constant 0 : i32
    %swap3A_2062 = arith.constant 0 : i32
    %swap3A_2063 = arith.constant 0 : i32
    %swap3A_2064 = tpu.memref_slice %arg6[%swap3A_2060, %swap3A_2062, %swap3A_2063] : memref<2x4x128xi32, #tpu.memory_space<vmem>> -> memref<1x4x128xi32, #tpu.memory_space<vmem>>
    %swap3A_2065 = tpu.memref_squeeze %swap3A_2064 : memref<1x4x128xi32, #tpu.memory_space<vmem>> -> memref<4x128xi32, #tpu.memory_space<vmem>>
    %swap3A_2066 = arith.index_cast %swap3A_2061 : i32 to index
    %swap3A_2067 = arith.constant 96 : index
    %swap3A_2068 = tpu.vector_load %swap3A_2065[%swap3A_2066, %swap3A_2067] {strides = array<i32>} : memref<4x128xi32, #tpu.memory_space<vmem>>, vector<16xi32>,
    tpu.vector_store %swap3A_2065[%swap3A_2066, %swap3A_2067], %add3A_2059 {strides = array<i32>} : memref<4x128xi32, #tpu.memory_space<vmem>>, vector<16xi32>,
    %add3A_2069 = arith.constant 128 : i32
    %add3A_2070 = vector.broadcast %add3A_2069 : i32 to vector<16xi32>
    %add3A_2071 = arith.addi %add3A_2056, %add3A_2070 : vector<16xi32>
    %swap3A_2072 = arith.constant 1 : i32
    %swap3A_2073 = arith.constant 1 : i32
    %swap3A_2074 = arith.constant 0 : i32
    %swap3A_2075 = arith.constant 0 : i32
    %swap3A_2076 = tpu.memref_slice %arg6[%swap3A_2072, %swap3A_2074, %swap3A_2075] : memref<2x4x128xi32, #tpu.memory_space<vmem>> -> memref<1x4x128xi32, #tpu.memory_space<vmem>>
    %swap3A_2077 = tpu.memref_squeeze %swap3A_2076 : memref<1x4x128xi32, #tpu.memory_space<vmem>> -> memref<4x128xi32, #tpu.memory_space<vmem>>
    %swap3A_2078 = arith.index_cast %swap3A_2073 : i32 to index
    %swap3A_2079 = arith.constant 96 : index
    %swap3A_2080 = tpu.vector_load %swap3A_2077[%swap3A_2078, %swap3A_2079] {strides = array<i32>} : memref<4x128xi32, #tpu.memory_space<vmem>>, vector<16xi32>,
    tpu.vector_store %swap3A_2077[%swap3A_2078, %swap3A_2079], %add3A_2071 {strides = array<i32>} : memref<4x128xi32, #tpu.memory_space<vmem>>, vector<16xi32>,
    %add3A_2081 = arith.constant 256 : i32
    %add3A_2082 = vector.broadcast %add3A_2081 : i32 to vector<16xi32>
    %add3A_2083 = arith.addi %add3A_2056, %add3A_2082 : vector<16xi32>
    %swap3A_2084 = arith.constant 1 : i32
    %swap3A_2085 = arith.constant 2 : i32
    %swap3A_2086 = arith.constant 0 : i32
    %swap3A_2087 = arith.constant 0 : i32
    %swap3A_2088 = tpu.memref_slice %arg6[%swap3A_2084, %swap3A_2086, %swap3A_2087] : memref<2x4x128xi32, #tpu.memory_space<vmem>> -> memref<1x4x128xi32, #tpu.memory_space<vmem>>
    %swap3A_2089 = tpu.memref_squeeze %swap3A_2088 : memref<1x4x128xi32, #tpu.memory_space<vmem>> -> memref<4x128xi32, #tpu.memory_space<vmem>>
    %swap3A_2090 = arith.index_cast %swap3A_2085 : i32 to index
    %swap3A_2091 = arith.constant 96 : index
    %swap3A_2092 = tpu.vector_load %swap3A_2089[%swap3A_2090, %swap3A_2091] {strides = array<i32>} : memref<4x128xi32, #tpu.memory_space<vmem>>, vector<16xi32>,
    tpu.vector_store %swap3A_2089[%swap3A_2090, %swap3A_2091], %add3A_2083 {strides = array<i32>} : memref<4x128xi32, #tpu.memory_space<vmem>>, vector<16xi32>,
    %add3A_2093 = arith.constant 384 : i32
    %add3A_2094 = vector.broadcast %add3A_2093 : i32 to vector<16xi32>
    %add3A_2095 = arith.addi %add3A_2056, %add3A_2094 : vector<16xi32>
    %swap3A_2096 = arith.constant 1 : i32
    %swap3A_2097 = arith.constant 3 : i32
    %swap3A_2098 = arith.constant 0 : i32
    %swap3A_2099 = arith.constant 0 : i32
    %swap3A_2100 = tpu.memref_slice %arg6[%swap3A_2096, %swap3A_2098, %swap3A_2099] : memref<2x4x128xi32, #tpu.memory_space<vmem>> -> memref<1x4x128xi32, #tpu.memory_space<vmem>>
    %swap3A_2101 = tpu.memref_squeeze %swap3A_2100 : memref<1x4x128xi32, #tpu.memory_space<vmem>> -> memref<4x128xi32, #tpu.memory_space<vmem>>
    %swap3A_2102 = arith.index_cast %swap3A_2097 : i32 to index
    %swap3A_2103 = arith.constant 96 : index
    %swap3A_2104 = tpu.vector_load %swap3A_2101[%swap3A_2102, %swap3A_2103] {strides = array<i32>} : memref<4x128xi32, #tpu.memory_space<vmem>>, vector<16xi32>,
    tpu.vector_store %swap3A_2101[%swap3A_2102, %swap3A_2103], %add3A_2095 {strides = array<i32>} : memref<4x128xi32, #tpu.memory_space<vmem>>, vector<16xi32>,
    %get3A_2105 = arith.constant 1 : i32
    %get3A_2106 = arith.constant 0 : i32
    %get3A_2107 = arith.constant 0 : i32
    %get3A_2108 = arith.constant 0 : i32
    %get3A_2109 = tpu.memref_slice %arg5[%get3A_2105, %get3A_2107, %get3A_2108] : memref<2x2x128xf32, #tpu.memory_space<vmem>> -> memref<1x2x128xf32, #tpu.memory_space<vmem>>
    %get3A_2110 = tpu.memref_squeeze %get3A_2109 : memref<1x2x128xf32, #tpu.memory_space<vmem>> -> memref<2x128xf32, #tpu.memory_space<vmem>>
    %get3A_2111 = arith.index_cast %get3A_2106 : i32 to index
    %get3A_2112 = arith.constant 112 : index
    %get3A_2113 = tpu.vector_load %get3A_2110[%get3A_2111, %get3A_2112] {strides = array<i32>} : memref<2x128xf32, #tpu.memory_space<vmem>>, vector<16xf32>,
    %get3A_2114 = arith.constant 1 : i32
    %get3A_2115 = arith.constant 1 : i32
    %get3A_2116 = arith.constant 0 : i32
    %get3A_2117 = arith.constant 0 : i32
    %get3A_2118 = tpu.memref_slice %arg5[%get3A_2114, %get3A_2116, %get3A_2117] : memref<2x2x128xf32, #tpu.memory_space<vmem>> -> memref<1x2x128xf32, #tpu.memory_space<vmem>>
    %get3A_2119 = tpu.memref_squeeze %get3A_2118 : memref<1x2x128xf32, #tpu.memory_space<vmem>> -> memref<2x128xf32, #tpu.memory_space<vmem>>
    %get3A_2120 = arith.index_cast %get3A_2115 : i32 to index
    %get3A_2121 = arith.constant 112 : index
    %get3A_2122 = tpu.vector_load %get3A_2119[%get3A_2120, %get3A_2121] {strides = array<i32>} : memref<2x128xf32, #tpu.memory_space<vmem>>, vector<16xf32>,
    %add3A_2123 = arith.constant 1.000000e+01 : f32
    %add3A_2124 = vector.broadcast %add3A_2123 : f32 to vector<16xf32>
    %add3A_2125 = arith.addf %get3A_2113, %add3A_2124 : vector<16xf32>
    %div3A_2126 = arith.constant 2.000000e+01 : f32
    %div3A_2127 = vector.broadcast %div3A_2126 : f32 to vector<16xf32>
    %div3A_2128 = arith.divf %add3A_2125, %div3A_2127 : vector<16xf32>
    %mul3A_2129 = arith.constant 2.560000e+02 : f32
    %mul3A_2130 = vector.broadcast %mul3A_2129 : f32 to vector<16xf32>
    %mul3A_2131 = arith.mulf %div3A_2128, %mul3A_2130 : vector<16xf32>
    %convert_element_type3A_2132 = arith.fptosi %mul3A_2131 : vector<16xf32> to vector<16xi32>
    %add3A_2133 = arith.constant 1.000000e+01 : f32
    %add3A_2134 = vector.broadcast %add3A_2133 : f32 to vector<16xf32>
    %add3A_2135 = arith.addf %get3A_2122, %add3A_2134 : vector<16xf32>
    %div3A_2136 = arith.constant 2.000000e+01 : f32
    %div3A_2137 = vector.broadcast %div3A_2136 : f32 to vector<16xf32>
    %div3A_2138 = arith.divf %add3A_2135, %div3A_2137 : vector<16xf32>
    %mul3A_2139 = arith.constant 2.560000e+02 : f32
    %mul3A_2140 = vector.broadcast %mul3A_2139 : f32 to vector<16xf32>
    %mul3A_2141 = arith.mulf %div3A_2138, %mul3A_2140 : vector<16xf32>
    %convert_element_type3A_2142 = arith.fptosi %mul3A_2141 : vector<16xf32> to vector<16xi32>
    %ge3A_2143 = arith.constant 0 : i32
    %ge3A_2144 = vector.broadcast %ge3A_2143 : i32 to vector<16xi32>
    %ge3A_2145 = arith.cmpi sge, %convert_element_type3A_2132, %ge3A_2144 : vector<16xi32>
    %lt3A_2146 = arith.constant 256 : i32
    %lt3A_2147 = vector.broadcast %lt3A_2146 : i32 to vector<16xi32>
    %lt3A_2148 = arith.cmpi slt, %convert_element_type3A_2132, %lt3A_2147 : vector<16xi32>
    %and3A_2149 = arith.andi %ge3A_2145, %lt3A_2148 : vector<16xi1>
    %ge3A_2150 = arith.constant 0 : i32
    %ge3A_2151 = vector.broadcast %ge3A_2150 : i32 to vector<16xi32>
    %ge3A_2152 = arith.cmpi sge, %convert_element_type3A_2142, %ge3A_2151 : vector<16xi32>
    %and3A_2153 = arith.andi %and3A_2149, %ge3A_2152 : vector<16xi1>
    %lt3A_2154 = arith.constant 256 : i32
    %lt3A_2155 = vector.broadcast %lt3A_2154 : i32 to vector<16xi32>
    %lt3A_2156 = arith.cmpi slt, %convert_element_type3A_2142, %lt3A_2155 : vector<16xi32>
    %and3A_2157 = arith.andi %and3A_2153, %lt3A_2156 : vector<16xi1>
    %jit3A_2158 = arith.constant 0 : i32
    %jit3A_2159 = arith.constant 255 : i32
    %max3A_2160 = vector.broadcast %jit3A_2158 : i32 to vector<16xi32>
    %max3A_2161 = arith.maxsi %max3A_2160, %convert_element_type3A_2132 : vector<16xi32>
    %min3A_2162 = vector.broadcast %jit3A_2159 : i32 to vector<16xi32>
    %min3A_2163 = arith.minsi %min3A_2162, %max3A_2161 : vector<16xi32>
    %jit3A_2164 = arith.constant 0 : i32
    %jit3A_2165 = arith.constant 255 : i32
    %max3A_2166 = vector.broadcast %jit3A_2164 : i32 to vector<16xi32>
    %max3A_2167 = arith.maxsi %max3A_2166, %convert_element_type3A_2142 : vector<16xi32>
    %min3A_2168 = vector.broadcast %jit3A_2165 : i32 to vector<16xi32>
    %min3A_2169 = arith.minsi %min3A_2168, %max3A_2167 : vector<16xi32>
    %mul3A_2170 = arith.constant 512 : i32
    %mul3A_2171 = arith.muli %add3A_4, %mul3A_2170 : i32
    %mul3A_2172 = arith.constant 2 : i32
    %mul3A_2173 = vector.broadcast %mul3A_2172 : i32 to vector<16xi32>
    %mul3A_2174 = arith.muli %min3A_2163, %mul3A_2173 : vector<16xi32>
    %add3A_2175 = vector.broadcast %mul3A_2171 : i32 to vector<16xi32>
    %add3A_2176 = arith.addi %add3A_2175, %mul3A_2174 : vector<16xi32>
    %shift_right_arithmetic3A_2177 = arith.constant 7 : i32
    %shift_right_arithmetic3A_2178 = vector.broadcast %shift_right_arithmetic3A_2177 : i32 to vector<16xi32>
    %shift_right_arithmetic3A_2179 = arith.shrsi %min3A_2169, %shift_right_arithmetic3A_2178 : vector<16xi32>
    %add3A_2180 = arith.addi %add3A_2176, %shift_right_arithmetic3A_2179 : vector<16xi32>
    %mul3A_2181 = arith.constant 512 : i32
    %mul3A_2182 = vector.broadcast %mul3A_2181 : i32 to vector<16xi32>
    %mul3A_2183 = arith.muli %add3A_2180, %mul3A_2182 : vector<16xi32>
    %and3A_2184 = arith.constant 127 : i32
    %and3A_2185 = vector.broadcast %and3A_2184 : i32 to vector<16xi32>
    %and3A_2186 = arith.andi %min3A_2169, %and3A_2185 : vector<16xi32>
    %add3A_2187 = arith.addi %mul3A_2183, %and3A_2186 : vector<16xi32>
    %add3A_2188 = arith.constant 0 : i32
    %add3A_2189 = vector.broadcast %add3A_2188 : i32 to vector<16xi32>
    %add3A_2190 = arith.addi %add3A_2187, %add3A_2189 : vector<16xi32>
    %swap3A_2191 = arith.constant 1 : i32
    %swap3A_2192 = arith.constant 0 : i32
    %swap3A_2193 = arith.constant 0 : i32
    %swap3A_2194 = arith.constant 0 : i32
    %swap3A_2195 = tpu.memref_slice %arg6[%swap3A_2191, %swap3A_2193, %swap3A_2194] : memref<2x4x128xi32, #tpu.memory_space<vmem>> -> memref<1x4x128xi32, #tpu.memory_space<vmem>>
    %swap3A_2196 = tpu.memref_squeeze %swap3A_2195 : memref<1x4x128xi32, #tpu.memory_space<vmem>> -> memref<4x128xi32, #tpu.memory_space<vmem>>
    %swap3A_2197 = arith.index_cast %swap3A_2192 : i32 to index
    %swap3A_2198 = arith.constant 112 : index
    %swap3A_2199 = tpu.vector_load %swap3A_2196[%swap3A_2197, %swap3A_2198] {strides = array<i32>} : memref<4x128xi32, #tpu.memory_space<vmem>>, vector<16xi32>,
    tpu.vector_store %swap3A_2196[%swap3A_2197, %swap3A_2198], %add3A_2190 {strides = array<i32>} : memref<4x128xi32, #tpu.memory_space<vmem>>, vector<16xi32>,
    %add3A_2200 = arith.constant 128 : i32
    %add3A_2201 = vector.broadcast %add3A_2200 : i32 to vector<16xi32>
    %add3A_2202 = arith.addi %add3A_2187, %add3A_2201 : vector<16xi32>
    %swap3A_2203 = arith.constant 1 : i32
    %swap3A_2204 = arith.constant 1 : i32
    %swap3A_2205 = arith.constant 0 : i32
    %swap3A_2206 = arith.constant 0 : i32
    %swap3A_2207 = tpu.memref_slice %arg6[%swap3A_2203, %swap3A_2205, %swap3A_2206] : memref<2x4x128xi32, #tpu.memory_space<vmem>> -> memref<1x4x128xi32, #tpu.memory_space<vmem>>
    %swap3A_2208 = tpu.memref_squeeze %swap3A_2207 : memref<1x4x128xi32, #tpu.memory_space<vmem>> -> memref<4x128xi32, #tpu.memory_space<vmem>>
    %swap3A_2209 = arith.index_cast %swap3A_2204 : i32 to index
    %swap3A_2210 = arith.constant 112 : index
    %swap3A_2211 = tpu.vector_load %swap3A_2208[%swap3A_2209, %swap3A_2210] {strides = array<i32>} : memref<4x128xi32, #tpu.memory_space<vmem>>, vector<16xi32>,
    tpu.vector_store %swap3A_2208[%swap3A_2209, %swap3A_2210], %add3A_2202 {strides = array<i32>} : memref<4x128xi32, #tpu.memory_space<vmem>>, vector<16xi32>,
    %add3A_2212 = arith.constant 256 : i32
    %add3A_2213 = vector.broadcast %add3A_2212 : i32 to vector<16xi32>
    %add3A_2214 = arith.addi %add3A_2187, %add3A_2213 : vector<16xi32>
    %swap3A_2215 = arith.constant 1 : i32
    %swap3A_2216 = arith.constant 2 : i32
    %swap3A_2217 = arith.constant 0 : i32
    %swap3A_2218 = arith.constant 0 : i32
    %swap3A_2219 = tpu.memref_slice %arg6[%swap3A_2215, %swap3A_2217, %swap3A_2218] : memref<2x4x128xi32, #tpu.memory_space<vmem>> -> memref<1x4x128xi32, #tpu.memory_space<vmem>>
    %swap3A_2220 = tpu.memref_squeeze %swap3A_2219 : memref<1x4x128xi32, #tpu.memory_space<vmem>> -> memref<4x128xi32, #tpu.memory_space<vmem>>
    %swap3A_2221 = arith.index_cast %swap3A_2216 : i32 to index
    %swap3A_2222 = arith.constant 112 : index
    %swap3A_2223 = tpu.vector_load %swap3A_2220[%swap3A_2221, %swap3A_2222] {strides = array<i32>} : memref<4x128xi32, #tpu.memory_space<vmem>>, vector<16xi32>,
    tpu.vector_store %swap3A_2220[%swap3A_2221, %swap3A_2222], %add3A_2214 {strides = array<i32>} : memref<4x128xi32, #tpu.memory_space<vmem>>, vector<16xi32>,
    %add3A_2224 = arith.constant 384 : i32
    %add3A_2225 = vector.broadcast %add3A_2224 : i32 to vector<16xi32>
    %add3A_2226 = arith.addi %add3A_2187, %add3A_2225 : vector<16xi32>
    %swap3A_2227 = arith.constant 1 : i32
    %swap3A_2228 = arith.constant 3 : i32
    %swap3A_2229 = arith.constant 0 : i32
    %swap3A_2230 = arith.constant 0 : i32
    %swap3A_2231 = tpu.memref_slice %arg6[%swap3A_2227, %swap3A_2229, %swap3A_2230] : memref<2x4x128xi32, #tpu.memory_space<vmem>> -> memref<1x4x128xi32, #tpu.memory_space<vmem>>
    %swap3A_2232 = tpu.memref_squeeze %swap3A_2231 : memref<1x4x128xi32, #tpu.memory_space<vmem>> -> memref<4x128xi32, #tpu.memory_space<vmem>>
    %swap3A_2233 = arith.index_cast %swap3A_2228 : i32 to index
    %swap3A_2234 = arith.constant 112 : index
    %swap3A_2235 = tpu.vector_load %swap3A_2232[%swap3A_2233, %swap3A_2234] {strides = array<i32>} : memref<4x128xi32, #tpu.memory_space<vmem>>, vector<16xi32>,
    tpu.vector_store %swap3A_2232[%swap3A_2233, %swap3A_2234], %add3A_2226 {strides = array<i32>} : memref<4x128xi32, #tpu.memory_space<vmem>>, vector<16xi32>,
    %dma_start3A_2236 = arith.constant 1 : i32
    %dma_start3A_2237 = arith.constant 0 : i32
    %dma_start3A_2238 = arith.constant 1 : i32
    %dma_start3A_2239 = arith.constant 0 : i32
    %dma_start3A_2240 = arith.constant 0 : i32
    %dma_start3A_2241 = arith.constant 0 : i32
    %dma_start3A_2242 = tpu.memref_slice %arg7[%dma_start3A_2238, %dma_start3A_2240, %dma_start3A_2241] : memref<2x4x128xf32, #tpu.memory_space<vmem>> -> memref<1x4x128xf32, #tpu.memory_space<vmem>>
    %dma_start3A_2243 = tpu.memref_squeeze %dma_start3A_2242 : memref<1x4x128xf32, #tpu.memory_space<vmem>> -> memref<4x128xf32, #tpu.memory_space<vmem>>
    %dma_start3A_2244 = arith.constant 0 : i32
    %dma_start3A_2245 = tpu.memref_slice %dma_start3A_2243[%dma_start3A_2239, %dma_start3A_2244] : memref<4x128xf32, #tpu.memory_space<vmem>> -> memref<1x128xf32, #tpu.memory_space<vmem>>
    %dma_start3A_2246 = tpu.memref_squeeze %dma_start3A_2245 : memref<1x128xf32, #tpu.memory_space<vmem>> -> memref<128xf32, #tpu.memory_space<vmem>>
    %dma_start3A_2247 = arith.constant 0 : i32
    %dma_start3A_2248 = arith.constant 0 : i32
    %dma_start3A_2249 = tpu.memref_slice %arg6[%dma_start3A_2236, %dma_start3A_2247, %dma_start3A_2248] : memref<2x4x128xi32, #tpu.memory_space<vmem>> -> memref<1x4x128xi32, #tpu.memory_space<vmem>>
    %dma_start3A_2250 = tpu.memref_squeeze %dma_start3A_2249 : memref<1x4x128xi32, #tpu.memory_space<vmem>> -> memref<4x128xi32, #tpu.memory_space<vmem>>
    %dma_start3A_2251 = arith.constant 0 : i32
    %dma_start3A_2252 = tpu.memref_slice %dma_start3A_2250[%dma_start3A_2237, %dma_start3A_2251] : memref<4x128xi32, #tpu.memory_space<vmem>> -> memref<1x128xi32, #tpu.memory_space<vmem>>
    %dma_start3A_2253 = tpu.memref_squeeze %dma_start3A_2252 : memref<1x128xi32, #tpu.memory_space<vmem>> -> memref<128xi32, #tpu.memory_space<vmem>>
    %dma_start3A_2254 = arith.constant 0 : i32
    %dma_start3A_2255 = tpu.memref_slice %arg3[%dma_start3A_2254] : memref<16777216xf32, #tpu.memory_space<hbm>> -> memref<16777216xf32, #tpu.memory_space<hbm>>
    tpu.enqueue_indirect_dma source(%dma_start3A_2255 : memref<16777216xf32, #tpu.memory_space<hbm>>) target(%dma_start3A_2246 : memref<128xf32, #tpu.memory_space<vmem>>) offsets(%dma_start3A_2253 : memref<128xi32, #tpu.memory_space<vmem>>) semaphore(%arg13 : memref<!tpu.dma_semaphore, #tpu.memory_space<semaphore_mem>>)
    %dma_start3A_2256 = arith.constant 1 : i32
    %dma_start3A_2257 = arith.constant 1 : i32
    %dma_start3A_2258 = arith.constant 1 : i32
    %dma_start3A_2259 = arith.constant 1 : i32
    %dma_start3A_2260 = arith.constant 0 : i32
    %dma_start3A_2261 = arith.constant 0 : i32
    %dma_start3A_2262 = tpu.memref_slice %arg7[%dma_start3A_2258, %dma_start3A_2260, %dma_start3A_2261] : memref<2x4x128xf32, #tpu.memory_space<vmem>> -> memref<1x4x128xf32, #tpu.memory_space<vmem>>
    %dma_start3A_2263 = tpu.memref_squeeze %dma_start3A_2262 : memref<1x4x128xf32, #tpu.memory_space<vmem>> -> memref<4x128xf32, #tpu.memory_space<vmem>>
    %dma_start3A_2264 = arith.constant 0 : i32
    %dma_start3A_2265 = tpu.memref_slice %dma_start3A_2263[%dma_start3A_2259, %dma_start3A_2264] : memref<4x128xf32, #tpu.memory_space<vmem>> -> memref<1x128xf32, #tpu.memory_space<vmem>>
    %dma_start3A_2266 = tpu.memref_squeeze %dma_start3A_2265 : memref<1x128xf32, #tpu.memory_space<vmem>> -> memref<128xf32, #tpu.memory_space<vmem>>
    %dma_start3A_2267 = arith.constant 0 : i32
    %dma_start3A_2268 = arith.constant 0 : i32
    %dma_start3A_2269 = tpu.memref_slice %arg6[%dma_start3A_2256, %dma_start3A_2267, %dma_start3A_2268] : memref<2x4x128xi32, #tpu.memory_space<vmem>> -> memref<1x4x128xi32, #tpu.memory_space<vmem>>
    %dma_start3A_2270 = tpu.memref_squeeze %dma_start3A_2269 : memref<1x4x128xi32, #tpu.memory_space<vmem>> -> memref<4x128xi32, #tpu.memory_space<vmem>>
    %dma_start3A_2271 = arith.constant 0 : i32
    %dma_start3A_2272 = tpu.memref_slice %dma_start3A_2270[%dma_start3A_2257, %dma_start3A_2271] : memref<4x128xi32, #tpu.memory_space<vmem>> -> memref<1x128xi32, #tpu.memory_space<vmem>>
    %dma_start3A_2273 = tpu.memref_squeeze %dma_start3A_2272 : memref<1x128xi32, #tpu.memory_space<vmem>> -> memref<128xi32, #tpu.memory_space<vmem>>
    %dma_start3A_2274 = arith.constant 0 : i32
    %dma_start3A_2275 = tpu.memref_slice %arg3[%dma_start3A_2274] : memref<16777216xf32, #tpu.memory_space<hbm>> -> memref<16777216xf32, #tpu.memory_space<hbm>>
    tpu.enqueue_indirect_dma source(%dma_start3A_2275 : memref<16777216xf32, #tpu.memory_space<hbm>>) target(%dma_start3A_2266 : memref<128xf32, #tpu.memory_space<vmem>>) offsets(%dma_start3A_2273 : memref<128xi32, #tpu.memory_space<vmem>>) semaphore(%arg13 : memref<!tpu.dma_semaphore, #tpu.memory_space<semaphore_mem>>)
    %dma_start3A_2276 = arith.constant 1 : i32
    %dma_start3A_2277 = arith.constant 2 : i32
    %dma_start3A_2278 = arith.constant 1 : i32
    %dma_start3A_2279 = arith.constant 2 : i32
    %dma_start3A_2280 = arith.constant 0 : i32
    %dma_start3A_2281 = arith.constant 0 : i32
    %dma_start3A_2282 = tpu.memref_slice %arg7[%dma_start3A_2278, %dma_start3A_2280, %dma_start3A_2281] : memref<2x4x128xf32, #tpu.memory_space<vmem>> -> memref<1x4x128xf32, #tpu.memory_space<vmem>>
    %dma_start3A_2283 = tpu.memref_squeeze %dma_start3A_2282 : memref<1x4x128xf32, #tpu.memory_space<vmem>> -> memref<4x128xf32, #tpu.memory_space<vmem>>
    %dma_start3A_2284 = arith.constant 0 : i32
    %dma_start3A_2285 = tpu.memref_slice %dma_start3A_2283[%dma_start3A_2279, %dma_start3A_2284] : memref<4x128xf32, #tpu.memory_space<vmem>> -> memref<1x128xf32, #tpu.memory_space<vmem>>
    %dma_start3A_2286 = tpu.memref_squeeze %dma_start3A_2285 : memref<1x128xf32, #tpu.memory_space<vmem>> -> memref<128xf32, #tpu.memory_space<vmem>>
    %dma_start3A_2287 = arith.constant 0 : i32
    %dma_start3A_2288 = arith.constant 0 : i32
    %dma_start3A_2289 = tpu.memref_slice %arg6[%dma_start3A_2276, %dma_start3A_2287, %dma_start3A_2288] : memref<2x4x128xi32, #tpu.memory_space<vmem>> -> memref<1x4x128xi32, #tpu.memory_space<vmem>>
    %dma_start3A_2290 = tpu.memref_squeeze %dma_start3A_2289 : memref<1x4x128xi32, #tpu.memory_space<vmem>> -> memref<4x128xi32, #tpu.memory_space<vmem>>
    %dma_start3A_2291 = arith.constant 0 : i32
    %dma_start3A_2292 = tpu.memref_slice %dma_start3A_2290[%dma_start3A_2277, %dma_start3A_2291] : memref<4x128xi32, #tpu.memory_space<vmem>> -> memref<1x128xi32, #tpu.memory_space<vmem>>
    %dma_start3A_2293 = tpu.memref_squeeze %dma_start3A_2292 : memref<1x128xi32, #tpu.memory_space<vmem>> -> memref<128xi32, #tpu.memory_space<vmem>>
    %dma_start3A_2294 = arith.constant 0 : i32
    %dma_start3A_2295 = tpu.memref_slice %arg3[%dma_start3A_2294] : memref<16777216xf32, #tpu.memory_space<hbm>> -> memref<16777216xf32, #tpu.memory_space<hbm>>
    tpu.enqueue_indirect_dma source(%dma_start3A_2295 : memref<16777216xf32, #tpu.memory_space<hbm>>) target(%dma_start3A_2286 : memref<128xf32, #tpu.memory_space<vmem>>) offsets(%dma_start3A_2293 : memref<128xi32, #tpu.memory_space<vmem>>) semaphore(%arg13 : memref<!tpu.dma_semaphore, #tpu.memory_space<semaphore_mem>>)
    %dma_start3A_2296 = arith.constant 1 : i32
    %dma_start3A_2297 = arith.constant 3 : i32
    %dma_start3A_2298 = arith.constant 1 : i32
    %dma_start3A_2299 = arith.constant 3 : i32
    %dma_start3A_2300 = arith.constant 0 : i32
    %dma_start3A_2301 = arith.constant 0 : i32
    %dma_start3A_2302 = tpu.memref_slice %arg7[%dma_start3A_2298, %dma_start3A_2300, %dma_start3A_2301] : memref<2x4x128xf32, #tpu.memory_space<vmem>> -> memref<1x4x128xf32, #tpu.memory_space<vmem>>
    %dma_start3A_2303 = tpu.memref_squeeze %dma_start3A_2302 : memref<1x4x128xf32, #tpu.memory_space<vmem>> -> memref<4x128xf32, #tpu.memory_space<vmem>>
    %dma_start3A_2304 = arith.constant 0 : i32
    %dma_start3A_2305 = tpu.memref_slice %dma_start3A_2303[%dma_start3A_2299, %dma_start3A_2304] : memref<4x128xf32, #tpu.memory_space<vmem>> -> memref<1x128xf32, #tpu.memory_space<vmem>>
    %dma_start3A_2306 = tpu.memref_squeeze %dma_start3A_2305 : memref<1x128xf32, #tpu.memory_space<vmem>> -> memref<128xf32, #tpu.memory_space<vmem>>
    %dma_start3A_2307 = arith.constant 0 : i32
    %dma_start3A_2308 = arith.constant 0 : i32
    %dma_start3A_2309 = tpu.memref_slice %arg6[%dma_start3A_2296, %dma_start3A_2307, %dma_start3A_2308] : memref<2x4x128xi32, #tpu.memory_space<vmem>> -> memref<1x4x128xi32, #tpu.memory_space<vmem>>
    %dma_start3A_2310 = tpu.memref_squeeze %dma_start3A_2309 : memref<1x4x128xi32, #tpu.memory_space<vmem>> -> memref<4x128xi32, #tpu.memory_space<vmem>>
    %dma_start3A_2311 = arith.constant 0 : i32
    %dma_start3A_2312 = tpu.memref_slice %dma_start3A_2310[%dma_start3A_2297, %dma_start3A_2311] : memref<4x128xi32, #tpu.memory_space<vmem>> -> memref<1x128xi32, #tpu.memory_space<vmem>>
    %dma_start3A_2313 = tpu.memref_squeeze %dma_start3A_2312 : memref<1x128xi32, #tpu.memory_space<vmem>> -> memref<128xi32, #tpu.memory_space<vmem>>
    %dma_start3A_2314 = arith.constant 0 : i32
    %dma_start3A_2315 = tpu.memref_slice %arg3[%dma_start3A_2314] : memref<16777216xf32, #tpu.memory_space<hbm>> -> memref<16777216xf32, #tpu.memory_space<hbm>>
    tpu.enqueue_indirect_dma source(%dma_start3A_2315 : memref<16777216xf32, #tpu.memory_space<hbm>>) target(%dma_start3A_2306 : memref<128xf32, #tpu.memory_space<vmem>>) offsets(%dma_start3A_2313 : memref<128xi32, #tpu.memory_space<vmem>>) semaphore(%arg13 : memref<!tpu.dma_semaphore, #tpu.memory_space<semaphore_mem>>)
    %dma_wait3A_2316 = arith.constant 0 : i32
    %dma_wait3A_2317 = arith.constant 0 : i32
    %dma_wait3A_2318 = arith.constant 0 : i32
    %dma_wait3A_2319 = arith.constant 0 : i32
    %dma_wait3A_2320 = arith.constant 0 : i32
    %dma_wait3A_2321 = arith.constant 0 : i32
    %dma_wait3A_2322 = tpu.memref_slice %arg7[%dma_wait3A_2318, %dma_wait3A_2320, %dma_wait3A_2321] : memref<2x4x128xf32, #tpu.memory_space<vmem>> -> memref<1x4x128xf32, #tpu.memory_space<vmem>>
    %dma_wait3A_2323 = tpu.memref_squeeze %dma_wait3A_2322 : memref<1x4x128xf32, #tpu.memory_space<vmem>> -> memref<4x128xf32, #tpu.memory_space<vmem>>
    %dma_wait3A_2324 = arith.constant 0 : i32
    %dma_wait3A_2325 = tpu.memref_slice %dma_wait3A_2323[%dma_wait3A_2319, %dma_wait3A_2324] : memref<4x128xf32, #tpu.memory_space<vmem>> -> memref<1x128xf32, #tpu.memory_space<vmem>>
    %dma_wait3A_2326 = tpu.memref_squeeze %dma_wait3A_2325 : memref<1x128xf32, #tpu.memory_space<vmem>> -> memref<128xf32, #tpu.memory_space<vmem>>
    %dma_wait3A_2327 = arith.constant 0 : i32
    %dma_wait3A_2328 = arith.constant 0 : i32
    %dma_wait3A_2329 = tpu.memref_slice %arg6[%dma_wait3A_2316, %dma_wait3A_2327, %dma_wait3A_2328] : memref<2x4x128xi32, #tpu.memory_space<vmem>> -> memref<1x4x128xi32, #tpu.memory_space<vmem>>
    %dma_wait3A_2330 = tpu.memref_squeeze %dma_wait3A_2329 : memref<1x4x128xi32, #tpu.memory_space<vmem>> -> memref<4x128xi32, #tpu.memory_space<vmem>>
    %dma_wait3A_2331 = arith.constant 0 : i32
    %dma_wait3A_2332 = tpu.memref_slice %dma_wait3A_2330[%dma_wait3A_2317, %dma_wait3A_2331] : memref<4x128xi32, #tpu.memory_space<vmem>> -> memref<1x128xi32, #tpu.memory_space<vmem>>
    %dma_wait3A_2333 = tpu.memref_squeeze %dma_wait3A_2332 : memref<1x128xi32, #tpu.memory_space<vmem>> -> memref<128xi32, #tpu.memory_space<vmem>>
    %dma_wait3A_2334 = arith.constant 0 : i32
    %dma_wait3A_2335 = tpu.memref_slice %arg3[%dma_wait3A_2334] : memref<16777216xf32, #tpu.memory_space<hbm>> -> memref<16777216xf32, #tpu.memory_space<hbm>>
    tpu.wait_indirect_dma semaphore(%arg12 : memref<!tpu.dma_semaphore, #tpu.memory_space<semaphore_mem>>) src(%dma_wait3A_2335 : memref<16777216xf32, #tpu.memory_space<hbm>>) dst(%dma_wait3A_2326 : memref<128xf32, #tpu.memory_space<vmem>>)
    %dma_wait3A_2336 = arith.constant 0 : i32
    %dma_wait3A_2337 = arith.constant 1 : i32
    %dma_wait3A_2338 = arith.constant 0 : i32
    %dma_wait3A_2339 = arith.constant 1 : i32
    %dma_wait3A_2340 = arith.constant 0 : i32
    %dma_wait3A_2341 = arith.constant 0 : i32
    %dma_wait3A_2342 = tpu.memref_slice %arg7[%dma_wait3A_2338, %dma_wait3A_2340, %dma_wait3A_2341] : memref<2x4x128xf32, #tpu.memory_space<vmem>> -> memref<1x4x128xf32, #tpu.memory_space<vmem>>
    %dma_wait3A_2343 = tpu.memref_squeeze %dma_wait3A_2342 : memref<1x4x128xf32, #tpu.memory_space<vmem>> -> memref<4x128xf32, #tpu.memory_space<vmem>>
    %dma_wait3A_2344 = arith.constant 0 : i32
    %dma_wait3A_2345 = tpu.memref_slice %dma_wait3A_2343[%dma_wait3A_2339, %dma_wait3A_2344] : memref<4x128xf32, #tpu.memory_space<vmem>> -> memref<1x128xf32, #tpu.memory_space<vmem>>
    %dma_wait3A_2346 = tpu.memref_squeeze %dma_wait3A_2345 : memref<1x128xf32, #tpu.memory_space<vmem>> -> memref<128xf32, #tpu.memory_space<vmem>>
    %dma_wait3A_2347 = arith.constant 0 : i32
    %dma_wait3A_2348 = arith.constant 0 : i32
    %dma_wait3A_2349 = tpu.memref_slice %arg6[%dma_wait3A_2336, %dma_wait3A_2347, %dma_wait3A_2348] : memref<2x4x128xi32, #tpu.memory_space<vmem>> -> memref<1x4x128xi32, #tpu.memory_space<vmem>>
    %dma_wait3A_2350 = tpu.memref_squeeze %dma_wait3A_2349 : memref<1x4x128xi32, #tpu.memory_space<vmem>> -> memref<4x128xi32, #tpu.memory_space<vmem>>
    %dma_wait3A_2351 = arith.constant 0 : i32
    %dma_wait3A_2352 = tpu.memref_slice %dma_wait3A_2350[%dma_wait3A_2337, %dma_wait3A_2351] : memref<4x128xi32, #tpu.memory_space<vmem>> -> memref<1x128xi32, #tpu.memory_space<vmem>>
    %dma_wait3A_2353 = tpu.memref_squeeze %dma_wait3A_2352 : memref<1x128xi32, #tpu.memory_space<vmem>> -> memref<128xi32, #tpu.memory_space<vmem>>
    %dma_wait3A_2354 = arith.constant 0 : i32
    %dma_wait3A_2355 = tpu.memref_slice %arg3[%dma_wait3A_2354] : memref<16777216xf32, #tpu.memory_space<hbm>> -> memref<16777216xf32, #tpu.memory_space<hbm>>
    tpu.wait_indirect_dma semaphore(%arg12 : memref<!tpu.dma_semaphore, #tpu.memory_space<semaphore_mem>>) src(%dma_wait3A_2355 : memref<16777216xf32, #tpu.memory_space<hbm>>) dst(%dma_wait3A_2346 : memref<128xf32, #tpu.memory_space<vmem>>)
    %dma_wait3A_2356 = arith.constant 0 : i32
    %dma_wait3A_2357 = arith.constant 2 : i32
    %dma_wait3A_2358 = arith.constant 0 : i32
    %dma_wait3A_2359 = arith.constant 2 : i32
    %dma_wait3A_2360 = arith.constant 0 : i32
    %dma_wait3A_2361 = arith.constant 0 : i32
    %dma_wait3A_2362 = tpu.memref_slice %arg7[%dma_wait3A_2358, %dma_wait3A_2360, %dma_wait3A_2361] : memref<2x4x128xf32, #tpu.memory_space<vmem>> -> memref<1x4x128xf32, #tpu.memory_space<vmem>>
    %dma_wait3A_2363 = tpu.memref_squeeze %dma_wait3A_2362 : memref<1x4x128xf32, #tpu.memory_space<vmem>> -> memref<4x128xf32, #tpu.memory_space<vmem>>
    %dma_wait3A_2364 = arith.constant 0 : i32
    %dma_wait3A_2365 = tpu.memref_slice %dma_wait3A_2363[%dma_wait3A_2359, %dma_wait3A_2364] : memref<4x128xf32, #tpu.memory_space<vmem>> -> memref<1x128xf32, #tpu.memory_space<vmem>>
    %dma_wait3A_2366 = tpu.memref_squeeze %dma_wait3A_2365 : memref<1x128xf32, #tpu.memory_space<vmem>> -> memref<128xf32, #tpu.memory_space<vmem>>
    %dma_wait3A_2367 = arith.constant 0 : i32
    %dma_wait3A_2368 = arith.constant 0 : i32
    %dma_wait3A_2369 = tpu.memref_slice %arg6[%dma_wait3A_2356, %dma_wait3A_2367, %dma_wait3A_2368] : memref<2x4x128xi32, #tpu.memory_space<vmem>> -> memref<1x4x128xi32, #tpu.memory_space<vmem>>
    %dma_wait3A_2370 = tpu.memref_squeeze %dma_wait3A_2369 : memref<1x4x128xi32, #tpu.memory_space<vmem>> -> memref<4x128xi32, #tpu.memory_space<vmem>>
    %dma_wait3A_2371 = arith.constant 0 : i32
    %dma_wait3A_2372 = tpu.memref_slice %dma_wait3A_2370[%dma_wait3A_2357, %dma_wait3A_2371] : memref<4x128xi32, #tpu.memory_space<vmem>> -> memref<1x128xi32, #tpu.memory_space<vmem>>
    %dma_wait3A_2373 = tpu.memref_squeeze %dma_wait3A_2372 : memref<1x128xi32, #tpu.memory_space<vmem>> -> memref<128xi32, #tpu.memory_space<vmem>>
    %dma_wait3A_2374 = arith.constant 0 : i32
    %dma_wait3A_2375 = tpu.memref_slice %arg3[%dma_wait3A_2374] : memref<16777216xf32, #tpu.memory_space<hbm>> -> memref<16777216xf32, #tpu.memory_space<hbm>>
    tpu.wait_indirect_dma semaphore(%arg12 : memref<!tpu.dma_semaphore, #tpu.memory_space<semaphore_mem>>) src(%dma_wait3A_2375 : memref<16777216xf32, #tpu.memory_space<hbm>>) dst(%dma_wait3A_2366 : memref<128xf32, #tpu.memory_space<vmem>>)
    %dma_wait3A_2376 = arith.constant 0 : i32
    %dma_wait3A_2377 = arith.constant 3 : i32
    %dma_wait3A_2378 = arith.constant 0 : i32
    %dma_wait3A_2379 = arith.constant 3 : i32
    %dma_wait3A_2380 = arith.constant 0 : i32
    %dma_wait3A_2381 = arith.constant 0 : i32
    %dma_wait3A_2382 = tpu.memref_slice %arg7[%dma_wait3A_2378, %dma_wait3A_2380, %dma_wait3A_2381] : memref<2x4x128xf32, #tpu.memory_space<vmem>> -> memref<1x4x128xf32, #tpu.memory_space<vmem>>
    %dma_wait3A_2383 = tpu.memref_squeeze %dma_wait3A_2382 : memref<1x4x128xf32, #tpu.memory_space<vmem>> -> memref<4x128xf32, #tpu.memory_space<vmem>>
    %dma_wait3A_2384 = arith.constant 0 : i32
    %dma_wait3A_2385 = tpu.memref_slice %dma_wait3A_2383[%dma_wait3A_2379, %dma_wait3A_2384] : memref<4x128xf32, #tpu.memory_space<vmem>> -> memref<1x128xf32, #tpu.memory_space<vmem>>
    %dma_wait3A_2386 = tpu.memref_squeeze %dma_wait3A_2385 : memref<1x128xf32, #tpu.memory_space<vmem>> -> memref<128xf32, #tpu.memory_space<vmem>>
    %dma_wait3A_2387 = arith.constant 0 : i32
    %dma_wait3A_2388 = arith.constant 0 : i32
    %dma_wait3A_2389 = tpu.memref_slice %arg6[%dma_wait3A_2376, %dma_wait3A_2387, %dma_wait3A_2388] : memref<2x4x128xi32, #tpu.memory_space<vmem>> -> memref<1x4x128xi32, #tpu.memory_space<vmem>>
    %dma_wait3A_2390 = tpu.memref_squeeze %dma_wait3A_2389 : memref<1x4x128xi32, #tpu.memory_space<vmem>> -> memref<4x128xi32, #tpu.memory_space<vmem>>
    %dma_wait3A_2391 = arith.constant 0 : i32
    %dma_wait3A_2392 = tpu.memref_slice %dma_wait3A_2390[%dma_wait3A_2377, %dma_wait3A_2391] : memref<4x128xi32, #tpu.memory_space<vmem>> -> memref<1x128xi32, #tpu.memory_space<vmem>>
    %dma_wait3A_2393 = tpu.memref_squeeze %dma_wait3A_2392 : memref<1x128xi32, #tpu.memory_space<vmem>> -> memref<128xi32, #tpu.memory_space<vmem>>
    %dma_wait3A_2394 = arith.constant 0 : i32
    %dma_wait3A_2395 = tpu.memref_slice %arg3[%dma_wait3A_2394] : memref<16777216xf32, #tpu.memory_space<hbm>> -> memref<16777216xf32, #tpu.memory_space<hbm>>
    tpu.wait_indirect_dma semaphore(%arg12 : memref<!tpu.dma_semaphore, #tpu.memory_space<semaphore_mem>>) src(%dma_wait3A_2395 : memref<16777216xf32, #tpu.memory_space<hbm>>) dst(%dma_wait3A_2386 : memref<128xf32, #tpu.memory_space<vmem>>)
    %get3A_2396 = arith.constant 0 : i32
    %get3A_2397 = arith.constant 0 : i32
    %get3A_2398 = arith.constant 0 : i32
    %get3A_2399 = arith.constant 0 : i32
    %get3A_2400 = tpu.memref_slice %arg7[%get3A_2396, %get3A_2398, %get3A_2399] : memref<2x4x128xf32, #tpu.memory_space<vmem>> -> memref<1x4x128xf32, #tpu.memory_space<vmem>>
    %get3A_2401 = tpu.memref_squeeze %get3A_2400 : memref<1x4x128xf32, #tpu.memory_space<vmem>> -> memref<4x128xf32, #tpu.memory_space<vmem>>
    %get3A_2402 = arith.index_cast %get3A_2397 : i32 to index
    %get3A_2403 = arith.constant 0 : index
    %get3A_2404 = tpu.vector_load %get3A_2401[%get3A_2402, %get3A_2403] {strides = array<i32>} : memref<4x128xf32, #tpu.memory_space<vmem>>, vector<16xf32>,
    %get3A_2405 = arith.constant 0 : i32
    %get3A_2406 = arith.constant 1 : i32
    %get3A_2407 = arith.constant 0 : i32
    %get3A_2408 = arith.constant 0 : i32
    %get3A_2409 = tpu.memref_slice %arg7[%get3A_2405, %get3A_2407, %get3A_2408] : memref<2x4x128xf32, #tpu.memory_space<vmem>> -> memref<1x4x128xf32, #tpu.memory_space<vmem>>
    %get3A_2410 = tpu.memref_squeeze %get3A_2409 : memref<1x4x128xf32, #tpu.memory_space<vmem>> -> memref<4x128xf32, #tpu.memory_space<vmem>>
    %get3A_2411 = arith.index_cast %get3A_2406 : i32 to index
    %get3A_2412 = arith.constant 0 : index
    %get3A_2413 = tpu.vector_load %get3A_2410[%get3A_2411, %get3A_2412] {strides = array<i32>} : memref<4x128xf32, #tpu.memory_space<vmem>>, vector<16xf32>,
    %add3A_2414 = arith.addf %get3A_2404, %get3A_2413 : vector<16xf32>
    %get3A_2415 = arith.constant 0 : i32
    %get3A_2416 = arith.constant 2 : i32
    %get3A_2417 = arith.constant 0 : i32
    %get3A_2418 = arith.constant 0 : i32
    %get3A_2419 = tpu.memref_slice %arg7[%get3A_2415, %get3A_2417, %get3A_2418] : memref<2x4x128xf32, #tpu.memory_space<vmem>> -> memref<1x4x128xf32, #tpu.memory_space<vmem>>
    %get3A_2420 = tpu.memref_squeeze %get3A_2419 : memref<1x4x128xf32, #tpu.memory_space<vmem>> -> memref<4x128xf32, #tpu.memory_space<vmem>>
    %get3A_2421 = arith.index_cast %get3A_2416 : i32 to index
    %get3A_2422 = arith.constant 0 : index
    %get3A_2423 = tpu.vector_load %get3A_2420[%get3A_2421, %get3A_2422] {strides = array<i32>} : memref<4x128xf32, #tpu.memory_space<vmem>>, vector<16xf32>,
    %add3A_2424 = arith.addf %add3A_2414, %get3A_2423 : vector<16xf32>
    %get3A_2425 = arith.constant 0 : i32
    %get3A_2426 = arith.constant 3 : i32
    %get3A_2427 = arith.constant 0 : i32
    %get3A_2428 = arith.constant 0 : i32
    %get3A_2429 = tpu.memref_slice %arg7[%get3A_2425, %get3A_2427, %get3A_2428] : memref<2x4x128xf32, #tpu.memory_space<vmem>> -> memref<1x4x128xf32, #tpu.memory_space<vmem>>
    %get3A_2430 = tpu.memref_squeeze %get3A_2429 : memref<1x4x128xf32, #tpu.memory_space<vmem>> -> memref<4x128xf32, #tpu.memory_space<vmem>>
    %get3A_2431 = arith.index_cast %get3A_2426 : i32 to index
    %get3A_2432 = arith.constant 0 : index
    %get3A_2433 = tpu.vector_load %get3A_2430[%get3A_2431, %get3A_2432] {strides = array<i32>} : memref<4x128xf32, #tpu.memory_space<vmem>>, vector<16xf32>,
    %add3A_2434 = arith.addf %add3A_2424, %get3A_2433 : vector<16xf32>
    %gt3A = arith.constant 1.000000e+02 : f32
    %gt3A_2435 = vector.broadcast %gt3A : f32 to vector<16xf32>
    %gt3A_2436 = arith.cmpf ogt, %add3A_2434, %gt3A_2435 : vector<16xf32>
    %not3A = arith.constant dense<true> : vector<16xi1>
    %not3A_2437 = arith.xori %gt3A_2436, %not3A : vector<16xi1>
    %and3A_2438 = arith.andi %and3A_100, %not3A_2437 : vector<16xi1>
    %get3A_2439 = arith.constant 0 : i32
    %get3A_2440 = arith.constant 0 : i32
    %get3A_2441 = arith.constant 0 : i32
    %get3A_2442 = arith.constant 0 : i32
    %get3A_2443 = tpu.memref_slice %arg7[%get3A_2439, %get3A_2441, %get3A_2442] : memref<2x4x128xf32, #tpu.memory_space<vmem>> -> memref<1x4x128xf32, #tpu.memory_space<vmem>>
    %get3A_2444 = tpu.memref_squeeze %get3A_2443 : memref<1x4x128xf32, #tpu.memory_space<vmem>> -> memref<4x128xf32, #tpu.memory_space<vmem>>
    %get3A_2445 = arith.index_cast %get3A_2440 : i32 to index
    %get3A_2446 = arith.constant 16 : index
    %get3A_2447 = tpu.vector_load %get3A_2444[%get3A_2445, %get3A_2446] {strides = array<i32>} : memref<4x128xf32, #tpu.memory_space<vmem>>, vector<16xf32>,
    %get3A_2448 = arith.constant 0 : i32
    %get3A_2449 = arith.constant 1 : i32
    %get3A_2450 = arith.constant 0 : i32
    %get3A_2451 = arith.constant 0 : i32
    %get3A_2452 = tpu.memref_slice %arg7[%get3A_2448, %get3A_2450, %get3A_2451] : memref<2x4x128xf32, #tpu.memory_space<vmem>> -> memref<1x4x128xf32, #tpu.memory_space<vmem>>
    %get3A_2453 = tpu.memref_squeeze %get3A_2452 : memref<1x4x128xf32, #tpu.memory_space<vmem>> -> memref<4x128xf32, #tpu.memory_space<vmem>>
    %get3A_2454 = arith.index_cast %get3A_2449 : i32 to index
    %get3A_2455 = arith.constant 16 : index
    %get3A_2456 = tpu.vector_load %get3A_2453[%get3A_2454, %get3A_2455] {strides = array<i32>} : memref<4x128xf32, #tpu.memory_space<vmem>>, vector<16xf32>,
    %add3A_2457 = arith.addf %get3A_2447, %get3A_2456 : vector<16xf32>
    %get3A_2458 = arith.constant 0 : i32
    %get3A_2459 = arith.constant 2 : i32
    %get3A_2460 = arith.constant 0 : i32
    %get3A_2461 = arith.constant 0 : i32
    %get3A_2462 = tpu.memref_slice %arg7[%get3A_2458, %get3A_2460, %get3A_2461] : memref<2x4x128xf32, #tpu.memory_space<vmem>> -> memref<1x4x128xf32, #tpu.memory_space<vmem>>
    %get3A_2463 = tpu.memref_squeeze %get3A_2462 : memref<1x4x128xf32, #tpu.memory_space<vmem>> -> memref<4x128xf32, #tpu.memory_space<vmem>>
    %get3A_2464 = arith.index_cast %get3A_2459 : i32 to index
    %get3A_2465 = arith.constant 16 : index
    %get3A_2466 = tpu.vector_load %get3A_2463[%get3A_2464, %get3A_2465] {strides = array<i32>} : memref<4x128xf32, #tpu.memory_space<vmem>>, vector<16xf32>,
    %add3A_2467 = arith.addf %add3A_2457, %get3A_2466 : vector<16xf32>
    %get3A_2468 = arith.constant 0 : i32
    %get3A_2469 = arith.constant 3 : i32
    %get3A_2470 = arith.constant 0 : i32
    %get3A_2471 = arith.constant 0 : i32
    %get3A_2472 = tpu.memref_slice %arg7[%get3A_2468, %get3A_2470, %get3A_2471] : memref<2x4x128xf32, #tpu.memory_space<vmem>> -> memref<1x4x128xf32, #tpu.memory_space<vmem>>
    %get3A_2473 = tpu.memref_squeeze %get3A_2472 : memref<1x4x128xf32, #tpu.memory_space<vmem>> -> memref<4x128xf32, #tpu.memory_space<vmem>>
    %get3A_2474 = arith.index_cast %get3A_2469 : i32 to index
    %get3A_2475 = arith.constant 16 : index
    %get3A_2476 = tpu.vector_load %get3A_2473[%get3A_2474, %get3A_2475] {strides = array<i32>} : memref<4x128xf32, #tpu.memory_space<vmem>>, vector<16xf32>,
    %add3A_2477 = arith.addf %add3A_2467, %get3A_2476 : vector<16xf32>
    %gt3A_2478 = arith.constant 1.000000e+02 : f32
    %gt3A_2479 = vector.broadcast %gt3A_2478 : f32 to vector<16xf32>
    %gt3A_2480 = arith.cmpf ogt, %add3A_2477, %gt3A_2479 : vector<16xf32>
    %not3A_2481 = arith.constant dense<true> : vector<16xi1>
    %not3A_2482 = arith.xori %gt3A_2480, %not3A_2481 : vector<16xi1>
    %and3A_2483 = arith.andi %and3A_226, %not3A_2482 : vector<16xi1>
    %and3A_2484 = arith.andi %and3A_2438, %and3A_2483 : vector<16xi1>
    %get3A_2485 = arith.constant 0 : i32
    %get3A_2486 = arith.constant 0 : i32
    %get3A_2487 = arith.constant 0 : i32
    %get3A_2488 = arith.constant 0 : i32
    %get3A_2489 = tpu.memref_slice %arg7[%get3A_2485, %get3A_2487, %get3A_2488] : memref<2x4x128xf32, #tpu.memory_space<vmem>> -> memref<1x4x128xf32, #tpu.memory_space<vmem>>
    %get3A_2490 = tpu.memref_squeeze %get3A_2489 : memref<1x4x128xf32, #tpu.memory_space<vmem>> -> memref<4x128xf32, #tpu.memory_space<vmem>>
    %get3A_2491 = arith.index_cast %get3A_2486 : i32 to index
    %get3A_2492 = arith.constant 32 : index
    %get3A_2493 = tpu.vector_load %get3A_2490[%get3A_2491, %get3A_2492] {strides = array<i32>} : memref<4x128xf32, #tpu.memory_space<vmem>>, vector<16xf32>,
    %get3A_2494 = arith.constant 0 : i32
    %get3A_2495 = arith.constant 1 : i32
    %get3A_2496 = arith.constant 0 : i32
    %get3A_2497 = arith.constant 0 : i32
    %get3A_2498 = tpu.memref_slice %arg7[%get3A_2494, %get3A_2496, %get3A_2497] : memref<2x4x128xf32, #tpu.memory_space<vmem>> -> memref<1x4x128xf32, #tpu.memory_space<vmem>>
    %get3A_2499 = tpu.memref_squeeze %get3A_2498 : memref<1x4x128xf32, #tpu.memory_space<vmem>> -> memref<4x128xf32, #tpu.memory_space<vmem>>
    %get3A_2500 = arith.index_cast %get3A_2495 : i32 to index
    %get3A_2501 = arith.constant 32 : index
    %get3A_2502 = tpu.vector_load %get3A_2499[%get3A_2500, %get3A_2501] {strides = array<i32>} : memref<4x128xf32, #tpu.memory_space<vmem>>, vector<16xf32>,
    %add3A_2503 = arith.addf %get3A_2493, %get3A_2502 : vector<16xf32>
    %get3A_2504 = arith.constant 0 : i32
    %get3A_2505 = arith.constant 2 : i32
    %get3A_2506 = arith.constant 0 : i32
    %get3A_2507 = arith.constant 0 : i32
    %get3A_2508 = tpu.memref_slice %arg7[%get3A_2504, %get3A_2506, %get3A_2507] : memref<2x4x128xf32, #tpu.memory_space<vmem>> -> memref<1x4x128xf32, #tpu.memory_space<vmem>>
    %get3A_2509 = tpu.memref_squeeze %get3A_2508 : memref<1x4x128xf32, #tpu.memory_space<vmem>> -> memref<4x128xf32, #tpu.memory_space<vmem>>
    %get3A_2510 = arith.index_cast %get3A_2505 : i32 to index
    %get3A_2511 = arith.constant 32 : index
    %get3A_2512 = tpu.vector_load %get3A_2509[%get3A_2510, %get3A_2511] {strides = array<i32>} : memref<4x128xf32, #tpu.memory_space<vmem>>, vector<16xf32>,
    %add3A_2513 = arith.addf %add3A_2503, %get3A_2512 : vector<16xf32>
    %get3A_2514 = arith.constant 0 : i32
    %get3A_2515 = arith.constant 3 : i32
    %get3A_2516 = arith.constant 0 : i32
    %get3A_2517 = arith.constant 0 : i32
    %get3A_2518 = tpu.memref_slice %arg7[%get3A_2514, %get3A_2516, %get3A_2517] : memref<2x4x128xf32, #tpu.memory_space<vmem>> -> memref<1x4x128xf32, #tpu.memory_space<vmem>>
    %get3A_2519 = tpu.memref_squeeze %get3A_2518 : memref<1x4x128xf32, #tpu.memory_space<vmem>> -> memref<4x128xf32, #tpu.memory_space<vmem>>
    %get3A_2520 = arith.index_cast %get3A_2515 : i32 to index
    %get3A_2521 = arith.constant 32 : index
    %get3A_2522 = tpu.vector_load %get3A_2519[%get3A_2520, %get3A_2521] {strides = array<i32>} : memref<4x128xf32, #tpu.memory_space<vmem>>, vector<16xf32>,
    %add3A_2523 = arith.addf %add3A_2513, %get3A_2522 : vector<16xf32>
    %gt3A_2524 = arith.constant 1.000000e+02 : f32
    %gt3A_2525 = vector.broadcast %gt3A_2524 : f32 to vector<16xf32>
    %gt3A_2526 = arith.cmpf ogt, %add3A_2523, %gt3A_2525 : vector<16xf32>
    %not3A_2527 = arith.constant dense<true> : vector<16xi1>
    %not3A_2528 = arith.xori %gt3A_2526, %not3A_2527 : vector<16xi1>
    %and3A_2529 = arith.andi %and3A_357, %not3A_2528 : vector<16xi1>
    %and3A_2530 = arith.andi %and3A_2484, %and3A_2529 : vector<16xi1>
    %get3A_2531 = arith.constant 0 : i32
    %get3A_2532 = arith.constant 0 : i32
    %get3A_2533 = arith.constant 0 : i32
    %get3A_2534 = arith.constant 0 : i32
    %get3A_2535 = tpu.memref_slice %arg7[%get3A_2531, %get3A_2533, %get3A_2534] : memref<2x4x128xf32, #tpu.memory_space<vmem>> -> memref<1x4x128xf32, #tpu.memory_space<vmem>>
    %get3A_2536 = tpu.memref_squeeze %get3A_2535 : memref<1x4x128xf32, #tpu.memory_space<vmem>> -> memref<4x128xf32, #tpu.memory_space<vmem>>
    %get3A_2537 = arith.index_cast %get3A_2532 : i32 to index
    %get3A_2538 = arith.constant 48 : index
    %get3A_2539 = tpu.vector_load %get3A_2536[%get3A_2537, %get3A_2538] {strides = array<i32>} : memref<4x128xf32, #tpu.memory_space<vmem>>, vector<16xf32>,
    %get3A_2540 = arith.constant 0 : i32
    %get3A_2541 = arith.constant 1 : i32
    %get3A_2542 = arith.constant 0 : i32
    %get3A_2543 = arith.constant 0 : i32
    %get3A_2544 = tpu.memref_slice %arg7[%get3A_2540, %get3A_2542, %get3A_2543] : memref<2x4x128xf32, #tpu.memory_space<vmem>> -> memref<1x4x128xf32, #tpu.memory_space<vmem>>
    %get3A_2545 = tpu.memref_squeeze %get3A_2544 : memref<1x4x128xf32, #tpu.memory_space<vmem>> -> memref<4x128xf32, #tpu.memory_space<vmem>>
    %get3A_2546 = arith.index_cast %get3A_2541 : i32 to index
    %get3A_2547 = arith.constant 48 : index
    %get3A_2548 = tpu.vector_load %get3A_2545[%get3A_2546, %get3A_2547] {strides = array<i32>} : memref<4x128xf32, #tpu.memory_space<vmem>>, vector<16xf32>,
    %add3A_2549 = arith.addf %get3A_2539, %get3A_2548 : vector<16xf32>
    %get3A_2550 = arith.constant 0 : i32
    %get3A_2551 = arith.constant 2 : i32
    %get3A_2552 = arith.constant 0 : i32
    %get3A_2553 = arith.constant 0 : i32
    %get3A_2554 = tpu.memref_slice %arg7[%get3A_2550, %get3A_2552, %get3A_2553] : memref<2x4x128xf32, #tpu.memory_space<vmem>> -> memref<1x4x128xf32, #tpu.memory_space<vmem>>
    %get3A_2555 = tpu.memref_squeeze %get3A_2554 : memref<1x4x128xf32, #tpu.memory_space<vmem>> -> memref<4x128xf32, #tpu.memory_space<vmem>>
    %get3A_2556 = arith.index_cast %get3A_2551 : i32 to index
    %get3A_2557 = arith.constant 48 : index
    %get3A_2558 = tpu.vector_load %get3A_2555[%get3A_2556, %get3A_2557] {strides = array<i32>} : memref<4x128xf32, #tpu.memory_space<vmem>>, vector<16xf32>,
    %add3A_2559 = arith.addf %add3A_2549, %get3A_2558 : vector<16xf32>
    %get3A_2560 = arith.constant 0 : i32
    %get3A_2561 = arith.constant 3 : i32
    %get3A_2562 = arith.constant 0 : i32
    %get3A_2563 = arith.constant 0 : i32
    %get3A_2564 = tpu.memref_slice %arg7[%get3A_2560, %get3A_2562, %get3A_2563] : memref<2x4x128xf32, #tpu.memory_space<vmem>> -> memref<1x4x128xf32, #tpu.memory_space<vmem>>
    %get3A_2565 = tpu.memref_squeeze %get3A_2564 : memref<1x4x128xf32, #tpu.memory_space<vmem>> -> memref<4x128xf32, #tpu.memory_space<vmem>>
    %get3A_2566 = arith.index_cast %get3A_2561 : i32 to index
    %get3A_2567 = arith.constant 48 : index
    %get3A_2568 = tpu.vector_load %get3A_2565[%get3A_2566, %get3A_2567] {strides = array<i32>} : memref<4x128xf32, #tpu.memory_space<vmem>>, vector<16xf32>,
    %add3A_2569 = arith.addf %add3A_2559, %get3A_2568 : vector<16xf32>
    %gt3A_2570 = arith.constant 1.000000e+02 : f32
    %gt3A_2571 = vector.broadcast %gt3A_2570 : f32 to vector<16xf32>
    %gt3A_2572 = arith.cmpf ogt, %add3A_2569, %gt3A_2571 : vector<16xf32>
    %not3A_2573 = arith.constant dense<true> : vector<16xi1>
    %not3A_2574 = arith.xori %gt3A_2572, %not3A_2573 : vector<16xi1>
    %and3A_2575 = arith.andi %and3A_488, %not3A_2574 : vector<16xi1>
    %and3A_2576 = arith.andi %and3A_2530, %and3A_2575 : vector<16xi1>
    %get3A_2577 = arith.constant 0 : i32
    %get3A_2578 = arith.constant 0 : i32
    %get3A_2579 = arith.constant 0 : i32
    %get3A_2580 = arith.constant 0 : i32
    %get3A_2581 = tpu.memref_slice %arg7[%get3A_2577, %get3A_2579, %get3A_2580] : memref<2x4x128xf32, #tpu.memory_space<vmem>> -> memref<1x4x128xf32, #tpu.memory_space<vmem>>
    %get3A_2582 = tpu.memref_squeeze %get3A_2581 : memref<1x4x128xf32, #tpu.memory_space<vmem>> -> memref<4x128xf32, #tpu.memory_space<vmem>>
    %get3A_2583 = arith.index_cast %get3A_2578 : i32 to index
    %get3A_2584 = arith.constant 64 : index
    %get3A_2585 = tpu.vector_load %get3A_2582[%get3A_2583, %get3A_2584] {strides = array<i32>} : memref<4x128xf32, #tpu.memory_space<vmem>>, vector<16xf32>,
    %get3A_2586 = arith.constant 0 : i32
    %get3A_2587 = arith.constant 1 : i32
    %get3A_2588 = arith.constant 0 : i32
    %get3A_2589 = arith.constant 0 : i32
    %get3A_2590 = tpu.memref_slice %arg7[%get3A_2586, %get3A_2588, %get3A_2589] : memref<2x4x128xf32, #tpu.memory_space<vmem>> -> memref<1x4x128xf32, #tpu.memory_space<vmem>>
    %get3A_2591 = tpu.memref_squeeze %get3A_2590 : memref<1x4x128xf32, #tpu.memory_space<vmem>> -> memref<4x128xf32, #tpu.memory_space<vmem>>
    %get3A_2592 = arith.index_cast %get3A_2587 : i32 to index
    %get3A_2593 = arith.constant 64 : index
    %get3A_2594 = tpu.vector_load %get3A_2591[%get3A_2592, %get3A_2593] {strides = array<i32>} : memref<4x128xf32, #tpu.memory_space<vmem>>, vector<16xf32>,
    %add3A_2595 = arith.addf %get3A_2585, %get3A_2594 : vector<16xf32>
    %get3A_2596 = arith.constant 0 : i32
    %get3A_2597 = arith.constant 2 : i32
    %get3A_2598 = arith.constant 0 : i32
    %get3A_2599 = arith.constant 0 : i32
    %get3A_2600 = tpu.memref_slice %arg7[%get3A_2596, %get3A_2598, %get3A_2599] : memref<2x4x128xf32, #tpu.memory_space<vmem>> -> memref<1x4x128xf32, #tpu.memory_space<vmem>>
    %get3A_2601 = tpu.memref_squeeze %get3A_2600 : memref<1x4x128xf32, #tpu.memory_space<vmem>> -> memref<4x128xf32, #tpu.memory_space<vmem>>
    %get3A_2602 = arith.index_cast %get3A_2597 : i32 to index
    %get3A_2603 = arith.constant 64 : index
    %get3A_2604 = tpu.vector_load %get3A_2601[%get3A_2602, %get3A_2603] {strides = array<i32>} : memref<4x128xf32, #tpu.memory_space<vmem>>, vector<16xf32>,
    %add3A_2605 = arith.addf %add3A_2595, %get3A_2604 : vector<16xf32>
    %get3A_2606 = arith.constant 0 : i32
    %get3A_2607 = arith.constant 3 : i32
    %get3A_2608 = arith.constant 0 : i32
    %get3A_2609 = arith.constant 0 : i32
    %get3A_2610 = tpu.memref_slice %arg7[%get3A_2606, %get3A_2608, %get3A_2609] : memref<2x4x128xf32, #tpu.memory_space<vmem>> -> memref<1x4x128xf32, #tpu.memory_space<vmem>>
    %get3A_2611 = tpu.memref_squeeze %get3A_2610 : memref<1x4x128xf32, #tpu.memory_space<vmem>> -> memref<4x128xf32, #tpu.memory_space<vmem>>
    %get3A_2612 = arith.index_cast %get3A_2607 : i32 to index
    %get3A_2613 = arith.constant 64 : index
    %get3A_2614 = tpu.vector_load %get3A_2611[%get3A_2612, %get3A_2613] {strides = array<i32>} : memref<4x128xf32, #tpu.memory_space<vmem>>, vector<16xf32>,
    %add3A_2615 = arith.addf %add3A_2605, %get3A_2614 : vector<16xf32>
    %gt3A_2616 = arith.constant 1.000000e+02 : f32
    %gt3A_2617 = vector.broadcast %gt3A_2616 : f32 to vector<16xf32>
    %gt3A_2618 = arith.cmpf ogt, %add3A_2615, %gt3A_2617 : vector<16xf32>
    %not3A_2619 = arith.constant dense<true> : vector<16xi1>
    %not3A_2620 = arith.xori %gt3A_2618, %not3A_2619 : vector<16xi1>
    %and3A_2621 = arith.andi %and3A_619, %not3A_2620 : vector<16xi1>
    %and3A_2622 = arith.andi %and3A_2576, %and3A_2621 : vector<16xi1>
    %get3A_2623 = arith.constant 0 : i32
    %get3A_2624 = arith.constant 0 : i32
    %get3A_2625 = arith.constant 0 : i32
    %get3A_2626 = arith.constant 0 : i32
    %get3A_2627 = tpu.memref_slice %arg7[%get3A_2623, %get3A_2625, %get3A_2626] : memref<2x4x128xf32, #tpu.memory_space<vmem>> -> memref<1x4x128xf32, #tpu.memory_space<vmem>>
    %get3A_2628 = tpu.memref_squeeze %get3A_2627 : memref<1x4x128xf32, #tpu.memory_space<vmem>> -> memref<4x128xf32, #tpu.memory_space<vmem>>
    %get3A_2629 = arith.index_cast %get3A_2624 : i32 to index
    %get3A_2630 = arith.constant 80 : index
    %get3A_2631 = tpu.vector_load %get3A_2628[%get3A_2629, %get3A_2630] {strides = array<i32>} : memref<4x128xf32, #tpu.memory_space<vmem>>, vector<16xf32>,
    %get3A_2632 = arith.constant 0 : i32
    %get3A_2633 = arith.constant 1 : i32
    %get3A_2634 = arith.constant 0 : i32
    %get3A_2635 = arith.constant 0 : i32
    %get3A_2636 = tpu.memref_slice %arg7[%get3A_2632, %get3A_2634, %get3A_2635] : memref<2x4x128xf32, #tpu.memory_space<vmem>> -> memref<1x4x128xf32, #tpu.memory_space<vmem>>
    %get3A_2637 = tpu.memref_squeeze %get3A_2636 : memref<1x4x128xf32, #tpu.memory_space<vmem>> -> memref<4x128xf32, #tpu.memory_space<vmem>>
    %get3A_2638 = arith.index_cast %get3A_2633 : i32 to index
    %get3A_2639 = arith.constant 80 : index
    %get3A_2640 = tpu.vector_load %get3A_2637[%get3A_2638, %get3A_2639] {strides = array<i32>} : memref<4x128xf32, #tpu.memory_space<vmem>>, vector<16xf32>,
    %add3A_2641 = arith.addf %get3A_2631, %get3A_2640 : vector<16xf32>
    %get3A_2642 = arith.constant 0 : i32
    %get3A_2643 = arith.constant 2 : i32
    %get3A_2644 = arith.constant 0 : i32
    %get3A_2645 = arith.constant 0 : i32
    %get3A_2646 = tpu.memref_slice %arg7[%get3A_2642, %get3A_2644, %get3A_2645] : memref<2x4x128xf32, #tpu.memory_space<vmem>> -> memref<1x4x128xf32, #tpu.memory_space<vmem>>
    %get3A_2647 = tpu.memref_squeeze %get3A_2646 : memref<1x4x128xf32, #tpu.memory_space<vmem>> -> memref<4x128xf32, #tpu.memory_space<vmem>>
    %get3A_2648 = arith.index_cast %get3A_2643 : i32 to index
    %get3A_2649 = arith.constant 80 : index
    %get3A_2650 = tpu.vector_load %get3A_2647[%get3A_2648, %get3A_2649] {strides = array<i32>} : memref<4x128xf32, #tpu.memory_space<vmem>>, vector<16xf32>,
    %add3A_2651 = arith.addf %add3A_2641, %get3A_2650 : vector<16xf32>
    %get3A_2652 = arith.constant 0 : i32
    %get3A_2653 = arith.constant 3 : i32
    %get3A_2654 = arith.constant 0 : i32
    %get3A_2655 = arith.constant 0 : i32
    %get3A_2656 = tpu.memref_slice %arg7[%get3A_2652, %get3A_2654, %get3A_2655] : memref<2x4x128xf32, #tpu.memory_space<vmem>> -> memref<1x4x128xf32, #tpu.memory_space<vmem>>
    %get3A_2657 = tpu.memref_squeeze %get3A_2656 : memref<1x4x128xf32, #tpu.memory_space<vmem>> -> memref<4x128xf32, #tpu.memory_space<vmem>>
    %get3A_2658 = arith.index_cast %get3A_2653 : i32 to index
    %get3A_2659 = arith.constant 80 : index
    %get3A_2660 = tpu.vector_load %get3A_2657[%get3A_2658, %get3A_2659] {strides = array<i32>} : memref<4x128xf32, #tpu.memory_space<vmem>>, vector<16xf32>,
    %add3A_2661 = arith.addf %add3A_2651, %get3A_2660 : vector<16xf32>
    %gt3A_2662 = arith.constant 1.000000e+02 : f32
    %gt3A_2663 = vector.broadcast %gt3A_2662 : f32 to vector<16xf32>
    %gt3A_2664 = arith.cmpf ogt, %add3A_2661, %gt3A_2663 : vector<16xf32>
    %not3A_2665 = arith.constant dense<true> : vector<16xi1>
    %not3A_2666 = arith.xori %gt3A_2664, %not3A_2665 : vector<16xi1>
    %and3A_2667 = arith.andi %and3A_750, %not3A_2666 : vector<16xi1>
    %and3A_2668 = arith.andi %and3A_2622, %and3A_2667 : vector<16xi1>
    %get3A_2669 = arith.constant 0 : i32
    %get3A_2670 = arith.constant 0 : i32
    %get3A_2671 = arith.constant 0 : i32
    %get3A_2672 = arith.constant 0 : i32
    %get3A_2673 = tpu.memref_slice %arg7[%get3A_2669, %get3A_2671, %get3A_2672] : memref<2x4x128xf32, #tpu.memory_space<vmem>> -> memref<1x4x128xf32, #tpu.memory_space<vmem>>
    %get3A_2674 = tpu.memref_squeeze %get3A_2673 : memref<1x4x128xf32, #tpu.memory_space<vmem>> -> memref<4x128xf32, #tpu.memory_space<vmem>>
    %get3A_2675 = arith.index_cast %get3A_2670 : i32 to index
    %get3A_2676 = arith.constant 96 : index
    %get3A_2677 = tpu.vector_load %get3A_2674[%get3A_2675, %get3A_2676] {strides = array<i32>} : memref<4x128xf32, #tpu.memory_space<vmem>>, vector<16xf32>,
    %get3A_2678 = arith.constant 0 : i32
    %get3A_2679 = arith.constant 1 : i32
    %get3A_2680 = arith.constant 0 : i32
    %get3A_2681 = arith.constant 0 : i32
    %get3A_2682 = tpu.memref_slice %arg7[%get3A_2678, %get3A_2680, %get3A_2681] : memref<2x4x128xf32, #tpu.memory_space<vmem>> -> memref<1x4x128xf32, #tpu.memory_space<vmem>>
    %get3A_2683 = tpu.memref_squeeze %get3A_2682 : memref<1x4x128xf32, #tpu.memory_space<vmem>> -> memref<4x128xf32, #tpu.memory_space<vmem>>
    %get3A_2684 = arith.index_cast %get3A_2679 : i32 to index
    %get3A_2685 = arith.constant 96 : index
    %get3A_2686 = tpu.vector_load %get3A_2683[%get3A_2684, %get3A_2685] {strides = array<i32>} : memref<4x128xf32, #tpu.memory_space<vmem>>, vector<16xf32>,
    %add3A_2687 = arith.addf %get3A_2677, %get3A_2686 : vector<16xf32>
    %get3A_2688 = arith.constant 0 : i32
    %get3A_2689 = arith.constant 2 : i32
    %get3A_2690 = arith.constant 0 : i32
    %get3A_2691 = arith.constant 0 : i32
    %get3A_2692 = tpu.memref_slice %arg7[%get3A_2688, %get3A_2690, %get3A_2691] : memref<2x4x128xf32, #tpu.memory_space<vmem>> -> memref<1x4x128xf32, #tpu.memory_space<vmem>>
    %get3A_2693 = tpu.memref_squeeze %get3A_2692 : memref<1x4x128xf32, #tpu.memory_space<vmem>> -> memref<4x128xf32, #tpu.memory_space<vmem>>
    %get3A_2694 = arith.index_cast %get3A_2689 : i32 to index
    %get3A_2695 = arith.constant 96 : index
    %get3A_2696 = tpu.vector_load %get3A_2693[%get3A_2694, %get3A_2695] {strides = array<i32>} : memref<4x128xf32, #tpu.memory_space<vmem>>, vector<16xf32>,
    %add3A_2697 = arith.addf %add3A_2687, %get3A_2696 : vector<16xf32>
    %get3A_2698 = arith.constant 0 : i32
    %get3A_2699 = arith.constant 3 : i32
    %get3A_2700 = arith.constant 0 : i32
    %get3A_2701 = arith.constant 0 : i32
    %get3A_2702 = tpu.memref_slice %arg7[%get3A_2698, %get3A_2700, %get3A_2701] : memref<2x4x128xf32, #tpu.memory_space<vmem>> -> memref<1x4x128xf32, #tpu.memory_space<vmem>>
    %get3A_2703 = tpu.memref_squeeze %get3A_2702 : memref<1x4x128xf32, #tpu.memory_space<vmem>> -> memref<4x128xf32, #tpu.memory_space<vmem>>
    %get3A_2704 = arith.index_cast %get3A_2699 : i32 to index
    %get3A_2705 = arith.constant 96 : index
    %get3A_2706 = tpu.vector_load %get3A_2703[%get3A_2704, %get3A_2705] {strides = array<i32>} : memref<4x128xf32, #tpu.memory_space<vmem>>, vector<16xf32>,
    %add3A_2707 = arith.addf %add3A_2697, %get3A_2706 : vector<16xf32>
    %gt3A_2708 = arith.constant 1.000000e+02 : f32
    %gt3A_2709 = vector.broadcast %gt3A_2708 : f32 to vector<16xf32>
    %gt3A_2710 = arith.cmpf ogt, %add3A_2707, %gt3A_2709 : vector<16xf32>
    %not3A_2711 = arith.constant dense<true> : vector<16xi1>
    %not3A_2712 = arith.xori %gt3A_2710, %not3A_2711 : vector<16xi1>
    %and3A_2713 = arith.andi %and3A_881, %not3A_2712 : vector<16xi1>
    %and3A_2714 = arith.andi %and3A_2668, %and3A_2713 : vector<16xi1>
    %get3A_2715 = arith.constant 0 : i32
    %get3A_2716 = arith.constant 0 : i32
    %get3A_2717 = arith.constant 0 : i32
    %get3A_2718 = arith.constant 0 : i32
    %get3A_2719 = tpu.memref_slice %arg7[%get3A_2715, %get3A_2717, %get3A_2718] : memref<2x4x128xf32, #tpu.memory_space<vmem>> -> memref<1x4x128xf32, #tpu.memory_space<vmem>>
    %get3A_2720 = tpu.memref_squeeze %get3A_2719 : memref<1x4x128xf32, #tpu.memory_space<vmem>> -> memref<4x128xf32, #tpu.memory_space<vmem>>
    %get3A_2721 = arith.index_cast %get3A_2716 : i32 to index
    %get3A_2722 = arith.constant 112 : index
    %get3A_2723 = tpu.vector_load %get3A_2720[%get3A_2721, %get3A_2722] {strides = array<i32>} : memref<4x128xf32, #tpu.memory_space<vmem>>, vector<16xf32>,
    %get3A_2724 = arith.constant 0 : i32
    %get3A_2725 = arith.constant 1 : i32
    %get3A_2726 = arith.constant 0 : i32
    %get3A_2727 = arith.constant 0 : i32
    %get3A_2728 = tpu.memref_slice %arg7[%get3A_2724, %get3A_2726, %get3A_2727] : memref<2x4x128xf32, #tpu.memory_space<vmem>> -> memref<1x4x128xf32, #tpu.memory_space<vmem>>
    %get3A_2729 = tpu.memref_squeeze %get3A_2728 : memref<1x4x128xf32, #tpu.memory_space<vmem>> -> memref<4x128xf32, #tpu.memory_space<vmem>>
    %get3A_2730 = arith.index_cast %get3A_2725 : i32 to index
    %get3A_2731 = arith.constant 112 : index
    %get3A_2732 = tpu.vector_load %get3A_2729[%get3A_2730, %get3A_2731] {strides = array<i32>} : memref<4x128xf32, #tpu.memory_space<vmem>>, vector<16xf32>,
    %add3A_2733 = arith.addf %get3A_2723, %get3A_2732 : vector<16xf32>
    %get3A_2734 = arith.constant 0 : i32
    %get3A_2735 = arith.constant 2 : i32
    %get3A_2736 = arith.constant 0 : i32
    %get3A_2737 = arith.constant 0 : i32
    %get3A_2738 = tpu.memref_slice %arg7[%get3A_2734, %get3A_2736, %get3A_2737] : memref<2x4x128xf32, #tpu.memory_space<vmem>> -> memref<1x4x128xf32, #tpu.memory_space<vmem>>
    %get3A_2739 = tpu.memref_squeeze %get3A_2738 : memref<1x4x128xf32, #tpu.memory_space<vmem>> -> memref<4x128xf32, #tpu.memory_space<vmem>>
    %get3A_2740 = arith.index_cast %get3A_2735 : i32 to index
    %get3A_2741 = arith.constant 112 : index
    %get3A_2742 = tpu.vector_load %get3A_2739[%get3A_2740, %get3A_2741] {strides = array<i32>} : memref<4x128xf32, #tpu.memory_space<vmem>>, vector<16xf32>,
    %add3A_2743 = arith.addf %add3A_2733, %get3A_2742 : vector<16xf32>
    %get3A_2744 = arith.constant 0 : i32
    %get3A_2745 = arith.constant 3 : i32
    %get3A_2746 = arith.constant 0 : i32
    %get3A_2747 = arith.constant 0 : i32
    %get3A_2748 = tpu.memref_slice %arg7[%get3A_2744, %get3A_2746, %get3A_2747] : memref<2x4x128xf32, #tpu.memory_space<vmem>> -> memref<1x4x128xf32, #tpu.memory_space<vmem>>
    %get3A_2749 = tpu.memref_squeeze %get3A_2748 : memref<1x4x128xf32, #tpu.memory_space<vmem>> -> memref<4x128xf32, #tpu.memory_space<vmem>>
    %get3A_2750 = arith.index_cast %get3A_2745 : i32 to index
    %get3A_2751 = arith.constant 112 : index
    %get3A_2752 = tpu.vector_load %get3A_2749[%get3A_2750, %get3A_2751] {strides = array<i32>} : memref<4x128xf32, #tpu.memory_space<vmem>>, vector<16xf32>,
    %add3A_2753 = arith.addf %add3A_2743, %get3A_2752 : vector<16xf32>
    %gt3A_2754 = arith.constant 1.000000e+02 : f32
    %gt3A_2755 = vector.broadcast %gt3A_2754 : f32 to vector<16xf32>
    %gt3A_2756 = arith.cmpf ogt, %add3A_2753, %gt3A_2755 : vector<16xf32>
    %not3A_2757 = arith.constant dense<true> : vector<16xi1>
    %not3A_2758 = arith.xori %gt3A_2756, %not3A_2757 : vector<16xi1>
    %and3A_2759 = arith.andi %and3A_1012, %not3A_2758 : vector<16xi1>
    %and3A_2760 = arith.andi %and3A_2714, %and3A_2759 : vector<16xi1>
    %reduce_and3A = arith.constant 1.000000e+00 : f32
    %reduce_and3A_2761 = arith.constant 0.000000e+00 : f32
    %reduce_and3A_2762 = vector.broadcast %reduce_and3A : f32 to vector<16xf32>
    %reduce_and3A_2763 = vector.broadcast %reduce_and3A_2761 : f32 to vector<16xf32>
    %reduce_and3A_2764 = arith.select %and3A_2760, %reduce_and3A_2762, %reduce_and3A_2763 : vector<16xi1>, vector<16xf32>
    %reduce_and3A_2765 = arith.constant true
    %reduce_and3A_2766 = vector.broadcast %reduce_and3A_2765 : i1 to vector<16xi1>
    %reduce_and3A_2767 = tpu.scan <min>, %reduce_and3A_2764 masked %reduce_and3A_2766 : vector<16xf32>, vector<16xi1> -> vector<16xf32>
    %reduce_and3A_2768 = vector.extract %reduce_and3A_2767[15] : f32 from vector<16xf32>
    %reduce_and3A_2769 = arith.constant 0.000000e+00 : f32
    %reduce_and3A_2770 = arith.cmpf ogt, %reduce_and3A_2768, %reduce_and3A_2769 : f32
    %convert_element_type3A_2771 = arith.extui %reduce_and3A_2770 : i1 to i32
    %dma_wait3A_2772 = arith.constant 1 : i32
    %dma_wait3A_2773 = arith.constant 0 : i32
    %dma_wait3A_2774 = arith.constant 1 : i32
    %dma_wait3A_2775 = arith.constant 0 : i32
    %dma_wait3A_2776 = arith.constant 0 : i32
    %dma_wait3A_2777 = arith.constant 0 : i32
    %dma_wait3A_2778 = tpu.memref_slice %arg7[%dma_wait3A_2774, %dma_wait3A_2776, %dma_wait3A_2777] : memref<2x4x128xf32, #tpu.memory_space<vmem>> -> memref<1x4x128xf32, #tpu.memory_space<vmem>>
    %dma_wait3A_2779 = tpu.memref_squeeze %dma_wait3A_2778 : memref<1x4x128xf32, #tpu.memory_space<vmem>> -> memref<4x128xf32, #tpu.memory_space<vmem>>
    %dma_wait3A_2780 = arith.constant 0 : i32
    %dma_wait3A_2781 = tpu.memref_slice %dma_wait3A_2779[%dma_wait3A_2775, %dma_wait3A_2780] : memref<4x128xf32, #tpu.memory_space<vmem>> -> memref<1x128xf32, #tpu.memory_space<vmem>>
    %dma_wait3A_2782 = tpu.memref_squeeze %dma_wait3A_2781 : memref<1x128xf32, #tpu.memory_space<vmem>> -> memref<128xf32, #tpu.memory_space<vmem>>
    %dma_wait3A_2783 = arith.constant 0 : i32
    %dma_wait3A_2784 = arith.constant 0 : i32
    %dma_wait3A_2785 = tpu.memref_slice %arg6[%dma_wait3A_2772, %dma_wait3A_2783, %dma_wait3A_2784] : memref<2x4x128xi32, #tpu.memory_space<vmem>> -> memref<1x4x128xi32, #tpu.memory_space<vmem>>
    %dma_wait3A_2786 = tpu.memref_squeeze %dma_wait3A_2785 : memref<1x4x128xi32, #tpu.memory_space<vmem>> -> memref<4x128xi32, #tpu.memory_space<vmem>>
    %dma_wait3A_2787 = arith.constant 0 : i32
    %dma_wait3A_2788 = tpu.memref_slice %dma_wait3A_2786[%dma_wait3A_2773, %dma_wait3A_2787] : memref<4x128xi32, #tpu.memory_space<vmem>> -> memref<1x128xi32, #tpu.memory_space<vmem>>
    %dma_wait3A_2789 = tpu.memref_squeeze %dma_wait3A_2788 : memref<1x128xi32, #tpu.memory_space<vmem>> -> memref<128xi32, #tpu.memory_space<vmem>>
    %dma_wait3A_2790 = arith.constant 0 : i32
    %dma_wait3A_2791 = tpu.memref_slice %arg3[%dma_wait3A_2790] : memref<16777216xf32, #tpu.memory_space<hbm>> -> memref<16777216xf32, #tpu.memory_space<hbm>>
    tpu.wait_indirect_dma semaphore(%arg13 : memref<!tpu.dma_semaphore, #tpu.memory_space<semaphore_mem>>) src(%dma_wait3A_2791 : memref<16777216xf32, #tpu.memory_space<hbm>>) dst(%dma_wait3A_2782 : memref<128xf32, #tpu.memory_space<vmem>>)
    %dma_wait3A_2792 = arith.constant 1 : i32
    %dma_wait3A_2793 = arith.constant 1 : i32
    %dma_wait3A_2794 = arith.constant 1 : i32
    %dma_wait3A_2795 = arith.constant 1 : i32
    %dma_wait3A_2796 = arith.constant 0 : i32
    %dma_wait3A_2797 = arith.constant 0 : i32
    %dma_wait3A_2798 = tpu.memref_slice %arg7[%dma_wait3A_2794, %dma_wait3A_2796, %dma_wait3A_2797] : memref<2x4x128xf32, #tpu.memory_space<vmem>> -> memref<1x4x128xf32, #tpu.memory_space<vmem>>
    %dma_wait3A_2799 = tpu.memref_squeeze %dma_wait3A_2798 : memref<1x4x128xf32, #tpu.memory_space<vmem>> -> memref<4x128xf32, #tpu.memory_space<vmem>>
    %dma_wait3A_2800 = arith.constant 0 : i32
    %dma_wait3A_2801 = tpu.memref_slice %dma_wait3A_2799[%dma_wait3A_2795, %dma_wait3A_2800] : memref<4x128xf32, #tpu.memory_space<vmem>> -> memref<1x128xf32, #tpu.memory_space<vmem>>
    %dma_wait3A_2802 = tpu.memref_squeeze %dma_wait3A_2801 : memref<1x128xf32, #tpu.memory_space<vmem>> -> memref<128xf32, #tpu.memory_space<vmem>>
    %dma_wait3A_2803 = arith.constant 0 : i32
    %dma_wait3A_2804 = arith.constant 0 : i32
    %dma_wait3A_2805 = tpu.memref_slice %arg6[%dma_wait3A_2792, %dma_wait3A_2803, %dma_wait3A_2804] : memref<2x4x128xi32, #tpu.memory_space<vmem>> -> memref<1x4x128xi32, #tpu.memory_space<vmem>>
    %dma_wait3A_2806 = tpu.memref_squeeze %dma_wait3A_2805 : memref<1x4x128xi32, #tpu.memory_space<vmem>> -> memref<4x128xi32, #tpu.memory_space<vmem>>
    %dma_wait3A_2807 = arith.constant 0 : i32
    %dma_wait3A_2808 = tpu.memref_slice %dma_wait3A_2806[%dma_wait3A_2793, %dma_wait3A_2807] : memref<4x128xi32, #tpu.memory_space<vmem>> -> memref<1x128xi32, #tpu.memory_space<vmem>>
    %dma_wait3A_2809 = tpu.memref_squeeze %dma_wait3A_2808 : memref<1x128xi32, #tpu.memory_space<vmem>> -> memref<128xi32, #tpu.memory_space<vmem>>
    %dma_wait3A_2810 = arith.constant 0 : i32
    %dma_wait3A_2811 = tpu.memref_slice %arg3[%dma_wait3A_2810] : memref<16777216xf32, #tpu.memory_space<hbm>> -> memref<16777216xf32, #tpu.memory_space<hbm>>
    tpu.wait_indirect_dma semaphore(%arg13 : memref<!tpu.dma_semaphore, #tpu.memory_space<semaphore_mem>>) src(%dma_wait3A_2811 : memref<16777216xf32, #tpu.memory_space<hbm>>) dst(%dma_wait3A_2802 : memref<128xf32, #tpu.memory_space<vmem>>)
    %dma_wait3A_2812 = arith.constant 1 : i32
    %dma_wait3A_2813 = arith.constant 2 : i32
    %dma_wait3A_2814 = arith.constant 1 : i32
    %dma_wait3A_2815 = arith.constant 2 : i32
    %dma_wait3A_2816 = arith.constant 0 : i32
    %dma_wait3A_2817 = arith.constant 0 : i32
    %dma_wait3A_2818 = tpu.memref_slice %arg7[%dma_wait3A_2814, %dma_wait3A_2816, %dma_wait3A_2817] : memref<2x4x128xf32, #tpu.memory_space<vmem>> -> memref<1x4x128xf32, #tpu.memory_space<vmem>>
    %dma_wait3A_2819 = tpu.memref_squeeze %dma_wait3A_2818 : memref<1x4x128xf32, #tpu.memory_space<vmem>> -> memref<4x128xf32, #tpu.memory_space<vmem>>
    %dma_wait3A_2820 = arith.constant 0 : i32
    %dma_wait3A_2821 = tpu.memref_slice %dma_wait3A_2819[%dma_wait3A_2815, %dma_wait3A_2820] : memref<4x128xf32, #tpu.memory_space<vmem>> -> memref<1x128xf32, #tpu.memory_space<vmem>>
    %dma_wait3A_2822 = tpu.memref_squeeze %dma_wait3A_2821 : memref<1x128xf32, #tpu.memory_space<vmem>> -> memref<128xf32, #tpu.memory_space<vmem>>
    %dma_wait3A_2823 = arith.constant 0 : i32
    %dma_wait3A_2824 = arith.constant 0 : i32
    %dma_wait3A_2825 = tpu.memref_slice %arg6[%dma_wait3A_2812, %dma_wait3A_2823, %dma_wait3A_2824] : memref<2x4x128xi32, #tpu.memory_space<vmem>> -> memref<1x4x128xi32, #tpu.memory_space<vmem>>
    %dma_wait3A_2826 = tpu.memref_squeeze %dma_wait3A_2825 : memref<1x4x128xi32, #tpu.memory_space<vmem>> -> memref<4x128xi32, #tpu.memory_space<vmem>>
    %dma_wait3A_2827 = arith.constant 0 : i32
    %dma_wait3A_2828 = tpu.memref_slice %dma_wait3A_2826[%dma_wait3A_2813, %dma_wait3A_2827] : memref<4x128xi32, #tpu.memory_space<vmem>> -> memref<1x128xi32, #tpu.memory_space<vmem>>
    %dma_wait3A_2829 = tpu.memref_squeeze %dma_wait3A_2828 : memref<1x128xi32, #tpu.memory_space<vmem>> -> memref<128xi32, #tpu.memory_space<vmem>>
    %dma_wait3A_2830 = arith.constant 0 : i32
    %dma_wait3A_2831 = tpu.memref_slice %arg3[%dma_wait3A_2830] : memref<16777216xf32, #tpu.memory_space<hbm>> -> memref<16777216xf32, #tpu.memory_space<hbm>>
    tpu.wait_indirect_dma semaphore(%arg13 : memref<!tpu.dma_semaphore, #tpu.memory_space<semaphore_mem>>) src(%dma_wait3A_2831 : memref<16777216xf32, #tpu.memory_space<hbm>>) dst(%dma_wait3A_2822 : memref<128xf32, #tpu.memory_space<vmem>>)
    %dma_wait3A_2832 = arith.constant 1 : i32
    %dma_wait3A_2833 = arith.constant 3 : i32
    %dma_wait3A_2834 = arith.constant 1 : i32
    %dma_wait3A_2835 = arith.constant 3 : i32
    %dma_wait3A_2836 = arith.constant 0 : i32
    %dma_wait3A_2837 = arith.constant 0 : i32
    %dma_wait3A_2838 = tpu.memref_slice %arg7[%dma_wait3A_2834, %dma_wait3A_2836, %dma_wait3A_2837] : memref<2x4x128xf32, #tpu.memory_space<vmem>> -> memref<1x4x128xf32, #tpu.memory_space<vmem>>
    %dma_wait3A_2839 = tpu.memref_squeeze %dma_wait3A_2838 : memref<1x4x128xf32, #tpu.memory_space<vmem>> -> memref<4x128xf32, #tpu.memory_space<vmem>>
    %dma_wait3A_2840 = arith.constant 0 : i32
    %dma_wait3A_2841 = tpu.memref_slice %dma_wait3A_2839[%dma_wait3A_2835, %dma_wait3A_2840] : memref<4x128xf32, #tpu.memory_space<vmem>> -> memref<1x128xf32, #tpu.memory_space<vmem>>
    %dma_wait3A_2842 = tpu.memref_squeeze %dma_wait3A_2841 : memref<1x128xf32, #tpu.memory_space<vmem>> -> memref<128xf32, #tpu.memory_space<vmem>>
    %dma_wait3A_2843 = arith.constant 0 : i32
    %dma_wait3A_2844 = arith.constant 0 : i32
    %dma_wait3A_2845 = tpu.memref_slice %arg6[%dma_wait3A_2832, %dma_wait3A_2843, %dma_wait3A_2844] : memref<2x4x128xi32, #tpu.memory_space<vmem>> -> memref<1x4x128xi32, #tpu.memory_space<vmem>>
    %dma_wait3A_2846 = tpu.memref_squeeze %dma_wait3A_2845 : memref<1x4x128xi32, #tpu.memory_space<vmem>> -> memref<4x128xi32, #tpu.memory_space<vmem>>
    %dma_wait3A_2847 = arith.constant 0 : i32
    %dma_wait3A_2848 = tpu.memref_slice %dma_wait3A_2846[%dma_wait3A_2833, %dma_wait3A_2847] : memref<4x128xi32, #tpu.memory_space<vmem>> -> memref<1x128xi32, #tpu.memory_space<vmem>>
    %dma_wait3A_2849 = tpu.memref_squeeze %dma_wait3A_2848 : memref<1x128xi32, #tpu.memory_space<vmem>> -> memref<128xi32, #tpu.memory_space<vmem>>
    %dma_wait3A_2850 = arith.constant 0 : i32
    %dma_wait3A_2851 = tpu.memref_slice %arg3[%dma_wait3A_2850] : memref<16777216xf32, #tpu.memory_space<hbm>> -> memref<16777216xf32, #tpu.memory_space<hbm>>
    tpu.wait_indirect_dma semaphore(%arg13 : memref<!tpu.dma_semaphore, #tpu.memory_space<semaphore_mem>>) src(%dma_wait3A_2851 : memref<16777216xf32, #tpu.memory_space<hbm>>) dst(%dma_wait3A_2842 : memref<128xf32, #tpu.memory_space<vmem>>)
    %get3A_2852 = arith.constant 1 : i32
    %get3A_2853 = arith.constant 0 : i32
    %get3A_2854 = arith.constant 0 : i32
    %get3A_2855 = arith.constant 0 : i32
    %get3A_2856 = tpu.memref_slice %arg7[%get3A_2852, %get3A_2854, %get3A_2855] : memref<2x4x128xf32, #tpu.memory_space<vmem>> -> memref<1x4x128xf32, #tpu.memory_space<vmem>>
    %get3A_2857 = tpu.memref_squeeze %get3A_2856 : memref<1x4x128xf32, #tpu.memory_space<vmem>> -> memref<4x128xf32, #tpu.memory_space<vmem>>
    %get3A_2858 = arith.index_cast %get3A_2853 : i32 to index
    %get3A_2859 = arith.constant 0 : index
    %get3A_2860 = tpu.vector_load %get3A_2857[%get3A_2858, %get3A_2859] {strides = array<i32>} : memref<4x128xf32, #tpu.memory_space<vmem>>, vector<16xf32>,
    %get3A_2861 = arith.constant 1 : i32
    %get3A_2862 = arith.constant 1 : i32
    %get3A_2863 = arith.constant 0 : i32
    %get3A_2864 = arith.constant 0 : i32
    %get3A_2865 = tpu.memref_slice %arg7[%get3A_2861, %get3A_2863, %get3A_2864] : memref<2x4x128xf32, #tpu.memory_space<vmem>> -> memref<1x4x128xf32, #tpu.memory_space<vmem>>
    %get3A_2866 = tpu.memref_squeeze %get3A_2865 : memref<1x4x128xf32, #tpu.memory_space<vmem>> -> memref<4x128xf32, #tpu.memory_space<vmem>>
    %get3A_2867 = arith.index_cast %get3A_2862 : i32 to index
    %get3A_2868 = arith.constant 0 : index
    %get3A_2869 = tpu.vector_load %get3A_2866[%get3A_2867, %get3A_2868] {strides = array<i32>} : memref<4x128xf32, #tpu.memory_space<vmem>>, vector<16xf32>,
    %add3A_2870 = arith.addf %get3A_2860, %get3A_2869 : vector<16xf32>
    %get3A_2871 = arith.constant 1 : i32
    %get3A_2872 = arith.constant 2 : i32
    %get3A_2873 = arith.constant 0 : i32
    %get3A_2874 = arith.constant 0 : i32
    %get3A_2875 = tpu.memref_slice %arg7[%get3A_2871, %get3A_2873, %get3A_2874] : memref<2x4x128xf32, #tpu.memory_space<vmem>> -> memref<1x4x128xf32, #tpu.memory_space<vmem>>
    %get3A_2876 = tpu.memref_squeeze %get3A_2875 : memref<1x4x128xf32, #tpu.memory_space<vmem>> -> memref<4x128xf32, #tpu.memory_space<vmem>>
    %get3A_2877 = arith.index_cast %get3A_2872 : i32 to index
    %get3A_2878 = arith.constant 0 : index
    %get3A_2879 = tpu.vector_load %get3A_2876[%get3A_2877, %get3A_2878] {strides = array<i32>} : memref<4x128xf32, #tpu.memory_space<vmem>>, vector<16xf32>,
    %add3A_2880 = arith.addf %add3A_2870, %get3A_2879 : vector<16xf32>
    %get3A_2881 = arith.constant 1 : i32
    %get3A_2882 = arith.constant 3 : i32
    %get3A_2883 = arith.constant 0 : i32
    %get3A_2884 = arith.constant 0 : i32
    %get3A_2885 = tpu.memref_slice %arg7[%get3A_2881, %get3A_2883, %get3A_2884] : memref<2x4x128xf32, #tpu.memory_space<vmem>> -> memref<1x4x128xf32, #tpu.memory_space<vmem>>
    %get3A_2886 = tpu.memref_squeeze %get3A_2885 : memref<1x4x128xf32, #tpu.memory_space<vmem>> -> memref<4x128xf32, #tpu.memory_space<vmem>>
    %get3A_2887 = arith.index_cast %get3A_2882 : i32 to index
    %get3A_2888 = arith.constant 0 : index
    %get3A_2889 = tpu.vector_load %get3A_2886[%get3A_2887, %get3A_2888] {strides = array<i32>} : memref<4x128xf32, #tpu.memory_space<vmem>>, vector<16xf32>,
    %add3A_2890 = arith.addf %add3A_2880, %get3A_2889 : vector<16xf32>
    %gt3A_2891 = arith.constant 1.000000e+02 : f32
    %gt3A_2892 = vector.broadcast %gt3A_2891 : f32 to vector<16xf32>
    %gt3A_2893 = arith.cmpf ogt, %add3A_2890, %gt3A_2892 : vector<16xf32>
    %not3A_2894 = arith.constant dense<true> : vector<16xi1>
    %not3A_2895 = arith.xori %gt3A_2893, %not3A_2894 : vector<16xi1>
    %and3A_2896 = arith.andi %and3A_1240, %not3A_2895 : vector<16xi1>
    %get3A_2897 = arith.constant 1 : i32
    %get3A_2898 = arith.constant 0 : i32
    %get3A_2899 = arith.constant 0 : i32
    %get3A_2900 = arith.constant 0 : i32
    %get3A_2901 = tpu.memref_slice %arg7[%get3A_2897, %get3A_2899, %get3A_2900] : memref<2x4x128xf32, #tpu.memory_space<vmem>> -> memref<1x4x128xf32, #tpu.memory_space<vmem>>
    %get3A_2902 = tpu.memref_squeeze %get3A_2901 : memref<1x4x128xf32, #tpu.memory_space<vmem>> -> memref<4x128xf32, #tpu.memory_space<vmem>>
    %get3A_2903 = arith.index_cast %get3A_2898 : i32 to index
    %get3A_2904 = arith.constant 16 : index
    %get3A_2905 = tpu.vector_load %get3A_2902[%get3A_2903, %get3A_2904] {strides = array<i32>} : memref<4x128xf32, #tpu.memory_space<vmem>>, vector<16xf32>,
    %get3A_2906 = arith.constant 1 : i32
    %get3A_2907 = arith.constant 1 : i32
    %get3A_2908 = arith.constant 0 : i32
    %get3A_2909 = arith.constant 0 : i32
    %get3A_2910 = tpu.memref_slice %arg7[%get3A_2906, %get3A_2908, %get3A_2909] : memref<2x4x128xf32, #tpu.memory_space<vmem>> -> memref<1x4x128xf32, #tpu.memory_space<vmem>>
    %get3A_2911 = tpu.memref_squeeze %get3A_2910 : memref<1x4x128xf32, #tpu.memory_space<vmem>> -> memref<4x128xf32, #tpu.memory_space<vmem>>
    %get3A_2912 = arith.index_cast %get3A_2907 : i32 to index
    %get3A_2913 = arith.constant 16 : index
    %get3A_2914 = tpu.vector_load %get3A_2911[%get3A_2912, %get3A_2913] {strides = array<i32>} : memref<4x128xf32, #tpu.memory_space<vmem>>, vector<16xf32>,
    %add3A_2915 = arith.addf %get3A_2905, %get3A_2914 : vector<16xf32>
    %get3A_2916 = arith.constant 1 : i32
    %get3A_2917 = arith.constant 2 : i32
    %get3A_2918 = arith.constant 0 : i32
    %get3A_2919 = arith.constant 0 : i32
    %get3A_2920 = tpu.memref_slice %arg7[%get3A_2916, %get3A_2918, %get3A_2919] : memref<2x4x128xf32, #tpu.memory_space<vmem>> -> memref<1x4x128xf32, #tpu.memory_space<vmem>>
    %get3A_2921 = tpu.memref_squeeze %get3A_2920 : memref<1x4x128xf32, #tpu.memory_space<vmem>> -> memref<4x128xf32, #tpu.memory_space<vmem>>
    %get3A_2922 = arith.index_cast %get3A_2917 : i32 to index
    %get3A_2923 = arith.constant 16 : index
    %get3A_2924 = tpu.vector_load %get3A_2921[%get3A_2922, %get3A_2923] {strides = array<i32>} : memref<4x128xf32, #tpu.memory_space<vmem>>, vector<16xf32>,
    %add3A_2925 = arith.addf %add3A_2915, %get3A_2924 : vector<16xf32>
    %get3A_2926 = arith.constant 1 : i32
    %get3A_2927 = arith.constant 3 : i32
    %get3A_2928 = arith.constant 0 : i32
    %get3A_2929 = arith.constant 0 : i32
    %get3A_2930 = tpu.memref_slice %arg7[%get3A_2926, %get3A_2928, %get3A_2929] : memref<2x4x128xf32, #tpu.memory_space<vmem>> -> memref<1x4x128xf32, #tpu.memory_space<vmem>>
    %get3A_2931 = tpu.memref_squeeze %get3A_2930 : memref<1x4x128xf32, #tpu.memory_space<vmem>> -> memref<4x128xf32, #tpu.memory_space<vmem>>
    %get3A_2932 = arith.index_cast %get3A_2927 : i32 to index
    %get3A_2933 = arith.constant 16 : index
    %get3A_2934 = tpu.vector_load %get3A_2931[%get3A_2932, %get3A_2933] {strides = array<i32>} : memref<4x128xf32, #tpu.memory_space<vmem>>, vector<16xf32>,
    %add3A_2935 = arith.addf %add3A_2925, %get3A_2934 : vector<16xf32>
    %gt3A_2936 = arith.constant 1.000000e+02 : f32
    %gt3A_2937 = vector.broadcast %gt3A_2936 : f32 to vector<16xf32>
    %gt3A_2938 = arith.cmpf ogt, %add3A_2935, %gt3A_2937 : vector<16xf32>
    %not3A_2939 = arith.constant dense<true> : vector<16xi1>
    %not3A_2940 = arith.xori %gt3A_2938, %not3A_2939 : vector<16xi1>
    %and3A_2941 = arith.andi %and3A_1371, %not3A_2940 : vector<16xi1>
    %and3A_2942 = arith.andi %and3A_2896, %and3A_2941 : vector<16xi1>
    %get3A_2943 = arith.constant 1 : i32
    %get3A_2944 = arith.constant 0 : i32
    %get3A_2945 = arith.constant 0 : i32
    %get3A_2946 = arith.constant 0 : i32
    %get3A_2947 = tpu.memref_slice %arg7[%get3A_2943, %get3A_2945, %get3A_2946] : memref<2x4x128xf32, #tpu.memory_space<vmem>> -> memref<1x4x128xf32, #tpu.memory_space<vmem>>
    %get3A_2948 = tpu.memref_squeeze %get3A_2947 : memref<1x4x128xf32, #tpu.memory_space<vmem>> -> memref<4x128xf32, #tpu.memory_space<vmem>>
    %get3A_2949 = arith.index_cast %get3A_2944 : i32 to index
    %get3A_2950 = arith.constant 32 : index
    %get3A_2951 = tpu.vector_load %get3A_2948[%get3A_2949, %get3A_2950] {strides = array<i32>} : memref<4x128xf32, #tpu.memory_space<vmem>>, vector<16xf32>,
    %get3A_2952 = arith.constant 1 : i32
    %get3A_2953 = arith.constant 1 : i32
    %get3A_2954 = arith.constant 0 : i32
    %get3A_2955 = arith.constant 0 : i32
    %get3A_2956 = tpu.memref_slice %arg7[%get3A_2952, %get3A_2954, %get3A_2955] : memref<2x4x128xf32, #tpu.memory_space<vmem>> -> memref<1x4x128xf32, #tpu.memory_space<vmem>>
    %get3A_2957 = tpu.memref_squeeze %get3A_2956 : memref<1x4x128xf32, #tpu.memory_space<vmem>> -> memref<4x128xf32, #tpu.memory_space<vmem>>
    %get3A_2958 = arith.index_cast %get3A_2953 : i32 to index
    %get3A_2959 = arith.constant 32 : index
    %get3A_2960 = tpu.vector_load %get3A_2957[%get3A_2958, %get3A_2959] {strides = array<i32>} : memref<4x128xf32, #tpu.memory_space<vmem>>, vector<16xf32>,
    %add3A_2961 = arith.addf %get3A_2951, %get3A_2960 : vector<16xf32>
    %get3A_2962 = arith.constant 1 : i32
    %get3A_2963 = arith.constant 2 : i32
    %get3A_2964 = arith.constant 0 : i32
    %get3A_2965 = arith.constant 0 : i32
    %get3A_2966 = tpu.memref_slice %arg7[%get3A_2962, %get3A_2964, %get3A_2965] : memref<2x4x128xf32, #tpu.memory_space<vmem>> -> memref<1x4x128xf32, #tpu.memory_space<vmem>>
    %get3A_2967 = tpu.memref_squeeze %get3A_2966 : memref<1x4x128xf32, #tpu.memory_space<vmem>> -> memref<4x128xf32, #tpu.memory_space<vmem>>
    %get3A_2968 = arith.index_cast %get3A_2963 : i32 to index
    %get3A_2969 = arith.constant 32 : index
    %get3A_2970 = tpu.vector_load %get3A_2967[%get3A_2968, %get3A_2969] {strides = array<i32>} : memref<4x128xf32, #tpu.memory_space<vmem>>, vector<16xf32>,
    %add3A_2971 = arith.addf %add3A_2961, %get3A_2970 : vector<16xf32>
    %get3A_2972 = arith.constant 1 : i32
    %get3A_2973 = arith.constant 3 : i32
    %get3A_2974 = arith.constant 0 : i32
    %get3A_2975 = arith.constant 0 : i32
    %get3A_2976 = tpu.memref_slice %arg7[%get3A_2972, %get3A_2974, %get3A_2975] : memref<2x4x128xf32, #tpu.memory_space<vmem>> -> memref<1x4x128xf32, #tpu.memory_space<vmem>>
    %get3A_2977 = tpu.memref_squeeze %get3A_2976 : memref<1x4x128xf32, #tpu.memory_space<vmem>> -> memref<4x128xf32, #tpu.memory_space<vmem>>
    %get3A_2978 = arith.index_cast %get3A_2973 : i32 to index
    %get3A_2979 = arith.constant 32 : index
    %get3A_2980 = tpu.vector_load %get3A_2977[%get3A_2978, %get3A_2979] {strides = array<i32>} : memref<4x128xf32, #tpu.memory_space<vmem>>, vector<16xf32>,
    %add3A_2981 = arith.addf %add3A_2971, %get3A_2980 : vector<16xf32>
    %gt3A_2982 = arith.constant 1.000000e+02 : f32
    %gt3A_2983 = vector.broadcast %gt3A_2982 : f32 to vector<16xf32>
    %gt3A_2984 = arith.cmpf ogt, %add3A_2981, %gt3A_2983 : vector<16xf32>
    %not3A_2985 = arith.constant dense<true> : vector<16xi1>
    %not3A_2986 = arith.xori %gt3A_2984, %not3A_2985 : vector<16xi1>
    %and3A_2987 = arith.andi %and3A_1502, %not3A_2986 : vector<16xi1>
    %and3A_2988 = arith.andi %and3A_2942, %and3A_2987 : vector<16xi1>
    %get3A_2989 = arith.constant 1 : i32
    %get3A_2990 = arith.constant 0 : i32
    %get3A_2991 = arith.constant 0 : i32
    %get3A_2992 = arith.constant 0 : i32
    %get3A_2993 = tpu.memref_slice %arg7[%get3A_2989, %get3A_2991, %get3A_2992] : memref<2x4x128xf32, #tpu.memory_space<vmem>> -> memref<1x4x128xf32, #tpu.memory_space<vmem>>
    %get3A_2994 = tpu.memref_squeeze %get3A_2993 : memref<1x4x128xf32, #tpu.memory_space<vmem>> -> memref<4x128xf32, #tpu.memory_space<vmem>>
    %get3A_2995 = arith.index_cast %get3A_2990 : i32 to index
    %get3A_2996 = arith.constant 48 : index
    %get3A_2997 = tpu.vector_load %get3A_2994[%get3A_2995, %get3A_2996] {strides = array<i32>} : memref<4x128xf32, #tpu.memory_space<vmem>>, vector<16xf32>,
    %get3A_2998 = arith.constant 1 : i32
    %get3A_2999 = arith.constant 1 : i32
    %get3A_3000 = arith.constant 0 : i32
    %get3A_3001 = arith.constant 0 : i32
    %get3A_3002 = tpu.memref_slice %arg7[%get3A_2998, %get3A_3000, %get3A_3001] : memref<2x4x128xf32, #tpu.memory_space<vmem>> -> memref<1x4x128xf32, #tpu.memory_space<vmem>>
    %get3A_3003 = tpu.memref_squeeze %get3A_3002 : memref<1x4x128xf32, #tpu.memory_space<vmem>> -> memref<4x128xf32, #tpu.memory_space<vmem>>
    %get3A_3004 = arith.index_cast %get3A_2999 : i32 to index
    %get3A_3005 = arith.constant 48 : index
    %get3A_3006 = tpu.vector_load %get3A_3003[%get3A_3004, %get3A_3005] {strides = array<i32>} : memref<4x128xf32, #tpu.memory_space<vmem>>, vector<16xf32>,
    %add3A_3007 = arith.addf %get3A_2997, %get3A_3006 : vector<16xf32>
    %get3A_3008 = arith.constant 1 : i32
    %get3A_3009 = arith.constant 2 : i32
    %get3A_3010 = arith.constant 0 : i32
    %get3A_3011 = arith.constant 0 : i32
    %get3A_3012 = tpu.memref_slice %arg7[%get3A_3008, %get3A_3010, %get3A_3011] : memref<2x4x128xf32, #tpu.memory_space<vmem>> -> memref<1x4x128xf32, #tpu.memory_space<vmem>>
    %get3A_3013 = tpu.memref_squeeze %get3A_3012 : memref<1x4x128xf32, #tpu.memory_space<vmem>> -> memref<4x128xf32, #tpu.memory_space<vmem>>
    %get3A_3014 = arith.index_cast %get3A_3009 : i32 to index
    %get3A_3015 = arith.constant 48 : index
    %get3A_3016 = tpu.vector_load %get3A_3013[%get3A_3014, %get3A_3015] {strides = array<i32>} : memref<4x128xf32, #tpu.memory_space<vmem>>, vector<16xf32>,
    %add3A_3017 = arith.addf %add3A_3007, %get3A_3016 : vector<16xf32>
    %get3A_3018 = arith.constant 1 : i32
    %get3A_3019 = arith.constant 3 : i32
    %get3A_3020 = arith.constant 0 : i32
    %get3A_3021 = arith.constant 0 : i32
    %get3A_3022 = tpu.memref_slice %arg7[%get3A_3018, %get3A_3020, %get3A_3021] : memref<2x4x128xf32, #tpu.memory_space<vmem>> -> memref<1x4x128xf32, #tpu.memory_space<vmem>>
    %get3A_3023 = tpu.memref_squeeze %get3A_3022 : memref<1x4x128xf32, #tpu.memory_space<vmem>> -> memref<4x128xf32, #tpu.memory_space<vmem>>
    %get3A_3024 = arith.index_cast %get3A_3019 : i32 to index
    %get3A_3025 = arith.constant 48 : index
    %get3A_3026 = tpu.vector_load %get3A_3023[%get3A_3024, %get3A_3025] {strides = array<i32>} : memref<4x128xf32, #tpu.memory_space<vmem>>, vector<16xf32>,
    %add3A_3027 = arith.addf %add3A_3017, %get3A_3026 : vector<16xf32>
    %gt3A_3028 = arith.constant 1.000000e+02 : f32
    %gt3A_3029 = vector.broadcast %gt3A_3028 : f32 to vector<16xf32>
    %gt3A_3030 = arith.cmpf ogt, %add3A_3027, %gt3A_3029 : vector<16xf32>
    %not3A_3031 = arith.constant dense<true> : vector<16xi1>
    %not3A_3032 = arith.xori %gt3A_3030, %not3A_3031 : vector<16xi1>
    %and3A_3033 = arith.andi %and3A_1633, %not3A_3032 : vector<16xi1>
    %and3A_3034 = arith.andi %and3A_2988, %and3A_3033 : vector<16xi1>
    %get3A_3035 = arith.constant 1 : i32
    %get3A_3036 = arith.constant 0 : i32
    %get3A_3037 = arith.constant 0 : i32
    %get3A_3038 = arith.constant 0 : i32
    %get3A_3039 = tpu.memref_slice %arg7[%get3A_3035, %get3A_3037, %get3A_3038] : memref<2x4x128xf32, #tpu.memory_space<vmem>> -> memref<1x4x128xf32, #tpu.memory_space<vmem>>
    %get3A_3040 = tpu.memref_squeeze %get3A_3039 : memref<1x4x128xf32, #tpu.memory_space<vmem>> -> memref<4x128xf32, #tpu.memory_space<vmem>>
    %get3A_3041 = arith.index_cast %get3A_3036 : i32 to index
    %get3A_3042 = arith.constant 64 : index
    %get3A_3043 = tpu.vector_load %get3A_3040[%get3A_3041, %get3A_3042] {strides = array<i32>} : memref<4x128xf32, #tpu.memory_space<vmem>>, vector<16xf32>,
    %get3A_3044 = arith.constant 1 : i32
    %get3A_3045 = arith.constant 1 : i32
    %get3A_3046 = arith.constant 0 : i32
    %get3A_3047 = arith.constant 0 : i32
    %get3A_3048 = tpu.memref_slice %arg7[%get3A_3044, %get3A_3046, %get3A_3047] : memref<2x4x128xf32, #tpu.memory_space<vmem>> -> memref<1x4x128xf32, #tpu.memory_space<vmem>>
    %get3A_3049 = tpu.memref_squeeze %get3A_3048 : memref<1x4x128xf32, #tpu.memory_space<vmem>> -> memref<4x128xf32, #tpu.memory_space<vmem>>
    %get3A_3050 = arith.index_cast %get3A_3045 : i32 to index
    %get3A_3051 = arith.constant 64 : index
    %get3A_3052 = tpu.vector_load %get3A_3049[%get3A_3050, %get3A_3051] {strides = array<i32>} : memref<4x128xf32, #tpu.memory_space<vmem>>, vector<16xf32>,
    %add3A_3053 = arith.addf %get3A_3043, %get3A_3052 : vector<16xf32>
    %get3A_3054 = arith.constant 1 : i32
    %get3A_3055 = arith.constant 2 : i32
    %get3A_3056 = arith.constant 0 : i32
    %get3A_3057 = arith.constant 0 : i32
    %get3A_3058 = tpu.memref_slice %arg7[%get3A_3054, %get3A_3056, %get3A_3057] : memref<2x4x128xf32, #tpu.memory_space<vmem>> -> memref<1x4x128xf32, #tpu.memory_space<vmem>>
    %get3A_3059 = tpu.memref_squeeze %get3A_3058 : memref<1x4x128xf32, #tpu.memory_space<vmem>> -> memref<4x128xf32, #tpu.memory_space<vmem>>
    %get3A_3060 = arith.index_cast %get3A_3055 : i32 to index
    %get3A_3061 = arith.constant 64 : index
    %get3A_3062 = tpu.vector_load %get3A_3059[%get3A_3060, %get3A_3061] {strides = array<i32>} : memref<4x128xf32, #tpu.memory_space<vmem>>, vector<16xf32>,
    %add3A_3063 = arith.addf %add3A_3053, %get3A_3062 : vector<16xf32>
    %get3A_3064 = arith.constant 1 : i32
    %get3A_3065 = arith.constant 3 : i32
    %get3A_3066 = arith.constant 0 : i32
    %get3A_3067 = arith.constant 0 : i32
    %get3A_3068 = tpu.memref_slice %arg7[%get3A_3064, %get3A_3066, %get3A_3067] : memref<2x4x128xf32, #tpu.memory_space<vmem>> -> memref<1x4x128xf32, #tpu.memory_space<vmem>>
    %get3A_3069 = tpu.memref_squeeze %get3A_3068 : memref<1x4x128xf32, #tpu.memory_space<vmem>> -> memref<4x128xf32, #tpu.memory_space<vmem>>
    %get3A_3070 = arith.index_cast %get3A_3065 : i32 to index
    %get3A_3071 = arith.constant 64 : index
    %get3A_3072 = tpu.vector_load %get3A_3069[%get3A_3070, %get3A_3071] {strides = array<i32>} : memref<4x128xf32, #tpu.memory_space<vmem>>, vector<16xf32>,
    %add3A_3073 = arith.addf %add3A_3063, %get3A_3072 : vector<16xf32>
    %gt3A_3074 = arith.constant 1.000000e+02 : f32
    %gt3A_3075 = vector.broadcast %gt3A_3074 : f32 to vector<16xf32>
    %gt3A_3076 = arith.cmpf ogt, %add3A_3073, %gt3A_3075 : vector<16xf32>
    %not3A_3077 = arith.constant dense<true> : vector<16xi1>
    %not3A_3078 = arith.xori %gt3A_3076, %not3A_3077 : vector<16xi1>
    %and3A_3079 = arith.andi %and3A_1764, %not3A_3078 : vector<16xi1>
    %and3A_3080 = arith.andi %and3A_3034, %and3A_3079 : vector<16xi1>
    %get3A_3081 = arith.constant 1 : i32
    %get3A_3082 = arith.constant 0 : i32
    %get3A_3083 = arith.constant 0 : i32
    %get3A_3084 = arith.constant 0 : i32
    %get3A_3085 = tpu.memref_slice %arg7[%get3A_3081, %get3A_3083, %get3A_3084] : memref<2x4x128xf32, #tpu.memory_space<vmem>> -> memref<1x4x128xf32, #tpu.memory_space<vmem>>
    %get3A_3086 = tpu.memref_squeeze %get3A_3085 : memref<1x4x128xf32, #tpu.memory_space<vmem>> -> memref<4x128xf32, #tpu.memory_space<vmem>>
    %get3A_3087 = arith.index_cast %get3A_3082 : i32 to index
    %get3A_3088 = arith.constant 80 : index
    %get3A_3089 = tpu.vector_load %get3A_3086[%get3A_3087, %get3A_3088] {strides = array<i32>} : memref<4x128xf32, #tpu.memory_space<vmem>>, vector<16xf32>,
    %get3A_3090 = arith.constant 1 : i32
    %get3A_3091 = arith.constant 1 : i32
    %get3A_3092 = arith.constant 0 : i32
    %get3A_3093 = arith.constant 0 : i32
    %get3A_3094 = tpu.memref_slice %arg7[%get3A_3090, %get3A_3092, %get3A_3093] : memref<2x4x128xf32, #tpu.memory_space<vmem>> -> memref<1x4x128xf32, #tpu.memory_space<vmem>>
    %get3A_3095 = tpu.memref_squeeze %get3A_3094 : memref<1x4x128xf32, #tpu.memory_space<vmem>> -> memref<4x128xf32, #tpu.memory_space<vmem>>
    %get3A_3096 = arith.index_cast %get3A_3091 : i32 to index
    %get3A_3097 = arith.constant 80 : index
    %get3A_3098 = tpu.vector_load %get3A_3095[%get3A_3096, %get3A_3097] {strides = array<i32>} : memref<4x128xf32, #tpu.memory_space<vmem>>, vector<16xf32>,
    %add3A_3099 = arith.addf %get3A_3089, %get3A_3098 : vector<16xf32>
    %get3A_3100 = arith.constant 1 : i32
    %get3A_3101 = arith.constant 2 : i32
    %get3A_3102 = arith.constant 0 : i32
    %get3A_3103 = arith.constant 0 : i32
    %get3A_3104 = tpu.memref_slice %arg7[%get3A_3100, %get3A_3102, %get3A_3103] : memref<2x4x128xf32, #tpu.memory_space<vmem>> -> memref<1x4x128xf32, #tpu.memory_space<vmem>>
    %get3A_3105 = tpu.memref_squeeze %get3A_3104 : memref<1x4x128xf32, #tpu.memory_space<vmem>> -> memref<4x128xf32, #tpu.memory_space<vmem>>
    %get3A_3106 = arith.index_cast %get3A_3101 : i32 to index
    %get3A_3107 = arith.constant 80 : index
    %get3A_3108 = tpu.vector_load %get3A_3105[%get3A_3106, %get3A_3107] {strides = array<i32>} : memref<4x128xf32, #tpu.memory_space<vmem>>, vector<16xf32>,
    %add3A_3109 = arith.addf %add3A_3099, %get3A_3108 : vector<16xf32>
    %get3A_3110 = arith.constant 1 : i32
    %get3A_3111 = arith.constant 3 : i32
    %get3A_3112 = arith.constant 0 : i32
    %get3A_3113 = arith.constant 0 : i32
    %get3A_3114 = tpu.memref_slice %arg7[%get3A_3110, %get3A_3112, %get3A_3113] : memref<2x4x128xf32, #tpu.memory_space<vmem>> -> memref<1x4x128xf32, #tpu.memory_space<vmem>>
    %get3A_3115 = tpu.memref_squeeze %get3A_3114 : memref<1x4x128xf32, #tpu.memory_space<vmem>> -> memref<4x128xf32, #tpu.memory_space<vmem>>
    %get3A_3116 = arith.index_cast %get3A_3111 : i32 to index
    %get3A_3117 = arith.constant 80 : index
    %get3A_3118 = tpu.vector_load %get3A_3115[%get3A_3116, %get3A_3117] {strides = array<i32>} : memref<4x128xf32, #tpu.memory_space<vmem>>, vector<16xf32>,
    %add3A_3119 = arith.addf %add3A_3109, %get3A_3118 : vector<16xf32>
    %gt3A_3120 = arith.constant 1.000000e+02 : f32
    %gt3A_3121 = vector.broadcast %gt3A_3120 : f32 to vector<16xf32>
    %gt3A_3122 = arith.cmpf ogt, %add3A_3119, %gt3A_3121 : vector<16xf32>
    %not3A_3123 = arith.constant dense<true> : vector<16xi1>
    %not3A_3124 = arith.xori %gt3A_3122, %not3A_3123 : vector<16xi1>
    %and3A_3125 = arith.andi %and3A_1895, %not3A_3124 : vector<16xi1>
    %and3A_3126 = arith.andi %and3A_3080, %and3A_3125 : vector<16xi1>
    %get3A_3127 = arith.constant 1 : i32
    %get3A_3128 = arith.constant 0 : i32
    %get3A_3129 = arith.constant 0 : i32
    %get3A_3130 = arith.constant 0 : i32
    %get3A_3131 = tpu.memref_slice %arg7[%get3A_3127, %get3A_3129, %get3A_3130] : memref<2x4x128xf32, #tpu.memory_space<vmem>> -> memref<1x4x128xf32, #tpu.memory_space<vmem>>
    %get3A_3132 = tpu.memref_squeeze %get3A_3131 : memref<1x4x128xf32, #tpu.memory_space<vmem>> -> memref<4x128xf32, #tpu.memory_space<vmem>>
    %get3A_3133 = arith.index_cast %get3A_3128 : i32 to index
    %get3A_3134 = arith.constant 96 : index
    %get3A_3135 = tpu.vector_load %get3A_3132[%get3A_3133, %get3A_3134] {strides = array<i32>} : memref<4x128xf32, #tpu.memory_space<vmem>>, vector<16xf32>,
    %get3A_3136 = arith.constant 1 : i32
    %get3A_3137 = arith.constant 1 : i32
    %get3A_3138 = arith.constant 0 : i32
    %get3A_3139 = arith.constant 0 : i32
    %get3A_3140 = tpu.memref_slice %arg7[%get3A_3136, %get3A_3138, %get3A_3139] : memref<2x4x128xf32, #tpu.memory_space<vmem>> -> memref<1x4x128xf32, #tpu.memory_space<vmem>>
    %get3A_3141 = tpu.memref_squeeze %get3A_3140 : memref<1x4x128xf32, #tpu.memory_space<vmem>> -> memref<4x128xf32, #tpu.memory_space<vmem>>
    %get3A_3142 = arith.index_cast %get3A_3137 : i32 to index
    %get3A_3143 = arith.constant 96 : index
    %get3A_3144 = tpu.vector_load %get3A_3141[%get3A_3142, %get3A_3143] {strides = array<i32>} : memref<4x128xf32, #tpu.memory_space<vmem>>, vector<16xf32>,
    %add3A_3145 = arith.addf %get3A_3135, %get3A_3144 : vector<16xf32>
    %get3A_3146 = arith.constant 1 : i32
    %get3A_3147 = arith.constant 2 : i32
    %get3A_3148 = arith.constant 0 : i32
    %get3A_3149 = arith.constant 0 : i32
    %get3A_3150 = tpu.memref_slice %arg7[%get3A_3146, %get3A_3148, %get3A_3149] : memref<2x4x128xf32, #tpu.memory_space<vmem>> -> memref<1x4x128xf32, #tpu.memory_space<vmem>>
    %get3A_3151 = tpu.memref_squeeze %get3A_3150 : memref<1x4x128xf32, #tpu.memory_space<vmem>> -> memref<4x128xf32, #tpu.memory_space<vmem>>
    %get3A_3152 = arith.index_cast %get3A_3147 : i32 to index
    %get3A_3153 = arith.constant 96 : index
    %get3A_3154 = tpu.vector_load %get3A_3151[%get3A_3152, %get3A_3153] {strides = array<i32>} : memref<4x128xf32, #tpu.memory_space<vmem>>, vector<16xf32>,
    %add3A_3155 = arith.addf %add3A_3145, %get3A_3154 : vector<16xf32>
    %get3A_3156 = arith.constant 1 : i32
    %get3A_3157 = arith.constant 3 : i32
    %get3A_3158 = arith.constant 0 : i32
    %get3A_3159 = arith.constant 0 : i32
    %get3A_3160 = tpu.memref_slice %arg7[%get3A_3156, %get3A_3158, %get3A_3159] : memref<2x4x128xf32, #tpu.memory_space<vmem>> -> memref<1x4x128xf32, #tpu.memory_space<vmem>>
    %get3A_3161 = tpu.memref_squeeze %get3A_3160 : memref<1x4x128xf32, #tpu.memory_space<vmem>> -> memref<4x128xf32, #tpu.memory_space<vmem>>
    %get3A_3162 = arith.index_cast %get3A_3157 : i32 to index
    %get3A_3163 = arith.constant 96 : index
    %get3A_3164 = tpu.vector_load %get3A_3161[%get3A_3162, %get3A_3163] {strides = array<i32>} : memref<4x128xf32, #tpu.memory_space<vmem>>, vector<16xf32>,
    %add3A_3165 = arith.addf %add3A_3155, %get3A_3164 : vector<16xf32>
    %gt3A_3166 = arith.constant 1.000000e+02 : f32
    %gt3A_3167 = vector.broadcast %gt3A_3166 : f32 to vector<16xf32>
    %gt3A_3168 = arith.cmpf ogt, %add3A_3165, %gt3A_3167 : vector<16xf32>
    %not3A_3169 = arith.constant dense<true> : vector<16xi1>
    %not3A_3170 = arith.xori %gt3A_3168, %not3A_3169 : vector<16xi1>
    %and3A_3171 = arith.andi %and3A_2026, %not3A_3170 : vector<16xi1>
    %and3A_3172 = arith.andi %and3A_3126, %and3A_3171 : vector<16xi1>
    %get3A_3173 = arith.constant 1 : i32
    %get3A_3174 = arith.constant 0 : i32
    %get3A_3175 = arith.constant 0 : i32
    %get3A_3176 = arith.constant 0 : i32
    %get3A_3177 = tpu.memref_slice %arg7[%get3A_3173, %get3A_3175, %get3A_3176] : memref<2x4x128xf32, #tpu.memory_space<vmem>> -> memref<1x4x128xf32, #tpu.memory_space<vmem>>
    %get3A_3178 = tpu.memref_squeeze %get3A_3177 : memref<1x4x128xf32, #tpu.memory_space<vmem>> -> memref<4x128xf32, #tpu.memory_space<vmem>>
    %get3A_3179 = arith.index_cast %get3A_3174 : i32 to index
    %get3A_3180 = arith.constant 112 : index
    %get3A_3181 = tpu.vector_load %get3A_3178[%get3A_3179, %get3A_3180] {strides = array<i32>} : memref<4x128xf32, #tpu.memory_space<vmem>>, vector<16xf32>,
    %get3A_3182 = arith.constant 1 : i32
    %get3A_3183 = arith.constant 1 : i32
    %get3A_3184 = arith.constant 0 : i32
    %get3A_3185 = arith.constant 0 : i32
    %get3A_3186 = tpu.memref_slice %arg7[%get3A_3182, %get3A_3184, %get3A_3185] : memref<2x4x128xf32, #tpu.memory_space<vmem>> -> memref<1x4x128xf32, #tpu.memory_space<vmem>>
    %get3A_3187 = tpu.memref_squeeze %get3A_3186 : memref<1x4x128xf32, #tpu.memory_space<vmem>> -> memref<4x128xf32, #tpu.memory_space<vmem>>
    %get3A_3188 = arith.index_cast %get3A_3183 : i32 to index
    %get3A_3189 = arith.constant 112 : index
    %get3A_3190 = tpu.vector_load %get3A_3187[%get3A_3188, %get3A_3189] {strides = array<i32>} : memref<4x128xf32, #tpu.memory_space<vmem>>, vector<16xf32>,
    %add3A_3191 = arith.addf %get3A_3181, %get3A_3190 : vector<16xf32>
    %get3A_3192 = arith.constant 1 : i32
    %get3A_3193 = arith.constant 2 : i32
    %get3A_3194 = arith.constant 0 : i32
    %get3A_3195 = arith.constant 0 : i32
    %get3A_3196 = tpu.memref_slice %arg7[%get3A_3192, %get3A_3194, %get3A_3195] : memref<2x4x128xf32, #tpu.memory_space<vmem>> -> memref<1x4x128xf32, #tpu.memory_space<vmem>>
    %get3A_3197 = tpu.memref_squeeze %get3A_3196 : memref<1x4x128xf32, #tpu.memory_space<vmem>> -> memref<4x128xf32, #tpu.memory_space<vmem>>
    %get3A_3198 = arith.index_cast %get3A_3193 : i32 to index
    %get3A_3199 = arith.constant 112 : index
    %get3A_3200 = tpu.vector_load %get3A_3197[%get3A_3198, %get3A_3199] {strides = array<i32>} : memref<4x128xf32, #tpu.memory_space<vmem>>, vector<16xf32>,
    %add3A_3201 = arith.addf %add3A_3191, %get3A_3200 : vector<16xf32>
    %get3A_3202 = arith.constant 1 : i32
    %get3A_3203 = arith.constant 3 : i32
    %get3A_3204 = arith.constant 0 : i32
    %get3A_3205 = arith.constant 0 : i32
    %get3A_3206 = tpu.memref_slice %arg7[%get3A_3202, %get3A_3204, %get3A_3205] : memref<2x4x128xf32, #tpu.memory_space<vmem>> -> memref<1x4x128xf32, #tpu.memory_space<vmem>>
    %get3A_3207 = tpu.memref_squeeze %get3A_3206 : memref<1x4x128xf32, #tpu.memory_space<vmem>> -> memref<4x128xf32, #tpu.memory_space<vmem>>
    %get3A_3208 = arith.index_cast %get3A_3203 : i32 to index
    %get3A_3209 = arith.constant 112 : index
    %get3A_3210 = tpu.vector_load %get3A_3207[%get3A_3208, %get3A_3209] {strides = array<i32>} : memref<4x128xf32, #tpu.memory_space<vmem>>, vector<16xf32>,
    %add3A_3211 = arith.addf %add3A_3201, %get3A_3210 : vector<16xf32>
    %gt3A_3212 = arith.constant 1.000000e+02 : f32
    %gt3A_3213 = vector.broadcast %gt3A_3212 : f32 to vector<16xf32>
    %gt3A_3214 = arith.cmpf ogt, %add3A_3211, %gt3A_3213 : vector<16xf32>
    %not3A_3215 = arith.constant dense<true> : vector<16xi1>
    %not3A_3216 = arith.xori %gt3A_3214, %not3A_3215 : vector<16xi1>
    %and3A_3217 = arith.andi %and3A_2157, %not3A_3216 : vector<16xi1>
    %and3A_3218 = arith.andi %and3A_3172, %and3A_3217 : vector<16xi1>
    %reduce_and3A_3219 = arith.constant 1.000000e+00 : f32
    %reduce_and3A_3220 = arith.constant 0.000000e+00 : f32
    %reduce_and3A_3221 = vector.broadcast %reduce_and3A_3219 : f32 to vector<16xf32>
    %reduce_and3A_3222 = vector.broadcast %reduce_and3A_3220 : f32 to vector<16xf32>
    %reduce_and3A_3223 = arith.select %and3A_3218, %reduce_and3A_3221, %reduce_and3A_3222 : vector<16xi1>, vector<16xf32>
    %reduce_and3A_3224 = arith.constant true
    %reduce_and3A_3225 = vector.broadcast %reduce_and3A_3224 : i1 to vector<16xi1>
    %reduce_and3A_3226 = tpu.scan <min>, %reduce_and3A_3223 masked %reduce_and3A_3225 : vector<16xf32>, vector<16xi1> -> vector<16xf32>
    %reduce_and3A_3227 = vector.extract %reduce_and3A_3226[15] : f32 from vector<16xf32>
    %reduce_and3A_3228 = arith.constant 0.000000e+00 : f32
    %reduce_and3A_3229 = arith.cmpf ogt, %reduce_and3A_3227, %reduce_and3A_3228 : f32
    %convert_element_type3A_3230 = arith.extui %reduce_and3A_3229 : i1 to i32
    %iota3A = tpu.iota {dimensions = array<i32: 0>} : vector<16xi32>
    %eq3A = arith.constant 0 : i32
    %eq3A_3231 = vector.broadcast %eq3A : i32 to vector<16xi32>
    %eq3A_3232 = arith.cmpi eq, %iota3A, %eq3A_3231 : vector<16xi32>
    %broadcast_in_dim3A = vector.broadcast %convert_element_type3A_2771 : i32 to vector<16xi32>
    %eq3A_3233 = arith.constant 1 : i32
    %eq3A_3234 = vector.broadcast %eq3A_3233 : i32 to vector<16xi32>
    %eq3A_3235 = arith.cmpi eq, %iota3A, %eq3A_3234 : vector<16xi32>
    %broadcast_in_dim3A_3236 = vector.broadcast %convert_element_type3A_3230 : i32 to vector<16xi32>
    %jit3A_3237 = arith.constant 0 : i32
    %broadcast_in_dim3A_3238 = vector.broadcast %jit3A_3237 : i32 to vector<16xi32>
    %select_n3A = arith.select %eq3A_3235, %broadcast_in_dim3A_3236, %broadcast_in_dim3A_3238 : vector<16xi1>, vector<16xi32>
    %select_n3A_3239 = arith.select %eq3A_3232, %broadcast_in_dim3A, %select_n3A : vector<16xi1>, vector<16xi32>
    %swap3A_3240 = arith.constant 0 : index
    %swap3A_3241 = tpu.vector_load %arg8[%swap3A_3240] {strides = array<i32>} : memref<16xi32, #tpu.memory_space<vmem>>, vector<16xi32>,
    tpu.vector_store %arg8[%swap3A_3240], %select_n3A_3239 {strides = array<i32>} : memref<16xi32, #tpu.memory_space<vmem>>, vector<16xi32>,
    "tpu.region"() ({
      %run_scoped3A = tpu.sem_alloc : memref<!tpu.dma_semaphore, #tpu.memory_space<semaphore_mem>>
      %dma_start3A_3246 = arith.constant 0 : i32
      %dma_start3A_3247 = tpu.memref_slice %arg11[%arg1, %dma_start3A_3246] : memref<16x16xi32, #tpu.memory_space<vmem_shared>> -> memref<1x16xi32, #tpu.memory_space<vmem_shared>>
      %dma_start3A_3248 = tpu.memref_squeeze %dma_start3A_3247 : memref<1x16xi32, #tpu.memory_space<vmem_shared>> -> memref<16xi32, #tpu.memory_space<vmem_shared>>
      %dma_start3A_3249 = arith.constant 0 : i32
      %dma_start3A_3250 = tpu.memref_slice %arg11[%arg1, %dma_start3A_3249] : memref<16x16xi32, #tpu.memory_space<vmem_shared>> -> memref<1x16xi32, #tpu.memory_space<vmem_shared>>
      %dma_start3A_3251 = tpu.memref_squeeze %dma_start3A_3250 : memref<1x16xi32, #tpu.memory_space<vmem_shared>> -> memref<16xi32, #tpu.memory_space<vmem_shared>>
      tpu.enqueue_dma source(%arg8 : memref<16xi32, #tpu.memory_space<vmem>>) target(%dma_start3A_3251 : memref<16xi32, #tpu.memory_space<vmem_shared>>) target_semaphore(%run_scoped3A : memref<!tpu.dma_semaphore, #tpu.memory_space<semaphore_mem>>)
      %dma_wait3A_3252 = arith.constant 0 : i32
      %dma_wait3A_3253 = tpu.memref_slice %arg11[%arg1, %dma_wait3A_3252] : memref<16x16xi32, #tpu.memory_space<vmem_shared>> -> memref<1x16xi32, #tpu.memory_space<vmem_shared>>
      %dma_wait3A_3254 = tpu.memref_squeeze %dma_wait3A_3253 : memref<1x16xi32, #tpu.memory_space<vmem_shared>> -> memref<16xi32, #tpu.memory_space<vmem_shared>>
      %dma_wait3A_3255 = arith.constant 0 : i32
      %dma_wait3A_3256 = tpu.memref_slice %arg11[%arg1, %dma_wait3A_3255] : memref<16x16xi32, #tpu.memory_space<vmem_shared>> -> memref<1x16xi32, #tpu.memory_space<vmem_shared>>
      %dma_wait3A_3257 = tpu.memref_squeeze %dma_wait3A_3256 : memref<1x16xi32, #tpu.memory_space<vmem_shared>> -> memref<16xi32, #tpu.memory_space<vmem_shared>>
      tpu.wait_dma2 semaphore(%run_scoped3A : memref<!tpu.dma_semaphore, #tpu.memory_space<semaphore_mem>>) src(%arg8 : memref<16xi32, #tpu.memory_space<vmem>>) dst(%dma_wait3A_3257 : memref<16xi32, #tpu.memory_space<vmem_shared>>)
      tpu.yield
    }) : () -> ()
    %barrier3A = arith.constant 0 : index
    tpu.barrier barrier_id(%barrier3A)
    %eq3A_3242 = arith.constant 0 : i32
    %eq3A_3243 = arith.cmpi eq, %arg1, %eq3A_3242 : i32
    %convert_element_type3A_3244 = arith.extui %eq3A_3243 : i1 to i32
    %cond3A = arith.constant 0 : i32
    %cond3A_3245 = arith.cmpi ne, %convert_element_type3A_3244, %cond3A : i32
    scf.if %cond3A_3245 {
      "tpu.region"() ({
        %run_scoped3A = tpu.sem_alloc : memref<!tpu.dma_semaphore, #tpu.memory_space<semaphore_mem>>
        tpu.enqueue_dma source(%arg11 : memref<16x16xi32, #tpu.memory_space<vmem_shared>>) target(%arg9 : memref<16x16xi32, #tpu.memory_space<vmem>>) target_semaphore(%run_scoped3A : memref<!tpu.dma_semaphore, #tpu.memory_space<semaphore_mem>>)
        tpu.wait_dma2 semaphore(%run_scoped3A : memref<!tpu.dma_semaphore, #tpu.memory_space<semaphore_mem>>) src(%arg11 : memref<16x16xi32, #tpu.memory_space<vmem_shared>>) dst(%arg9 : memref<16x16xi32, #tpu.memory_space<vmem>>)
        tpu.yield
      }) : () -> ()
      %broadcast_in_dim3A_3246 = arith.constant 0 : i32
      %broadcast_in_dim3A_3247 = vector.broadcast %broadcast_in_dim3A_3246 : i32 to vector<16xi32>
      %gather3A = tpu.vector_load_idx %arg9[%iota3A, %broadcast_in_dim3A_3247] : memref<16x16xi32, #tpu.memory_space<vmem>>[vector<16xi32>, vector<16xi32>], vector<16xi32>,
      %broadcast_in_dim3A_3248 = arith.constant 1 : i32
      %broadcast_in_dim3A_3249 = vector.broadcast %broadcast_in_dim3A_3248 : i32 to vector<16xi32>
      %gather3A_3250 = tpu.vector_load_idx %arg9[%iota3A, %broadcast_in_dim3A_3249] : memref<16x16xi32, #tpu.memory_space<vmem>>[vector<16xi32>, vector<16xi32>], vector<16xi32>,
      %swap3A_3251 = arith.constant 0 : index
      %swap3A_3252 = tpu.vector_load %arg10[%swap3A_3251] {strides = array<i32>} : memref<32xi32, #tpu.memory_space<vmem>>, vector<16xi32>,
      tpu.vector_store %arg10[%swap3A_3251], %gather3A {strides = array<i32>} : memref<32xi32, #tpu.memory_space<vmem>>, vector<16xi32>,
      %swap3A_3253 = arith.constant 16 : index
      %swap3A_3254 = tpu.vector_load %arg10[%swap3A_3253] {strides = array<i32>} : memref<32xi32, #tpu.memory_space<vmem>>, vector<16xi32>,
      tpu.vector_store %arg10[%swap3A_3253], %gather3A_3250 {strides = array<i32>} : memref<32xi32, #tpu.memory_space<vmem>>, vector<16xi32>,
      %mul3A_3255 = arith.constant 32 : i32
      %mul3A_3256 = arith.muli %arg0, %mul3A_3255 : i32
      "tpu.region"() ({
        %run_scoped3A = tpu.sem_alloc : memref<!tpu.dma_semaphore, #tpu.memory_space<semaphore_mem>>
        %dma_start3A_3257 = tpu.memref_slice %arg4[%mul3A_3256] : memref<64xi32, #tpu.memory_space<hbm>> -> memref<32xi32, #tpu.memory_space<hbm>>
        %dma_start3A_3258 = tpu.memref_slice %arg4[%mul3A_3256] : memref<64xi32, #tpu.memory_space<hbm>> -> memref<32xi32, #tpu.memory_space<hbm>>
        tpu.enqueue_dma source(%arg10 : memref<32xi32, #tpu.memory_space<vmem>>) target(%dma_start3A_3258 : memref<32xi32, #tpu.memory_space<hbm>>) target_semaphore(%run_scoped3A : memref<!tpu.dma_semaphore, #tpu.memory_space<semaphore_mem>>)
        %dma_wait3A_3259 = tpu.memref_slice %arg4[%mul3A_3256] : memref<64xi32, #tpu.memory_space<hbm>> -> memref<32xi32, #tpu.memory_space<hbm>>
        %dma_wait3A_3260 = tpu.memref_slice %arg4[%mul3A_3256] : memref<64xi32, #tpu.memory_space<hbm>> -> memref<32xi32, #tpu.memory_space<hbm>>
        tpu.wait_dma2 semaphore(%run_scoped3A : memref<!tpu.dma_semaphore, #tpu.memory_space<semaphore_mem>>) src(%arg10 : memref<32xi32, #tpu.memory_space<vmem>>) dst(%dma_wait3A_3260 : memref<32xi32, #tpu.memory_space<hbm>>)
        tpu.yield
      }) : () -> ()
    } else {
    }
    return
  }
}

</mosaic_0001>

<sc_bundles>
// kernel: _collision_sc.3.cloned.1.call-start
scs
__scs_entry_jumppad:
0x0: {  	(pc) =	sbr.rel $0x88, $3  }
0x1: {  	(tag) =	ssettag $0x0;
	lr =	simm.s32 $0x1  }
0x2: {  	[smem:$0x3F9F] =	sst lr;
	_ =	strace $0xD0000000  }
0x3: {  	_ = 	snop  }
0x4: {  	_ = 	snop  }
0x5: {  	_ = 	snop  }
0x6: {  	_ = 	snop  }
0x7: {  	_ = 	snop  }
__scs_overlays_trampoline_lowered:
0x8: {  	[smem:$0x3FAE] =	sst s0  }
0x9: {  	[smem:$0x3FAF] =	sst s1  }
0xa: {  	[smem:$0x3FB0] =	sst s2  }
0xb: {  	[smem:$0x3FB1] =	sst s3  }
0xc: {  	[smem:$0x3FB2] =	sst s4  }
0xd: {  	[smem:$0x3FB3] =	sst s5  }
0xe: {  	[smem:$0x3FB4] =	sst s6  }
0xf: {  	[smem:$0x3FB5] =	sst s7  }
0x10: {  	[smem:$0x3FB6] =	sst s8  }
0x11: {  	[smem:$0x3FB7] =	sst s9;
	s0 =	simm.s32 @!p0 $0x0  }
0x12: {  	s1 =	sld [smem:$0x3F9D];
	s0 =	simm.s32 @p0 $0x1  }
0x13: {  	[smem:$0x3FB8] =	sst s0;
	s0 =	simm.s32 @!p1 $0x0  }
0x14: {  	s2 =	sld [smem:$0x3F9C];
	s0 =	simm.s32 @p1 $0x1  }
0x15: {  	[smem:$0x3FB9] =	sst s0;
	s0 =	simm.s32 @!p2 $0x0  }
0x16: {  	s3 =	sld [smem:$0x3FDB];
	s0 =	simm.s32 @p2 $0x1  }
0x17: {  	s4 =	simm.s32 $0x1BF5;
	[smem:$0x3FBB] =	sst s0  }
0x18: {  	s0 =	sld [smem:$0x3F9E];
	_ =	swait.ge [sflag:s4], $0x0  }
0x19: {  	s7 =	sld [smem:$0x3F9F]  }
0x1a: {  	s8 =	sadd.s32 $0xFFFFE003, lr  }
0x1b: {  	s9 =	sadd.s32 $0xFFFFFEF7, lr;
	s5 =	simm.s32 $0xFFFFFFFF;
	p2 =	slt.u32 s8, $0xFFFFF086  }
0x1c: {  	p1 =	slt.u32 s9, $0xF7A;
	s5 =	simm.s32 @!p2 $0x0  }
0x1d: {  	s5 =	simm.s32 @p1 $0x1;
	p0 =	seq.s32 s7, s2  }
0x1e: {  	s7 =	smul.u32 @!p0 $0xF7A, s2;
	p2 =	seq.s32 @!p0 s5, $0x0  }
0x1f: {  	s9 =	smul.u32 $0xF7A, s1;
	s8 =	simm.s32 @!p0 $0x1BF5;
	p2 =	por !p2, p0  }
0x20: {  	[sflag:s8] =	ssyncset.s32 @!p0 $0xFFFFF086;
	s6 =	sadd.s32 @!p0 s3, s7;
	s7 =	simm.s32 @!p0 $0x108  }
0x21: {  	s3 =	sadd.s32 s3, s9;
	s6 =	sadd.s32 @!p0 $0x88, s6;
	s7 =	simm.s32 @p2 $0x1082  }
0x22: {  	[simem:s7], [sflag:s8] =	dma.local @!p0 [hbm:s6], $0xF7A  }
0x23: {  	s9 =	sor.u32 $0xD0000000, s2;
	s6 =	simm.s32 $0x108;
	_ =	swait.ge @!p0 [sflag:s8], $0x0  }
0x24: {  	s3 =	sadd.s32 $0x88, s3;
	s6 =	simm.s32 @!p1 $0x1082;
	[sflag:s4] =	ssyncset.s32 $0xFFFFF086  }
0x25: {  	[simem:s6], [sflag:s4] =	dma.local [hbm:s3], $0xF7A  }
0x26: {  	[smem:$0x3F9F] =	sst s1;
	(tag) =	ssettag s2;
	_ =	strace s9  }
0x27: {  	s1 =	sld [smem:$0x3FAF]  }
0x28: {  	s2 =	sld [smem:$0x3FB0]  }
0x29: {  	s4 =	sld [smem:$0x3FB2]  }
0x2a: {  	p0 =	seq.s32 s5, $0x0;
	s5 =	sld [smem:$0x3FB3]  }
0x2b: {  	s6 =	sld [smem:$0x3FB4]  }
0x2c: {  	s7 =	sld [smem:$0x3FB5]  }
0x2d: {  	s3 =	simm.s32 $0x108;
	s8 =	sld [smem:$0x3FB6]  }
0x2e: {  	s3 =	simm.s32 @!p0 $0x1082;
	s9 =	sld [smem:$0x3FB7]  }
0x2f: {  	lr =	sadd.s32 s0, s3;
	s0 =	sld [smem:$0x3FAE]  }
0x30: {  	s3 =	sld [smem:$0x3FB1]  }
0x31: {  	[smem:$0x3FBA] =	sst s10  }
0x32: {  	s10 =	sld [smem:$0x3FB8];
	_ =	sdelay $0x3  }
0x33: {  	p0 =	seq.s32 s10, $0x1;
	s10 =	sld [smem:$0x3FBA];
	_ =	sdelay $0x3  }
0x34: {  	[smem:$0x3FBA] =	sst s10  }
0x35: {  	s10 =	sld [smem:$0x3FB9];
	_ =	sdelay $0x3  }
0x36: {  	p1 =	seq.s32 s10, $0x1;
	s10 =	sld [smem:$0x3FBA];
	_ =	sdelay $0x3  }
0x37: {  	[smem:$0x3FBA] =	sst s10  }
0x38: {  	s10 =	sld [smem:$0x3FBB]  }
0x39: {  	_ = 	snop;
	(pc) =	sbr.ind lr, $3  }
0x3a: {  	_ = 	snop  }
0x3b: {  	_ = 	snop  }
0x3c: {  	p2 =	seq.s32 s10, $0x1;
	s10 =	sld [smem:$0x3FBA]  }
0x3d: {  	_ =	shalt  }
0x3e: {  	_ =	shalt  }
0x3f: {  	_ =	shalt  }
0x40: {  	_ =	shalt  }
0x41: {  	_ =	shalt  }
0x42: {  	_ =	shalt  }
0x43: {  	_ =	shalt  }
0x44: {  	_ =	shalt  }
0x45: {  	_ =	shalt  }
0x46: {  	_ =	shalt  }
0x47: {  	_ =	shalt  }
0x48: {  	_ =	shalt  }
0x49: {  	_ =	shalt  }
0x4a: {  	_ =	shalt  }
0x4b: {  	_ =	shalt  }
0x4c: {  	_ =	shalt  }
0x4d: {  	_ =	shalt  }
0x4e: {  	_ =	shalt  }
0x4f: {  	_ =	shalt  }
0x50: {  	_ =	shalt  }
0x51: {  	_ =	shalt  }
0x52: {  	_ =	shalt  }
0x53: {  	_ =	shalt  }
0x54: {  	_ =	shalt  }
0x55: {  	_ =	shalt  }
0x56: {  	_ =	shalt  }
0x57: {  	_ =	shalt  }
0x58: {  	_ =	shalt  }
0x59: {  	_ =	shalt  }
0x5a: {  	_ =	shalt  }
0x5b: {  	_ =	shalt  }
0x5c: {  	_ =	shalt  }
0x5d: {  	_ =	shalt  }
0x5e: {  	_ =	shalt  }
0x5f: {  	_ =	shalt  }
0x60: {  	_ =	shalt  }
0x61: {  	_ =	shalt  }
0x62: {  	_ =	shalt  }
0x63: {  	_ =	shalt  }
0x64: {  	_ =	shalt  }
0x65: {  	_ =	shalt  }
0x66: {  	_ =	shalt  }
0x67: {  	_ =	shalt  }
0x68: {  	_ =	shalt  }
0x69: {  	_ =	shalt  }
0x6a: {  	_ =	shalt  }
0x6b: {  	_ =	shalt  }
0x6c: {  	_ =	shalt  }
0x6d: {  	_ =	shalt  }
0x6e: {  	_ =	shalt  }
0x6f: {  	_ =	shalt  }
0x70: {  	_ =	shalt  }
0x71: {  	_ =	shalt  }
0x72: {  	_ =	shalt  }
0x73: {  	_ =	shalt  }
0x74: {  	_ =	shalt  }
0x75: {  	_ =	shalt  }
0x76: {  	_ =	shalt  }
0x77: {  	_ =	shalt  }
0x78: {  	_ =	shalt  }
0x79: {  	_ =	shalt  }
0x7a: {  	_ =	shalt  }
0x7b: {  	_ =	shalt  }
0x7c: {  	_ =	shalt  }
0x7d: {  	_ =	shalt  }
0x7e: {  	_ =	shalt  }
0x7f: {  	_ =	shalt  }
0x80: {  	_ =	shalt  }
0x81: {  	_ =	shalt  }
0x82: {  	_ =	shalt  }
0x83: {  	_ =	shalt  }
0x84: {  	_ =	shalt  }
0x85: {  	_ =	shalt  }
0x86: {  	_ =	shalt  }
0x87: {  	_ =	shalt  }
.Lfunc_end0:
.L_simem_size_0:
called_computation_lowered:
.L_overlay_start_0:
0x88: {  	s2 =	sld [smem:$0x3FD9]  }
0x89: {  	s3 =	sld [smem:$0x3FFE];
	_ =	sdelay $0x1  }
0x8a: {  	s1 =	srdreg.scid  }
0x8b: {  	s0 =	sand.u32 $0x1, s1  }
0x8c: {  	s18 =	sshll.u32 s0, $0xA;
	s2 =	sadd.s32 s3, s2  }
0x8d: {  	s2 =	sadd.s32 s2, s18  }
0x8e: {  	[smem:$0x3FC6] =	sst s2  }
0x8f: {  	_ = 	snop  }
0x90: {  	s2 =	sld [smem:$0x3FC9]  }
0x91: {  	s19 =	sld [smem:$0x3FC8]  }
0x92: {  	s4 =	sld [smem:$0x3FD0];
	(tm) =	ssettm $0x1  }
0x93: {  	s5 =	sld [smem:$0x3FFB];
	_ =	sdelay $0x3  }
0x94: {  	_ =	strace s5  }
0x95: {  	s5 =	sld [smem:$0x3FFC];
	_ =	sdelay $0x3  }
0x96: {  	_ =	strace s5  }
0x97: {  	s5 =	sld [smem:$0x3FFD];
	_ =	sdelay $0x3  }
0x98: {  	_ =	strace s5  }
0x99: {  	_ =	strace $0x8FFFFFFF  }
0x9a: {  	s20 =	sld [smem:$0x3FDB];
	_ =	sdelay $0x1  }
0x9b: {  	s6 =	simm.s32 $_scs_section_size  }
0x9c: {  	s7 =	simm.s32 $_size__tile_overlayer_lowered;
	s8 =	simm.s32 $_tile_overlayer_lowered  }
0x9d: {  	s23 =	simm.s32 $0x1BFF;
	s22 =	sshll.u32 s8, $0x1;
	s5 =	sadd.s32 s6, s20  }
0x9e: {  	s9 =	simm.s32 $0x0;
	s21 =	sshll.u32 s7, $0x1;
	s7 =	sadd.s32 s22, s5  }
0x9f: {  	[timem:s9], [sflag:s23] =	dma.local [hbm:s7], s21  }
0xa0: {  	_ =	swait.ge [sflag:s23], s21  }
0xa1: {  	s6 =	ssub.s32 $0x0, s21;
	[sflag:s23] =	ssyncset.done $0x0  }
0xa2: {  	[sflag:s23] =	ssyncadd.s32 s6;
	_ =	sdelay $0x1  }
0xa3: {  	s24 =	simm.s32 $0x1B8B  }
0xa4: {  	_ =	swait.ge [sflag:s24], $0x1  }
0xa5: {  	[sflag:s24] =	ssyncset.done $0x0  }
0xa6: {  	s25 =	simm.s32 $0x1B8E;
	[sflag:s24] =	ssyncadd.s32 $0xFFFFFFFF  }
0xa7: {  	s26 =	simm.s32 $execute0_lowered;
	[smem:$0x3FD2] =	sst s25  }
0xa8: {  	s6 =	sshll.u32 s26, $0x1;
	_ =	strace $0x80000046;
	[dreg:$0x1] =	wrdreg $0xFFFFFFFF  }
0xa9: {  	s28 =	simm.s32 $_size_execute0_lowered;
	s5 =	sadd.s32 s5, s6;
	[dreg:$0x0] =	wrdreg $0x0  }
0xaa: {  	s6 =	sshll.u32 s28, $0x1;
	[dreg:$0x2] =	wrdreg s5  }
0xab: {  	[dreg:$0x3] =	wrdreg s6  }
0xac: {  	[dreg:$0x4] =	wrdreg $0xC0  }
0xad: {  	_ =	task [dreg:s9], $0x5FFFF  }
0xae: {  	[dreg:$0x1] =	wrdreg $0xFFFFFFFF  }
0xaf: {  	[dreg:$0x0] =	wrdreg $0x60  }
0xb0: {  	[dreg:$0x2] =	wrdreg s2  }
0xb1: {  	[dreg:$0x3] =	wrdreg s19  }
0xb2: {  	[dreg:$0x4] =	wrdreg s4  }
0xb3: {  	[dreg:$0x5] =	wrdreg $0x13000  }
0xb4: {  	[dreg:$0x6] =	wrdreg $0x9  }
0xb5: {  	_ =	task.clear_ibuf [dreg:s9], $0x7FFFF;
	_ =	strace $0x90000046  }
0xb6: {  	s29 =	simm.s32 $0x9;
	_ =	strace $0x80000048  }
0xb7: {  	_ =	swait.ge [sflag:s29], $0x1  }
0xb8: {  	[sflag:s29] =	ssyncadd.s32 $0xFFFFFFFF  }
0xb9: {  	_ =	strace $0x90000048  }
0xba: {  	_ =	sfence  }
0xbb: {  	s30 =	sld [smem:$0x0];
	_ =	sdelay $0x2  }
0xbc: {  	s31 =	sshll.u32 s1, $0xD;
	s1 =	sshrl.u32 s1, $0x2  }
0xbd: {  	s3 =	sand.u32 $0x4000, s31;
	s1 =	sadd.s32 s1, s30  }
0xbe: {  	s0 =	sor.u32 s3, s0;
	s1 =	sshll.u32 s1, $0x11  }
0xbf: {  	s0 =	sor.u32 s1, s0  }
0xc0: {  	s0 =	sadd.s32 $0x8F2B, s0  }
0xc1: {  	[sflag:s0] =	ssyncadd.remote.s32 $0x1  }
0xc2: {  	_ =	sfence.sel $0xFFFF  }
0xc3: {  	[dreg:$0x0] =	wrdreg $0xFFFFFFFF;
	(pc) =	sbr.abs _section_cstart, $3  }
0xc4: {  	[dreg:$0x1] =	wrdreg $0xFFFFFFFF  }
0xc5: {  	_ =	task.clear_ibuf [dreg:s9], $0x2FFFF;
	_ =	strace $0x9FFFFFFF  }
0xc6: {  	(tm) =	ssettm $0x7FFFFFFF  }
0xc7: {  	_ =	shalt  }
tec
execute0_lowered:
.L_overlay_start_1:
0x0: {  	(tag) =	ssettag $0x1  }
0x1: {  	s4 =	rddreg [dreg:$0x0]  }
0x2: {  	s0 =	rddreg [dreg:$0x1]  }
0x3: {  	s1 =	srdreg.scid;
	s5 =	rddreg [dreg:$0x2]  }
0x4: {  	s2 =	rddreg [dreg:$0x3];
	s7 =	stileid.u32;
	s3 =	simm.s32 $0x0  }
0x5: {  	s28 =	simm.s32 $0x100;
	s29 =	simm.s32 $0x200;
	s30 =	simm.s32 $0x600  }
0x6: {  	s31 =	simm.s32 $0x280;
	s15 =	simm.s32 $0x800;
	s16 =	simm.s32 $0x480  }
0x7: {  	s17 =	simm.s32 $0x880;
	s20 =	simm.s32 $0x580;
	s21 =	simm.s32 $0x980  }
0x8: {  	s22 =	simm.s32 $0xA00;
	s6 =	sand.u32 $0x1, s1;
	s1 =	rddreg [dreg:$0x4]  }
0x9: {  	s11 =	sshll.u32 s7, $0x7;
	[smem:$0x7FF] =	sst s3;
	p0 =	sne.s32 s7, $0x0  }
0xa: {  	s8 =	sshll.u32 s6, $0x5;
	_ =	strace $0x80000047;
	[dreg:$0x9] =	wrdreg s28  }
0xb: {  	s12 =	sand.u32 $0x380, s11;
	s23 =	ssub.s32 $0x2, s6;
	[dreg:$0xa] =	wrdreg s29  }
0xc: {  	s25 =	sadd.s32 s11, s2;
	s6 =	sshll.u32 s6, $0x2;
	[dreg:$0xb] =	wrdreg s30  }
0xd: {  	[dreg:$0xc] =	wrdreg s31;
	s11 =	simm.s32 $0x380;
	s8 =	sor.u32 s7, s8  }
0xe: {  	v0 =	vimm.f32 $2.000000000e+01;
	s14 =	sshrl.u32 s23, $0x1;
	[dreg:$0x7] =	wrdreg s25;
	s26 =	sadd.s32 s5, s6  }
0xf: {  	(erf) = vrcp.f32 v0;
	s5 =	simm.s32 $0x80;
	s6 =	simm.s32 $0x2000;
	s7 =	simm.s32 $0x1  }
0x10: {  	s9 =	sor.u32 $0x10, s8;
	s10 =	sshll.u32 s8, $0x7;
	s24 =	ssub.s32 s23, s14  }
0x11: {  	s18 =	sshll.u32 s8, $0x9;
	[dreg:$0x8] =	wrdreg s26;
	s8 =	simm.s32 $0x680  }
0x12: {  	s14 =	simm.s32 $0x400;
	s23 =	simm.s32 $0x3;
	s10 =	sand.u32 $0x1400, s10  }
0x13: {  	s13 =	sshll.u32 s9, $0x7;
	s19 =	sshll.u32 s9, $0x9;
	s9 =	simm.s32 $0x300  }
0x14: {  	v0 =	vmov s18;
	s18 =	simm.s32 $0x500;
	s10 =	sor.u32 s12, s10;
	s13 =	sand.u32 $0x1C00, s13  }
0x15: {  	v1 =	vmov s19;
	s19 =	simm.s32 $0x900;
	s10 =	sshrl.u32 s10, $0x3;
	s12 =	sor.u32 s12, s13  }
0x16: {  	s13 =	simm.s32 $0x2;
	s10 =	sadd.s32 s4, s10;
	s12 =	sshrl.u32 s12, $0x3  }
0x17: {  	[dreg:$0x5] =	wrdreg s10;
	s4 =	sadd.s32 s4, s12;
	s10 =	simm.s32 $0x700  }
0x18: {  	v3 =	vimm.f32 $0.0e+00;
	vm0 =	vcmask $0x300;
	vm1 =	vcmask $0x704;
	s12 =	simm.s32 $0x780;
	[dreg:$0x6] =	wrdreg s4;
	s4 =	smax.u32 s24, $0x1;
	v2 =	vpop (erf)  }
.LBB2_1:
0x19: {  	s24 =	rddreg [dreg:$0x5]  }
0x1a: {  	s25 =	rddreg [dreg:$0x6]  }
0x1b: {  	[tilespmem:s3], [sflag:$0x1] =	stream.strided.gather [hbm4b:s24+s5], $0x100, s6, s5, $0x38;
	[tilespmem:$0x1310] =	vst v63  }
0x1c: {  	s26 =	rddreg [dreg:$0x9]  }
0x1d: {  	[tilespmem:s26], [sflag:$0x2] =	stream.strided.gather [hbm4b:s25+s5], $0x100, s6, s5, $0x38;
	[tilespmem:$0x1310] =	vst v63  }
0x1e: {  	_ =	swait.ge [sflag:s7], $0x100  }
0x1f: {  	[sflag:s7] =	ssyncset.done $0x0  }
0x20: {  	[sflag:s7] =	ssyncadd.s32 $0xFFFFFF00  }
0x21: {  	v4 =	vld [tilespmem:$0x0]  }
0x22: {  	v5 =	vld [tilespmem:$0x80]  }
0x23: {  	v6 =	vld [tilespmem:$0x10]  }
0x24: {  	v7 =	vld [tilespmem:$0x90]  }
0x25: {  	v10 =	vld [tilespmem:$0x20]  }
0x26: {  	v12 =	vld [tilespmem:$0xA0]  }
0x27: {  	v55 =	vld [tilespmem:$0xB0]  }
0x28: {  	v20 =	vld [tilespmem:$0x40]  }
0x29: {  	v23 =	vld [tilespmem:$0xC0];
	v4 =	vadd.f32 $1.000000000e+01, v4  }
0x2a: {  	v28 =	vld [tilespmem:$0xD0];
	v5 =	vadd.f32 $1.000000000e+01, v5;
	v6 =	vadd.f32 $1.000000000e+01, v6  }
0x2b: {  	v7 =	vadd.f32 $1.000000000e+01, v7;
	v10 =	vadd.f32 $1.000000000e+01, v10  }
0x2c: {  	v12 =	vadd.f32 $1.000000000e+01, v12;
	v61 =	vadd.f32 $1.000000000e+01, v55  }
0x2d: {  	v20 =	vadd.f32 $1.000000000e+01, v20;
	v4 =	vmul.f32 v4, v2;
	v5 =	vmul.f32 v5, v2  }
0x2e: {  	v23 =	vadd.f32 $1.000000000e+01, v23;
	v6 =	vmul.f32 v6, v2;
	v7 =	vmul.f32 v7, v2  }
0x2f: {  	v28 =	vadd.f32 $1.000000000e+01, v28;
	v10 =	vmul.f32 v10, v2;
	v53 =	vmul.f32 v12, v2  }
0x30: {  	v12 =	vmul.f32 v61, v2;
	v20 =	vmul.f32 v20, v2  }
0x31: {  	v23 =	vmul.f32 v23, v2;
	v28 =	vmul.f32 v28, v2  }
0x32: {  	v4 =	vmul.f32 $2.560000000e+02, v4;
	v5 =	vmul.f32 $2.560000000e+02, v5  }
0x33: {  	v36 =	vld [tilespmem:$0x50];
	v6 =	vmul.f32 $2.560000000e+02, v6;
	v7 =	vmul.f32 $2.560000000e+02, v7  }
0x34: {  	v10 =	vmul.f32 $2.560000000e+02, v10;
	v12 =	vmul.f32 $2.560000000e+02, v12  }
0x35: {  	v20 =	vmul.f32 $2.560000000e+02, v20;
	v23 =	vmul.f32 $2.560000000e+02, v23  }
0x36: {  	v54 =	vld [tilespmem:$0x30];
	v45 =	vmul.f32 $2.560000000e+02, v28;
	v4 =	vtrunc.f32 v4  }
0x37: {  	v5 =	vtrunc.f32 v5;
	v6 =	vtrunc.f32 v6  }
0x38: {  	v39 =	vadd.f32 $1.000000000e+01, v36;
	v7 =	vtrunc.f32 v7;
	v10 =	vtrunc.f32 v10  }
0x39: {  	v12 =	vtrunc.f32 v12;
	v38 =	vtrunc.f32 v23  }
0x3a: {  	v23 =	vmul.f32 v39, v2;
	v4 =	vcvt.f32.s32 v4  }
0x3b: {  	v59 =	vadd.f32 $1.000000000e+01, v54;
	v20 =	vtrunc.f32 v20;
	v5 =	vcvt.f32.s32 v5  }
0x3c: {  	v6 =	vcvt.f32.s32 v6;
	v23 =	vmul.f32 $2.560000000e+02, v23;
	vm2 =	vgt.s32 v4, $0x0  }
0x3d: {  	v7 =	vcvt.f32.s32 v7;
	v8 =	vnsel vm2, $0x0, v4;
	vm2 =	vgt.s32 v5, $0x0  }
0x3e: {  	v12 =	vcvt.f32.s32 v12;
	v23 =	vtrunc.f32 v23;
	v9 =	vnsel vm2, $0x0, v5  }
0x3f: {  	v8 =	vmin.u32 v8, $0xFF;
	vm2 =	vgt.s32 v6, $0x0;
	v9 =	vmin.u32 v9, $0xFF  }
0x40: {  	v31 =	vld [tilespmem:$0x60];
	v8 =	vshll.u32 v8, $0x1;
	v50 =	vnsel vm2, $0x0, v6;
	v11 =	vshrl.u32 v9, $0x7  }
0x41: {  	vm2 =	vgt.s32 v7, $0x0;
	v8 =	vor.u32 v8, v11;
	v11 =	vmul.f32 $2.560000000e+02, v53  }
0x42: {  	v9 =	vand.u32 $0x7F, v9;
	v51 =	vmin.u32 v50, $0xFF;
	v8 =	vor.u32 v0, v8  }
0x43: {  	v52 =	vnsel vm2, $0x0, v7;
	v8 =	vshll.u32 v8, $0x9;
	v58 =	vtrunc.f32 v11  }
0x44: {  	v11 =	vmul.f32 v59, v2;
	v14 =	vor.u32 v9, v8;
	v9 =	vmin.u32 v52, $0xFF  }
0x45: {  	v8 =	vshll.u32 v51, $0x1;
	v51 =	vtrunc.f32 v45;
	v52 =	vadd.f32 $1.000000000e+01, v31  }
0x46: {  	v15 =	vor.u32 $0x80, v14;
	v13 =	vshrl.u32 v9, $0x7;
	v16 =	vor.u32 $0x100, v14  }
0x47: {  	v46 =	vld [tilespmem:$0xE0];
	v57 =	vand.u32 $0x7F, v9;
	v9 =	vcvt.f32.s32 v58;
	v8 =	vor.u32 v8, v13  }
0x48: {  	v11 =	vmul.f32 $2.560000000e+02, v11;
	v17 =	vor.u32 v0, v8;
	v8 =	vcvt.f32.s32 v10  }
0x49: {  	v18 =	vor.u32 $0x180, v14;
	[tilespmem:$0x200] =	vst v14;
	v14 =	vcvt.f32.s32 v23;
	v55 =	vmul.f32 v52, v2  }
0x4a: {  	v11 =	vtrunc.f32 v11;
	v56 =	vshll.u32 v17, $0x9;
	vm2 =	vgt.s32 v8, $0x0  }
0x4b: {  	v17 =	vor.u32 v57, v56;
	v60 =	vnsel vm2, $0x0, v8;
	vm2 =	vgt.s32 v9, $0x0  }
0x4c: {  	v56 =	vadd.f32 $1.000000000e+01, v46;
	v19 =	vor.u32 $0x80, v17;
	v62 =	vnsel vm2, $0x0, v9  }
0x4d: {  	v21 =	vor.u32 $0x100, v17;
	v10 =	vmin.u32 v60, $0xFF;
	v13 =	vmin.u32 v62, $0xFF  }
0x4e: {  	[tilespmem:$0x380] =	vst v18;
	v63 =	vor.u32 $0x180, v17;
	v10 =	vshll.u32 v10, $0x1;
	v22 =	vshrl.u32 v13, $0x7  }
0x4f: {  	[tilespmem:$0x210] =	vst v17;
	v17 =	vmul.f32 $2.560000000e+02, v55;
	v18 =	vmul.f32 v56, v2;
	v10 =	vor.u32 v10, v22  }
0x50: {  	[tilespmem:$0x280] =	vst v15;
	v15 =	vcvt.f32.s32 v51;
	v24 =	vor.u32 v0, v10;
	v10 =	vcvt.f32.s32 v11  }
0x51: {  	v57 =	vld [tilespmem:$0x70];
	v17 =	vtrunc.f32 v17;
	v18 =	vmul.f32 $2.560000000e+02, v18  }
0x52: {  	v60 =	vld [tilespmem:$0xF0];
	v13 =	vand.u32 $0x7F, v13;
	v32 =	vshll.u32 v24, $0x9;
	vm2 =	vgt.s32 v10, $0x0  }
0x53: {  	v31 =	vtrunc.f32 v18;
	v25 =	vor.u32 v13, v32;
	v33 =	vnsel vm2, $0x0, v10  }
0x54: {  	vm2 =	vgt.s32 v12, $0x0;
	v26 =	vor.u32 $0x80, v25;
	v29 =	vor.u32 $0x100, v25  }
0x55: {  	v37 =	vor.u32 $0x180, v25;
	v34 =	vmin.u32 v33, $0xFF;
	v35 =	vnsel vm2, $0x0, v12  }
0x56: {  	v27 =	vmin.u32 v35, $0xFF;
	v11 =	vshll.u32 v34, $0x1;
	v34 =	vadd.f32 $1.000000000e+01, v57  }
0x57: {  	v35 =	vadd.f32 $1.000000000e+01, v60;
	v13 =	vshrl.u32 v27, $0x7;
	v27 =	vand.u32 $0x7F, v27  }
0x58: {  	v13 =	vor.u32 v11, v13;
	v11 =	vcvt.f32.s32 v20;
	v18 =	vmul.f32 v34, v2  }
0x59: {  	[tilespmem:$0x290] =	vst v19;
	v19 =	vmul.f32 v35, v2;
	v30 =	vor.u32 v0, v13;
	v13 =	vcvt.f32.s32 v38  }
0x5a: {  	vm2 =	vgt.s32 v11, $0x0;
	v40 =	vshll.u32 v30, $0x9;
	v18 =	vmul.f32 $2.560000000e+02, v18  }
0x5b: {  	v19 =	vmul.f32 $2.560000000e+02, v19;
	v41 =	vnsel vm2, $0x0, v11;
	vm2 =	vgt.s32 v13, $0x0  }
0x5c: {  	v24 =	vor.u32 v27, v40;
	v42 =	vmin.u32 v41, $0xFF;
	v43 =	vnsel vm2, $0x0, v13  }
0x5d: {  	[tilespmem:$0x300] =	vst v16;
	v32 =	vor.u32 $0x80, v24;
	v47 =	vor.u32 $0x100, v24;
	vm2 =	vgt.s32 v14, $0x0  }
0x5e: {  	[tilespmem:$0x310] =	vst v21;
	v53 =	vor.u32 $0x180, v24;
	v18 =	vtrunc.f32 v18;
	v19 =	vtrunc.f32 v19  }
0x5f: {  	[tilespmem:$0x390] =	vst v63;
	v30 =	vmin.u32 v43, $0xFF;
	v27 =	vshll.u32 v42, $0x1;
	v54 =	vnsel vm2, $0x0, v14  }
0x60: {  	[tilespmem:$0x220] =	vst v25;
	vm2 =	vgt.s32 v15, $0x0;
	v18 =	vcvt.f32.s32 v18;
	v19 =	vcvt.f32.s32 v19  }
0x61: {  	[tilespmem:$0x2A0] =	vst v26;
	v33 =	vshrl.u32 v30, $0x7;
	v50 =	vand.u32 $0x7F, v30;
	v59 =	vnsel vm2, $0x0, v15  }
0x62: {  	[tilespmem:$0x320] =	vst v29;
	v16 =	vmin.u32 v54, $0xFF;
	v44 =	vor.u32 v27, v33;
	v61 =	vmin.u32 v59, $0xFF  }
0x63: {  	[tilespmem:$0x3A0] =	vst v37;
	v16 =	vshll.u32 v16, $0x1;
	vm3 =	vgt.s32 v19, $0x0;
	v28 =	vshrl.u32 v61, $0x7  }
0x64: {  	[tilespmem:$0x230] =	vst v24;
	v48 =	vor.u32 v0, v44;
	v22 =	vand.u32 $0x7F, v61;
	v16 =	vor.u32 v16, v28  }
0x65: {  	[tilespmem:$0x2B0] =	vst v32;
	v49 =	vshll.u32 v48, $0x9;
	v28 =	vor.u32 v0, v16;
	v16 =	vcvt.f32.s32 v17  }
0x66: {  	[tilespmem:$0x330] =	vst v47;
	v46 =	vnsel vm3, $0x0, v19;
	v23 =	vor.u32 v50, v49;
	v17 =	vcvt.f32.s32 v31  }
0x67: {  	[tilespmem:$0x3B0] =	vst v53;
	v58 =	vor.u32 $0x80, v23;
	v62 =	vor.u32 $0x100, v23;
	vm2 =	vgt.s32 v16, $0x0  }
0x68: {  	v36 =	vshll.u32 v28, $0x9;
	[tilespmem:$0x240] =	vst v23;
	v37 =	vnsel vm2, $0x0, v16;
	vm2 =	vgt.s32 v17, $0x0  }
0x69: {  	v63 =	vor.u32 $0x180, v23;
	v20 =	vor.u32 v22, v36;
	[tilespmem:$0x2C0] =	vst v58;
	v38 =	vnsel vm2, $0x0, v17  }
0x6a: {  	[tilespmem:$0x340] =	vst v62;
	v39 =	vor.u32 $0x80, v20;
	v22 =	vmin.u32 v37, $0xFF;
	v24 =	vmin.u32 v38, $0xFF  }
0x6b: {  	[tilespmem:$0x3C0] =	vst v63;
	v42 =	vor.u32 $0x100, v20;
	v40 =	vshll.u32 v22, $0x1;
	v41 =	vshrl.u32 v24, $0x7  }
0x6c: {  	v43 =	vor.u32 $0x180, v20;
	[tilespmem:$0x250] =	vst v20;
	vm2 =	vgt.s32 v18, $0x0;
	v21 =	vor.u32 v40, v41  }
0x6d: {  	[tilespmem:$0x2D0] =	vst v39;
	v45 =	vnsel vm2, $0x0, v18;
	v22 =	vmin.u32 v46, $0xFF;
	v44 =	vor.u32 v0, v21  }
0x6e: {  	[tilespmem:$0x350] =	vst v42;
	v47 =	vand.u32 $0x7F, v24;
	v21 =	vmin.u32 v45, $0xFF;
	v20 =	vshll.u32 v44, $0x9  }
0x6f: {  	[tilespmem:$0x3D0] =	vst v43;
	v48 =	vshrl.u32 v22, $0x7;
	v21 =	vshll.u32 v21, $0x1;
	v20 =	vor.u32 v47, v20  }
0x70: {  	v21 =	vor.u32 v21, v48;
	[tilespmem:$0x260] =	vst v20;
	v49 =	vor.u32 $0x80, v20  }
0x71: {  	v50 =	vor.u32 $0x100, v20;
	v21 =	vor.u32 v0, v21;
	[tilespmem:$0x2E0] =	vst v49  }
0x72: {  	v22 =	vand.u32 $0x7F, v22;
	v20 =	vor.u32 $0x180, v20;
	[tilespmem:$0x360] =	vst v50;
	v21 =	vshll.u32 v21, $0x9  }
0x73: {  	[tilespmem:$0x3E0] =	vst v20;
	v51 =	vor.u32 v22, v21  }
0x74: {  	[tilespmem:$0x270] =	vst v51;
	v21 =	vor.u32 $0x80, v51  }
0x75: {  	v52 =	vor.u32 $0x100, v51;
	[tilespmem:$0x2F0] =	vst v21  }
0x76: {  	s25 =	rddreg [dreg:$0xa];
	v20 =	vor.u32 $0x180, v51;
	[tilespmem:$0x370] =	vst v52  }
0x77: {  	s26 =	rddreg [dreg:$0xb];
	[tilespmem:$0x3F0] =	vst v20  }
0x78: {  	[tilespmem:s26], [sflag:$0x1] =	stream.indirect.gather [hbm4b:s0+s5], $0x1, s25, s5, $0xb8;
	[tilespmem:$0x1310] =	vst v63  }
0x79: {  	s28 =	rddreg [dreg:$0xc]  }
0x7a: {  	[tilespmem:s8], [sflag:$0x1] =	stream.indirect.gather [hbm4b:s0+s5], $0x1, s28, s5, $0xb8;
	[tilespmem:$0x1310] =	vst v63  }
0x7b: {  	_ = 	snop  }
0x7c: {  	[tilespmem:s10], [sflag:$0x1] =	stream.indirect.gather [hbm4b:s0+s5], $0x1, s9, s5, $0xb8;
	[tilespmem:$0x1310] =	vst v63  }
0x7d: {  	_ = 	snop  }
0x7e: {  	[tilespmem:s12], [sflag:$0x1] =	stream.indirect.gather [hbm4b:s0+s5], $0x1, s11, s5, $0xb8;
	[tilespmem:$0x1310] =	vst v63  }
0x7f: {  	_ =	swait.ge [sflag:s13], $0x100  }
0x80: {  	[sflag:s13] =	ssyncset.done $0x0  }
0x81: {  	[sflag:s13] =	ssyncadd.s32 $0xFFFFFF00  }
0x82: {  	v53 =	vld [tilespmem:$0x100]  }
0x83: {  	v54 =	vld [tilespmem:$0x180]  }
0x84: {  	v55 =	vld [tilespmem:$0x110]  }
0x85: {  	v56 =	vld [tilespmem:$0x190]  }
0x86: {  	v59 =	vld [tilespmem:$0x120]  }
0x87: {  	v61 =	vld [tilespmem:$0x1A0]  }
0x88: {  	v41 =	vld [tilespmem:$0x1B0];
	_ =	sdelay $0x1  }
0x89: {  	v20 =	vadd.f32 $1.000000000e+01, v53;
	v21 =	vadd.f32 $1.000000000e+01, v54  }
0x8a: {  	v22 =	vadd.f32 $1.000000000e+01, v55;
	v23 =	vadd.f32 $1.000000000e+01, v56  }
0x8b: {  	v26 =	vadd.f32 $1.000000000e+01, v59;
	v28 =	vadd.f32 $1.000000000e+01, v61;
	v20 =	vmul.f32 v20, v2  }
0x8c: {  	v39 =	vld [tilespmem:$0x130];
	v48 =	vadd.f32 $1.000000000e+01, v41;
	v21 =	vmul.f32 v21, v2;
	v22 =	vmul.f32 v22, v2  }
0x8d: {  	v23 =	vmul.f32 v23, v2;
	v26 =	vmul.f32 v26, v2  }
0x8e: {  	v38 =	vmul.f32 v28, v2;
	v28 =	vmul.f32 v48, v2  }
0x8f: {  	v20 =	vmul.f32 $2.560000000e+02, v20;
	v21 =	vmul.f32 $2.560000000e+02, v21  }
0x90: {  	v22 =	vmul.f32 $2.560000000e+02, v22;
	v23 =	vmul.f32 $2.560000000e+02, v23  }
0x91: {  	v46 =	vadd.f32 $1.000000000e+01, v39;
	v39 =	vld [tilespmem:$0x1C0];
	v26 =	vmul.f32 $2.560000000e+02, v26;
	v27 =	vmul.f32 $2.560000000e+02, v38  }
0x92: {  	v41 =	vld [tilespmem:$0x150];
	v28 =	vmul.f32 $2.560000000e+02, v28;
	v20 =	vtrunc.f32 v20  }
0x93: {  	v21 =	vtrunc.f32 v21;
	v22 =	vtrunc.f32 v22  }
0x94: {  	v23 =	vtrunc.f32 v23;
	v26 =	vtrunc.f32 v26  }
0x95: {  	v45 =	vtrunc.f32 v27;
	v27 =	vmul.f32 v46, v2  }
0x96: {  	v39 =	vadd.f32 $1.000000000e+01, v39;
	v50 =	vtrunc.f32 v28;
	v20 =	vcvt.f32.s32 v20  }
0x97: {  	v56 =	vadd.f32 $1.000000000e+01, v41;
	v21 =	vcvt.f32.s32 v21;
	v22 =	vcvt.f32.s32 v22  }
0x98: {  	v39 =	vmul.f32 v39, v2;
	v27 =	vmul.f32 $2.560000000e+02, v27;
	vm2 =	vgt.s32 v20, $0x0  }
0x99: {  	v23 =	vcvt.f32.s32 v23;
	v57 =	vnsel vm2, $0x0, v20;
	vm2 =	vgt.s32 v21, $0x0  }
0x9a: {  	v39 =	vmul.f32 $2.560000000e+02, v39;
	v27 =	vtrunc.f32 v27;
	v58 =	vnsel vm2, $0x0, v21  }
0x9b: {  	v24 =	vmin.u32 v57, $0xFF;
	vm2 =	vgt.s32 v22, $0x0;
	v25 =	vmin.u32 v58, $0xFF  }
0x9c: {  	v55 =	vtrunc.f32 v39;
	v24 =	vshll.u32 v24, $0x1;
	v60 =	vshrl.u32 v25, $0x7  }
0x9d: {  	v39 =	vmul.f32 v56, v2;
	v62 =	vnsel vm2, $0x0, v22;
	v24 =	vor.u32 v24, v60  }
0x9e: {  	vm2 =	vgt.s32 v23, $0x0;
	v25 =	vand.u32 $0x7F, v25;
	v24 =	vor.u32 v1, v24  }
0x9f: {  	v37 =	vnsel vm2, $0x0, v23;
	v39 =	vmul.f32 $2.560000000e+02, v39;
	v24 =	vshll.u32 v24, $0x9  }
0xa0: {  	v36 =	vmin.u32 v62, $0xFF;
	v63 =	vor.u32 v25, v24;
	v25 =	vmin.u32 v37, $0xFF  }
0xa1: {  	v39 =	vtrunc.f32 v39;
	v24 =	vshll.u32 v36, $0x1;
	v36 =	vld [tilespmem:$0x140];
	v40 =	vshrl.u32 v25, $0x7  }
0xa2: {  	v30 =	vcvt.f32.s32 v39;
	v31 =	vor.u32 $0x80, v63;
	v24 =	vor.u32 v24, v40  }
0xa3: {  	v32 =	vor.u32 $0x100, v63;
	v42 =	vor.u32 v1, v24;
	v24 =	vcvt.f32.s32 v26  }
0xa4: {  	v44 =	vand.u32 $0x7F, v25;
	v25 =	vcvt.f32.s32 v45;
	v43 =	vshll.u32 v42, $0x9  }
0xa5: {  	v34 =	vor.u32 $0x180, v63;
	vm2 =	vgt.s32 v24, $0x0;
	v33 =	vor.u32 v44, v43  }
0xa6: {  	v51 =	vadd.f32 $1.000000000e+01, v36;
	v44 =	vld [tilespmem:$0x1D0];
	v47 =	vnsel vm2, $0x0, v24;
	vm2 =	vgt.s32 v25, $0x0  }
0xa7: {  	v35 =	vor.u32 $0x80, v33;
	v37 =	vor.u32 $0x100, v33;
	v49 =	vnsel vm2, $0x0, v25  }
0xa8: {  	v26 =	vmin.u32 v47, $0xFF;
	v28 =	vmul.f32 v51, v2;
	v29 =	vmin.u32 v49, $0xFF  }
0xa9: {  	v47 =	vld [tilespmem:$0x160];
	v26 =	vshll.u32 v26, $0x1;
	v38 =	vshrl.u32 v29, $0x7;
	v29 =	vand.u32 $0x7F, v29  }
0xaa: {  	v28 =	vmul.f32 $2.560000000e+02, v28;
	v26 =	vor.u32 v26, v38;
	v38 =	vor.u32 $0x180, v33  }
0xab: {  	v44 =	vadd.f32 $1.000000000e+01, v44;
	v40 =	vor.u32 v1, v26;
	v26 =	vcvt.f32.s32 v27  }
0xac: {  	v27 =	vcvt.f32.s32 v50;
	v28 =	vtrunc.f32 v28;
	v40 =	vshll.u32 v40, $0x9  }
0xad: {  	v28 =	vcvt.f32.s32 v28;
	v44 =	vmul.f32 v44, v2;
	vm2 =	vgt.s32 v26, $0x0  }
0xae: {  	v56 =	vadd.f32 $1.000000000e+01, v47;
	v40 =	vor.u32 v29, v40;
	v52 =	vnsel vm2, $0x0, v26  }
0xaf: {  	[tilespmem:$0x400] =	vst v63;
	v63 =	vld [tilespmem:$0x1E0];
	vm2 =	vgt.s32 v27, $0x0;
	v42 =	vor.u32 $0x80, v40;
	v45 =	vor.u32 $0x100, v40  }
0xb0: {  	v62 =	vmul.f32 $2.560000000e+02, v44;
	v53 =	vmin.u32 v52, $0xFF;
	v54 =	vnsel vm2, $0x0, v27  }
0xb1: {  	vm2 =	vgt.s32 v28, $0x0;
	v36 =	vmin.u32 v54, $0xFF;
	v29 =	vshll.u32 v53, $0x1  }
0xb2: {  	v58 =	vnsel vm2, $0x0, v28;
	v43 =	vshrl.u32 v36, $0x7;
	v36 =	vand.u32 $0x7F, v36  }
0xb3: {  	v59 =	vmin.u32 v58, $0xFF;
	v58 =	vmul.f32 v56, v2;
	v29 =	vor.u32 v29, v43  }
0xb4: {  	v43 =	vor.u32 $0x180, v40;
	v41 =	vshll.u32 v59, $0x1;
	v59 =	vadd.f32 $1.000000000e+01, v63  }
0xb5: {  	[tilespmem:$0x480] =	vst v31;
	v63 =	vld [tilespmem:$0x1F0];
	v46 =	vor.u32 v1, v29;
	v29 =	vcvt.f32.s32 v55;
	v55 =	vtrunc.f32 v62  }
0xb6: {  	[tilespmem:$0x410] =	vst v33;
	v33 =	vmul.f32 $2.560000000e+02, v58;
	v57 =	vshll.u32 v46, $0x9;
	v31 =	vcvt.f32.s32 v55  }
0xb7: {  	[tilespmem:$0x580] =	vst v34;
	v34 =	vmul.f32 v59, v2;
	vm2 =	vgt.s32 v29, $0x0;
	v36 =	vor.u32 v36, v57  }
0xb8: {  	v33 =	vtrunc.f32 v33;
	v60 =	vnsel vm2, $0x0, v29;
	v48 =	vor.u32 $0x80, v36  }
0xb9: {  	vm2 =	vgt.s32 v30, $0x0;
	v34 =	vmul.f32 $2.560000000e+02, v34;
	v46 =	vmin.u32 v60, $0xFF  }
0xba: {  	[tilespmem:$0x500] =	vst v32;
	v57 =	vnsel vm2, $0x0, v30;
	vm2 =	vgt.s32 v31, $0x0;
	v55 =	vadd.f32 $1.000000000e+01, v63  }
0xbb: {  	[tilespmem:$0x490] =	vst v35;
	v49 =	vshrl.u32 v46, $0x7;
	v54 =	vand.u32 $0x7F, v46;
	v32 =	vmin.u32 v57, $0xFF  }
0xbc: {  	[tilespmem:$0x510] =	vst v37;
	v60 =	vld [tilespmem:$0x170];
	v62 =	vnsel vm2, $0x0, v31;
	v61 =	vor.u32 v41, v49;
	v49 =	vor.u32 $0x100, v36  }
0xbd: {  	[tilespmem:$0x590] =	vst v38;
	v41 =	vor.u32 $0x180, v36;
	v50 =	vmin.u32 v62, $0xFF;
	v32 =	vshll.u32 v32, $0x1  }
0xbe: {  	[tilespmem:$0x420] =	vst v40;
	v35 =	vmul.f32 v55, v2;
	v52 =	vor.u32 v1, v61;
	v44 =	vshrl.u32 v50, $0x7  }
0xbf: {  	[tilespmem:$0x4A0] =	vst v42;
	v38 =	vand.u32 $0x7F, v50;
	v53 =	vshll.u32 v52, $0x9;
	v32 =	vor.u32 v32, v44  }
0xc0: {  	[tilespmem:$0x520] =	vst v45;
	v35 =	vmul.f32 $2.560000000e+02, v35;
	v39 =	vor.u32 v54, v53;
	v44 =	vor.u32 v1, v32  }
0xc1: {  	[tilespmem:$0x5A0] =	vst v43;
	v32 =	vcvt.f32.s32 v33;
	v53 =	vtrunc.f32 v34;
	v54 =	vadd.f32 $1.000000000e+01, v60  }
0xc2: {  	[tilespmem:$0x430] =	vst v36;
	v61 =	vor.u32 $0x80, v39;
	v51 =	vor.u32 $0x100, v39;
	v52 =	vor.u32 $0x180, v39  }
0xc3: {  	[tilespmem:$0x4B0] =	vst v48;
	v56 =	vshll.u32 v44, $0x9;
	v33 =	vcvt.f32.s32 v53;
	v34 =	vmul.f32 v54, v2  }
0xc4: {  	[tilespmem:$0x530] =	vst v49;
	v35 =	vtrunc.f32 v35;
	vm2 =	vgt.s32 v32, $0x0;
	v36 =	vor.u32 v38, v56  }
0xc5: {  	[tilespmem:$0x5B0] =	vst v41;
	v35 =	vcvt.f32.s32 v35;
	v57 =	vnsel vm2, $0x0, v32;
	v34 =	vmul.f32 $2.560000000e+02, v34  }
0xc6: {  	[tilespmem:$0x440] =	vst v39;
	vm2 =	vgt.s32 v33, $0x0;
	v59 =	vor.u32 $0x80, v36;
	v62 =	vor.u32 $0x100, v36  }
0xc7: {  	[tilespmem:$0x4C0] =	vst v61;
	v63 =	vor.u32 $0x180, v36;
	v58 =	vnsel vm2, $0x0, v33;
	v34 =	vtrunc.f32 v34  }
0xc8: {  	[tilespmem:$0x540] =	vst v51;
	v38 =	vmin.u32 v57, $0xFF;
	v41 =	vmin.u32 v58, $0xFF;
	v34 =	vcvt.f32.s32 v34  }
0xc9: {  	[tilespmem:$0x5C0] =	vst v52;
	vm3 =	vgt.s32 v35, $0x0;
	v60 =	vshll.u32 v38, $0x1;
	v61 =	vshrl.u32 v41, $0x7  }
0xca: {  	[tilespmem:$0x450] =	vst v36;
	v47 =	vnsel vm3, $0x0, v35;
	v37 =	vor.u32 v60, v61;
	vm2 =	vgt.s32 v34, $0x0  }
0xcb: {  	[tilespmem:$0x4D0] =	vst v59;
	v48 =	vand.u32 $0x7F, v41;
	v45 =	vor.u32 v1, v37;
	v46 =	vnsel vm2, $0x0, v34  }
0xcc: {  	[tilespmem:$0x550] =	vst v62;
	v38 =	vmin.u32 v47, $0xFF;
	v36 =	vshll.u32 v45, $0x9;
	v37 =	vmin.u32 v46, $0xFF  }
0xcd: {  	[tilespmem:$0x5D0] =	vst v63;
	v49 =	vshrl.u32 v38, $0x7;
	v36 =	vor.u32 v48, v36;
	v37 =	vshll.u32 v37, $0x1  }
0xce: {  	[tilespmem:$0x460] =	vst v36;
	v50 =	vor.u32 $0x80, v36;
	v37 =	vor.u32 v37, v49  }
0xcf: {  	v51 =	vor.u32 $0x100, v36;
	[tilespmem:$0x4E0] =	vst v50;
	v37 =	vor.u32 v1, v37  }
0xd0: {  	v38 =	vand.u32 $0x7F, v38;
	v36 =	vor.u32 $0x180, v36;
	[tilespmem:$0x560] =	vst v51;
	v37 =	vshll.u32 v37, $0x9  }
0xd1: {  	[tilespmem:$0x5E0] =	vst v36;
	v52 =	vor.u32 v38, v37  }
0xd2: {  	[tilespmem:$0x470] =	vst v52;
	v37 =	vor.u32 $0x80, v52  }
0xd3: {  	v53 =	vor.u32 $0x100, v52;
	[tilespmem:$0x4F0] =	vst v37  }
0xd4: {  	v36 =	vor.u32 $0x180, v52;
	[tilespmem:$0x570] =	vst v53  }
0xd5: {  	[tilespmem:$0x5F0] =	vst v36  }
0xd6: {  	[tilespmem:s15], [sflag:$0x2] =	stream.indirect.gather [hbm4b:s0+s5], $0x1, s14, s5, $0xb8;
	[tilespmem:$0x1310] =	vst v63  }
0xd7: {  	_ = 	snop  }
0xd8: {  	[tilespmem:s17], [sflag:$0x2] =	stream.indirect.gather [hbm4b:s0+s5], $0x1, s16, s5, $0xb8;
	[tilespmem:$0x1310] =	vst v63  }
0xd9: {  	_ = 	snop  }
0xda: {  	[tilespmem:s19], [sflag:$0x2] =	stream.indirect.gather [hbm4b:s0+s5], $0x1, s18, s5, $0xb8;
	[tilespmem:$0x1310] =	vst v63  }
0xdb: {  	_ = 	snop  }
0xdc: {  	[tilespmem:s21], [sflag:$0x2] =	stream.indirect.gather [hbm4b:s0+s5], $0x1, s20, s5, $0xb8;
	[tilespmem:$0x1310] =	vst v63  }
0xdd: {  	_ =	swait.ge [sflag:s7], $0x80  }
0xde: {  	[sflag:s7] =	ssyncset.done $0x0  }
0xdf: {  	[sflag:s7] =	ssyncadd.s32 $0xFFFFFF80  }
0xe0: {  	_ =	swait.ge [sflag:s7], $0x80  }
0xe1: {  	[sflag:s7] =	ssyncset.done $0x0  }
0xe2: {  	[sflag:s7] =	ssyncadd.s32 $0xFFFFFF80  }
0xe3: {  	_ =	swait.ge [sflag:s7], $0x80  }
0xe4: {  	[sflag:s7] =	ssyncset.done $0x0  }
0xe5: {  	[sflag:s7] =	ssyncadd.s32 $0xFFFFFF80  }
0xe6: {  	_ =	swait.ge [sflag:s7], $0x80  }
0xe7: {  	[sflag:s7] =	ssyncset.done $0x0  }
0xe8: {  	[sflag:s7] =	ssyncadd.s32 $0xFFFFFF80  }
0xe9: {  	v36 =	vld [tilespmem:$0x600]  }
0xea: {  	v54 =	vld [tilespmem:$0x680]  }
0xeb: {  	v55 =	vld [tilespmem:$0x700]  }
0xec: {  	v39 =	vld [tilespmem:$0x780]  }
0xed: {  	v56 =	vld [tilespmem:$0x610]  }
0xee: {  	v57 =	vld [tilespmem:$0x690]  }
0xef: {  	v58 =	vld [tilespmem:$0x710]  }
0xf0: {  	v43 =	vld [tilespmem:$0x790]  }
0xf1: {  	v59 =	vld [tilespmem:$0x620]  }
0xf2: {  	v60 =	vld [tilespmem:$0x6A0]  }
0xf3: {  	v61 =	vld [tilespmem:$0x720]  }
0xf4: {  	v47 =	vld [tilespmem:$0x7A0]  }
0xf5: {  	v62 =	vld [tilespmem:$0x630]  }
0xf6: {  	v63 =	vld [tilespmem:$0x6B0]  }
0xf7: {  	v50 =	vld [tilespmem:$0x730]  }
0xf8: {  	v51 =	vld [tilespmem:$0x7B0]  }
0xf9: {  	v53 =	vld [tilespmem:$0x640];
	v36 =	vadd.f32 v54, v36  }
0xfa: {  	v4 =	vor.u32 v4, v5;
	v44 =	vld [tilespmem:$0x6F0]  }
0xfb: {  	v8 =	vor.u32 v8, v9;
	v52 =	vadd.f32 v57, v56;
	v54 =	vld [tilespmem:$0x6C0];
	v5 =	vadd.f32 v55, v36  }
0xfc: {  	vm2 =	vlt.u32 v4, $0x100;
	v4 =	vor.u32 v6, v7;
	v56 =	vld [tilespmem:$0x740];
	v57 =	vadd.f32 v60, v59  }
0xfd: {  	vm3 =	vlt.u32 v4, $0x100;
	v59 =	vld [tilespmem:$0x650];
	v55 =	vadd.f32 v58, v52;
	v4 =	vadd.f32 v39, v5  }
0xfe: {  	vm11 =	vlt.u32 v8, $0x100;
	v14 =	vor.u32 v14, v15;
	v58 =	vld [tilespmem:$0x7C0];
	v6 =	vadd.f32 v61, v57  }
0xff: {  	v61 =	vld [tilespmem:$0x6D0];
	v5 =	vadd.f32 v43, v55;
	vm4 =	vgt.f32 v4, $1.000000000e+02;
	v4 =	vadd.f32 v63, v62  }
0x100: {  	v11 =	vor.u32 v11, v13;
	vm15 =	vlt.u32 v14, $0x100;
	v60 =	vor.u32 v10, v12;
	v39 =	vld [tilespmem:$0x6E0]  }
0x101: {  	v6 =	vadd.f32 v47, v6;
	v43 =	vld [tilespmem:$0x670];
	vm5 =	vgt.f32 v5, $1.000000000e+02;
	v4 =	vadd.f32 v50, v4  }
0x102: {  	v42 =	vadd.f32 v54, v53;
	v5 =	vld [tilespmem:$0x750];
	vm4 =	vmneg vm4;
	vm5 =	vmneg vm5  }
0x103: {  	v63 =	vld [tilespmem:$0x660];
	vm2 =	vmand vm2, vm4;
	vm3 =	vmand vm3, vm5;
	v4 =	vadd.f32 v51, v4  }
0x104: {  	v62 =	vld [tilespmem:$0x7D0];
	v10 =	vadd.f32 v61, v59;
	vm2 =	vmand vm2, vm3;
	vm3 =	vgt.f32 v6, $1.000000000e+02  }
0x105: {  	v45 =	vld [tilespmem:$0x760];
	vm3 =	vmneg vm3;
	vm13 =	vgt.f32 v4, $1.000000000e+02;
	v4 =	vadd.f32 v56, v42  }
0x106: {  	v46 =	vld [tilespmem:$0x770];
	vm12 =	vlt.u32 v60, $0x100;
	v9 =	vadd.f32 v44, v43;
	vm3 =	vmand vm11, vm3  }
0x107: {  	v47 =	vld [tilespmem:$0x7E0];
	v5 =	vadd.f32 v5, v10;
	vm4 =	vmneg vm13;
	v4 =	vadd.f32 v58, v4  }
0x108: {  	v48 =	vld [tilespmem:$0x7F0];
	v8 =	vadd.f32 v39, v63;
	vm2 =	vmand vm2, vm3;
	vm3 =	vmand vm12, vm4  }
0x109: {  	v5 =	vadd.f32 v62, v5;
	vm2 =	vmand vm2, vm3;
	vm14 =	vgt.f32 v4, $1.000000000e+02  }
0x10a: {  	vm3 =	vlt.u32 v11, $0x100;
	v4 =	vadd.f32 v45, v8;
	vm4 =	vmneg vm14  }
0x10b: {  	v49 =	vor.u32 v16, v17;
	v50 =	vadd.f32 v46, v9;
	vm3 =	vmand vm3, vm4  }
0x10c: {  	v4 =	vadd.f32 v47, v4;
	vm2 =	vmand vm2, vm3;
	vm3 =	vgt.f32 v5, $1.000000000e+02  }
0x10d: {  	vm8 =	vlt.u32 v49, $0x100;
	v5 =	vadd.f32 v48, v50;
	vm3 =	vmneg vm3  }
0x10e: {  	v51 =	vor.u32 v18, v19;
	vm9 =	vgt.f32 v4, $1.000000000e+02;
	vm3 =	vmand vm15, vm3  }
0x10f: {  	vm10 =	vgt.f32 v5, $1.000000000e+02;
	vm2 =	vmand vm2, vm3;
	vm3 =	vmneg vm9  }
0x110: {  	vm11 =	vlt.u32 v51, $0x100;
	vm5 =	vmneg vm10;
	vm3 =	vmand vm8, vm3  }
0x111: {  	vm2 =	vmand vm2, vm3;
	vm3 =	vmand vm11, vm5  }
0x112: {  	vm2 =	vmand vm2, vm3  }
0x113: {  	v4 =	vsel vm2, $0x3F800000, v3  }
0x114: {  	(xrf0) =	vmin.scan.msk.f32 $0xffff, v4;
	_ =	sdelay $0x5  }
0x115: {  	v4, _, _ =	vpop (xrf0)  }
0x116: {  	(v2sf) =	vpush v4, $0xF;
	_ =	sdelay $0xe  }
0x117: {  	s29 =	spop (v2sf)  }
0x118: {  	_ =	swait.ge [sflag:s13], $0x80  }
0x119: {  	[sflag:s13] =	ssyncset.done $0x0  }
0x11a: {  	[sflag:s13] =	ssyncadd.s32 $0xFFFFFF80  }
0x11b: {  	_ =	swait.ge [sflag:s13], $0x80  }
0x11c: {  	[sflag:s13] =	ssyncset.done $0x0  }
0x11d: {  	[sflag:s13] =	ssyncadd.s32 $0xFFFFFF80  }
0x11e: {  	_ =	swait.ge [sflag:s13], $0x80  }
0x11f: {  	[sflag:s13] =	ssyncset.done $0x0  }
0x120: {  	[sflag:s13] =	ssyncadd.s32 $0xFFFFFF80  }
0x121: {  	_ =	swait.ge [sflag:s13], $0x80  }
0x122: {  	[sflag:s13] =	ssyncset.done $0x0  }
0x123: {  	[sflag:s13] =	ssyncadd.s32 $0xFFFFFF80  }
0x124: {  	v4 =	vld [tilespmem:$0x800]  }
0x125: {  	v5 =	vld [tilespmem:$0x880]  }
0x126: {  	v52 =	vld [tilespmem:$0x900]  }
0x127: {  	v53 =	vld [tilespmem:$0x980]  }
0x128: {  	v54 =	vld [tilespmem:$0x810]  }
0x129: {  	v55 =	vld [tilespmem:$0x890]  }
0x12a: {  	v56 =	vld [tilespmem:$0x910]  }
0x12b: {  	v57 =	vld [tilespmem:$0x990]  }
0x12c: {  	v58 =	vld [tilespmem:$0x820]  }
0x12d: {  	v59 =	vld [tilespmem:$0x8A0]  }
0x12e: {  	v60 =	vld [tilespmem:$0x920]  }
0x12f: {  	v61 =	vld [tilespmem:$0x9A0]  }
0x130: {  	v62 =	vld [tilespmem:$0x830]  }
0x131: {  	v63 =	vld [tilespmem:$0x8B0]  }
0x132: {  	v36 =	vld [tilespmem:$0x9B0]  }
0x133: {  	v37 =	vld [tilespmem:$0x840]  }
0x134: {  	v38 =	vld [tilespmem:$0x8C0];
	v4 =	vadd.f32 v5, v4  }
0x135: {  	v41 =	vor.u32 v22, v23;
	v40 =	vld [tilespmem:$0x940]  }
0x136: {  	v44 =	vor.u32 v24, v25;
	v45 =	vld [tilespmem:$0x850];
	v8 =	vadd.f32 v55, v54;
	v4 =	vadd.f32 v52, v4  }
0x137: {  	v39 =	vor.u32 v20, v21;
	v51 =	vor.u32 v26, v27;
	v5 =	vld [tilespmem:$0x930];
	v42 =	vadd.f32 v59, v58  }
0x138: {  	vm13 =	vlt.u32 v44, $0x100;
	v47 =	vld [tilespmem:$0x8D0];
	v8 =	vadd.f32 v56, v8;
	v4 =	vadd.f32 v53, v4  }
0x139: {  	vm3 =	vlt.u32 v41, $0x100;
	vm2 =	vlt.u32 v39, $0x100;
	v43 =	vld [tilespmem:$0x9C0];
	v48 =	vadd.f32 v63, v62  }
0x13a: {  	v49 =	vld [tilespmem:$0x950];
	v46 =	vadd.f32 v60, v42;
	vm12 =	vgt.f32 v4, $1.000000000e+02;
	v4 =	vadd.f32 v57, v8  }
0x13b: {  	v50 =	vld [tilespmem:$0x9D0];
	v6 =	vadd.f32 v38, v37;
	v59 =	vor.u32 v30, v31;
	v62 =	vor.u32 v32, v33  }
0x13c: {  	v54 =	vld [tilespmem:$0x870];
	v5 =	vadd.f32 v5, v48;
	vm14 =	vgt.f32 v4, $1.000000000e+02;
	v4 =	vadd.f32 v61, v46  }
0x13d: {  	v63 =	vor.u32 v34, v35;
	vm10 =	vlt.u32 v59, $0x100;
	v52 =	vld [tilespmem:$0x860];
	v57 =	vadd.f32 v47, v45  }
0x13e: {  	vm4 =	vmneg vm12;
	v5 =	vadd.f32 v36, v5;
	vm15 =	vgt.f32 v4, $1.000000000e+02;
	v4 =	vld [tilespmem:$0x8E0]  }
0x13f: {  	v55 =	vld [tilespmem:$0x8F0];
	vm2 =	vmand vm2, vm4;
	v7 =	vadd.f32 v49, v57;
	vm4 =	vmneg vm14  }
0x140: {  	v56 =	vld [tilespmem:$0x960];
	vm8 =	vgt.f32 v5, $1.000000000e+02;
	v5 =	vadd.f32 v40, v6;
	vm3 =	vmand vm3, vm4  }
0x141: {  	v58 =	vld [tilespmem:$0x970];
	vm5 =	vmneg vm8;
	vm4 =	vmneg vm15;
	vm2 =	vmand vm2, vm3  }
0x142: {  	v60 =	vld [tilespmem:$0x9E0];
	vm3 =	vlt.u32 v51, $0x100;
	v5 =	vadd.f32 v43, v5;
	vm4 =	vmand vm13, vm4  }
0x143: {  	v61 =	vld [tilespmem:$0x9F0];
	vm3 =	vmand vm3, vm5;
	vm2 =	vmand vm2, vm4;
	v4 =	vadd.f32 v4, v52  }
0x144: {  	vm2 =	vmand vm2, vm3;
	vm3 =	vgt.f32 v5, $1.000000000e+02;
	v5 =	vadd.f32 v55, v54  }
0x145: {  	v53 =	vor.u32 v28, v29;
	v7 =	vadd.f32 v50, v7;
	v4 =	vadd.f32 v56, v4  }
0x146: {  	vm9 =	vlt.u32 v53, $0x100;
	vm15 =	vlt.u32 v63, $0x100;
	v5 =	vadd.f32 v58, v5  }
0x147: {  	vm11 =	vgt.f32 v7, $1.000000000e+02;
	vm3 =	vmneg vm3;
	v4 =	vadd.f32 v60, v4  }
0x148: {  	vm4 =	vmneg vm11;
	vm3 =	vmand vm9, vm3;
	v5 =	vadd.f32 v61, v5  }
0x149: {  	vm4 =	vmand vm10, vm4;
	vm2 =	vmand vm2, vm3;
	vm12 =	vgt.f32 v4, $1.000000000e+02  }
0x14a: {  	vm3 =	vlt.u32 v62, $0x100;
	vm14 =	vgt.f32 v5, $1.000000000e+02;
	vm13 =	vmneg vm12  }
0x14b: {  	vm2 =	vmand vm2, vm4;
	vm5 =	vmneg vm14;
	vm3 =	vmand vm3, vm13  }
0x14c: {  	vm2 =	vmand vm2, vm3;
	vm3 =	vmand vm15, vm5  }
0x14d: {  	vm2 =	vmand vm2, vm3  }
0x14e: {  	v4 =	vsel vm2, $0x3F800000, v3  }
0x14f: {  	(xrf0) =	vmin.scan.msk.f32 $0xffff, v4;
	_ =	sdelay $0x5  }
0x150: {  	v4, _, _ =	vpop (xrf0)  }
0x151: {  	(v2sf) =	vpush v4, $0xF;
	_ =	sdelay $0xd  }
0x152: {  	p1 =	sgt.f32 s29, $0.0e+00  }
0x153: {  	s24 =	simm.s32 $0x1;
	s30 =	spop (v2sf)  }
0x154: {  	s24 =	simm.s32 @!p1 $0x0;
	p1 =	sgt.f32 s30, $0.0e+00  }
0x155: {  	s25 =	simm.s32 $0x1;
	v4 =	vmov s24  }
0x156: {  	v4 =	vnsel vm0, $0x0, v4;
	s25 =	simm.s32 @!p1 $0x0  }
0x157: {  	v4 =	vsel vm1, s25, v4  }
0x158: {  	s31 =	rddreg [dreg:$0x7];
	[tilespmem:$0xA00] =	vst v4  }
0x159: {  	[spmem:s31] =	stream.linear.scatter [tilespmem:s22], [sflag:$0x3], $0x80, $0x38;
	[tilespmem:$0x1310] =	vst v63  }
0x15a: {  	_ =	swait.ge [sflag:s23], $0x80  }
0x15b: {  	v4 =	vlaneseq.u32 @!p0;
	[sflag:s23] =	ssyncset.done $0x0  }
0x15c: {  	v4 =	vmul.u32 @!p0 $0x80, v4;
	[sflag:s23] =	ssyncadd.s32 $0xFFFFFF80  }
0x15d: {  	s24 =	simm.s32 @!p0 $0xA80;
	s25 =	simm.s32 @!p0 $0x3;
	[bflag:$0x0] =	sbarrier.arrive $0xFFFF  }
0x15e: {  	v5 =	vor.u32 @!p0 $0x1, v4;
	[tilespmem:s24], [sflag:$0x3] =	stream.linear.gather @!p0 [spmem:s2], $0x800, $0x38;
	[tilespmem:$0x1310] =	vst v63  }
0x15f: {  	_ =	swait.ge @!p0 [sflag:s25], $0x800  }
0x160: {  	[sflag:s25] =	ssyncset.done @!p0 $0x0  }
0x161: {  	[sflag:s25] =	ssyncadd.s32 @!p0 $0xFFFFF800  }
0x162: {  	v4 =	vld.idx.msk @!p0 [tilespmem:v4+s24+$0x0], $0xffff  }
0x163: {  	v5 =	vld.idx.msk @!p0 [tilespmem:v5+s24+$0x0], $0xffff;
	_ =	sdelay $0x2  }
0x164: {  	s4 =	sadd.s32 $0xFFFFFFFF, s4  }
0x165: {  	s26 =	simm.s32 @!p0 $0x0;
	p1 =	sne.s32 s4, $0x0;
	[tilespmem:$0x1280] =	vst @!p0 v4  }
.Ltmp0:
0x166: {  	s28 =	simm.s32 @!p0 $0x1280;
	s24 =	rddreg [dreg:$0x8];
	[tilespmem:$0x1290] =	vst @!p0 v5;
	(pc) =	sbr.rel @p1 .LBB2_1-.Ltmp0, $4  }
0x167: {  	[hbm4b:s24+s26] =	stream.linear.scatter @!p0 [tilespmem:s28], [sflag:$0x3], $0x20, $0x38;
	[tilespmem:$0x1310] =	vst v63  }
0x168: {  	_ =	swait.ge @!p0 [sflag:s25], $0x20  }
0x169: {  	[sflag:s25] =	ssyncset.done @!p0 $0x0  }
0x16a: {  	[sflag:s25] =	ssyncadd.s32 @!p0 $0xFFFFFFE0  }
0x16b: {  	_ =	sfence.sel $0x180000  }
0x16c: {  	[bflag:$0x0] =	sbarrier.arrive $0xFFFF  }
0x16d: {  	_ =	strace $0x90000047  }
0x16e: {  	s0 =	sadd.s32 @!p0 $0x100000, s1;
	[bflag:$0x2] =	sbarrier.arrive $0xFFFF  }
0x16f: {  	[sflag:s0] =	ssyncadd.tile.s32 @!p0 $0x1;
	_ =	shalt  }
.Lfunc_end2:
_tile_overlayer_lowered:
.L_overlay_start_2:
0x170: {  	(tag) =	ssettag $0x2  }
0x171: {  	s0 =	rddreg [dreg:$0x0];
	s2 =	stileid.u32  }
0x172: {  	s1 =	rddreg [dreg:$0x1];
	p0 =	sne.s32 s2, $0x0  }
0x173: {  	s3 =	rddreg [dreg:$0x2];
	[bflag:$0x3] =	sbarrier.arrive $0xFFFF;
	s2 =	simm.s32 @!p0 $0x1C03  }
0x174: {  	[timem:s3], [sflag:s2] =	dma.local @!p0 [hbm:s0], s1  }
0x175: {  	s0 =	simm.s32 @!p0 $0x3  }
0x176: {  	_ =	swait.ge @!p0 [sflag:s0], s1  }
0x177: {  	s1 =	ssub.s32 @!p0 $0x0, s1;
	[sflag:s0] =	ssyncset.done @!p0 $0x0  }
0x178: {  	[sflag:s0] =	ssyncadd.s32 @!p0 s1  }
0x179: {  	[bflag:$0x3] =	sbarrier.arrive $0xFFFF  }
0x17a: {  	_ =	shalt  }

</sc_bundles>
